<compile_context>
chip_gen: v7x
topology: tpu7x:2x2x1
jax: 0.10.2.dev20260603
libtpu: 0.0.44.dev20260713+nightly
codegen_flags: <defaults>
</compile_context>

<pallas_src>
import functools

import jax
import jax.numpy as jnp
from jax import lax
from jax.experimental import pallas as pl
from jax.experimental.pallas import tpu as pltpu
from jax.experimental.pallas import tpu_sc as plsc

_D = 128
_NC = 2
_NS = 16
_NW = _NC * _NS
_LANES = 16
_NBUF = 5
_FLIGHT = 3


def _linear_body(x_ref, w_ref, b_ref, z_ref):
    z_ref[...] = (
        lax.dot_general(
            x_ref[...], w_ref[...], (((1,), (0,)), ((), ())),
            precision=lax.Precision.HIGHEST,
            preferred_element_type=jnp.float32,
        )
        + b_ref[...]
    )


def _node_linear(x, w_t, b_row, row_block):
    n, d = x.shape
    grid = n // row_block
    return pl.pallas_call(
        _linear_body,
        grid=(grid,),
        in_specs=[
            pl.BlockSpec((row_block, d), lambda i: (i, 0)),
            pl.BlockSpec((d, d), lambda i: (0, 0)),
            pl.BlockSpec((1, d), lambda i: (0, 0)),
        ],
        out_specs=pl.BlockSpec((row_block, d), lambda i: (i, 0)),
        out_shape=jax.ShapeDtypeStruct((n, d), jnp.float32),
    )(x, w_t, b_row)


def _make_edge_gather(n_edges, d, chunk):
    epw = n_edges // _NW
    n_chunks = epw // chunk
    n_groups = n_chunks // _NBUF
    assert n_chunks % _NBUF == 0 and n_groups >= 3
    mesh = plsc.VectorSubcoreMesh(core_axis_name="c", subcore_axis_name="s")

    scratch = (
        [pltpu.VMEM_SHARED((_NS, _NBUF, chunk, d), jnp.float32)]
        + [pltpu.VMEM((epw,), jnp.int32)] * 2
        + [pltpu.VMEM((chunk, d), jnp.float32)] * (2 * _NBUF)
        + [pltpu.SemaphoreType.DMA] * (4 * _NBUF)
    )

    @functools.partial(
        pl.kernel,
        mesh=mesh,
        out_type=jax.ShapeDtypeStruct((n_edges, d), jnp.float32),
        scratch_types=scratch,
    )
    def edge_gather(z_hbm, idx0_hbm, idx1_hbm, out_hbm, *s):
        shared = s[0]
        idx0_all, idx1_all = s[1], s[2]
        s = s[3:]
        rows0 = s[0:_NBUF]
        rows1 = s[_NBUF:2 * _NBUF]
        g0sem = s[2 * _NBUF:3 * _NBUF]
        g1sem = s[3 * _NBUF:4 * _NBUF]
        xsem = s[4 * _NBUF:5 * _NBUF]
        hsem = s[5 * _NBUF:6 * _NBUF]

        sid = lax.axis_index("s")
        wid = sid * _NC + lax.axis_index("c")
        base0 = pl.multiple_of(wid * epw, 8)
        pltpu.sync_copy(idx0_hbm.at[pl.ds(base0, epw)], idx0_all)
        pltpu.sync_copy(idx1_hbm.at[pl.ds(base0, epw)], idx1_all)

        def gather_cps(b, k):
            off = pl.multiple_of(k * chunk, 8)
            cp0 = pltpu.make_async_copy(
                z_hbm.at[idx0_all.at[pl.ds(off, chunk)]], rows0[b], g0sem[b])
            cp1 = pltpu.make_async_copy(
                z_hbm.at[idx1_all.at[pl.ds(off, chunk)]], rows1[b], g1sem[b])
            return cp0, cp1

        def xbar_cp(b):
            return pltpu.make_async_copy(rows0[b], shared.at[sid, b], xsem[b])

        def hbm_cp(b, k):
            off = pl.multiple_of(base0 + k * chunk, 8)
            return pltpu.make_async_copy(
                shared.at[sid, b], out_hbm.at[pl.ds(off, chunk)], hsem[b])

        def fire_gathers(b, k):
            cp0, cp1 = gather_cps(b, k)
            cp0.start()
            cp1.start()

        def do_chunk(k, b, xbar_chain, hbm_wait, refire):
            rb = (b + _FLIGHT) % _NBUF
            cp0, cp1 = gather_cps(b, k)
            cp0.wait()
            cp1.wait()

            def add_body(i, c):
                for j in range(d // _LANES):
                    sl = pl.ds(j * _LANES, _LANES)
                    plsc.addupdate(rows0[b].at[i, sl], rows1[b][i, sl])
                return c

            lax.fori_loop(0, chunk, add_body, 0, unroll=2)
            if xbar_chain:
                xbar_cp(rb).wait()
                hbm_cp(rb, k - (_NBUF - _FLIGHT)).start()
            if refire:
                fire_gathers(rb, k + _FLIGHT)
            if hbm_wait:
                hbm_cp(b, k - _NBUF).wait()
            xbar_cp(b).start()

        for b in range(_FLIGHT):
            fire_gathers(b, b)
        for b in range(_NBUF):
            do_chunk(b, b, xbar_chain=(b >= _NBUF - _FLIGHT),
                     hbm_wait=False, refire=True)
        def group_body(g, carry):
            k0 = g * _NBUF
            for b in range(_NBUF):
                do_chunk(k0 + b, b, xbar_chain=True, hbm_wait=True,
                         refire=True)
            return carry

        lax.fori_loop(1, n_groups - 1, group_body, 0)
        k0 = (n_groups - 1) * _NBUF
        for b in range(_NBUF):
            do_chunk(k0 + b, b, xbar_chain=True, hbm_wait=True,
                     refire=(b < _NBUF - _FLIGHT))
        for k in range(n_chunks - (_NBUF - _FLIGHT), n_chunks):
            b = k % _NBUF
            xbar_cp(b).wait()
            hbm_cp(b, k).start()
        for k in range(n_chunks - _NBUF, n_chunks):
            b = k % _NBUF
            hbm_cp(b, k).wait()

    return edge_gather


def kernel(x, edges, W, b):
    n, d = x.shape
    n_edges = edges.shape[0]
    e32 = edges.astype(jnp.int32)
    idx0 = e32[:, 0]
    idx1 = e32[:, 1]
    w_t = (0.5 * W).T.astype(jnp.float32)
    b_row = (0.5 * b).reshape(1, d).astype(jnp.float32)
    z = _node_linear(x, w_t, b_row, row_block=1000)
    edge_gather = _make_edge_gather(n_edges, d, chunk=40)
    return edge_gather(z, idx0, idx1)

# --- scband reference (transcript-rebuilt; emitter-appended) ---
"""Pipeline reference for scband-edge-mlppooler-2319282340543 (READ-ONLY COPY).

The authoritative reference and input builder live on the scoring server;
editing this copy changes nothing except your own understanding.
"""

import jax, jax.numpy as jnp
import numpy as np

N_NODES = 10000
N_EDGES = 320000
D = 128
D_OUT = 128


def setup_inputs(seed: int = 0) -> dict:
    key = jax.random.key(seed)
    k1, k2, k3 = jax.random.split(key, 3)
    x = jax.random.normal(k1, (N_NODES, D), dtype=jnp.float32)
    edges = jax.random.randint(k2, (N_EDGES, 2), 0, N_NODES, dtype=jnp.int64)
    # MLPEncoder with num_layers=1 reduces to a single Linear(input_dim, output_dim).
    # Dropout p=0.1 is identity in eval mode.
    W = jax.random.normal(k3, (D_OUT, D), dtype=jnp.float32) * (1.0 / np.sqrt(D))
    b = jnp.zeros((D_OUT,), dtype=jnp.float32)
    return {"x": x, "edges": edges, "W": W, "b": b}


def reference(x, edges, W, b):
    # x.index_select(0, edges.view(-1)).view(E, 2, -1)
    gathered = jnp.take(x, edges.reshape(-1), axis=0).reshape(edges.shape[0], edges.shape[1], -1)
    # mean over the two edge endpoints
    pooled = jnp.mean(gathered, axis=1)
    # MLP (single linear layer; dropout is identity at inference)
    out = pooled @ W.T + b
    return out

if __name__ == "__main__":
    import jax
    _d = setup_inputs()
    print(jax.jit(kernel)(*tuple(_d.values())))

</pallas_src>

<mosaic_0001>
#map = affine_map<(d0, d1) -> (0, 0)>
#map1 = affine_map<(d0, d1) -> (0)>
module attributes {stable_mosaic.version = 14 : i64} {
  func.func @edge_gather(%arg0: i32, %arg1: i32, %arg2: memref<10000x128xf32, #tpu.memory_space<hbm>>, %arg3: memref<320000xi32, #tpu.memory_space<hbm>>, %arg4: memref<320000xi32, #tpu.memory_space<hbm>>, %arg5: memref<320000x128xf32, #tpu.memory_space<hbm>>, %arg6: memref<16x5x40x128xf32, #tpu.memory_space<vmem_shared>>, %arg7: memref<10000xi32, #tpu.memory_space<vmem>>, %arg8: memref<10000xi32, #tpu.memory_space<vmem>>, %arg9: memref<40x128xf32, #tpu.memory_space<vmem>>, %arg10: memref<40x128xf32, #tpu.memory_space<vmem>>, %arg11: memref<40x128xf32, #tpu.memory_space<vmem>>, %arg12: memref<40x128xf32, #tpu.memory_space<vmem>>, %arg13: memref<40x128xf32, #tpu.memory_space<vmem>>, %arg14: memref<40x128xf32, #tpu.memory_space<vmem>>, %arg15: memref<40x128xf32, #tpu.memory_space<vmem>>, %arg16: memref<40x128xf32, #tpu.memory_space<vmem>>, %arg17: memref<40x128xf32, #tpu.memory_space<vmem>>, %arg18: memref<40x128xf32, #tpu.memory_space<vmem>>, %arg19: memref<!tpu.dma_semaphore, #tpu.memory_space<semaphore_mem>>, %arg20: memref<!tpu.dma_semaphore, #tpu.memory_space<semaphore_mem>>, %arg21: memref<!tpu.dma_semaphore, #tpu.memory_space<semaphore_mem>>, %arg22: memref<!tpu.dma_semaphore, #tpu.memory_space<semaphore_mem>>, %arg23: memref<!tpu.dma_semaphore, #tpu.memory_space<semaphore_mem>>, %arg24: memref<!tpu.dma_semaphore, #tpu.memory_space<semaphore_mem>>, %arg25: memref<!tpu.dma_semaphore, #tpu.memory_space<semaphore_mem>>, %arg26: memref<!tpu.dma_semaphore, #tpu.memory_space<semaphore_mem>>, %arg27: memref<!tpu.dma_semaphore, #tpu.memory_space<semaphore_mem>>, %arg28: memref<!tpu.dma_semaphore, #tpu.memory_space<semaphore_mem>>, %arg29: memref<!tpu.dma_semaphore, #tpu.memory_space<semaphore_mem>>, %arg30: memref<!tpu.dma_semaphore, #tpu.memory_space<semaphore_mem>>, %arg31: memref<!tpu.dma_semaphore, #tpu.memory_space<semaphore_mem>>, %arg32: memref<!tpu.dma_semaphore, #tpu.memory_space<semaphore_mem>>, %arg33: memref<!tpu.dma_semaphore, #tpu.memory_space<semaphore_mem>>, %arg34: memref<!tpu.dma_semaphore, #tpu.memory_space<semaphore_mem>>, %arg35: memref<!tpu.dma_semaphore, #tpu.memory_space<semaphore_mem>>, %arg36: memref<!tpu.dma_semaphore, #tpu.memory_space<semaphore_mem>>, %arg37: memref<!tpu.dma_semaphore, #tpu.memory_space<semaphore_mem>>, %arg38: memref<!tpu.dma_semaphore, #tpu.memory_space<semaphore_mem>>) attributes {dimension_semantics = [#tpu.dimension_semantics<core_parallel>, #tpu.dimension_semantics<subcore_parallel>], iteration_bounds = array<i64: 2, 16>, scalar_prefetch = 0 : i64, scratch_operands = 33 : i64, tpu.core_type = #tpu.core_type<sc_vector_subcore>, window_params = [{transform_indices = #map}, {transform_indices = #map1}, {transform_indices = #map1}, {transform_indices = #map}]} {
    %mul3A = arith.constant 2 : i32
    %mul3A_0 = arith.muli %arg1, %mul3A : i32
    %add3A = arith.addi %mul3A_0, %arg0 : i32
    %mul3A_1 = arith.constant 10000 : i32
    %mul3A_2 = arith.muli %add3A, %mul3A_1 : i32
    %multiple_of3A = tpu.assume_multiple %mul3A_2, 8 : i32
    "tpu.region"() ({
      %run_scoped3A = tpu.sem_alloc : memref<!tpu.dma_semaphore, #tpu.memory_space<semaphore_mem>>
      %dma_start3A_646 = tpu.memref_slice %arg3[%multiple_of3A] : memref<320000xi32, #tpu.memory_space<hbm>> -> memref<10000xi32, #tpu.memory_space<hbm>>
      %dma_start3A_647 = tpu.memref_slice %arg3[%multiple_of3A] : memref<320000xi32, #tpu.memory_space<hbm>> -> memref<10000xi32, #tpu.memory_space<hbm>>
      tpu.enqueue_dma source(%dma_start3A_647 : memref<10000xi32, #tpu.memory_space<hbm>>) target(%arg7 : memref<10000xi32, #tpu.memory_space<vmem>>) target_semaphore(%run_scoped3A : memref<!tpu.dma_semaphore, #tpu.memory_space<semaphore_mem>>)
      %dma_wait3A_648 = tpu.memref_slice %arg3[%multiple_of3A] : memref<320000xi32, #tpu.memory_space<hbm>> -> memref<10000xi32, #tpu.memory_space<hbm>>
      %dma_wait3A_649 = tpu.memref_slice %arg3[%multiple_of3A] : memref<320000xi32, #tpu.memory_space<hbm>> -> memref<10000xi32, #tpu.memory_space<hbm>>
      tpu.wait_dma2 semaphore(%run_scoped3A : memref<!tpu.dma_semaphore, #tpu.memory_space<semaphore_mem>>) src(%dma_wait3A_649 : memref<10000xi32, #tpu.memory_space<hbm>>) dst(%arg7 : memref<10000xi32, #tpu.memory_space<vmem>>)
      tpu.yield
    }) : () -> ()
    "tpu.region"() ({
      %run_scoped3A = tpu.sem_alloc : memref<!tpu.dma_semaphore, #tpu.memory_space<semaphore_mem>>
      %dma_start3A_646 = tpu.memref_slice %arg4[%multiple_of3A] : memref<320000xi32, #tpu.memory_space<hbm>> -> memref<10000xi32, #tpu.memory_space<hbm>>
      %dma_start3A_647 = tpu.memref_slice %arg4[%multiple_of3A] : memref<320000xi32, #tpu.memory_space<hbm>> -> memref<10000xi32, #tpu.memory_space<hbm>>
      tpu.enqueue_dma source(%dma_start3A_647 : memref<10000xi32, #tpu.memory_space<hbm>>) target(%arg8 : memref<10000xi32, #tpu.memory_space<vmem>>) target_semaphore(%run_scoped3A : memref<!tpu.dma_semaphore, #tpu.memory_space<semaphore_mem>>)
      %dma_wait3A_648 = tpu.memref_slice %arg4[%multiple_of3A] : memref<320000xi32, #tpu.memory_space<hbm>> -> memref<10000xi32, #tpu.memory_space<hbm>>
      %dma_wait3A_649 = tpu.memref_slice %arg4[%multiple_of3A] : memref<320000xi32, #tpu.memory_space<hbm>> -> memref<10000xi32, #tpu.memory_space<hbm>>
      tpu.wait_dma2 semaphore(%run_scoped3A : memref<!tpu.dma_semaphore, #tpu.memory_space<semaphore_mem>>) src(%dma_wait3A_649 : memref<10000xi32, #tpu.memory_space<hbm>>) dst(%arg8 : memref<10000xi32, #tpu.memory_space<vmem>>)
      tpu.yield
    }) : () -> ()
    %multiple_of3A_3 = arith.constant 0 : i32
    %multiple_of3A_4 = tpu.assume_multiple %multiple_of3A_3, 8 : i32
    %dma_start3A = tpu.memref_slice %arg7[%multiple_of3A_4] : memref<10000xi32, #tpu.memory_space<vmem>> -> memref<40xi32, #tpu.memory_space<vmem>>
    %dma_start3A_5 = arith.constant 0 : i32
    %dma_start3A_6 = arith.constant 0 : i32
    %dma_start3A_7 = tpu.memref_slice %arg2[%dma_start3A_5, %dma_start3A_6] : memref<10000x128xf32, #tpu.memory_space<hbm>> -> memref<10000x128xf32, #tpu.memory_space<hbm>>
    tpu.enqueue_indirect_dma source(%dma_start3A_7 : memref<10000x128xf32, #tpu.memory_space<hbm>>) target(%arg9 : memref<40x128xf32, #tpu.memory_space<vmem>>) offsets(%dma_start3A : memref<40xi32, #tpu.memory_space<vmem>>) semaphore(%arg19 : memref<!tpu.dma_semaphore, #tpu.memory_space<semaphore_mem>>)
    %dma_start3A_8 = tpu.memref_slice %arg8[%multiple_of3A_4] : memref<10000xi32, #tpu.memory_space<vmem>> -> memref<40xi32, #tpu.memory_space<vmem>>
    %dma_start3A_9 = arith.constant 0 : i32
    %dma_start3A_10 = arith.constant 0 : i32
    %dma_start3A_11 = tpu.memref_slice %arg2[%dma_start3A_9, %dma_start3A_10] : memref<10000x128xf32, #tpu.memory_space<hbm>> -> memref<10000x128xf32, #tpu.memory_space<hbm>>
    tpu.enqueue_indirect_dma source(%dma_start3A_11 : memref<10000x128xf32, #tpu.memory_space<hbm>>) target(%arg14 : memref<40x128xf32, #tpu.memory_space<vmem>>) offsets(%dma_start3A_8 : memref<40xi32, #tpu.memory_space<vmem>>) semaphore(%arg24 : memref<!tpu.dma_semaphore, #tpu.memory_space<semaphore_mem>>)
    %multiple_of3A_12 = arith.constant 40 : i32
    %multiple_of3A_13 = tpu.assume_multiple %multiple_of3A_12, 8 : i32
    %dma_start3A_14 = tpu.memref_slice %arg7[%multiple_of3A_13] : memref<10000xi32, #tpu.memory_space<vmem>> -> memref<40xi32, #tpu.memory_space<vmem>>
    %dma_start3A_15 = arith.constant 0 : i32
    %dma_start3A_16 = arith.constant 0 : i32
    %dma_start3A_17 = tpu.memref_slice %arg2[%dma_start3A_15, %dma_start3A_16] : memref<10000x128xf32, #tpu.memory_space<hbm>> -> memref<10000x128xf32, #tpu.memory_space<hbm>>
    tpu.enqueue_indirect_dma source(%dma_start3A_17 : memref<10000x128xf32, #tpu.memory_space<hbm>>) target(%arg10 : memref<40x128xf32, #tpu.memory_space<vmem>>) offsets(%dma_start3A_14 : memref<40xi32, #tpu.memory_space<vmem>>) semaphore(%arg20 : memref<!tpu.dma_semaphore, #tpu.memory_space<semaphore_mem>>)
    %dma_start3A_18 = tpu.memref_slice %arg8[%multiple_of3A_13] : memref<10000xi32, #tpu.memory_space<vmem>> -> memref<40xi32, #tpu.memory_space<vmem>>
    %dma_start3A_19 = arith.constant 0 : i32
    %dma_start3A_20 = arith.constant 0 : i32
    %dma_start3A_21 = tpu.memref_slice %arg2[%dma_start3A_19, %dma_start3A_20] : memref<10000x128xf32, #tpu.memory_space<hbm>> -> memref<10000x128xf32, #tpu.memory_space<hbm>>
    tpu.enqueue_indirect_dma source(%dma_start3A_21 : memref<10000x128xf32, #tpu.memory_space<hbm>>) target(%arg15 : memref<40x128xf32, #tpu.memory_space<vmem>>) offsets(%dma_start3A_18 : memref<40xi32, #tpu.memory_space<vmem>>) semaphore(%arg25 : memref<!tpu.dma_semaphore, #tpu.memory_space<semaphore_mem>>)
    %multiple_of3A_22 = arith.constant 80 : i32
    %multiple_of3A_23 = tpu.assume_multiple %multiple_of3A_22, 8 : i32
    %dma_start3A_24 = tpu.memref_slice %arg7[%multiple_of3A_23] : memref<10000xi32, #tpu.memory_space<vmem>> -> memref<40xi32, #tpu.memory_space<vmem>>
    %dma_start3A_25 = arith.constant 0 : i32
    %dma_start3A_26 = arith.constant 0 : i32
    %dma_start3A_27 = tpu.memref_slice %arg2[%dma_start3A_25, %dma_start3A_26] : memref<10000x128xf32, #tpu.memory_space<hbm>> -> memref<10000x128xf32, #tpu.memory_space<hbm>>
    tpu.enqueue_indirect_dma source(%dma_start3A_27 : memref<10000x128xf32, #tpu.memory_space<hbm>>) target(%arg11 : memref<40x128xf32, #tpu.memory_space<vmem>>) offsets(%dma_start3A_24 : memref<40xi32, #tpu.memory_space<vmem>>) semaphore(%arg21 : memref<!tpu.dma_semaphore, #tpu.memory_space<semaphore_mem>>)
    %dma_start3A_28 = tpu.memref_slice %arg8[%multiple_of3A_23] : memref<10000xi32, #tpu.memory_space<vmem>> -> memref<40xi32, #tpu.memory_space<vmem>>
    %dma_start3A_29 = arith.constant 0 : i32
    %dma_start3A_30 = arith.constant 0 : i32
    %dma_start3A_31 = tpu.memref_slice %arg2[%dma_start3A_29, %dma_start3A_30] : memref<10000x128xf32, #tpu.memory_space<hbm>> -> memref<10000x128xf32, #tpu.memory_space<hbm>>
    tpu.enqueue_indirect_dma source(%dma_start3A_31 : memref<10000x128xf32, #tpu.memory_space<hbm>>) target(%arg16 : memref<40x128xf32, #tpu.memory_space<vmem>>) offsets(%dma_start3A_28 : memref<40xi32, #tpu.memory_space<vmem>>) semaphore(%arg26 : memref<!tpu.dma_semaphore, #tpu.memory_space<semaphore_mem>>)
    %multiple_of3A_32 = arith.constant 0 : i32
    %multiple_of3A_33 = tpu.assume_multiple %multiple_of3A_32, 8 : i32
    %dma_wait3A = tpu.memref_slice %arg7[%multiple_of3A_33] : memref<10000xi32, #tpu.memory_space<vmem>> -> memref<40xi32, #tpu.memory_space<vmem>>
    %dma_wait3A_34 = arith.constant 0 : i32
    %dma_wait3A_35 = arith.constant 0 : i32
    %dma_wait3A_36 = tpu.memref_slice %arg2[%dma_wait3A_34, %dma_wait3A_35] : memref<10000x128xf32, #tpu.memory_space<hbm>> -> memref<10000x128xf32, #tpu.memory_space<hbm>>
    tpu.wait_indirect_dma semaphore(%arg19 : memref<!tpu.dma_semaphore, #tpu.memory_space<semaphore_mem>>) src(%dma_wait3A_36 : memref<10000x128xf32, #tpu.memory_space<hbm>>) dst(%arg9 : memref<40x128xf32, #tpu.memory_space<vmem>>)
    %dma_wait3A_37 = tpu.memref_slice %arg8[%multiple_of3A_33] : memref<10000xi32, #tpu.memory_space<vmem>> -> memref<40xi32, #tpu.memory_space<vmem>>
    %dma_wait3A_38 = arith.constant 0 : i32
    %dma_wait3A_39 = arith.constant 0 : i32
    %dma_wait3A_40 = tpu.memref_slice %arg2[%dma_wait3A_38, %dma_wait3A_39] : memref<10000x128xf32, #tpu.memory_space<hbm>> -> memref<10000x128xf32, #tpu.memory_space<hbm>>
    tpu.wait_indirect_dma semaphore(%arg24 : memref<!tpu.dma_semaphore, #tpu.memory_space<semaphore_mem>>) src(%dma_wait3A_40 : memref<10000x128xf32, #tpu.memory_space<hbm>>) dst(%arg14 : memref<40x128xf32, #tpu.memory_space<vmem>>)
    %scan3A = arith.constant 0 : i32
    %scan3A_41 = arith.constant 0 : i32
    %scan3A_42 = arith.constant 40 : i32
    %scan3A_43 = arith.addi %scan3A_41, %scan3A_42 : i32
    %scan3A_44 = arith.constant 2 : i32
    scf.for %scan3A_646 = %scan3A_41 to %scan3A_43 step %scan3A_44  : i32 {
      %get3A = arith.index_cast %scan3A_646 : i32 to index
      %get3A_647 = arith.constant 0 : index
      %get3A_648 = tpu.vector_load %arg14[%get3A, %get3A_647] {strides = array<i32>} : memref<40x128xf32, #tpu.memory_space<vmem>>, vector<1x16xf32>,
      %get3A_649 = vector.shape_cast %get3A_648 : vector<1x16xf32> to vector<16xf32>
      %swap3A = arith.index_cast %scan3A_646 : i32 to index
      %swap3A_650 = arith.constant 0 : index
      %swap3A_651 = tpu.vector_load %arg9[%swap3A, %swap3A_650] {strides = array<i32>} : memref<40x128xf32, #tpu.memory_space<vmem>>, vector<1x16xf32>,
      %swap3A_652 = vector.shape_cast %swap3A_651 : vector<1x16xf32> to vector<16xf32>
      %swap3A_653 = vector.shape_cast %get3A_649 : vector<16xf32> to vector<1x16xf32>
      tpu.vector_store %arg9[%swap3A, %swap3A_650], %swap3A_653 {add = true, strides = array<i32>} : memref<40x128xf32, #tpu.memory_space<vmem>>, vector<1x16xf32>,
      %get3A_654 = arith.index_cast %scan3A_646 : i32 to index
      %get3A_655 = arith.constant 16 : index
      %get3A_656 = tpu.vector_load %arg14[%get3A_654, %get3A_655] {strides = array<i32>} : memref<40x128xf32, #tpu.memory_space<vmem>>, vector<1x16xf32>,
      %get3A_657 = vector.shape_cast %get3A_656 : vector<1x16xf32> to vector<16xf32>
      %swap3A_658 = arith.index_cast %scan3A_646 : i32 to index
      %swap3A_659 = arith.constant 16 : index
      %swap3A_660 = tpu.vector_load %arg9[%swap3A_658, %swap3A_659] {strides = array<i32>} : memref<40x128xf32, #tpu.memory_space<vmem>>, vector<1x16xf32>,
      %swap3A_661 = vector.shape_cast %swap3A_660 : vector<1x16xf32> to vector<16xf32>
      %swap3A_662 = vector.shape_cast %get3A_657 : vector<16xf32> to vector<1x16xf32>
      tpu.vector_store %arg9[%swap3A_658, %swap3A_659], %swap3A_662 {add = true, strides = array<i32>} : memref<40x128xf32, #tpu.memory_space<vmem>>, vector<1x16xf32>,
      %get3A_663 = arith.index_cast %scan3A_646 : i32 to index
      %get3A_664 = arith.constant 32 : index
      %get3A_665 = tpu.vector_load %arg14[%get3A_663, %get3A_664] {strides = array<i32>} : memref<40x128xf32, #tpu.memory_space<vmem>>, vector<1x16xf32>,
      %get3A_666 = vector.shape_cast %get3A_665 : vector<1x16xf32> to vector<16xf32>
      %swap3A_667 = arith.index_cast %scan3A_646 : i32 to index
      %swap3A_668 = arith.constant 32 : index
      %swap3A_669 = tpu.vector_load %arg9[%swap3A_667, %swap3A_668] {strides = array<i32>} : memref<40x128xf32, #tpu.memory_space<vmem>>, vector<1x16xf32>,
      %swap3A_670 = vector.shape_cast %swap3A_669 : vector<1x16xf32> to vector<16xf32>
      %swap3A_671 = vector.shape_cast %get3A_666 : vector<16xf32> to vector<1x16xf32>
      tpu.vector_store %arg9[%swap3A_667, %swap3A_668], %swap3A_671 {add = true, strides = array<i32>} : memref<40x128xf32, #tpu.memory_space<vmem>>, vector<1x16xf32>,
      %get3A_672 = arith.index_cast %scan3A_646 : i32 to index
      %get3A_673 = arith.constant 48 : index
      %get3A_674 = tpu.vector_load %arg14[%get3A_672, %get3A_673] {strides = array<i32>} : memref<40x128xf32, #tpu.memory_space<vmem>>, vector<1x16xf32>,
      %get3A_675 = vector.shape_cast %get3A_674 : vector<1x16xf32> to vector<16xf32>
      %swap3A_676 = arith.index_cast %scan3A_646 : i32 to index
      %swap3A_677 = arith.constant 48 : index
      %swap3A_678 = tpu.vector_load %arg9[%swap3A_676, %swap3A_677] {strides = array<i32>} : memref<40x128xf32, #tpu.memory_space<vmem>>, vector<1x16xf32>,
      %swap3A_679 = vector.shape_cast %swap3A_678 : vector<1x16xf32> to vector<16xf32>
      %swap3A_680 = vector.shape_cast %get3A_675 : vector<16xf32> to vector<1x16xf32>
      tpu.vector_store %arg9[%swap3A_676, %swap3A_677], %swap3A_680 {add = true, strides = array<i32>} : memref<40x128xf32, #tpu.memory_space<vmem>>, vector<1x16xf32>,
      %get3A_681 = arith.index_cast %scan3A_646 : i32 to index
      %get3A_682 = arith.constant 64 : index
      %get3A_683 = tpu.vector_load %arg14[%get3A_681, %get3A_682] {strides = array<i32>} : memref<40x128xf32, #tpu.memory_space<vmem>>, vector<1x16xf32>,
      %get3A_684 = vector.shape_cast %get3A_683 : vector<1x16xf32> to vector<16xf32>
      %swap3A_685 = arith.index_cast %scan3A_646 : i32 to index
      %swap3A_686 = arith.constant 64 : index
      %swap3A_687 = tpu.vector_load %arg9[%swap3A_685, %swap3A_686] {strides = array<i32>} : memref<40x128xf32, #tpu.memory_space<vmem>>, vector<1x16xf32>,
      %swap3A_688 = vector.shape_cast %swap3A_687 : vector<1x16xf32> to vector<16xf32>
      %swap3A_689 = vector.shape_cast %get3A_684 : vector<16xf32> to vector<1x16xf32>
      tpu.vector_store %arg9[%swap3A_685, %swap3A_686], %swap3A_689 {add = true, strides = array<i32>} : memref<40x128xf32, #tpu.memory_space<vmem>>, vector<1x16xf32>,
      %get3A_690 = arith.index_cast %scan3A_646 : i32 to index
      %get3A_691 = arith.constant 80 : index
      %get3A_692 = tpu.vector_load %arg14[%get3A_690, %get3A_691] {strides = array<i32>} : memref<40x128xf32, #tpu.memory_space<vmem>>, vector<1x16xf32>,
      %get3A_693 = vector.shape_cast %get3A_692 : vector<1x16xf32> to vector<16xf32>
      %swap3A_694 = arith.index_cast %scan3A_646 : i32 to index
      %swap3A_695 = arith.constant 80 : index
      %swap3A_696 = tpu.vector_load %arg9[%swap3A_694, %swap3A_695] {strides = array<i32>} : memref<40x128xf32, #tpu.memory_space<vmem>>, vector<1x16xf32>,
      %swap3A_697 = vector.shape_cast %swap3A_696 : vector<1x16xf32> to vector<16xf32>
      %swap3A_698 = vector.shape_cast %get3A_693 : vector<16xf32> to vector<1x16xf32>
      tpu.vector_store %arg9[%swap3A_694, %swap3A_695], %swap3A_698 {add = true, strides = array<i32>} : memref<40x128xf32, #tpu.memory_space<vmem>>, vector<1x16xf32>,
      %get3A_699 = arith.index_cast %scan3A_646 : i32 to index
      %get3A_700 = arith.constant 96 : index
      %get3A_701 = tpu.vector_load %arg14[%get3A_699, %get3A_700] {strides = array<i32>} : memref<40x128xf32, #tpu.memory_space<vmem>>, vector<1x16xf32>,
      %get3A_702 = vector.shape_cast %get3A_701 : vector<1x16xf32> to vector<16xf32>
      %swap3A_703 = arith.index_cast %scan3A_646 : i32 to index
      %swap3A_704 = arith.constant 96 : index
      %swap3A_705 = tpu.vector_load %arg9[%swap3A_703, %swap3A_704] {strides = array<i32>} : memref<40x128xf32, #tpu.memory_space<vmem>>, vector<1x16xf32>,
      %swap3A_706 = vector.shape_cast %swap3A_705 : vector<1x16xf32> to vector<16xf32>
      %swap3A_707 = vector.shape_cast %get3A_702 : vector<16xf32> to vector<1x16xf32>
      tpu.vector_store %arg9[%swap3A_703, %swap3A_704], %swap3A_707 {add = true, strides = array<i32>} : memref<40x128xf32, #tpu.memory_space<vmem>>, vector<1x16xf32>,
      %get3A_708 = arith.index_cast %scan3A_646 : i32 to index
      %get3A_709 = arith.constant 112 : index
      %get3A_710 = tpu.vector_load %arg14[%get3A_708, %get3A_709] {strides = array<i32>} : memref<40x128xf32, #tpu.memory_space<vmem>>, vector<1x16xf32>,
      %get3A_711 = vector.shape_cast %get3A_710 : vector<1x16xf32> to vector<16xf32>
      %swap3A_712 = arith.index_cast %scan3A_646 : i32 to index
      %swap3A_713 = arith.constant 112 : index
      %swap3A_714 = tpu.vector_load %arg9[%swap3A_712, %swap3A_713] {strides = array<i32>} : memref<40x128xf32, #tpu.memory_space<vmem>>, vector<1x16xf32>,
      %swap3A_715 = vector.shape_cast %swap3A_714 : vector<1x16xf32> to vector<16xf32>
      %swap3A_716 = vector.shape_cast %get3A_711 : vector<16xf32> to vector<1x16xf32>
      tpu.vector_store %arg9[%swap3A_712, %swap3A_713], %swap3A_716 {add = true, strides = array<i32>} : memref<40x128xf32, #tpu.memory_space<vmem>>, vector<1x16xf32>,
      %scan3A_717 = arith.constant 1 : i32
      %scan3A_718 = arith.addi %scan3A_646, %scan3A_717 : i32
      %get3A_719 = arith.index_cast %scan3A_718 : i32 to index
      %get3A_720 = arith.constant 0 : index
      %get3A_721 = tpu.vector_load %arg14[%get3A_719, %get3A_720] {strides = array<i32>} : memref<40x128xf32, #tpu.memory_space<vmem>>, vector<1x16xf32>,
      %get3A_722 = vector.shape_cast %get3A_721 : vector<1x16xf32> to vector<16xf32>
      %swap3A_723 = arith.index_cast %scan3A_718 : i32 to index
      %swap3A_724 = arith.constant 0 : index
      %swap3A_725 = tpu.vector_load %arg9[%swap3A_723, %swap3A_724] {strides = array<i32>} : memref<40x128xf32, #tpu.memory_space<vmem>>, vector<1x16xf32>,
      %swap3A_726 = vector.shape_cast %swap3A_725 : vector<1x16xf32> to vector<16xf32>
      %swap3A_727 = vector.shape_cast %get3A_722 : vector<16xf32> to vector<1x16xf32>
      tpu.vector_store %arg9[%swap3A_723, %swap3A_724], %swap3A_727 {add = true, strides = array<i32>} : memref<40x128xf32, #tpu.memory_space<vmem>>, vector<1x16xf32>,
      %get3A_728 = arith.index_cast %scan3A_718 : i32 to index
      %get3A_729 = arith.constant 16 : index
      %get3A_730 = tpu.vector_load %arg14[%get3A_728, %get3A_729] {strides = array<i32>} : memref<40x128xf32, #tpu.memory_space<vmem>>, vector<1x16xf32>,
      %get3A_731 = vector.shape_cast %get3A_730 : vector<1x16xf32> to vector<16xf32>
      %swap3A_732 = arith.index_cast %scan3A_718 : i32 to index
      %swap3A_733 = arith.constant 16 : index
      %swap3A_734 = tpu.vector_load %arg9[%swap3A_732, %swap3A_733] {strides = array<i32>} : memref<40x128xf32, #tpu.memory_space<vmem>>, vector<1x16xf32>,
      %swap3A_735 = vector.shape_cast %swap3A_734 : vector<1x16xf32> to vector<16xf32>
      %swap3A_736 = vector.shape_cast %get3A_731 : vector<16xf32> to vector<1x16xf32>
      tpu.vector_store %arg9[%swap3A_732, %swap3A_733], %swap3A_736 {add = true, strides = array<i32>} : memref<40x128xf32, #tpu.memory_space<vmem>>, vector<1x16xf32>,
      %get3A_737 = arith.index_cast %scan3A_718 : i32 to index
      %get3A_738 = arith.constant 32 : index
      %get3A_739 = tpu.vector_load %arg14[%get3A_737, %get3A_738] {strides = array<i32>} : memref<40x128xf32, #tpu.memory_space<vmem>>, vector<1x16xf32>,
      %get3A_740 = vector.shape_cast %get3A_739 : vector<1x16xf32> to vector<16xf32>
      %swap3A_741 = arith.index_cast %scan3A_718 : i32 to index
      %swap3A_742 = arith.constant 32 : index
      %swap3A_743 = tpu.vector_load %arg9[%swap3A_741, %swap3A_742] {strides = array<i32>} : memref<40x128xf32, #tpu.memory_space<vmem>>, vector<1x16xf32>,
      %swap3A_744 = vector.shape_cast %swap3A_743 : vector<1x16xf32> to vector<16xf32>
      %swap3A_745 = vector.shape_cast %get3A_740 : vector<16xf32> to vector<1x16xf32>
      tpu.vector_store %arg9[%swap3A_741, %swap3A_742], %swap3A_745 {add = true, strides = array<i32>} : memref<40x128xf32, #tpu.memory_space<vmem>>, vector<1x16xf32>,
      %get3A_746 = arith.index_cast %scan3A_718 : i32 to index
      %get3A_747 = arith.constant 48 : index
      %get3A_748 = tpu.vector_load %arg14[%get3A_746, %get3A_747] {strides = array<i32>} : memref<40x128xf32, #tpu.memory_space<vmem>>, vector<1x16xf32>,
      %get3A_749 = vector.shape_cast %get3A_748 : vector<1x16xf32> to vector<16xf32>
      %swap3A_750 = arith.index_cast %scan3A_718 : i32 to index
      %swap3A_751 = arith.constant 48 : index
      %swap3A_752 = tpu.vector_load %arg9[%swap3A_750, %swap3A_751] {strides = array<i32>} : memref<40x128xf32, #tpu.memory_space<vmem>>, vector<1x16xf32>,
      %swap3A_753 = vector.shape_cast %swap3A_752 : vector<1x16xf32> to vector<16xf32>
      %swap3A_754 = vector.shape_cast %get3A_749 : vector<16xf32> to vector<1x16xf32>
      tpu.vector_store %arg9[%swap3A_750, %swap3A_751], %swap3A_754 {add = true, strides = array<i32>} : memref<40x128xf32, #tpu.memory_space<vmem>>, vector<1x16xf32>,
      %get3A_755 = arith.index_cast %scan3A_718 : i32 to index
      %get3A_756 = arith.constant 64 : index
      %get3A_757 = tpu.vector_load %arg14[%get3A_755, %get3A_756] {strides = array<i32>} : memref<40x128xf32, #tpu.memory_space<vmem>>, vector<1x16xf32>,
      %get3A_758 = vector.shape_cast %get3A_757 : vector<1x16xf32> to vector<16xf32>
      %swap3A_759 = arith.index_cast %scan3A_718 : i32 to index
      %swap3A_760 = arith.constant 64 : index
      %swap3A_761 = tpu.vector_load %arg9[%swap3A_759, %swap3A_760] {strides = array<i32>} : memref<40x128xf32, #tpu.memory_space<vmem>>, vector<1x16xf32>,
      %swap3A_762 = vector.shape_cast %swap3A_761 : vector<1x16xf32> to vector<16xf32>
      %swap3A_763 = vector.shape_cast %get3A_758 : vector<16xf32> to vector<1x16xf32>
      tpu.vector_store %arg9[%swap3A_759, %swap3A_760], %swap3A_763 {add = true, strides = array<i32>} : memref<40x128xf32, #tpu.memory_space<vmem>>, vector<1x16xf32>,
      %get3A_764 = arith.index_cast %scan3A_718 : i32 to index
      %get3A_765 = arith.constant 80 : index
      %get3A_766 = tpu.vector_load %arg14[%get3A_764, %get3A_765] {strides = array<i32>} : memref<40x128xf32, #tpu.memory_space<vmem>>, vector<1x16xf32>,
      %get3A_767 = vector.shape_cast %get3A_766 : vector<1x16xf32> to vector<16xf32>
      %swap3A_768 = arith.index_cast %scan3A_718 : i32 to index
      %swap3A_769 = arith.constant 80 : index
      %swap3A_770 = tpu.vector_load %arg9[%swap3A_768, %swap3A_769] {strides = array<i32>} : memref<40x128xf32, #tpu.memory_space<vmem>>, vector<1x16xf32>,
      %swap3A_771 = vector.shape_cast %swap3A_770 : vector<1x16xf32> to vector<16xf32>
      %swap3A_772 = vector.shape_cast %get3A_767 : vector<16xf32> to vector<1x16xf32>
      tpu.vector_store %arg9[%swap3A_768, %swap3A_769], %swap3A_772 {add = true, strides = array<i32>} : memref<40x128xf32, #tpu.memory_space<vmem>>, vector<1x16xf32>,
      %get3A_773 = arith.index_cast %scan3A_718 : i32 to index
      %get3A_774 = arith.constant 96 : index
      %get3A_775 = tpu.vector_load %arg14[%get3A_773, %get3A_774] {strides = array<i32>} : memref<40x128xf32, #tpu.memory_space<vmem>>, vector<1x16xf32>,
      %get3A_776 = vector.shape_cast %get3A_775 : vector<1x16xf32> to vector<16xf32>
      %swap3A_777 = arith.index_cast %scan3A_718 : i32 to index
      %swap3A_778 = arith.constant 96 : index
      %swap3A_779 = tpu.vector_load %arg9[%swap3A_777, %swap3A_778] {strides = array<i32>} : memref<40x128xf32, #tpu.memory_space<vmem>>, vector<1x16xf32>,
      %swap3A_780 = vector.shape_cast %swap3A_779 : vector<1x16xf32> to vector<16xf32>
      %swap3A_781 = vector.shape_cast %get3A_776 : vector<16xf32> to vector<1x16xf32>
      tpu.vector_store %arg9[%swap3A_777, %swap3A_778], %swap3A_781 {add = true, strides = array<i32>} : memref<40x128xf32, #tpu.memory_space<vmem>>, vector<1x16xf32>,
      %get3A_782 = arith.index_cast %scan3A_718 : i32 to index
      %get3A_783 = arith.constant 112 : index
      %get3A_784 = tpu.vector_load %arg14[%get3A_782, %get3A_783] {strides = array<i32>} : memref<40x128xf32, #tpu.memory_space<vmem>>, vector<1x16xf32>,
      %get3A_785 = vector.shape_cast %get3A_784 : vector<1x16xf32> to vector<16xf32>
      %swap3A_786 = arith.index_cast %scan3A_718 : i32 to index
      %swap3A_787 = arith.constant 112 : index
      %swap3A_788 = tpu.vector_load %arg9[%swap3A_786, %swap3A_787] {strides = array<i32>} : memref<40x128xf32, #tpu.memory_space<vmem>>, vector<1x16xf32>,
      %swap3A_789 = vector.shape_cast %swap3A_788 : vector<1x16xf32> to vector<16xf32>
      %swap3A_790 = vector.shape_cast %get3A_785 : vector<16xf32> to vector<1x16xf32>
      tpu.vector_store %arg9[%swap3A_786, %swap3A_787], %swap3A_790 {add = true, strides = array<i32>} : memref<40x128xf32, #tpu.memory_space<vmem>>, vector<1x16xf32>,
    }
    %scan3A_45 = arith.constant 40 : i32
    %multiple_of3A_46 = arith.constant 120 : i32
    %multiple_of3A_47 = tpu.assume_multiple %multiple_of3A_46, 8 : i32
    %dma_start3A_48 = tpu.memref_slice %arg7[%multiple_of3A_47] : memref<10000xi32, #tpu.memory_space<vmem>> -> memref<40xi32, #tpu.memory_space<vmem>>
    %dma_start3A_49 = arith.constant 0 : i32
    %dma_start3A_50 = arith.constant 0 : i32
    %dma_start3A_51 = tpu.memref_slice %arg2[%dma_start3A_49, %dma_start3A_50] : memref<10000x128xf32, #tpu.memory_space<hbm>> -> memref<10000x128xf32, #tpu.memory_space<hbm>>
    tpu.enqueue_indirect_dma source(%dma_start3A_51 : memref<10000x128xf32, #tpu.memory_space<hbm>>) target(%arg12 : memref<40x128xf32, #tpu.memory_space<vmem>>) offsets(%dma_start3A_48 : memref<40xi32, #tpu.memory_space<vmem>>) semaphore(%arg22 : memref<!tpu.dma_semaphore, #tpu.memory_space<semaphore_mem>>)
    %dma_start3A_52 = tpu.memref_slice %arg8[%multiple_of3A_47] : memref<10000xi32, #tpu.memory_space<vmem>> -> memref<40xi32, #tpu.memory_space<vmem>>
    %dma_start3A_53 = arith.constant 0 : i32
    %dma_start3A_54 = arith.constant 0 : i32
    %dma_start3A_55 = tpu.memref_slice %arg2[%dma_start3A_53, %dma_start3A_54] : memref<10000x128xf32, #tpu.memory_space<hbm>> -> memref<10000x128xf32, #tpu.memory_space<hbm>>
    tpu.enqueue_indirect_dma source(%dma_start3A_55 : memref<10000x128xf32, #tpu.memory_space<hbm>>) target(%arg17 : memref<40x128xf32, #tpu.memory_space<vmem>>) offsets(%dma_start3A_52 : memref<40xi32, #tpu.memory_space<vmem>>) semaphore(%arg27 : memref<!tpu.dma_semaphore, #tpu.memory_space<semaphore_mem>>)
    %dma_start3A_56 = arith.constant 0 : i32
    %dma_start3A_57 = arith.constant 0 : i32
    %dma_start3A_58 = arith.constant 0 : i32
    %dma_start3A_59 = tpu.memref_slice %arg6[%arg1, %dma_start3A_56, %dma_start3A_57, %dma_start3A_58] : memref<16x5x40x128xf32, #tpu.memory_space<vmem_shared>> -> memref<1x1x40x128xf32, #tpu.memory_space<vmem_shared>>
    %dma_start3A_60 = tpu.memref_squeeze %dma_start3A_59 : memref<1x1x40x128xf32, #tpu.memory_space<vmem_shared>> -> memref<40x128xf32, #tpu.memory_space<vmem_shared>>
    %dma_start3A_61 = arith.constant 0 : i32
    %dma_start3A_62 = arith.constant 0 : i32
    %dma_start3A_63 = tpu.memref_slice %arg6[%arg1, %dma_start3A_56, %dma_start3A_61, %dma_start3A_62] : memref<16x5x40x128xf32, #tpu.memory_space<vmem_shared>> -> memref<1x1x40x128xf32, #tpu.memory_space<vmem_shared>>
    %dma_start3A_64 = tpu.memref_squeeze %dma_start3A_63 : memref<1x1x40x128xf32, #tpu.memory_space<vmem_shared>> -> memref<40x128xf32, #tpu.memory_space<vmem_shared>>
    tpu.enqueue_dma source(%arg9 : memref<40x128xf32, #tpu.memory_space<vmem>>) target(%dma_start3A_64 : memref<40x128xf32, #tpu.memory_space<vmem_shared>>) target_semaphore(%arg29 : memref<!tpu.dma_semaphore, #tpu.memory_space<semaphore_mem>>)
    %multiple_of3A_65 = arith.constant 40 : i32
    %multiple_of3A_66 = tpu.assume_multiple %multiple_of3A_65, 8 : i32
    %dma_wait3A_67 = tpu.memref_slice %arg7[%multiple_of3A_66] : memref<10000xi32, #tpu.memory_space<vmem>> -> memref<40xi32, #tpu.memory_space<vmem>>
    %dma_wait3A_68 = arith.constant 0 : i32
    %dma_wait3A_69 = arith.constant 0 : i32
    %dma_wait3A_70 = tpu.memref_slice %arg2[%dma_wait3A_68, %dma_wait3A_69] : memref<10000x128xf32, #tpu.memory_space<hbm>> -> memref<10000x128xf32, #tpu.memory_space<hbm>>
    tpu.wait_indirect_dma semaphore(%arg20 : memref<!tpu.dma_semaphore, #tpu.memory_space<semaphore_mem>>) src(%dma_wait3A_70 : memref<10000x128xf32, #tpu.memory_space<hbm>>) dst(%arg10 : memref<40x128xf32, #tpu.memory_space<vmem>>)
    %dma_wait3A_71 = tpu.memref_slice %arg8[%multiple_of3A_66] : memref<10000xi32, #tpu.memory_space<vmem>> -> memref<40xi32, #tpu.memory_space<vmem>>
    %dma_wait3A_72 = arith.constant 0 : i32
    %dma_wait3A_73 = arith.constant 0 : i32
    %dma_wait3A_74 = tpu.memref_slice %arg2[%dma_wait3A_72, %dma_wait3A_73] : memref<10000x128xf32, #tpu.memory_space<hbm>> -> memref<10000x128xf32, #tpu.memory_space<hbm>>
    tpu.wait_indirect_dma semaphore(%arg25 : memref<!tpu.dma_semaphore, #tpu.memory_space<semaphore_mem>>) src(%dma_wait3A_74 : memref<10000x128xf32, #tpu.memory_space<hbm>>) dst(%arg15 : memref<40x128xf32, #tpu.memory_space<vmem>>)
    %scan3A_75 = arith.constant 0 : i32
    %scan3A_76 = arith.constant 0 : i32
    %scan3A_77 = arith.constant 40 : i32
    %scan3A_78 = arith.addi %scan3A_76, %scan3A_77 : i32
    %scan3A_79 = arith.constant 2 : i32
    scf.for %scan3A_646 = %scan3A_76 to %scan3A_78 step %scan3A_79  : i32 {
      %get3A = arith.index_cast %scan3A_646 : i32 to index
      %get3A_647 = arith.constant 0 : index
      %get3A_648 = tpu.vector_load %arg15[%get3A, %get3A_647] {strides = array<i32>} : memref<40x128xf32, #tpu.memory_space<vmem>>, vector<1x16xf32>,
      %get3A_649 = vector.shape_cast %get3A_648 : vector<1x16xf32> to vector<16xf32>
      %swap3A = arith.index_cast %scan3A_646 : i32 to index
      %swap3A_650 = arith.constant 0 : index
      %swap3A_651 = tpu.vector_load %arg10[%swap3A, %swap3A_650] {strides = array<i32>} : memref<40x128xf32, #tpu.memory_space<vmem>>, vector<1x16xf32>,
      %swap3A_652 = vector.shape_cast %swap3A_651 : vector<1x16xf32> to vector<16xf32>
      %swap3A_653 = vector.shape_cast %get3A_649 : vector<16xf32> to vector<1x16xf32>
      tpu.vector_store %arg10[%swap3A, %swap3A_650], %swap3A_653 {add = true, strides = array<i32>} : memref<40x128xf32, #tpu.memory_space<vmem>>, vector<1x16xf32>,
      %get3A_654 = arith.index_cast %scan3A_646 : i32 to index
      %get3A_655 = arith.constant 16 : index
      %get3A_656 = tpu.vector_load %arg15[%get3A_654, %get3A_655] {strides = array<i32>} : memref<40x128xf32, #tpu.memory_space<vmem>>, vector<1x16xf32>,
      %get3A_657 = vector.shape_cast %get3A_656 : vector<1x16xf32> to vector<16xf32>
      %swap3A_658 = arith.index_cast %scan3A_646 : i32 to index
      %swap3A_659 = arith.constant 16 : index
      %swap3A_660 = tpu.vector_load %arg10[%swap3A_658, %swap3A_659] {strides = array<i32>} : memref<40x128xf32, #tpu.memory_space<vmem>>, vector<1x16xf32>,
      %swap3A_661 = vector.shape_cast %swap3A_660 : vector<1x16xf32> to vector<16xf32>
      %swap3A_662 = vector.shape_cast %get3A_657 : vector<16xf32> to vector<1x16xf32>
      tpu.vector_store %arg10[%swap3A_658, %swap3A_659], %swap3A_662 {add = true, strides = array<i32>} : memref<40x128xf32, #tpu.memory_space<vmem>>, vector<1x16xf32>,
      %get3A_663 = arith.index_cast %scan3A_646 : i32 to index
      %get3A_664 = arith.constant 32 : index
      %get3A_665 = tpu.vector_load %arg15[%get3A_663, %get3A_664] {strides = array<i32>} : memref<40x128xf32, #tpu.memory_space<vmem>>, vector<1x16xf32>,
      %get3A_666 = vector.shape_cast %get3A_665 : vector<1x16xf32> to vector<16xf32>
      %swap3A_667 = arith.index_cast %scan3A_646 : i32 to index
      %swap3A_668 = arith.constant 32 : index
      %swap3A_669 = tpu.vector_load %arg10[%swap3A_667, %swap3A_668] {strides = array<i32>} : memref<40x128xf32, #tpu.memory_space<vmem>>, vector<1x16xf32>,
      %swap3A_670 = vector.shape_cast %swap3A_669 : vector<1x16xf32> to vector<16xf32>
      %swap3A_671 = vector.shape_cast %get3A_666 : vector<16xf32> to vector<1x16xf32>
      tpu.vector_store %arg10[%swap3A_667, %swap3A_668], %swap3A_671 {add = true, strides = array<i32>} : memref<40x128xf32, #tpu.memory_space<vmem>>, vector<1x16xf32>,
      %get3A_672 = arith.index_cast %scan3A_646 : i32 to index
      %get3A_673 = arith.constant 48 : index
      %get3A_674 = tpu.vector_load %arg15[%get3A_672, %get3A_673] {strides = array<i32>} : memref<40x128xf32, #tpu.memory_space<vmem>>, vector<1x16xf32>,
      %get3A_675 = vector.shape_cast %get3A_674 : vector<1x16xf32> to vector<16xf32>
      %swap3A_676 = arith.index_cast %scan3A_646 : i32 to index
      %swap3A_677 = arith.constant 48 : index
      %swap3A_678 = tpu.vector_load %arg10[%swap3A_676, %swap3A_677] {strides = array<i32>} : memref<40x128xf32, #tpu.memory_space<vmem>>, vector<1x16xf32>,
      %swap3A_679 = vector.shape_cast %swap3A_678 : vector<1x16xf32> to vector<16xf32>
      %swap3A_680 = vector.shape_cast %get3A_675 : vector<16xf32> to vector<1x16xf32>
      tpu.vector_store %arg10[%swap3A_676, %swap3A_677], %swap3A_680 {add = true, strides = array<i32>} : memref<40x128xf32, #tpu.memory_space<vmem>>, vector<1x16xf32>,
      %get3A_681 = arith.index_cast %scan3A_646 : i32 to index
      %get3A_682 = arith.constant 64 : index
      %get3A_683 = tpu.vector_load %arg15[%get3A_681, %get3A_682] {strides = array<i32>} : memref<40x128xf32, #tpu.memory_space<vmem>>, vector<1x16xf32>,
      %get3A_684 = vector.shape_cast %get3A_683 : vector<1x16xf32> to vector<16xf32>
      %swap3A_685 = arith.index_cast %scan3A_646 : i32 to index
      %swap3A_686 = arith.constant 64 : index
      %swap3A_687 = tpu.vector_load %arg10[%swap3A_685, %swap3A_686] {strides = array<i32>} : memref<40x128xf32, #tpu.memory_space<vmem>>, vector<1x16xf32>,
      %swap3A_688 = vector.shape_cast %swap3A_687 : vector<1x16xf32> to vector<16xf32>
      %swap3A_689 = vector.shape_cast %get3A_684 : vector<16xf32> to vector<1x16xf32>
      tpu.vector_store %arg10[%swap3A_685, %swap3A_686], %swap3A_689 {add = true, strides = array<i32>} : memref<40x128xf32, #tpu.memory_space<vmem>>, vector<1x16xf32>,
      %get3A_690 = arith.index_cast %scan3A_646 : i32 to index
      %get3A_691 = arith.constant 80 : index
      %get3A_692 = tpu.vector_load %arg15[%get3A_690, %get3A_691] {strides = array<i32>} : memref<40x128xf32, #tpu.memory_space<vmem>>, vector<1x16xf32>,
      %get3A_693 = vector.shape_cast %get3A_692 : vector<1x16xf32> to vector<16xf32>
      %swap3A_694 = arith.index_cast %scan3A_646 : i32 to index
      %swap3A_695 = arith.constant 80 : index
      %swap3A_696 = tpu.vector_load %arg10[%swap3A_694, %swap3A_695] {strides = array<i32>} : memref<40x128xf32, #tpu.memory_space<vmem>>, vector<1x16xf32>,
      %swap3A_697 = vector.shape_cast %swap3A_696 : vector<1x16xf32> to vector<16xf32>
      %swap3A_698 = vector.shape_cast %get3A_693 : vector<16xf32> to vector<1x16xf32>
      tpu.vector_store %arg10[%swap3A_694, %swap3A_695], %swap3A_698 {add = true, strides = array<i32>} : memref<40x128xf32, #tpu.memory_space<vmem>>, vector<1x16xf32>,
      %get3A_699 = arith.index_cast %scan3A_646 : i32 to index
      %get3A_700 = arith.constant 96 : index
      %get3A_701 = tpu.vector_load %arg15[%get3A_699, %get3A_700] {strides = array<i32>} : memref<40x128xf32, #tpu.memory_space<vmem>>, vector<1x16xf32>,
      %get3A_702 = vector.shape_cast %get3A_701 : vector<1x16xf32> to vector<16xf32>
      %swap3A_703 = arith.index_cast %scan3A_646 : i32 to index
      %swap3A_704 = arith.constant 96 : index
      %swap3A_705 = tpu.vector_load %arg10[%swap3A_703, %swap3A_704] {strides = array<i32>} : memref<40x128xf32, #tpu.memory_space<vmem>>, vector<1x16xf32>,
      %swap3A_706 = vector.shape_cast %swap3A_705 : vector<1x16xf32> to vector<16xf32>
      %swap3A_707 = vector.shape_cast %get3A_702 : vector<16xf32> to vector<1x16xf32>
      tpu.vector_store %arg10[%swap3A_703, %swap3A_704], %swap3A_707 {add = true, strides = array<i32>} : memref<40x128xf32, #tpu.memory_space<vmem>>, vector<1x16xf32>,
      %get3A_708 = arith.index_cast %scan3A_646 : i32 to index
      %get3A_709 = arith.constant 112 : index
      %get3A_710 = tpu.vector_load %arg15[%get3A_708, %get3A_709] {strides = array<i32>} : memref<40x128xf32, #tpu.memory_space<vmem>>, vector<1x16xf32>,
      %get3A_711 = vector.shape_cast %get3A_710 : vector<1x16xf32> to vector<16xf32>
      %swap3A_712 = arith.index_cast %scan3A_646 : i32 to index
      %swap3A_713 = arith.constant 112 : index
      %swap3A_714 = tpu.vector_load %arg10[%swap3A_712, %swap3A_713] {strides = array<i32>} : memref<40x128xf32, #tpu.memory_space<vmem>>, vector<1x16xf32>,
      %swap3A_715 = vector.shape_cast %swap3A_714 : vector<1x16xf32> to vector<16xf32>
      %swap3A_716 = vector.shape_cast %get3A_711 : vector<16xf32> to vector<1x16xf32>
      tpu.vector_store %arg10[%swap3A_712, %swap3A_713], %swap3A_716 {add = true, strides = array<i32>} : memref<40x128xf32, #tpu.memory_space<vmem>>, vector<1x16xf32>,
      %scan3A_717 = arith.constant 1 : i32
      %scan3A_718 = arith.addi %scan3A_646, %scan3A_717 : i32
      %get3A_719 = arith.index_cast %scan3A_718 : i32 to index
      %get3A_720 = arith.constant 0 : index
      %get3A_721 = tpu.vector_load %arg15[%get3A_719, %get3A_720] {strides = array<i32>} : memref<40x128xf32, #tpu.memory_space<vmem>>, vector<1x16xf32>,
      %get3A_722 = vector.shape_cast %get3A_721 : vector<1x16xf32> to vector<16xf32>
      %swap3A_723 = arith.index_cast %scan3A_718 : i32 to index
      %swap3A_724 = arith.constant 0 : index
      %swap3A_725 = tpu.vector_load %arg10[%swap3A_723, %swap3A_724] {strides = array<i32>} : memref<40x128xf32, #tpu.memory_space<vmem>>, vector<1x16xf32>,
      %swap3A_726 = vector.shape_cast %swap3A_725 : vector<1x16xf32> to vector<16xf32>
      %swap3A_727 = vector.shape_cast %get3A_722 : vector<16xf32> to vector<1x16xf32>
      tpu.vector_store %arg10[%swap3A_723, %swap3A_724], %swap3A_727 {add = true, strides = array<i32>} : memref<40x128xf32, #tpu.memory_space<vmem>>, vector<1x16xf32>,
      %get3A_728 = arith.index_cast %scan3A_718 : i32 to index
      %get3A_729 = arith.constant 16 : index
      %get3A_730 = tpu.vector_load %arg15[%get3A_728, %get3A_729] {strides = array<i32>} : memref<40x128xf32, #tpu.memory_space<vmem>>, vector<1x16xf32>,
      %get3A_731 = vector.shape_cast %get3A_730 : vector<1x16xf32> to vector<16xf32>
      %swap3A_732 = arith.index_cast %scan3A_718 : i32 to index
      %swap3A_733 = arith.constant 16 : index
      %swap3A_734 = tpu.vector_load %arg10[%swap3A_732, %swap3A_733] {strides = array<i32>} : memref<40x128xf32, #tpu.memory_space<vmem>>, vector<1x16xf32>,
      %swap3A_735 = vector.shape_cast %swap3A_734 : vector<1x16xf32> to vector<16xf32>
      %swap3A_736 = vector.shape_cast %get3A_731 : vector<16xf32> to vector<1x16xf32>
      tpu.vector_store %arg10[%swap3A_732, %swap3A_733], %swap3A_736 {add = true, strides = array<i32>} : memref<40x128xf32, #tpu.memory_space<vmem>>, vector<1x16xf32>,
      %get3A_737 = arith.index_cast %scan3A_718 : i32 to index
      %get3A_738 = arith.constant 32 : index
      %get3A_739 = tpu.vector_load %arg15[%get3A_737, %get3A_738] {strides = array<i32>} : memref<40x128xf32, #tpu.memory_space<vmem>>, vector<1x16xf32>,
      %get3A_740 = vector.shape_cast %get3A_739 : vector<1x16xf32> to vector<16xf32>
      %swap3A_741 = arith.index_cast %scan3A_718 : i32 to index
      %swap3A_742 = arith.constant 32 : index
      %swap3A_743 = tpu.vector_load %arg10[%swap3A_741, %swap3A_742] {strides = array<i32>} : memref<40x128xf32, #tpu.memory_space<vmem>>, vector<1x16xf32>,
      %swap3A_744 = vector.shape_cast %swap3A_743 : vector<1x16xf32> to vector<16xf32>
      %swap3A_745 = vector.shape_cast %get3A_740 : vector<16xf32> to vector<1x16xf32>
      tpu.vector_store %arg10[%swap3A_741, %swap3A_742], %swap3A_745 {add = true, strides = array<i32>} : memref<40x128xf32, #tpu.memory_space<vmem>>, vector<1x16xf32>,
      %get3A_746 = arith.index_cast %scan3A_718 : i32 to index
      %get3A_747 = arith.constant 48 : index
      %get3A_748 = tpu.vector_load %arg15[%get3A_746, %get3A_747] {strides = array<i32>} : memref<40x128xf32, #tpu.memory_space<vmem>>, vector<1x16xf32>,
      %get3A_749 = vector.shape_cast %get3A_748 : vector<1x16xf32> to vector<16xf32>
      %swap3A_750 = arith.index_cast %scan3A_718 : i32 to index
      %swap3A_751 = arith.constant 48 : index
      %swap3A_752 = tpu.vector_load %arg10[%swap3A_750, %swap3A_751] {strides = array<i32>} : memref<40x128xf32, #tpu.memory_space<vmem>>, vector<1x16xf32>,
      %swap3A_753 = vector.shape_cast %swap3A_752 : vector<1x16xf32> to vector<16xf32>
      %swap3A_754 = vector.shape_cast %get3A_749 : vector<16xf32> to vector<1x16xf32>
      tpu.vector_store %arg10[%swap3A_750, %swap3A_751], %swap3A_754 {add = true, strides = array<i32>} : memref<40x128xf32, #tpu.memory_space<vmem>>, vector<1x16xf32>,
      %get3A_755 = arith.index_cast %scan3A_718 : i32 to index
      %get3A_756 = arith.constant 64 : index
      %get3A_757 = tpu.vector_load %arg15[%get3A_755, %get3A_756] {strides = array<i32>} : memref<40x128xf32, #tpu.memory_space<vmem>>, vector<1x16xf32>,
      %get3A_758 = vector.shape_cast %get3A_757 : vector<1x16xf32> to vector<16xf32>
      %swap3A_759 = arith.index_cast %scan3A_718 : i32 to index
      %swap3A_760 = arith.constant 64 : index
      %swap3A_761 = tpu.vector_load %arg10[%swap3A_759, %swap3A_760] {strides = array<i32>} : memref<40x128xf32, #tpu.memory_space<vmem>>, vector<1x16xf32>,
      %swap3A_762 = vector.shape_cast %swap3A_761 : vector<1x16xf32> to vector<16xf32>
      %swap3A_763 = vector.shape_cast %get3A_758 : vector<16xf32> to vector<1x16xf32>
      tpu.vector_store %arg10[%swap3A_759, %swap3A_760], %swap3A_763 {add = true, strides = array<i32>} : memref<40x128xf32, #tpu.memory_space<vmem>>, vector<1x16xf32>,
      %get3A_764 = arith.index_cast %scan3A_718 : i32 to index
      %get3A_765 = arith.constant 80 : index
      %get3A_766 = tpu.vector_load %arg15[%get3A_764, %get3A_765] {strides = array<i32>} : memref<40x128xf32, #tpu.memory_space<vmem>>, vector<1x16xf32>,
      %get3A_767 = vector.shape_cast %get3A_766 : vector<1x16xf32> to vector<16xf32>
      %swap3A_768 = arith.index_cast %scan3A_718 : i32 to index
      %swap3A_769 = arith.constant 80 : index
      %swap3A_770 = tpu.vector_load %arg10[%swap3A_768, %swap3A_769] {strides = array<i32>} : memref<40x128xf32, #tpu.memory_space<vmem>>, vector<1x16xf32>,
      %swap3A_771 = vector.shape_cast %swap3A_770 : vector<1x16xf32> to vector<16xf32>
      %swap3A_772 = vector.shape_cast %get3A_767 : vector<16xf32> to vector<1x16xf32>
      tpu.vector_store %arg10[%swap3A_768, %swap3A_769], %swap3A_772 {add = true, strides = array<i32>} : memref<40x128xf32, #tpu.memory_space<vmem>>, vector<1x16xf32>,
      %get3A_773 = arith.index_cast %scan3A_718 : i32 to index
      %get3A_774 = arith.constant 96 : index
      %get3A_775 = tpu.vector_load %arg15[%get3A_773, %get3A_774] {strides = array<i32>} : memref<40x128xf32, #tpu.memory_space<vmem>>, vector<1x16xf32>,
      %get3A_776 = vector.shape_cast %get3A_775 : vector<1x16xf32> to vector<16xf32>
      %swap3A_777 = arith.index_cast %scan3A_718 : i32 to index
      %swap3A_778 = arith.constant 96 : index
      %swap3A_779 = tpu.vector_load %arg10[%swap3A_777, %swap3A_778] {strides = array<i32>} : memref<40x128xf32, #tpu.memory_space<vmem>>, vector<1x16xf32>,
      %swap3A_780 = vector.shape_cast %swap3A_779 : vector<1x16xf32> to vector<16xf32>
      %swap3A_781 = vector.shape_cast %get3A_776 : vector<16xf32> to vector<1x16xf32>
      tpu.vector_store %arg10[%swap3A_777, %swap3A_778], %swap3A_781 {add = true, strides = array<i32>} : memref<40x128xf32, #tpu.memory_space<vmem>>, vector<1x16xf32>,
      %get3A_782 = arith.index_cast %scan3A_718 : i32 to index
      %get3A_783 = arith.constant 112 : index
      %get3A_784 = tpu.vector_load %arg15[%get3A_782, %get3A_783] {strides = array<i32>} : memref<40x128xf32, #tpu.memory_space<vmem>>, vector<1x16xf32>,
      %get3A_785 = vector.shape_cast %get3A_784 : vector<1x16xf32> to vector<16xf32>
      %swap3A_786 = arith.index_cast %scan3A_718 : i32 to index
      %swap3A_787 = arith.constant 112 : index
      %swap3A_788 = tpu.vector_load %arg10[%swap3A_786, %swap3A_787] {strides = array<i32>} : memref<40x128xf32, #tpu.memory_space<vmem>>, vector<1x16xf32>,
      %swap3A_789 = vector.shape_cast %swap3A_788 : vector<1x16xf32> to vector<16xf32>
      %swap3A_790 = vector.shape_cast %get3A_785 : vector<16xf32> to vector<1x16xf32>
      tpu.vector_store %arg10[%swap3A_786, %swap3A_787], %swap3A_790 {add = true, strides = array<i32>} : memref<40x128xf32, #tpu.memory_space<vmem>>, vector<1x16xf32>,
    }
    %scan3A_80 = arith.constant 40 : i32
    %multiple_of3A_81 = arith.constant 160 : i32
    %multiple_of3A_82 = tpu.assume_multiple %multiple_of3A_81, 8 : i32
    %dma_start3A_83 = tpu.memref_slice %arg7[%multiple_of3A_82] : memref<10000xi32, #tpu.memory_space<vmem>> -> memref<40xi32, #tpu.memory_space<vmem>>
    %dma_start3A_84 = arith.constant 0 : i32
    %dma_start3A_85 = arith.constant 0 : i32
    %dma_start3A_86 = tpu.memref_slice %arg2[%dma_start3A_84, %dma_start3A_85] : memref<10000x128xf32, #tpu.memory_space<hbm>> -> memref<10000x128xf32, #tpu.memory_space<hbm>>
    tpu.enqueue_indirect_dma source(%dma_start3A_86 : memref<10000x128xf32, #tpu.memory_space<hbm>>) target(%arg13 : memref<40x128xf32, #tpu.memory_space<vmem>>) offsets(%dma_start3A_83 : memref<40xi32, #tpu.memory_space<vmem>>) semaphore(%arg23 : memref<!tpu.dma_semaphore, #tpu.memory_space<semaphore_mem>>)
    %dma_start3A_87 = tpu.memref_slice %arg8[%multiple_of3A_82] : memref<10000xi32, #tpu.memory_space<vmem>> -> memref<40xi32, #tpu.memory_space<vmem>>
    %dma_start3A_88 = arith.constant 0 : i32
    %dma_start3A_89 = arith.constant 0 : i32
    %dma_start3A_90 = tpu.memref_slice %arg2[%dma_start3A_88, %dma_start3A_89] : memref<10000x128xf32, #tpu.memory_space<hbm>> -> memref<10000x128xf32, #tpu.memory_space<hbm>>
    tpu.enqueue_indirect_dma source(%dma_start3A_90 : memref<10000x128xf32, #tpu.memory_space<hbm>>) target(%arg18 : memref<40x128xf32, #tpu.memory_space<vmem>>) offsets(%dma_start3A_87 : memref<40xi32, #tpu.memory_space<vmem>>) semaphore(%arg28 : memref<!tpu.dma_semaphore, #tpu.memory_space<semaphore_mem>>)
    %dma_start3A_91 = arith.constant 1 : i32
    %dma_start3A_92 = arith.constant 0 : i32
    %dma_start3A_93 = arith.constant 0 : i32
    %dma_start3A_94 = tpu.memref_slice %arg6[%arg1, %dma_start3A_91, %dma_start3A_92, %dma_start3A_93] : memref<16x5x40x128xf32, #tpu.memory_space<vmem_shared>> -> memref<1x1x40x128xf32, #tpu.memory_space<vmem_shared>>
    %dma_start3A_95 = tpu.memref_squeeze %dma_start3A_94 : memref<1x1x40x128xf32, #tpu.memory_space<vmem_shared>> -> memref<40x128xf32, #tpu.memory_space<vmem_shared>>
    %dma_start3A_96 = arith.constant 0 : i32
    %dma_start3A_97 = arith.constant 0 : i32
    %dma_start3A_98 = tpu.memref_slice %arg6[%arg1, %dma_start3A_91, %dma_start3A_96, %dma_start3A_97] : memref<16x5x40x128xf32, #tpu.memory_space<vmem_shared>> -> memref<1x1x40x128xf32, #tpu.memory_space<vmem_shared>>
    %dma_start3A_99 = tpu.memref_squeeze %dma_start3A_98 : memref<1x1x40x128xf32, #tpu.memory_space<vmem_shared>> -> memref<40x128xf32, #tpu.memory_space<vmem_shared>>
    tpu.enqueue_dma source(%arg10 : memref<40x128xf32, #tpu.memory_space<vmem>>) target(%dma_start3A_99 : memref<40x128xf32, #tpu.memory_space<vmem_shared>>) target_semaphore(%arg30 : memref<!tpu.dma_semaphore, #tpu.memory_space<semaphore_mem>>)
    %multiple_of3A_100 = arith.constant 80 : i32
    %multiple_of3A_101 = tpu.assume_multiple %multiple_of3A_100, 8 : i32
    %dma_wait3A_102 = tpu.memref_slice %arg7[%multiple_of3A_101] : memref<10000xi32, #tpu.memory_space<vmem>> -> memref<40xi32, #tpu.memory_space<vmem>>
    %dma_wait3A_103 = arith.constant 0 : i32
    %dma_wait3A_104 = arith.constant 0 : i32
    %dma_wait3A_105 = tpu.memref_slice %arg2[%dma_wait3A_103, %dma_wait3A_104] : memref<10000x128xf32, #tpu.memory_space<hbm>> -> memref<10000x128xf32, #tpu.memory_space<hbm>>
    tpu.wait_indirect_dma semaphore(%arg21 : memref<!tpu.dma_semaphore, #tpu.memory_space<semaphore_mem>>) src(%dma_wait3A_105 : memref<10000x128xf32, #tpu.memory_space<hbm>>) dst(%arg11 : memref<40x128xf32, #tpu.memory_space<vmem>>)
    %dma_wait3A_106 = tpu.memref_slice %arg8[%multiple_of3A_101] : memref<10000xi32, #tpu.memory_space<vmem>> -> memref<40xi32, #tpu.memory_space<vmem>>
    %dma_wait3A_107 = arith.constant 0 : i32
    %dma_wait3A_108 = arith.constant 0 : i32
    %dma_wait3A_109 = tpu.memref_slice %arg2[%dma_wait3A_107, %dma_wait3A_108] : memref<10000x128xf32, #tpu.memory_space<hbm>> -> memref<10000x128xf32, #tpu.memory_space<hbm>>
    tpu.wait_indirect_dma semaphore(%arg26 : memref<!tpu.dma_semaphore, #tpu.memory_space<semaphore_mem>>) src(%dma_wait3A_109 : memref<10000x128xf32, #tpu.memory_space<hbm>>) dst(%arg16 : memref<40x128xf32, #tpu.memory_space<vmem>>)
    %scan3A_110 = arith.constant 0 : i32
    %scan3A_111 = arith.constant 0 : i32
    %scan3A_112 = arith.constant 40 : i32
    %scan3A_113 = arith.addi %scan3A_111, %scan3A_112 : i32
    %scan3A_114 = arith.constant 2 : i32
    scf.for %scan3A_646 = %scan3A_111 to %scan3A_113 step %scan3A_114  : i32 {
      %get3A = arith.index_cast %scan3A_646 : i32 to index
      %get3A_647 = arith.constant 0 : index
      %get3A_648 = tpu.vector_load %arg16[%get3A, %get3A_647] {strides = array<i32>} : memref<40x128xf32, #tpu.memory_space<vmem>>, vector<1x16xf32>,
      %get3A_649 = vector.shape_cast %get3A_648 : vector<1x16xf32> to vector<16xf32>
      %swap3A = arith.index_cast %scan3A_646 : i32 to index
      %swap3A_650 = arith.constant 0 : index
      %swap3A_651 = tpu.vector_load %arg11[%swap3A, %swap3A_650] {strides = array<i32>} : memref<40x128xf32, #tpu.memory_space<vmem>>, vector<1x16xf32>,
      %swap3A_652 = vector.shape_cast %swap3A_651 : vector<1x16xf32> to vector<16xf32>
      %swap3A_653 = vector.shape_cast %get3A_649 : vector<16xf32> to vector<1x16xf32>
      tpu.vector_store %arg11[%swap3A, %swap3A_650], %swap3A_653 {add = true, strides = array<i32>} : memref<40x128xf32, #tpu.memory_space<vmem>>, vector<1x16xf32>,
      %get3A_654 = arith.index_cast %scan3A_646 : i32 to index
      %get3A_655 = arith.constant 16 : index
      %get3A_656 = tpu.vector_load %arg16[%get3A_654, %get3A_655] {strides = array<i32>} : memref<40x128xf32, #tpu.memory_space<vmem>>, vector<1x16xf32>,
      %get3A_657 = vector.shape_cast %get3A_656 : vector<1x16xf32> to vector<16xf32>
      %swap3A_658 = arith.index_cast %scan3A_646 : i32 to index
      %swap3A_659 = arith.constant 16 : index
      %swap3A_660 = tpu.vector_load %arg11[%swap3A_658, %swap3A_659] {strides = array<i32>} : memref<40x128xf32, #tpu.memory_space<vmem>>, vector<1x16xf32>,
      %swap3A_661 = vector.shape_cast %swap3A_660 : vector<1x16xf32> to vector<16xf32>
      %swap3A_662 = vector.shape_cast %get3A_657 : vector<16xf32> to vector<1x16xf32>
      tpu.vector_store %arg11[%swap3A_658, %swap3A_659], %swap3A_662 {add = true, strides = array<i32>} : memref<40x128xf32, #tpu.memory_space<vmem>>, vector<1x16xf32>,
      %get3A_663 = arith.index_cast %scan3A_646 : i32 to index
      %get3A_664 = arith.constant 32 : index
      %get3A_665 = tpu.vector_load %arg16[%get3A_663, %get3A_664] {strides = array<i32>} : memref<40x128xf32, #tpu.memory_space<vmem>>, vector<1x16xf32>,
      %get3A_666 = vector.shape_cast %get3A_665 : vector<1x16xf32> to vector<16xf32>
      %swap3A_667 = arith.index_cast %scan3A_646 : i32 to index
      %swap3A_668 = arith.constant 32 : index
      %swap3A_669 = tpu.vector_load %arg11[%swap3A_667, %swap3A_668] {strides = array<i32>} : memref<40x128xf32, #tpu.memory_space<vmem>>, vector<1x16xf32>,
      %swap3A_670 = vector.shape_cast %swap3A_669 : vector<1x16xf32> to vector<16xf32>
      %swap3A_671 = vector.shape_cast %get3A_666 : vector<16xf32> to vector<1x16xf32>
      tpu.vector_store %arg11[%swap3A_667, %swap3A_668], %swap3A_671 {add = true, strides = array<i32>} : memref<40x128xf32, #tpu.memory_space<vmem>>, vector<1x16xf32>,
      %get3A_672 = arith.index_cast %scan3A_646 : i32 to index
      %get3A_673 = arith.constant 48 : index
      %get3A_674 = tpu.vector_load %arg16[%get3A_672, %get3A_673] {strides = array<i32>} : memref<40x128xf32, #tpu.memory_space<vmem>>, vector<1x16xf32>,
      %get3A_675 = vector.shape_cast %get3A_674 : vector<1x16xf32> to vector<16xf32>
      %swap3A_676 = arith.index_cast %scan3A_646 : i32 to index
      %swap3A_677 = arith.constant 48 : index
      %swap3A_678 = tpu.vector_load %arg11[%swap3A_676, %swap3A_677] {strides = array<i32>} : memref<40x128xf32, #tpu.memory_space<vmem>>, vector<1x16xf32>,
      %swap3A_679 = vector.shape_cast %swap3A_678 : vector<1x16xf32> to vector<16xf32>
      %swap3A_680 = vector.shape_cast %get3A_675 : vector<16xf32> to vector<1x16xf32>
      tpu.vector_store %arg11[%swap3A_676, %swap3A_677], %swap3A_680 {add = true, strides = array<i32>} : memref<40x128xf32, #tpu.memory_space<vmem>>, vector<1x16xf32>,
      %get3A_681 = arith.index_cast %scan3A_646 : i32 to index
      %get3A_682 = arith.constant 64 : index
      %get3A_683 = tpu.vector_load %arg16[%get3A_681, %get3A_682] {strides = array<i32>} : memref<40x128xf32, #tpu.memory_space<vmem>>, vector<1x16xf32>,
      %get3A_684 = vector.shape_cast %get3A_683 : vector<1x16xf32> to vector<16xf32>
      %swap3A_685 = arith.index_cast %scan3A_646 : i32 to index
      %swap3A_686 = arith.constant 64 : index
      %swap3A_687 = tpu.vector_load %arg11[%swap3A_685, %swap3A_686] {strides = array<i32>} : memref<40x128xf32, #tpu.memory_space<vmem>>, vector<1x16xf32>,
      %swap3A_688 = vector.shape_cast %swap3A_687 : vector<1x16xf32> to vector<16xf32>
      %swap3A_689 = vector.shape_cast %get3A_684 : vector<16xf32> to vector<1x16xf32>
      tpu.vector_store %arg11[%swap3A_685, %swap3A_686], %swap3A_689 {add = true, strides = array<i32>} : memref<40x128xf32, #tpu.memory_space<vmem>>, vector<1x16xf32>,
      %get3A_690 = arith.index_cast %scan3A_646 : i32 to index
      %get3A_691 = arith.constant 80 : index
      %get3A_692 = tpu.vector_load %arg16[%get3A_690, %get3A_691] {strides = array<i32>} : memref<40x128xf32, #tpu.memory_space<vmem>>, vector<1x16xf32>,
      %get3A_693 = vector.shape_cast %get3A_692 : vector<1x16xf32> to vector<16xf32>
      %swap3A_694 = arith.index_cast %scan3A_646 : i32 to index
      %swap3A_695 = arith.constant 80 : index
      %swap3A_696 = tpu.vector_load %arg11[%swap3A_694, %swap3A_695] {strides = array<i32>} : memref<40x128xf32, #tpu.memory_space<vmem>>, vector<1x16xf32>,
      %swap3A_697 = vector.shape_cast %swap3A_696 : vector<1x16xf32> to vector<16xf32>
      %swap3A_698 = vector.shape_cast %get3A_693 : vector<16xf32> to vector<1x16xf32>
      tpu.vector_store %arg11[%swap3A_694, %swap3A_695], %swap3A_698 {add = true, strides = array<i32>} : memref<40x128xf32, #tpu.memory_space<vmem>>, vector<1x16xf32>,
      %get3A_699 = arith.index_cast %scan3A_646 : i32 to index
      %get3A_700 = arith.constant 96 : index
      %get3A_701 = tpu.vector_load %arg16[%get3A_699, %get3A_700] {strides = array<i32>} : memref<40x128xf32, #tpu.memory_space<vmem>>, vector<1x16xf32>,
      %get3A_702 = vector.shape_cast %get3A_701 : vector<1x16xf32> to vector<16xf32>
      %swap3A_703 = arith.index_cast %scan3A_646 : i32 to index
      %swap3A_704 = arith.constant 96 : index
      %swap3A_705 = tpu.vector_load %arg11[%swap3A_703, %swap3A_704] {strides = array<i32>} : memref<40x128xf32, #tpu.memory_space<vmem>>, vector<1x16xf32>,
      %swap3A_706 = vector.shape_cast %swap3A_705 : vector<1x16xf32> to vector<16xf32>
      %swap3A_707 = vector.shape_cast %get3A_702 : vector<16xf32> to vector<1x16xf32>
      tpu.vector_store %arg11[%swap3A_703, %swap3A_704], %swap3A_707 {add = true, strides = array<i32>} : memref<40x128xf32, #tpu.memory_space<vmem>>, vector<1x16xf32>,
      %get3A_708 = arith.index_cast %scan3A_646 : i32 to index
      %get3A_709 = arith.constant 112 : index
      %get3A_710 = tpu.vector_load %arg16[%get3A_708, %get3A_709] {strides = array<i32>} : memref<40x128xf32, #tpu.memory_space<vmem>>, vector<1x16xf32>,
      %get3A_711 = vector.shape_cast %get3A_710 : vector<1x16xf32> to vector<16xf32>
      %swap3A_712 = arith.index_cast %scan3A_646 : i32 to index
      %swap3A_713 = arith.constant 112 : index
      %swap3A_714 = tpu.vector_load %arg11[%swap3A_712, %swap3A_713] {strides = array<i32>} : memref<40x128xf32, #tpu.memory_space<vmem>>, vector<1x16xf32>,
      %swap3A_715 = vector.shape_cast %swap3A_714 : vector<1x16xf32> to vector<16xf32>
      %swap3A_716 = vector.shape_cast %get3A_711 : vector<16xf32> to vector<1x16xf32>
      tpu.vector_store %arg11[%swap3A_712, %swap3A_713], %swap3A_716 {add = true, strides = array<i32>} : memref<40x128xf32, #tpu.memory_space<vmem>>, vector<1x16xf32>,
      %scan3A_717 = arith.constant 1 : i32
      %scan3A_718 = arith.addi %scan3A_646, %scan3A_717 : i32
      %get3A_719 = arith.index_cast %scan3A_718 : i32 to index
      %get3A_720 = arith.constant 0 : index
      %get3A_721 = tpu.vector_load %arg16[%get3A_719, %get3A_720] {strides = array<i32>} : memref<40x128xf32, #tpu.memory_space<vmem>>, vector<1x16xf32>,
      %get3A_722 = vector.shape_cast %get3A_721 : vector<1x16xf32> to vector<16xf32>
      %swap3A_723 = arith.index_cast %scan3A_718 : i32 to index
      %swap3A_724 = arith.constant 0 : index
      %swap3A_725 = tpu.vector_load %arg11[%swap3A_723, %swap3A_724] {strides = array<i32>} : memref<40x128xf32, #tpu.memory_space<vmem>>, vector<1x16xf32>,
      %swap3A_726 = vector.shape_cast %swap3A_725 : vector<1x16xf32> to vector<16xf32>
      %swap3A_727 = vector.shape_cast %get3A_722 : vector<16xf32> to vector<1x16xf32>
      tpu.vector_store %arg11[%swap3A_723, %swap3A_724], %swap3A_727 {add = true, strides = array<i32>} : memref<40x128xf32, #tpu.memory_space<vmem>>, vector<1x16xf32>,
      %get3A_728 = arith.index_cast %scan3A_718 : i32 to index
      %get3A_729 = arith.constant 16 : index
      %get3A_730 = tpu.vector_load %arg16[%get3A_728, %get3A_729] {strides = array<i32>} : memref<40x128xf32, #tpu.memory_space<vmem>>, vector<1x16xf32>,
      %get3A_731 = vector.shape_cast %get3A_730 : vector<1x16xf32> to vector<16xf32>
      %swap3A_732 = arith.index_cast %scan3A_718 : i32 to index
      %swap3A_733 = arith.constant 16 : index
      %swap3A_734 = tpu.vector_load %arg11[%swap3A_732, %swap3A_733] {strides = array<i32>} : memref<40x128xf32, #tpu.memory_space<vmem>>, vector<1x16xf32>,
      %swap3A_735 = vector.shape_cast %swap3A_734 : vector<1x16xf32> to vector<16xf32>
      %swap3A_736 = vector.shape_cast %get3A_731 : vector<16xf32> to vector<1x16xf32>
      tpu.vector_store %arg11[%swap3A_732, %swap3A_733], %swap3A_736 {add = true, strides = array<i32>} : memref<40x128xf32, #tpu.memory_space<vmem>>, vector<1x16xf32>,
      %get3A_737 = arith.index_cast %scan3A_718 : i32 to index
      %get3A_738 = arith.constant 32 : index
      %get3A_739 = tpu.vector_load %arg16[%get3A_737, %get3A_738] {strides = array<i32>} : memref<40x128xf32, #tpu.memory_space<vmem>>, vector<1x16xf32>,
      %get3A_740 = vector.shape_cast %get3A_739 : vector<1x16xf32> to vector<16xf32>
      %swap3A_741 = arith.index_cast %scan3A_718 : i32 to index
      %swap3A_742 = arith.constant 32 : index
      %swap3A_743 = tpu.vector_load %arg11[%swap3A_741, %swap3A_742] {strides = array<i32>} : memref<40x128xf32, #tpu.memory_space<vmem>>, vector<1x16xf32>,
      %swap3A_744 = vector.shape_cast %swap3A_743 : vector<1x16xf32> to vector<16xf32>
      %swap3A_745 = vector.shape_cast %get3A_740 : vector<16xf32> to vector<1x16xf32>
      tpu.vector_store %arg11[%swap3A_741, %swap3A_742], %swap3A_745 {add = true, strides = array<i32>} : memref<40x128xf32, #tpu.memory_space<vmem>>, vector<1x16xf32>,
      %get3A_746 = arith.index_cast %scan3A_718 : i32 to index
      %get3A_747 = arith.constant 48 : index
      %get3A_748 = tpu.vector_load %arg16[%get3A_746, %get3A_747] {strides = array<i32>} : memref<40x128xf32, #tpu.memory_space<vmem>>, vector<1x16xf32>,
      %get3A_749 = vector.shape_cast %get3A_748 : vector<1x16xf32> to vector<16xf32>
      %swap3A_750 = arith.index_cast %scan3A_718 : i32 to index
      %swap3A_751 = arith.constant 48 : index
      %swap3A_752 = tpu.vector_load %arg11[%swap3A_750, %swap3A_751] {strides = array<i32>} : memref<40x128xf32, #tpu.memory_space<vmem>>, vector<1x16xf32>,
      %swap3A_753 = vector.shape_cast %swap3A_752 : vector<1x16xf32> to vector<16xf32>
      %swap3A_754 = vector.shape_cast %get3A_749 : vector<16xf32> to vector<1x16xf32>
      tpu.vector_store %arg11[%swap3A_750, %swap3A_751], %swap3A_754 {add = true, strides = array<i32>} : memref<40x128xf32, #tpu.memory_space<vmem>>, vector<1x16xf32>,
      %get3A_755 = arith.index_cast %scan3A_718 : i32 to index
      %get3A_756 = arith.constant 64 : index
      %get3A_757 = tpu.vector_load %arg16[%get3A_755, %get3A_756] {strides = array<i32>} : memref<40x128xf32, #tpu.memory_space<vmem>>, vector<1x16xf32>,
      %get3A_758 = vector.shape_cast %get3A_757 : vector<1x16xf32> to vector<16xf32>
      %swap3A_759 = arith.index_cast %scan3A_718 : i32 to index
      %swap3A_760 = arith.constant 64 : index
      %swap3A_761 = tpu.vector_load %arg11[%swap3A_759, %swap3A_760] {strides = array<i32>} : memref<40x128xf32, #tpu.memory_space<vmem>>, vector<1x16xf32>,
      %swap3A_762 = vector.shape_cast %swap3A_761 : vector<1x16xf32> to vector<16xf32>
      %swap3A_763 = vector.shape_cast %get3A_758 : vector<16xf32> to vector<1x16xf32>
      tpu.vector_store %arg11[%swap3A_759, %swap3A_760], %swap3A_763 {add = true, strides = array<i32>} : memref<40x128xf32, #tpu.memory_space<vmem>>, vector<1x16xf32>,
      %get3A_764 = arith.index_cast %scan3A_718 : i32 to index
      %get3A_765 = arith.constant 80 : index
      %get3A_766 = tpu.vector_load %arg16[%get3A_764, %get3A_765] {strides = array<i32>} : memref<40x128xf32, #tpu.memory_space<vmem>>, vector<1x16xf32>,
      %get3A_767 = vector.shape_cast %get3A_766 : vector<1x16xf32> to vector<16xf32>
      %swap3A_768 = arith.index_cast %scan3A_718 : i32 to index
      %swap3A_769 = arith.constant 80 : index
      %swap3A_770 = tpu.vector_load %arg11[%swap3A_768, %swap3A_769] {strides = array<i32>} : memref<40x128xf32, #tpu.memory_space<vmem>>, vector<1x16xf32>,
      %swap3A_771 = vector.shape_cast %swap3A_770 : vector<1x16xf32> to vector<16xf32>
      %swap3A_772 = vector.shape_cast %get3A_767 : vector<16xf32> to vector<1x16xf32>
      tpu.vector_store %arg11[%swap3A_768, %swap3A_769], %swap3A_772 {add = true, strides = array<i32>} : memref<40x128xf32, #tpu.memory_space<vmem>>, vector<1x16xf32>,
      %get3A_773 = arith.index_cast %scan3A_718 : i32 to index
      %get3A_774 = arith.constant 96 : index
      %get3A_775 = tpu.vector_load %arg16[%get3A_773, %get3A_774] {strides = array<i32>} : memref<40x128xf32, #tpu.memory_space<vmem>>, vector<1x16xf32>,
      %get3A_776 = vector.shape_cast %get3A_775 : vector<1x16xf32> to vector<16xf32>
      %swap3A_777 = arith.index_cast %scan3A_718 : i32 to index
      %swap3A_778 = arith.constant 96 : index
      %swap3A_779 = tpu.vector_load %arg11[%swap3A_777, %swap3A_778] {strides = array<i32>} : memref<40x128xf32, #tpu.memory_space<vmem>>, vector<1x16xf32>,
      %swap3A_780 = vector.shape_cast %swap3A_779 : vector<1x16xf32> to vector<16xf32>
      %swap3A_781 = vector.shape_cast %get3A_776 : vector<16xf32> to vector<1x16xf32>
      tpu.vector_store %arg11[%swap3A_777, %swap3A_778], %swap3A_781 {add = true, strides = array<i32>} : memref<40x128xf32, #tpu.memory_space<vmem>>, vector<1x16xf32>,
      %get3A_782 = arith.index_cast %scan3A_718 : i32 to index
      %get3A_783 = arith.constant 112 : index
      %get3A_784 = tpu.vector_load %arg16[%get3A_782, %get3A_783] {strides = array<i32>} : memref<40x128xf32, #tpu.memory_space<vmem>>, vector<1x16xf32>,
      %get3A_785 = vector.shape_cast %get3A_784 : vector<1x16xf32> to vector<16xf32>
      %swap3A_786 = arith.index_cast %scan3A_718 : i32 to index
      %swap3A_787 = arith.constant 112 : index
      %swap3A_788 = tpu.vector_load %arg11[%swap3A_786, %swap3A_787] {strides = array<i32>} : memref<40x128xf32, #tpu.memory_space<vmem>>, vector<1x16xf32>,
      %swap3A_789 = vector.shape_cast %swap3A_788 : vector<1x16xf32> to vector<16xf32>
      %swap3A_790 = vector.shape_cast %get3A_785 : vector<16xf32> to vector<1x16xf32>
      tpu.vector_store %arg11[%swap3A_786, %swap3A_787], %swap3A_790 {add = true, strides = array<i32>} : memref<40x128xf32, #tpu.memory_space<vmem>>, vector<1x16xf32>,
    }
    %scan3A_115 = arith.constant 40 : i32
    %dma_wait3A_116 = arith.constant 0 : i32
    %dma_wait3A_117 = arith.constant 0 : i32
    %dma_wait3A_118 = arith.constant 0 : i32
    %dma_wait3A_119 = tpu.memref_slice %arg6[%arg1, %dma_wait3A_116, %dma_wait3A_117, %dma_wait3A_118] : memref<16x5x40x128xf32, #tpu.memory_space<vmem_shared>> -> memref<1x1x40x128xf32, #tpu.memory_space<vmem_shared>>
    %dma_wait3A_120 = tpu.memref_squeeze %dma_wait3A_119 : memref<1x1x40x128xf32, #tpu.memory_space<vmem_shared>> -> memref<40x128xf32, #tpu.memory_space<vmem_shared>>
    %dma_wait3A_121 = arith.constant 0 : i32
    %dma_wait3A_122 = arith.constant 0 : i32
    %dma_wait3A_123 = tpu.memref_slice %arg6[%arg1, %dma_wait3A_116, %dma_wait3A_121, %dma_wait3A_122] : memref<16x5x40x128xf32, #tpu.memory_space<vmem_shared>> -> memref<1x1x40x128xf32, #tpu.memory_space<vmem_shared>>
    %dma_wait3A_124 = tpu.memref_squeeze %dma_wait3A_123 : memref<1x1x40x128xf32, #tpu.memory_space<vmem_shared>> -> memref<40x128xf32, #tpu.memory_space<vmem_shared>>
    tpu.wait_dma2 semaphore(%arg29 : memref<!tpu.dma_semaphore, #tpu.memory_space<semaphore_mem>>) src(%arg9 : memref<40x128xf32, #tpu.memory_space<vmem>>) dst(%dma_wait3A_124 : memref<40x128xf32, #tpu.memory_space<vmem_shared>>)
    %add3A_125 = arith.constant 0 : i32
    %add3A_126 = arith.addi %multiple_of3A, %add3A_125 : i32
    %multiple_of3A_127 = tpu.assume_multiple %add3A_126, 8 : i32
    %dma_start3A_128 = arith.constant 0 : i32
    %dma_start3A_129 = arith.constant 0 : i32
    %dma_start3A_130 = tpu.memref_slice %arg5[%multiple_of3A_127, %dma_start3A_129] : memref<320000x128xf32, #tpu.memory_space<hbm>> -> memref<40x128xf32, #tpu.memory_space<hbm>>
    %dma_start3A_131 = arith.constant 0 : i32
    %dma_start3A_132 = arith.constant 0 : i32
    %dma_start3A_133 = tpu.memref_slice %arg6[%arg1, %dma_start3A_128, %dma_start3A_131, %dma_start3A_132] : memref<16x5x40x128xf32, #tpu.memory_space<vmem_shared>> -> memref<1x1x40x128xf32, #tpu.memory_space<vmem_shared>>
    %dma_start3A_134 = tpu.memref_squeeze %dma_start3A_133 : memref<1x1x40x128xf32, #tpu.memory_space<vmem_shared>> -> memref<40x128xf32, #tpu.memory_space<vmem_shared>>
    tpu.enqueue_dma source(%dma_start3A_134 : memref<40x128xf32, #tpu.memory_space<vmem_shared>>) target(%dma_start3A_130 : memref<40x128xf32, #tpu.memory_space<hbm>>) target_semaphore(%arg34 : memref<!tpu.dma_semaphore, #tpu.memory_space<semaphore_mem>>)
    %multiple_of3A_135 = arith.constant 200 : i32
    %multiple_of3A_136 = tpu.assume_multiple %multiple_of3A_135, 8 : i32
    %dma_start3A_137 = tpu.memref_slice %arg7[%multiple_of3A_136] : memref<10000xi32, #tpu.memory_space<vmem>> -> memref<40xi32, #tpu.memory_space<vmem>>
    %dma_start3A_138 = arith.constant 0 : i32
    %dma_start3A_139 = arith.constant 0 : i32
    %dma_start3A_140 = tpu.memref_slice %arg2[%dma_start3A_138, %dma_start3A_139] : memref<10000x128xf32, #tpu.memory_space<hbm>> -> memref<10000x128xf32, #tpu.memory_space<hbm>>
    tpu.enqueue_indirect_dma source(%dma_start3A_140 : memref<10000x128xf32, #tpu.memory_space<hbm>>) target(%arg9 : memref<40x128xf32, #tpu.memory_space<vmem>>) offsets(%dma_start3A_137 : memref<40xi32, #tpu.memory_space<vmem>>) semaphore(%arg19 : memref<!tpu.dma_semaphore, #tpu.memory_space<semaphore_mem>>)
    %dma_start3A_141 = tpu.memref_slice %arg8[%multiple_of3A_136] : memref<10000xi32, #tpu.memory_space<vmem>> -> memref<40xi32, #tpu.memory_space<vmem>>
    %dma_start3A_142 = arith.constant 0 : i32
    %dma_start3A_143 = arith.constant 0 : i32
    %dma_start3A_144 = tpu.memref_slice %arg2[%dma_start3A_142, %dma_start3A_143] : memref<10000x128xf32, #tpu.memory_space<hbm>> -> memref<10000x128xf32, #tpu.memory_space<hbm>>
    tpu.enqueue_indirect_dma source(%dma_start3A_144 : memref<10000x128xf32, #tpu.memory_space<hbm>>) target(%arg14 : memref<40x128xf32, #tpu.memory_space<vmem>>) offsets(%dma_start3A_141 : memref<40xi32, #tpu.memory_space<vmem>>) semaphore(%arg24 : memref<!tpu.dma_semaphore, #tpu.memory_space<semaphore_mem>>)
    %dma_start3A_145 = arith.constant 2 : i32
    %dma_start3A_146 = arith.constant 0 : i32
    %dma_start3A_147 = arith.constant 0 : i32
    %dma_start3A_148 = tpu.memref_slice %arg6[%arg1, %dma_start3A_145, %dma_start3A_146, %dma_start3A_147] : memref<16x5x40x128xf32, #tpu.memory_space<vmem_shared>> -> memref<1x1x40x128xf32, #tpu.memory_space<vmem_shared>>
    %dma_start3A_149 = tpu.memref_squeeze %dma_start3A_148 : memref<1x1x40x128xf32, #tpu.memory_space<vmem_shared>> -> memref<40x128xf32, #tpu.memory_space<vmem_shared>>
    %dma_start3A_150 = arith.constant 0 : i32
    %dma_start3A_151 = arith.constant 0 : i32
    %dma_start3A_152 = tpu.memref_slice %arg6[%arg1, %dma_start3A_145, %dma_start3A_150, %dma_start3A_151] : memref<16x5x40x128xf32, #tpu.memory_space<vmem_shared>> -> memref<1x1x40x128xf32, #tpu.memory_space<vmem_shared>>
    %dma_start3A_153 = tpu.memref_squeeze %dma_start3A_152 : memref<1x1x40x128xf32, #tpu.memory_space<vmem_shared>> -> memref<40x128xf32, #tpu.memory_space<vmem_shared>>
    tpu.enqueue_dma source(%arg11 : memref<40x128xf32, #tpu.memory_space<vmem>>) target(%dma_start3A_153 : memref<40x128xf32, #tpu.memory_space<vmem_shared>>) target_semaphore(%arg31 : memref<!tpu.dma_semaphore, #tpu.memory_space<semaphore_mem>>)
    %multiple_of3A_154 = arith.constant 120 : i32
    %multiple_of3A_155 = tpu.assume_multiple %multiple_of3A_154, 8 : i32
    %dma_wait3A_156 = tpu.memref_slice %arg7[%multiple_of3A_155] : memref<10000xi32, #tpu.memory_space<vmem>> -> memref<40xi32, #tpu.memory_space<vmem>>
    %dma_wait3A_157 = arith.constant 0 : i32
    %dma_wait3A_158 = arith.constant 0 : i32
    %dma_wait3A_159 = tpu.memref_slice %arg2[%dma_wait3A_157, %dma_wait3A_158] : memref<10000x128xf32, #tpu.memory_space<hbm>> -> memref<10000x128xf32, #tpu.memory_space<hbm>>
    tpu.wait_indirect_dma semaphore(%arg22 : memref<!tpu.dma_semaphore, #tpu.memory_space<semaphore_mem>>) src(%dma_wait3A_159 : memref<10000x128xf32, #tpu.memory_space<hbm>>) dst(%arg12 : memref<40x128xf32, #tpu.memory_space<vmem>>)
    %dma_wait3A_160 = tpu.memref_slice %arg8[%multiple_of3A_155] : memref<10000xi32, #tpu.memory_space<vmem>> -> memref<40xi32, #tpu.memory_space<vmem>>
    %dma_wait3A_161 = arith.constant 0 : i32
    %dma_wait3A_162 = arith.constant 0 : i32
    %dma_wait3A_163 = tpu.memref_slice %arg2[%dma_wait3A_161, %dma_wait3A_162] : memref<10000x128xf32, #tpu.memory_space<hbm>> -> memref<10000x128xf32, #tpu.memory_space<hbm>>
    tpu.wait_indirect_dma semaphore(%arg27 : memref<!tpu.dma_semaphore, #tpu.memory_space<semaphore_mem>>) src(%dma_wait3A_163 : memref<10000x128xf32, #tpu.memory_space<hbm>>) dst(%arg17 : memref<40x128xf32, #tpu.memory_space<vmem>>)
    %scan3A_164 = arith.constant 0 : i32
    %scan3A_165 = arith.constant 0 : i32
    %scan3A_166 = arith.constant 40 : i32
    %scan3A_167 = arith.addi %scan3A_165, %scan3A_166 : i32
    %scan3A_168 = arith.constant 2 : i32
    scf.for %scan3A_646 = %scan3A_165 to %scan3A_167 step %scan3A_168  : i32 {
      %get3A = arith.index_cast %scan3A_646 : i32 to index
      %get3A_647 = arith.constant 0 : index
      %get3A_648 = tpu.vector_load %arg17[%get3A, %get3A_647] {strides = array<i32>} : memref<40x128xf32, #tpu.memory_space<vmem>>, vector<1x16xf32>,
      %get3A_649 = vector.shape_cast %get3A_648 : vector<1x16xf32> to vector<16xf32>
      %swap3A = arith.index_cast %scan3A_646 : i32 to index
      %swap3A_650 = arith.constant 0 : index
      %swap3A_651 = tpu.vector_load %arg12[%swap3A, %swap3A_650] {strides = array<i32>} : memref<40x128xf32, #tpu.memory_space<vmem>>, vector<1x16xf32>,
      %swap3A_652 = vector.shape_cast %swap3A_651 : vector<1x16xf32> to vector<16xf32>
      %swap3A_653 = vector.shape_cast %get3A_649 : vector<16xf32> to vector<1x16xf32>
      tpu.vector_store %arg12[%swap3A, %swap3A_650], %swap3A_653 {add = true, strides = array<i32>} : memref<40x128xf32, #tpu.memory_space<vmem>>, vector<1x16xf32>,
      %get3A_654 = arith.index_cast %scan3A_646 : i32 to index
      %get3A_655 = arith.constant 16 : index
      %get3A_656 = tpu.vector_load %arg17[%get3A_654, %get3A_655] {strides = array<i32>} : memref<40x128xf32, #tpu.memory_space<vmem>>, vector<1x16xf32>,
      %get3A_657 = vector.shape_cast %get3A_656 : vector<1x16xf32> to vector<16xf32>
      %swap3A_658 = arith.index_cast %scan3A_646 : i32 to index
      %swap3A_659 = arith.constant 16 : index
      %swap3A_660 = tpu.vector_load %arg12[%swap3A_658, %swap3A_659] {strides = array<i32>} : memref<40x128xf32, #tpu.memory_space<vmem>>, vector<1x16xf32>,
      %swap3A_661 = vector.shape_cast %swap3A_660 : vector<1x16xf32> to vector<16xf32>
      %swap3A_662 = vector.shape_cast %get3A_657 : vector<16xf32> to vector<1x16xf32>
      tpu.vector_store %arg12[%swap3A_658, %swap3A_659], %swap3A_662 {add = true, strides = array<i32>} : memref<40x128xf32, #tpu.memory_space<vmem>>, vector<1x16xf32>,
      %get3A_663 = arith.index_cast %scan3A_646 : i32 to index
      %get3A_664 = arith.constant 32 : index
      %get3A_665 = tpu.vector_load %arg17[%get3A_663, %get3A_664] {strides = array<i32>} : memref<40x128xf32, #tpu.memory_space<vmem>>, vector<1x16xf32>,
      %get3A_666 = vector.shape_cast %get3A_665 : vector<1x16xf32> to vector<16xf32>
      %swap3A_667 = arith.index_cast %scan3A_646 : i32 to index
      %swap3A_668 = arith.constant 32 : index
      %swap3A_669 = tpu.vector_load %arg12[%swap3A_667, %swap3A_668] {strides = array<i32>} : memref<40x128xf32, #tpu.memory_space<vmem>>, vector<1x16xf32>,
      %swap3A_670 = vector.shape_cast %swap3A_669 : vector<1x16xf32> to vector<16xf32>
      %swap3A_671 = vector.shape_cast %get3A_666 : vector<16xf32> to vector<1x16xf32>
      tpu.vector_store %arg12[%swap3A_667, %swap3A_668], %swap3A_671 {add = true, strides = array<i32>} : memref<40x128xf32, #tpu.memory_space<vmem>>, vector<1x16xf32>,
      %get3A_672 = arith.index_cast %scan3A_646 : i32 to index
      %get3A_673 = arith.constant 48 : index
      %get3A_674 = tpu.vector_load %arg17[%get3A_672, %get3A_673] {strides = array<i32>} : memref<40x128xf32, #tpu.memory_space<vmem>>, vector<1x16xf32>,
      %get3A_675 = vector.shape_cast %get3A_674 : vector<1x16xf32> to vector<16xf32>
      %swap3A_676 = arith.index_cast %scan3A_646 : i32 to index
      %swap3A_677 = arith.constant 48 : index
      %swap3A_678 = tpu.vector_load %arg12[%swap3A_676, %swap3A_677] {strides = array<i32>} : memref<40x128xf32, #tpu.memory_space<vmem>>, vector<1x16xf32>,
      %swap3A_679 = vector.shape_cast %swap3A_678 : vector<1x16xf32> to vector<16xf32>
      %swap3A_680 = vector.shape_cast %get3A_675 : vector<16xf32> to vector<1x16xf32>
      tpu.vector_store %arg12[%swap3A_676, %swap3A_677], %swap3A_680 {add = true, strides = array<i32>} : memref<40x128xf32, #tpu.memory_space<vmem>>, vector<1x16xf32>,
      %get3A_681 = arith.index_cast %scan3A_646 : i32 to index
      %get3A_682 = arith.constant 64 : index
      %get3A_683 = tpu.vector_load %arg17[%get3A_681, %get3A_682] {strides = array<i32>} : memref<40x128xf32, #tpu.memory_space<vmem>>, vector<1x16xf32>,
      %get3A_684 = vector.shape_cast %get3A_683 : vector<1x16xf32> to vector<16xf32>
      %swap3A_685 = arith.index_cast %scan3A_646 : i32 to index
      %swap3A_686 = arith.constant 64 : index
      %swap3A_687 = tpu.vector_load %arg12[%swap3A_685, %swap3A_686] {strides = array<i32>} : memref<40x128xf32, #tpu.memory_space<vmem>>, vector<1x16xf32>,
      %swap3A_688 = vector.shape_cast %swap3A_687 : vector<1x16xf32> to vector<16xf32>
      %swap3A_689 = vector.shape_cast %get3A_684 : vector<16xf32> to vector<1x16xf32>
      tpu.vector_store %arg12[%swap3A_685, %swap3A_686], %swap3A_689 {add = true, strides = array<i32>} : memref<40x128xf32, #tpu.memory_space<vmem>>, vector<1x16xf32>,
      %get3A_690 = arith.index_cast %scan3A_646 : i32 to index
      %get3A_691 = arith.constant 80 : index
      %get3A_692 = tpu.vector_load %arg17[%get3A_690, %get3A_691] {strides = array<i32>} : memref<40x128xf32, #tpu.memory_space<vmem>>, vector<1x16xf32>,
      %get3A_693 = vector.shape_cast %get3A_692 : vector<1x16xf32> to vector<16xf32>
      %swap3A_694 = arith.index_cast %scan3A_646 : i32 to index
      %swap3A_695 = arith.constant 80 : index
      %swap3A_696 = tpu.vector_load %arg12[%swap3A_694, %swap3A_695] {strides = array<i32>} : memref<40x128xf32, #tpu.memory_space<vmem>>, vector<1x16xf32>,
      %swap3A_697 = vector.shape_cast %swap3A_696 : vector<1x16xf32> to vector<16xf32>
      %swap3A_698 = vector.shape_cast %get3A_693 : vector<16xf32> to vector<1x16xf32>
      tpu.vector_store %arg12[%swap3A_694, %swap3A_695], %swap3A_698 {add = true, strides = array<i32>} : memref<40x128xf32, #tpu.memory_space<vmem>>, vector<1x16xf32>,
      %get3A_699 = arith.index_cast %scan3A_646 : i32 to index
      %get3A_700 = arith.constant 96 : index
      %get3A_701 = tpu.vector_load %arg17[%get3A_699, %get3A_700] {strides = array<i32>} : memref<40x128xf32, #tpu.memory_space<vmem>>, vector<1x16xf32>,
      %get3A_702 = vector.shape_cast %get3A_701 : vector<1x16xf32> to vector<16xf32>
      %swap3A_703 = arith.index_cast %scan3A_646 : i32 to index
      %swap3A_704 = arith.constant 96 : index
      %swap3A_705 = tpu.vector_load %arg12[%swap3A_703, %swap3A_704] {strides = array<i32>} : memref<40x128xf32, #tpu.memory_space<vmem>>, vector<1x16xf32>,
      %swap3A_706 = vector.shape_cast %swap3A_705 : vector<1x16xf32> to vector<16xf32>
      %swap3A_707 = vector.shape_cast %get3A_702 : vector<16xf32> to vector<1x16xf32>
      tpu.vector_store %arg12[%swap3A_703, %swap3A_704], %swap3A_707 {add = true, strides = array<i32>} : memref<40x128xf32, #tpu.memory_space<vmem>>, vector<1x16xf32>,
      %get3A_708 = arith.index_cast %scan3A_646 : i32 to index
      %get3A_709 = arith.constant 112 : index
      %get3A_710 = tpu.vector_load %arg17[%get3A_708, %get3A_709] {strides = array<i32>} : memref<40x128xf32, #tpu.memory_space<vmem>>, vector<1x16xf32>,
      %get3A_711 = vector.shape_cast %get3A_710 : vector<1x16xf32> to vector<16xf32>
      %swap3A_712 = arith.index_cast %scan3A_646 : i32 to index
      %swap3A_713 = arith.constant 112 : index
      %swap3A_714 = tpu.vector_load %arg12[%swap3A_712, %swap3A_713] {strides = array<i32>} : memref<40x128xf32, #tpu.memory_space<vmem>>, vector<1x16xf32>,
      %swap3A_715 = vector.shape_cast %swap3A_714 : vector<1x16xf32> to vector<16xf32>
      %swap3A_716 = vector.shape_cast %get3A_711 : vector<16xf32> to vector<1x16xf32>
      tpu.vector_store %arg12[%swap3A_712, %swap3A_713], %swap3A_716 {add = true, strides = array<i32>} : memref<40x128xf32, #tpu.memory_space<vmem>>, vector<1x16xf32>,
      %scan3A_717 = arith.constant 1 : i32
      %scan3A_718 = arith.addi %scan3A_646, %scan3A_717 : i32
      %get3A_719 = arith.index_cast %scan3A_718 : i32 to index
      %get3A_720 = arith.constant 0 : index
      %get3A_721 = tpu.vector_load %arg17[%get3A_719, %get3A_720] {strides = array<i32>} : memref<40x128xf32, #tpu.memory_space<vmem>>, vector<1x16xf32>,
      %get3A_722 = vector.shape_cast %get3A_721 : vector<1x16xf32> to vector<16xf32>
      %swap3A_723 = arith.index_cast %scan3A_718 : i32 to index
      %swap3A_724 = arith.constant 0 : index
      %swap3A_725 = tpu.vector_load %arg12[%swap3A_723, %swap3A_724] {strides = array<i32>} : memref<40x128xf32, #tpu.memory_space<vmem>>, vector<1x16xf32>,
      %swap3A_726 = vector.shape_cast %swap3A_725 : vector<1x16xf32> to vector<16xf32>
      %swap3A_727 = vector.shape_cast %get3A_722 : vector<16xf32> to vector<1x16xf32>
      tpu.vector_store %arg12[%swap3A_723, %swap3A_724], %swap3A_727 {add = true, strides = array<i32>} : memref<40x128xf32, #tpu.memory_space<vmem>>, vector<1x16xf32>,
      %get3A_728 = arith.index_cast %scan3A_718 : i32 to index
      %get3A_729 = arith.constant 16 : index
      %get3A_730 = tpu.vector_load %arg17[%get3A_728, %get3A_729] {strides = array<i32>} : memref<40x128xf32, #tpu.memory_space<vmem>>, vector<1x16xf32>,
      %get3A_731 = vector.shape_cast %get3A_730 : vector<1x16xf32> to vector<16xf32>
      %swap3A_732 = arith.index_cast %scan3A_718 : i32 to index
      %swap3A_733 = arith.constant 16 : index
      %swap3A_734 = tpu.vector_load %arg12[%swap3A_732, %swap3A_733] {strides = array<i32>} : memref<40x128xf32, #tpu.memory_space<vmem>>, vector<1x16xf32>,
      %swap3A_735 = vector.shape_cast %swap3A_734 : vector<1x16xf32> to vector<16xf32>
      %swap3A_736 = vector.shape_cast %get3A_731 : vector<16xf32> to vector<1x16xf32>
      tpu.vector_store %arg12[%swap3A_732, %swap3A_733], %swap3A_736 {add = true, strides = array<i32>} : memref<40x128xf32, #tpu.memory_space<vmem>>, vector<1x16xf32>,
      %get3A_737 = arith.index_cast %scan3A_718 : i32 to index
      %get3A_738 = arith.constant 32 : index
      %get3A_739 = tpu.vector_load %arg17[%get3A_737, %get3A_738] {strides = array<i32>} : memref<40x128xf32, #tpu.memory_space<vmem>>, vector<1x16xf32>,
      %get3A_740 = vector.shape_cast %get3A_739 : vector<1x16xf32> to vector<16xf32>
      %swap3A_741 = arith.index_cast %scan3A_718 : i32 to index
      %swap3A_742 = arith.constant 32 : index
      %swap3A_743 = tpu.vector_load %arg12[%swap3A_741, %swap3A_742] {strides = array<i32>} : memref<40x128xf32, #tpu.memory_space<vmem>>, vector<1x16xf32>,
      %swap3A_744 = vector.shape_cast %swap3A_743 : vector<1x16xf32> to vector<16xf32>
      %swap3A_745 = vector.shape_cast %get3A_740 : vector<16xf32> to vector<1x16xf32>
      tpu.vector_store %arg12[%swap3A_741, %swap3A_742], %swap3A_745 {add = true, strides = array<i32>} : memref<40x128xf32, #tpu.memory_space<vmem>>, vector<1x16xf32>,
      %get3A_746 = arith.index_cast %scan3A_718 : i32 to index
      %get3A_747 = arith.constant 48 : index
      %get3A_748 = tpu.vector_load %arg17[%get3A_746, %get3A_747] {strides = array<i32>} : memref<40x128xf32, #tpu.memory_space<vmem>>, vector<1x16xf32>,
      %get3A_749 = vector.shape_cast %get3A_748 : vector<1x16xf32> to vector<16xf32>
      %swap3A_750 = arith.index_cast %scan3A_718 : i32 to index
      %swap3A_751 = arith.constant 48 : index
      %swap3A_752 = tpu.vector_load %arg12[%swap3A_750, %swap3A_751] {strides = array<i32>} : memref<40x128xf32, #tpu.memory_space<vmem>>, vector<1x16xf32>,
      %swap3A_753 = vector.shape_cast %swap3A_752 : vector<1x16xf32> to vector<16xf32>
      %swap3A_754 = vector.shape_cast %get3A_749 : vector<16xf32> to vector<1x16xf32>
      tpu.vector_store %arg12[%swap3A_750, %swap3A_751], %swap3A_754 {add = true, strides = array<i32>} : memref<40x128xf32, #tpu.memory_space<vmem>>, vector<1x16xf32>,
      %get3A_755 = arith.index_cast %scan3A_718 : i32 to index
      %get3A_756 = arith.constant 64 : index
      %get3A_757 = tpu.vector_load %arg17[%get3A_755, %get3A_756] {strides = array<i32>} : memref<40x128xf32, #tpu.memory_space<vmem>>, vector<1x16xf32>,
      %get3A_758 = vector.shape_cast %get3A_757 : vector<1x16xf32> to vector<16xf32>
      %swap3A_759 = arith.index_cast %scan3A_718 : i32 to index
      %swap3A_760 = arith.constant 64 : index
      %swap3A_761 = tpu.vector_load %arg12[%swap3A_759, %swap3A_760] {strides = array<i32>} : memref<40x128xf32, #tpu.memory_space<vmem>>, vector<1x16xf32>,
      %swap3A_762 = vector.shape_cast %swap3A_761 : vector<1x16xf32> to vector<16xf32>
      %swap3A_763 = vector.shape_cast %get3A_758 : vector<16xf32> to vector<1x16xf32>
      tpu.vector_store %arg12[%swap3A_759, %swap3A_760], %swap3A_763 {add = true, strides = array<i32>} : memref<40x128xf32, #tpu.memory_space<vmem>>, vector<1x16xf32>,
      %get3A_764 = arith.index_cast %scan3A_718 : i32 to index
      %get3A_765 = arith.constant 80 : index
      %get3A_766 = tpu.vector_load %arg17[%get3A_764, %get3A_765] {strides = array<i32>} : memref<40x128xf32, #tpu.memory_space<vmem>>, vector<1x16xf32>,
      %get3A_767 = vector.shape_cast %get3A_766 : vector<1x16xf32> to vector<16xf32>
      %swap3A_768 = arith.index_cast %scan3A_718 : i32 to index
      %swap3A_769 = arith.constant 80 : index
      %swap3A_770 = tpu.vector_load %arg12[%swap3A_768, %swap3A_769] {strides = array<i32>} : memref<40x128xf32, #tpu.memory_space<vmem>>, vector<1x16xf32>,
      %swap3A_771 = vector.shape_cast %swap3A_770 : vector<1x16xf32> to vector<16xf32>
      %swap3A_772 = vector.shape_cast %get3A_767 : vector<16xf32> to vector<1x16xf32>
      tpu.vector_store %arg12[%swap3A_768, %swap3A_769], %swap3A_772 {add = true, strides = array<i32>} : memref<40x128xf32, #tpu.memory_space<vmem>>, vector<1x16xf32>,
      %get3A_773 = arith.index_cast %scan3A_718 : i32 to index
      %get3A_774 = arith.constant 96 : index
      %get3A_775 = tpu.vector_load %arg17[%get3A_773, %get3A_774] {strides = array<i32>} : memref<40x128xf32, #tpu.memory_space<vmem>>, vector<1x16xf32>,
      %get3A_776 = vector.shape_cast %get3A_775 : vector<1x16xf32> to vector<16xf32>
      %swap3A_777 = arith.index_cast %scan3A_718 : i32 to index
      %swap3A_778 = arith.constant 96 : index
      %swap3A_779 = tpu.vector_load %arg12[%swap3A_777, %swap3A_778] {strides = array<i32>} : memref<40x128xf32, #tpu.memory_space<vmem>>, vector<1x16xf32>,
      %swap3A_780 = vector.shape_cast %swap3A_779 : vector<1x16xf32> to vector<16xf32>
      %swap3A_781 = vector.shape_cast %get3A_776 : vector<16xf32> to vector<1x16xf32>
      tpu.vector_store %arg12[%swap3A_777, %swap3A_778], %swap3A_781 {add = true, strides = array<i32>} : memref<40x128xf32, #tpu.memory_space<vmem>>, vector<1x16xf32>,
      %get3A_782 = arith.index_cast %scan3A_718 : i32 to index
      %get3A_783 = arith.constant 112 : index
      %get3A_784 = tpu.vector_load %arg17[%get3A_782, %get3A_783] {strides = array<i32>} : memref<40x128xf32, #tpu.memory_space<vmem>>, vector<1x16xf32>,
      %get3A_785 = vector.shape_cast %get3A_784 : vector<1x16xf32> to vector<16xf32>
      %swap3A_786 = arith.index_cast %scan3A_718 : i32 to index
      %swap3A_787 = arith.constant 112 : index
      %swap3A_788 = tpu.vector_load %arg12[%swap3A_786, %swap3A_787] {strides = array<i32>} : memref<40x128xf32, #tpu.memory_space<vmem>>, vector<1x16xf32>,
      %swap3A_789 = vector.shape_cast %swap3A_788 : vector<1x16xf32> to vector<16xf32>
      %swap3A_790 = vector.shape_cast %get3A_785 : vector<16xf32> to vector<1x16xf32>
      tpu.vector_store %arg12[%swap3A_786, %swap3A_787], %swap3A_790 {add = true, strides = array<i32>} : memref<40x128xf32, #tpu.memory_space<vmem>>, vector<1x16xf32>,
    }
    %scan3A_169 = arith.constant 40 : i32
    %dma_wait3A_170 = arith.constant 1 : i32
    %dma_wait3A_171 = arith.constant 0 : i32
    %dma_wait3A_172 = arith.constant 0 : i32
    %dma_wait3A_173 = tpu.memref_slice %arg6[%arg1, %dma_wait3A_170, %dma_wait3A_171, %dma_wait3A_172] : memref<16x5x40x128xf32, #tpu.memory_space<vmem_shared>> -> memref<1x1x40x128xf32, #tpu.memory_space<vmem_shared>>
    %dma_wait3A_174 = tpu.memref_squeeze %dma_wait3A_173 : memref<1x1x40x128xf32, #tpu.memory_space<vmem_shared>> -> memref<40x128xf32, #tpu.memory_space<vmem_shared>>
    %dma_wait3A_175 = arith.constant 0 : i32
    %dma_wait3A_176 = arith.constant 0 : i32
    %dma_wait3A_177 = tpu.memref_slice %arg6[%arg1, %dma_wait3A_170, %dma_wait3A_175, %dma_wait3A_176] : memref<16x5x40x128xf32, #tpu.memory_space<vmem_shared>> -> memref<1x1x40x128xf32, #tpu.memory_space<vmem_shared>>
    %dma_wait3A_178 = tpu.memref_squeeze %dma_wait3A_177 : memref<1x1x40x128xf32, #tpu.memory_space<vmem_shared>> -> memref<40x128xf32, #tpu.memory_space<vmem_shared>>
    tpu.wait_dma2 semaphore(%arg30 : memref<!tpu.dma_semaphore, #tpu.memory_space<semaphore_mem>>) src(%arg10 : memref<40x128xf32, #tpu.memory_space<vmem>>) dst(%dma_wait3A_178 : memref<40x128xf32, #tpu.memory_space<vmem_shared>>)
    %add3A_179 = arith.constant 40 : i32
    %add3A_180 = arith.addi %multiple_of3A, %add3A_179 : i32
    %multiple_of3A_181 = tpu.assume_multiple %add3A_180, 8 : i32
    %dma_start3A_182 = arith.constant 1 : i32
    %dma_start3A_183 = arith.constant 0 : i32
    %dma_start3A_184 = tpu.memref_slice %arg5[%multiple_of3A_181, %dma_start3A_183] : memref<320000x128xf32, #tpu.memory_space<hbm>> -> memref<40x128xf32, #tpu.memory_space<hbm>>
    %dma_start3A_185 = arith.constant 0 : i32
    %dma_start3A_186 = arith.constant 0 : i32
    %dma_start3A_187 = tpu.memref_slice %arg6[%arg1, %dma_start3A_182, %dma_start3A_185, %dma_start3A_186] : memref<16x5x40x128xf32, #tpu.memory_space<vmem_shared>> -> memref<1x1x40x128xf32, #tpu.memory_space<vmem_shared>>
    %dma_start3A_188 = tpu.memref_squeeze %dma_start3A_187 : memref<1x1x40x128xf32, #tpu.memory_space<vmem_shared>> -> memref<40x128xf32, #tpu.memory_space<vmem_shared>>
    tpu.enqueue_dma source(%dma_start3A_188 : memref<40x128xf32, #tpu.memory_space<vmem_shared>>) target(%dma_start3A_184 : memref<40x128xf32, #tpu.memory_space<hbm>>) target_semaphore(%arg35 : memref<!tpu.dma_semaphore, #tpu.memory_space<semaphore_mem>>)
    %multiple_of3A_189 = arith.constant 240 : i32
    %multiple_of3A_190 = tpu.assume_multiple %multiple_of3A_189, 8 : i32
    %dma_start3A_191 = tpu.memref_slice %arg7[%multiple_of3A_190] : memref<10000xi32, #tpu.memory_space<vmem>> -> memref<40xi32, #tpu.memory_space<vmem>>
    %dma_start3A_192 = arith.constant 0 : i32
    %dma_start3A_193 = arith.constant 0 : i32
    %dma_start3A_194 = tpu.memref_slice %arg2[%dma_start3A_192, %dma_start3A_193] : memref<10000x128xf32, #tpu.memory_space<hbm>> -> memref<10000x128xf32, #tpu.memory_space<hbm>>
    tpu.enqueue_indirect_dma source(%dma_start3A_194 : memref<10000x128xf32, #tpu.memory_space<hbm>>) target(%arg10 : memref<40x128xf32, #tpu.memory_space<vmem>>) offsets(%dma_start3A_191 : memref<40xi32, #tpu.memory_space<vmem>>) semaphore(%arg20 : memref<!tpu.dma_semaphore, #tpu.memory_space<semaphore_mem>>)
    %dma_start3A_195 = tpu.memref_slice %arg8[%multiple_of3A_190] : memref<10000xi32, #tpu.memory_space<vmem>> -> memref<40xi32, #tpu.memory_space<vmem>>
    %dma_start3A_196 = arith.constant 0 : i32
    %dma_start3A_197 = arith.constant 0 : i32
    %dma_start3A_198 = tpu.memref_slice %arg2[%dma_start3A_196, %dma_start3A_197] : memref<10000x128xf32, #tpu.memory_space<hbm>> -> memref<10000x128xf32, #tpu.memory_space<hbm>>
    tpu.enqueue_indirect_dma source(%dma_start3A_198 : memref<10000x128xf32, #tpu.memory_space<hbm>>) target(%arg15 : memref<40x128xf32, #tpu.memory_space<vmem>>) offsets(%dma_start3A_195 : memref<40xi32, #tpu.memory_space<vmem>>) semaphore(%arg25 : memref<!tpu.dma_semaphore, #tpu.memory_space<semaphore_mem>>)
    %dma_start3A_199 = arith.constant 3 : i32
    %dma_start3A_200 = arith.constant 0 : i32
    %dma_start3A_201 = arith.constant 0 : i32
    %dma_start3A_202 = tpu.memref_slice %arg6[%arg1, %dma_start3A_199, %dma_start3A_200, %dma_start3A_201] : memref<16x5x40x128xf32, #tpu.memory_space<vmem_shared>> -> memref<1x1x40x128xf32, #tpu.memory_space<vmem_shared>>
    %dma_start3A_203 = tpu.memref_squeeze %dma_start3A_202 : memref<1x1x40x128xf32, #tpu.memory_space<vmem_shared>> -> memref<40x128xf32, #tpu.memory_space<vmem_shared>>
    %dma_start3A_204 = arith.constant 0 : i32
    %dma_start3A_205 = arith.constant 0 : i32
    %dma_start3A_206 = tpu.memref_slice %arg6[%arg1, %dma_start3A_199, %dma_start3A_204, %dma_start3A_205] : memref<16x5x40x128xf32, #tpu.memory_space<vmem_shared>> -> memref<1x1x40x128xf32, #tpu.memory_space<vmem_shared>>
    %dma_start3A_207 = tpu.memref_squeeze %dma_start3A_206 : memref<1x1x40x128xf32, #tpu.memory_space<vmem_shared>> -> memref<40x128xf32, #tpu.memory_space<vmem_shared>>
    tpu.enqueue_dma source(%arg12 : memref<40x128xf32, #tpu.memory_space<vmem>>) target(%dma_start3A_207 : memref<40x128xf32, #tpu.memory_space<vmem_shared>>) target_semaphore(%arg32 : memref<!tpu.dma_semaphore, #tpu.memory_space<semaphore_mem>>)
    %multiple_of3A_208 = arith.constant 160 : i32
    %multiple_of3A_209 = tpu.assume_multiple %multiple_of3A_208, 8 : i32
    %dma_wait3A_210 = tpu.memref_slice %arg7[%multiple_of3A_209] : memref<10000xi32, #tpu.memory_space<vmem>> -> memref<40xi32, #tpu.memory_space<vmem>>
    %dma_wait3A_211 = arith.constant 0 : i32
    %dma_wait3A_212 = arith.constant 0 : i32
    %dma_wait3A_213 = tpu.memref_slice %arg2[%dma_wait3A_211, %dma_wait3A_212] : memref<10000x128xf32, #tpu.memory_space<hbm>> -> memref<10000x128xf32, #tpu.memory_space<hbm>>
    tpu.wait_indirect_dma semaphore(%arg23 : memref<!tpu.dma_semaphore, #tpu.memory_space<semaphore_mem>>) src(%dma_wait3A_213 : memref<10000x128xf32, #tpu.memory_space<hbm>>) dst(%arg13 : memref<40x128xf32, #tpu.memory_space<vmem>>)
    %dma_wait3A_214 = tpu.memref_slice %arg8[%multiple_of3A_209] : memref<10000xi32, #tpu.memory_space<vmem>> -> memref<40xi32, #tpu.memory_space<vmem>>
    %dma_wait3A_215 = arith.constant 0 : i32
    %dma_wait3A_216 = arith.constant 0 : i32
    %dma_wait3A_217 = tpu.memref_slice %arg2[%dma_wait3A_215, %dma_wait3A_216] : memref<10000x128xf32, #tpu.memory_space<hbm>> -> memref<10000x128xf32, #tpu.memory_space<hbm>>
    tpu.wait_indirect_dma semaphore(%arg28 : memref<!tpu.dma_semaphore, #tpu.memory_space<semaphore_mem>>) src(%dma_wait3A_217 : memref<10000x128xf32, #tpu.memory_space<hbm>>) dst(%arg18 : memref<40x128xf32, #tpu.memory_space<vmem>>)
    %scan3A_218 = arith.constant 0 : i32
    %scan3A_219 = arith.constant 0 : i32
    %scan3A_220 = arith.constant 40 : i32
    %scan3A_221 = arith.addi %scan3A_219, %scan3A_220 : i32
    %scan3A_222 = arith.constant 2 : i32
    scf.for %scan3A_646 = %scan3A_219 to %scan3A_221 step %scan3A_222  : i32 {
      %get3A = arith.index_cast %scan3A_646 : i32 to index
      %get3A_647 = arith.constant 0 : index
      %get3A_648 = tpu.vector_load %arg18[%get3A, %get3A_647] {strides = array<i32>} : memref<40x128xf32, #tpu.memory_space<vmem>>, vector<1x16xf32>,
      %get3A_649 = vector.shape_cast %get3A_648 : vector<1x16xf32> to vector<16xf32>
      %swap3A = arith.index_cast %scan3A_646 : i32 to index
      %swap3A_650 = arith.constant 0 : index
      %swap3A_651 = tpu.vector_load %arg13[%swap3A, %swap3A_650] {strides = array<i32>} : memref<40x128xf32, #tpu.memory_space<vmem>>, vector<1x16xf32>,
      %swap3A_652 = vector.shape_cast %swap3A_651 : vector<1x16xf32> to vector<16xf32>
      %swap3A_653 = vector.shape_cast %get3A_649 : vector<16xf32> to vector<1x16xf32>
      tpu.vector_store %arg13[%swap3A, %swap3A_650], %swap3A_653 {add = true, strides = array<i32>} : memref<40x128xf32, #tpu.memory_space<vmem>>, vector<1x16xf32>,
      %get3A_654 = arith.index_cast %scan3A_646 : i32 to index
      %get3A_655 = arith.constant 16 : index
      %get3A_656 = tpu.vector_load %arg18[%get3A_654, %get3A_655] {strides = array<i32>} : memref<40x128xf32, #tpu.memory_space<vmem>>, vector<1x16xf32>,
      %get3A_657 = vector.shape_cast %get3A_656 : vector<1x16xf32> to vector<16xf32>
      %swap3A_658 = arith.index_cast %scan3A_646 : i32 to index
      %swap3A_659 = arith.constant 16 : index
      %swap3A_660 = tpu.vector_load %arg13[%swap3A_658, %swap3A_659] {strides = array<i32>} : memref<40x128xf32, #tpu.memory_space<vmem>>, vector<1x16xf32>,
      %swap3A_661 = vector.shape_cast %swap3A_660 : vector<1x16xf32> to vector<16xf32>
      %swap3A_662 = vector.shape_cast %get3A_657 : vector<16xf32> to vector<1x16xf32>
      tpu.vector_store %arg13[%swap3A_658, %swap3A_659], %swap3A_662 {add = true, strides = array<i32>} : memref<40x128xf32, #tpu.memory_space<vmem>>, vector<1x16xf32>,
      %get3A_663 = arith.index_cast %scan3A_646 : i32 to index
      %get3A_664 = arith.constant 32 : index
      %get3A_665 = tpu.vector_load %arg18[%get3A_663, %get3A_664] {strides = array<i32>} : memref<40x128xf32, #tpu.memory_space<vmem>>, vector<1x16xf32>,
      %get3A_666 = vector.shape_cast %get3A_665 : vector<1x16xf32> to vector<16xf32>
      %swap3A_667 = arith.index_cast %scan3A_646 : i32 to index
      %swap3A_668 = arith.constant 32 : index
      %swap3A_669 = tpu.vector_load %arg13[%swap3A_667, %swap3A_668] {strides = array<i32>} : memref<40x128xf32, #tpu.memory_space<vmem>>, vector<1x16xf32>,
      %swap3A_670 = vector.shape_cast %swap3A_669 : vector<1x16xf32> to vector<16xf32>
      %swap3A_671 = vector.shape_cast %get3A_666 : vector<16xf32> to vector<1x16xf32>
      tpu.vector_store %arg13[%swap3A_667, %swap3A_668], %swap3A_671 {add = true, strides = array<i32>} : memref<40x128xf32, #tpu.memory_space<vmem>>, vector<1x16xf32>,
      %get3A_672 = arith.index_cast %scan3A_646 : i32 to index
      %get3A_673 = arith.constant 48 : index
      %get3A_674 = tpu.vector_load %arg18[%get3A_672, %get3A_673] {strides = array<i32>} : memref<40x128xf32, #tpu.memory_space<vmem>>, vector<1x16xf32>,
      %get3A_675 = vector.shape_cast %get3A_674 : vector<1x16xf32> to vector<16xf32>
      %swap3A_676 = arith.index_cast %scan3A_646 : i32 to index
      %swap3A_677 = arith.constant 48 : index
      %swap3A_678 = tpu.vector_load %arg13[%swap3A_676, %swap3A_677] {strides = array<i32>} : memref<40x128xf32, #tpu.memory_space<vmem>>, vector<1x16xf32>,
      %swap3A_679 = vector.shape_cast %swap3A_678 : vector<1x16xf32> to vector<16xf32>
      %swap3A_680 = vector.shape_cast %get3A_675 : vector<16xf32> to vector<1x16xf32>
      tpu.vector_store %arg13[%swap3A_676, %swap3A_677], %swap3A_680 {add = true, strides = array<i32>} : memref<40x128xf32, #tpu.memory_space<vmem>>, vector<1x16xf32>,
      %get3A_681 = arith.index_cast %scan3A_646 : i32 to index
      %get3A_682 = arith.constant 64 : index
      %get3A_683 = tpu.vector_load %arg18[%get3A_681, %get3A_682] {strides = array<i32>} : memref<40x128xf32, #tpu.memory_space<vmem>>, vector<1x16xf32>,
      %get3A_684 = vector.shape_cast %get3A_683 : vector<1x16xf32> to vector<16xf32>
      %swap3A_685 = arith.index_cast %scan3A_646 : i32 to index
      %swap3A_686 = arith.constant 64 : index
      %swap3A_687 = tpu.vector_load %arg13[%swap3A_685, %swap3A_686] {strides = array<i32>} : memref<40x128xf32, #tpu.memory_space<vmem>>, vector<1x16xf32>,
      %swap3A_688 = vector.shape_cast %swap3A_687 : vector<1x16xf32> to vector<16xf32>
      %swap3A_689 = vector.shape_cast %get3A_684 : vector<16xf32> to vector<1x16xf32>
      tpu.vector_store %arg13[%swap3A_685, %swap3A_686], %swap3A_689 {add = true, strides = array<i32>} : memref<40x128xf32, #tpu.memory_space<vmem>>, vector<1x16xf32>,
      %get3A_690 = arith.index_cast %scan3A_646 : i32 to index
      %get3A_691 = arith.constant 80 : index
      %get3A_692 = tpu.vector_load %arg18[%get3A_690, %get3A_691] {strides = array<i32>} : memref<40x128xf32, #tpu.memory_space<vmem>>, vector<1x16xf32>,
      %get3A_693 = vector.shape_cast %get3A_692 : vector<1x16xf32> to vector<16xf32>
      %swap3A_694 = arith.index_cast %scan3A_646 : i32 to index
      %swap3A_695 = arith.constant 80 : index
      %swap3A_696 = tpu.vector_load %arg13[%swap3A_694, %swap3A_695] {strides = array<i32>} : memref<40x128xf32, #tpu.memory_space<vmem>>, vector<1x16xf32>,
      %swap3A_697 = vector.shape_cast %swap3A_696 : vector<1x16xf32> to vector<16xf32>
      %swap3A_698 = vector.shape_cast %get3A_693 : vector<16xf32> to vector<1x16xf32>
      tpu.vector_store %arg13[%swap3A_694, %swap3A_695], %swap3A_698 {add = true, strides = array<i32>} : memref<40x128xf32, #tpu.memory_space<vmem>>, vector<1x16xf32>,
      %get3A_699 = arith.index_cast %scan3A_646 : i32 to index
      %get3A_700 = arith.constant 96 : index
      %get3A_701 = tpu.vector_load %arg18[%get3A_699, %get3A_700] {strides = array<i32>} : memref<40x128xf32, #tpu.memory_space<vmem>>, vector<1x16xf32>,
      %get3A_702 = vector.shape_cast %get3A_701 : vector<1x16xf32> to vector<16xf32>
      %swap3A_703 = arith.index_cast %scan3A_646 : i32 to index
      %swap3A_704 = arith.constant 96 : index
      %swap3A_705 = tpu.vector_load %arg13[%swap3A_703, %swap3A_704] {strides = array<i32>} : memref<40x128xf32, #tpu.memory_space<vmem>>, vector<1x16xf32>,
      %swap3A_706 = vector.shape_cast %swap3A_705 : vector<1x16xf32> to vector<16xf32>
      %swap3A_707 = vector.shape_cast %get3A_702 : vector<16xf32> to vector<1x16xf32>
      tpu.vector_store %arg13[%swap3A_703, %swap3A_704], %swap3A_707 {add = true, strides = array<i32>} : memref<40x128xf32, #tpu.memory_space<vmem>>, vector<1x16xf32>,
      %get3A_708 = arith.index_cast %scan3A_646 : i32 to index
      %get3A_709 = arith.constant 112 : index
      %get3A_710 = tpu.vector_load %arg18[%get3A_708, %get3A_709] {strides = array<i32>} : memref<40x128xf32, #tpu.memory_space<vmem>>, vector<1x16xf32>,
      %get3A_711 = vector.shape_cast %get3A_710 : vector<1x16xf32> to vector<16xf32>
      %swap3A_712 = arith.index_cast %scan3A_646 : i32 to index
      %swap3A_713 = arith.constant 112 : index
      %swap3A_714 = tpu.vector_load %arg13[%swap3A_712, %swap3A_713] {strides = array<i32>} : memref<40x128xf32, #tpu.memory_space<vmem>>, vector<1x16xf32>,
      %swap3A_715 = vector.shape_cast %swap3A_714 : vector<1x16xf32> to vector<16xf32>
      %swap3A_716 = vector.shape_cast %get3A_711 : vector<16xf32> to vector<1x16xf32>
      tpu.vector_store %arg13[%swap3A_712, %swap3A_713], %swap3A_716 {add = true, strides = array<i32>} : memref<40x128xf32, #tpu.memory_space<vmem>>, vector<1x16xf32>,
      %scan3A_717 = arith.constant 1 : i32
      %scan3A_718 = arith.addi %scan3A_646, %scan3A_717 : i32
      %get3A_719 = arith.index_cast %scan3A_718 : i32 to index
      %get3A_720 = arith.constant 0 : index
      %get3A_721 = tpu.vector_load %arg18[%get3A_719, %get3A_720] {strides = array<i32>} : memref<40x128xf32, #tpu.memory_space<vmem>>, vector<1x16xf32>,
      %get3A_722 = vector.shape_cast %get3A_721 : vector<1x16xf32> to vector<16xf32>
      %swap3A_723 = arith.index_cast %scan3A_718 : i32 to index
      %swap3A_724 = arith.constant 0 : index
      %swap3A_725 = tpu.vector_load %arg13[%swap3A_723, %swap3A_724] {strides = array<i32>} : memref<40x128xf32, #tpu.memory_space<vmem>>, vector<1x16xf32>,
      %swap3A_726 = vector.shape_cast %swap3A_725 : vector<1x16xf32> to vector<16xf32>
      %swap3A_727 = vector.shape_cast %get3A_722 : vector<16xf32> to vector<1x16xf32>
      tpu.vector_store %arg13[%swap3A_723, %swap3A_724], %swap3A_727 {add = true, strides = array<i32>} : memref<40x128xf32, #tpu.memory_space<vmem>>, vector<1x16xf32>,
      %get3A_728 = arith.index_cast %scan3A_718 : i32 to index
      %get3A_729 = arith.constant 16 : index
      %get3A_730 = tpu.vector_load %arg18[%get3A_728, %get3A_729] {strides = array<i32>} : memref<40x128xf32, #tpu.memory_space<vmem>>, vector<1x16xf32>,
      %get3A_731 = vector.shape_cast %get3A_730 : vector<1x16xf32> to vector<16xf32>
      %swap3A_732 = arith.index_cast %scan3A_718 : i32 to index
      %swap3A_733 = arith.constant 16 : index
      %swap3A_734 = tpu.vector_load %arg13[%swap3A_732, %swap3A_733] {strides = array<i32>} : memref<40x128xf32, #tpu.memory_space<vmem>>, vector<1x16xf32>,
      %swap3A_735 = vector.shape_cast %swap3A_734 : vector<1x16xf32> to vector<16xf32>
      %swap3A_736 = vector.shape_cast %get3A_731 : vector<16xf32> to vector<1x16xf32>
      tpu.vector_store %arg13[%swap3A_732, %swap3A_733], %swap3A_736 {add = true, strides = array<i32>} : memref<40x128xf32, #tpu.memory_space<vmem>>, vector<1x16xf32>,
      %get3A_737 = arith.index_cast %scan3A_718 : i32 to index
      %get3A_738 = arith.constant 32 : index
      %get3A_739 = tpu.vector_load %arg18[%get3A_737, %get3A_738] {strides = array<i32>} : memref<40x128xf32, #tpu.memory_space<vmem>>, vector<1x16xf32>,
      %get3A_740 = vector.shape_cast %get3A_739 : vector<1x16xf32> to vector<16xf32>
      %swap3A_741 = arith.index_cast %scan3A_718 : i32 to index
      %swap3A_742 = arith.constant 32 : index
      %swap3A_743 = tpu.vector_load %arg13[%swap3A_741, %swap3A_742] {strides = array<i32>} : memref<40x128xf32, #tpu.memory_space<vmem>>, vector<1x16xf32>,
      %swap3A_744 = vector.shape_cast %swap3A_743 : vector<1x16xf32> to vector<16xf32>
      %swap3A_745 = vector.shape_cast %get3A_740 : vector<16xf32> to vector<1x16xf32>
      tpu.vector_store %arg13[%swap3A_741, %swap3A_742], %swap3A_745 {add = true, strides = array<i32>} : memref<40x128xf32, #tpu.memory_space<vmem>>, vector<1x16xf32>,
      %get3A_746 = arith.index_cast %scan3A_718 : i32 to index
      %get3A_747 = arith.constant 48 : index
      %get3A_748 = tpu.vector_load %arg18[%get3A_746, %get3A_747] {strides = array<i32>} : memref<40x128xf32, #tpu.memory_space<vmem>>, vector<1x16xf32>,
      %get3A_749 = vector.shape_cast %get3A_748 : vector<1x16xf32> to vector<16xf32>
      %swap3A_750 = arith.index_cast %scan3A_718 : i32 to index
      %swap3A_751 = arith.constant 48 : index
      %swap3A_752 = tpu.vector_load %arg13[%swap3A_750, %swap3A_751] {strides = array<i32>} : memref<40x128xf32, #tpu.memory_space<vmem>>, vector<1x16xf32>,
      %swap3A_753 = vector.shape_cast %swap3A_752 : vector<1x16xf32> to vector<16xf32>
      %swap3A_754 = vector.shape_cast %get3A_749 : vector<16xf32> to vector<1x16xf32>
      tpu.vector_store %arg13[%swap3A_750, %swap3A_751], %swap3A_754 {add = true, strides = array<i32>} : memref<40x128xf32, #tpu.memory_space<vmem>>, vector<1x16xf32>,
      %get3A_755 = arith.index_cast %scan3A_718 : i32 to index
      %get3A_756 = arith.constant 64 : index
      %get3A_757 = tpu.vector_load %arg18[%get3A_755, %get3A_756] {strides = array<i32>} : memref<40x128xf32, #tpu.memory_space<vmem>>, vector<1x16xf32>,
      %get3A_758 = vector.shape_cast %get3A_757 : vector<1x16xf32> to vector<16xf32>
      %swap3A_759 = arith.index_cast %scan3A_718 : i32 to index
      %swap3A_760 = arith.constant 64 : index
      %swap3A_761 = tpu.vector_load %arg13[%swap3A_759, %swap3A_760] {strides = array<i32>} : memref<40x128xf32, #tpu.memory_space<vmem>>, vector<1x16xf32>,
      %swap3A_762 = vector.shape_cast %swap3A_761 : vector<1x16xf32> to vector<16xf32>
      %swap3A_763 = vector.shape_cast %get3A_758 : vector<16xf32> to vector<1x16xf32>
      tpu.vector_store %arg13[%swap3A_759, %swap3A_760], %swap3A_763 {add = true, strides = array<i32>} : memref<40x128xf32, #tpu.memory_space<vmem>>, vector<1x16xf32>,
      %get3A_764 = arith.index_cast %scan3A_718 : i32 to index
      %get3A_765 = arith.constant 80 : index
      %get3A_766 = tpu.vector_load %arg18[%get3A_764, %get3A_765] {strides = array<i32>} : memref<40x128xf32, #tpu.memory_space<vmem>>, vector<1x16xf32>,
      %get3A_767 = vector.shape_cast %get3A_766 : vector<1x16xf32> to vector<16xf32>
      %swap3A_768 = arith.index_cast %scan3A_718 : i32 to index
      %swap3A_769 = arith.constant 80 : index
      %swap3A_770 = tpu.vector_load %arg13[%swap3A_768, %swap3A_769] {strides = array<i32>} : memref<40x128xf32, #tpu.memory_space<vmem>>, vector<1x16xf32>,
      %swap3A_771 = vector.shape_cast %swap3A_770 : vector<1x16xf32> to vector<16xf32>
      %swap3A_772 = vector.shape_cast %get3A_767 : vector<16xf32> to vector<1x16xf32>
      tpu.vector_store %arg13[%swap3A_768, %swap3A_769], %swap3A_772 {add = true, strides = array<i32>} : memref<40x128xf32, #tpu.memory_space<vmem>>, vector<1x16xf32>,
      %get3A_773 = arith.index_cast %scan3A_718 : i32 to index
      %get3A_774 = arith.constant 96 : index
      %get3A_775 = tpu.vector_load %arg18[%get3A_773, %get3A_774] {strides = array<i32>} : memref<40x128xf32, #tpu.memory_space<vmem>>, vector<1x16xf32>,
      %get3A_776 = vector.shape_cast %get3A_775 : vector<1x16xf32> to vector<16xf32>
      %swap3A_777 = arith.index_cast %scan3A_718 : i32 to index
      %swap3A_778 = arith.constant 96 : index
      %swap3A_779 = tpu.vector_load %arg13[%swap3A_777, %swap3A_778] {strides = array<i32>} : memref<40x128xf32, #tpu.memory_space<vmem>>, vector<1x16xf32>,
      %swap3A_780 = vector.shape_cast %swap3A_779 : vector<1x16xf32> to vector<16xf32>
      %swap3A_781 = vector.shape_cast %get3A_776 : vector<16xf32> to vector<1x16xf32>
      tpu.vector_store %arg13[%swap3A_777, %swap3A_778], %swap3A_781 {add = true, strides = array<i32>} : memref<40x128xf32, #tpu.memory_space<vmem>>, vector<1x16xf32>,
      %get3A_782 = arith.index_cast %scan3A_718 : i32 to index
      %get3A_783 = arith.constant 112 : index
      %get3A_784 = tpu.vector_load %arg18[%get3A_782, %get3A_783] {strides = array<i32>} : memref<40x128xf32, #tpu.memory_space<vmem>>, vector<1x16xf32>,
      %get3A_785 = vector.shape_cast %get3A_784 : vector<1x16xf32> to vector<16xf32>
      %swap3A_786 = arith.index_cast %scan3A_718 : i32 to index
      %swap3A_787 = arith.constant 112 : index
      %swap3A_788 = tpu.vector_load %arg13[%swap3A_786, %swap3A_787] {strides = array<i32>} : memref<40x128xf32, #tpu.memory_space<vmem>>, vector<1x16xf32>,
      %swap3A_789 = vector.shape_cast %swap3A_788 : vector<1x16xf32> to vector<16xf32>
      %swap3A_790 = vector.shape_cast %get3A_785 : vector<16xf32> to vector<1x16xf32>
      tpu.vector_store %arg13[%swap3A_786, %swap3A_787], %swap3A_790 {add = true, strides = array<i32>} : memref<40x128xf32, #tpu.memory_space<vmem>>, vector<1x16xf32>,
    }
    %scan3A_223 = arith.constant 40 : i32
    %dma_wait3A_224 = arith.constant 2 : i32
    %dma_wait3A_225 = arith.constant 0 : i32
    %dma_wait3A_226 = arith.constant 0 : i32
    %dma_wait3A_227 = tpu.memref_slice %arg6[%arg1, %dma_wait3A_224, %dma_wait3A_225, %dma_wait3A_226] : memref<16x5x40x128xf32, #tpu.memory_space<vmem_shared>> -> memref<1x1x40x128xf32, #tpu.memory_space<vmem_shared>>
    %dma_wait3A_228 = tpu.memref_squeeze %dma_wait3A_227 : memref<1x1x40x128xf32, #tpu.memory_space<vmem_shared>> -> memref<40x128xf32, #tpu.memory_space<vmem_shared>>
    %dma_wait3A_229 = arith.constant 0 : i32
    %dma_wait3A_230 = arith.constant 0 : i32
    %dma_wait3A_231 = tpu.memref_slice %arg6[%arg1, %dma_wait3A_224, %dma_wait3A_229, %dma_wait3A_230] : memref<16x5x40x128xf32, #tpu.memory_space<vmem_shared>> -> memref<1x1x40x128xf32, #tpu.memory_space<vmem_shared>>
    %dma_wait3A_232 = tpu.memref_squeeze %dma_wait3A_231 : memref<1x1x40x128xf32, #tpu.memory_space<vmem_shared>> -> memref<40x128xf32, #tpu.memory_space<vmem_shared>>
    tpu.wait_dma2 semaphore(%arg31 : memref<!tpu.dma_semaphore, #tpu.memory_space<semaphore_mem>>) src(%arg11 : memref<40x128xf32, #tpu.memory_space<vmem>>) dst(%dma_wait3A_232 : memref<40x128xf32, #tpu.memory_space<vmem_shared>>)
    %add3A_233 = arith.constant 80 : i32
    %add3A_234 = arith.addi %multiple_of3A, %add3A_233 : i32
    %multiple_of3A_235 = tpu.assume_multiple %add3A_234, 8 : i32
    %dma_start3A_236 = arith.constant 2 : i32
    %dma_start3A_237 = arith.constant 0 : i32
    %dma_start3A_238 = tpu.memref_slice %arg5[%multiple_of3A_235, %dma_start3A_237] : memref<320000x128xf32, #tpu.memory_space<hbm>> -> memref<40x128xf32, #tpu.memory_space<hbm>>
    %dma_start3A_239 = arith.constant 0 : i32
    %dma_start3A_240 = arith.constant 0 : i32
    %dma_start3A_241 = tpu.memref_slice %arg6[%arg1, %dma_start3A_236, %dma_start3A_239, %dma_start3A_240] : memref<16x5x40x128xf32, #tpu.memory_space<vmem_shared>> -> memref<1x1x40x128xf32, #tpu.memory_space<vmem_shared>>
    %dma_start3A_242 = tpu.memref_squeeze %dma_start3A_241 : memref<1x1x40x128xf32, #tpu.memory_space<vmem_shared>> -> memref<40x128xf32, #tpu.memory_space<vmem_shared>>
    tpu.enqueue_dma source(%dma_start3A_242 : memref<40x128xf32, #tpu.memory_space<vmem_shared>>) target(%dma_start3A_238 : memref<40x128xf32, #tpu.memory_space<hbm>>) target_semaphore(%arg36 : memref<!tpu.dma_semaphore, #tpu.memory_space<semaphore_mem>>)
    %multiple_of3A_243 = arith.constant 280 : i32
    %multiple_of3A_244 = tpu.assume_multiple %multiple_of3A_243, 8 : i32
    %dma_start3A_245 = tpu.memref_slice %arg7[%multiple_of3A_244] : memref<10000xi32, #tpu.memory_space<vmem>> -> memref<40xi32, #tpu.memory_space<vmem>>
    %dma_start3A_246 = arith.constant 0 : i32
    %dma_start3A_247 = arith.constant 0 : i32
    %dma_start3A_248 = tpu.memref_slice %arg2[%dma_start3A_246, %dma_start3A_247] : memref<10000x128xf32, #tpu.memory_space<hbm>> -> memref<10000x128xf32, #tpu.memory_space<hbm>>
    tpu.enqueue_indirect_dma source(%dma_start3A_248 : memref<10000x128xf32, #tpu.memory_space<hbm>>) target(%arg11 : memref<40x128xf32, #tpu.memory_space<vmem>>) offsets(%dma_start3A_245 : memref<40xi32, #tpu.memory_space<vmem>>) semaphore(%arg21 : memref<!tpu.dma_semaphore, #tpu.memory_space<semaphore_mem>>)
    %dma_start3A_249 = tpu.memref_slice %arg8[%multiple_of3A_244] : memref<10000xi32, #tpu.memory_space<vmem>> -> memref<40xi32, #tpu.memory_space<vmem>>
    %dma_start3A_250 = arith.constant 0 : i32
    %dma_start3A_251 = arith.constant 0 : i32
    %dma_start3A_252 = tpu.memref_slice %arg2[%dma_start3A_250, %dma_start3A_251] : memref<10000x128xf32, #tpu.memory_space<hbm>> -> memref<10000x128xf32, #tpu.memory_space<hbm>>
    tpu.enqueue_indirect_dma source(%dma_start3A_252 : memref<10000x128xf32, #tpu.memory_space<hbm>>) target(%arg16 : memref<40x128xf32, #tpu.memory_space<vmem>>) offsets(%dma_start3A_249 : memref<40xi32, #tpu.memory_space<vmem>>) semaphore(%arg26 : memref<!tpu.dma_semaphore, #tpu.memory_space<semaphore_mem>>)
    %dma_start3A_253 = arith.constant 4 : i32
    %dma_start3A_254 = arith.constant 0 : i32
    %dma_start3A_255 = arith.constant 0 : i32
    %dma_start3A_256 = tpu.memref_slice %arg6[%arg1, %dma_start3A_253, %dma_start3A_254, %dma_start3A_255] : memref<16x5x40x128xf32, #tpu.memory_space<vmem_shared>> -> memref<1x1x40x128xf32, #tpu.memory_space<vmem_shared>>
    %dma_start3A_257 = tpu.memref_squeeze %dma_start3A_256 : memref<1x1x40x128xf32, #tpu.memory_space<vmem_shared>> -> memref<40x128xf32, #tpu.memory_space<vmem_shared>>
    %dma_start3A_258 = arith.constant 0 : i32
    %dma_start3A_259 = arith.constant 0 : i32
    %dma_start3A_260 = tpu.memref_slice %arg6[%arg1, %dma_start3A_253, %dma_start3A_258, %dma_start3A_259] : memref<16x5x40x128xf32, #tpu.memory_space<vmem_shared>> -> memref<1x1x40x128xf32, #tpu.memory_space<vmem_shared>>
    %dma_start3A_261 = tpu.memref_squeeze %dma_start3A_260 : memref<1x1x40x128xf32, #tpu.memory_space<vmem_shared>> -> memref<40x128xf32, #tpu.memory_space<vmem_shared>>
    tpu.enqueue_dma source(%arg13 : memref<40x128xf32, #tpu.memory_space<vmem>>) target(%dma_start3A_261 : memref<40x128xf32, #tpu.memory_space<vmem_shared>>) target_semaphore(%arg33 : memref<!tpu.dma_semaphore, #tpu.memory_space<semaphore_mem>>)
    %scan3A_262 = arith.constant 0 : i32
    %scan3A_263 = arith.constant 1 : i32
    %scan3A_264 = arith.constant 48 : i32
    %scan3A_265 = arith.addi %scan3A_263, %scan3A_264 : i32
    %scan3A_266 = arith.constant 1 : i32
    scf.for %scan3A_646 = %scan3A_263 to %scan3A_265 step %scan3A_266  : i32 {
      %mul3A_647 = arith.constant 5 : i32
      %mul3A_648 = arith.muli %scan3A_646, %mul3A_647 : i32
      %add3A_649 = arith.constant 0 : i32
      %add3A_650 = arith.addi %mul3A_648, %add3A_649 : i32
      %mul3A_651 = arith.constant 40 : i32
      %mul3A_652 = arith.muli %add3A_650, %mul3A_651 : i32
      %multiple_of3A_653 = tpu.assume_multiple %mul3A_652, 8 : i32
      %dma_wait3A_654 = tpu.memref_slice %arg7[%multiple_of3A_653] : memref<10000xi32, #tpu.memory_space<vmem>> -> memref<40xi32, #tpu.memory_space<vmem>>
      %dma_wait3A_655 = arith.constant 0 : i32
      %dma_wait3A_656 = arith.constant 0 : i32
      %dma_wait3A_657 = tpu.memref_slice %arg2[%dma_wait3A_655, %dma_wait3A_656] : memref<10000x128xf32, #tpu.memory_space<hbm>> -> memref<10000x128xf32, #tpu.memory_space<hbm>>
      tpu.wait_indirect_dma semaphore(%arg19 : memref<!tpu.dma_semaphore, #tpu.memory_space<semaphore_mem>>) src(%dma_wait3A_657 : memref<10000x128xf32, #tpu.memory_space<hbm>>) dst(%arg9 : memref<40x128xf32, #tpu.memory_space<vmem>>)
      %dma_wait3A_658 = tpu.memref_slice %arg8[%multiple_of3A_653] : memref<10000xi32, #tpu.memory_space<vmem>> -> memref<40xi32, #tpu.memory_space<vmem>>
      %dma_wait3A_659 = arith.constant 0 : i32
      %dma_wait3A_660 = arith.constant 0 : i32
      %dma_wait3A_661 = tpu.memref_slice %arg2[%dma_wait3A_659, %dma_wait3A_660] : memref<10000x128xf32, #tpu.memory_space<hbm>> -> memref<10000x128xf32, #tpu.memory_space<hbm>>
      tpu.wait_indirect_dma semaphore(%arg24 : memref<!tpu.dma_semaphore, #tpu.memory_space<semaphore_mem>>) src(%dma_wait3A_661 : memref<10000x128xf32, #tpu.memory_space<hbm>>) dst(%arg14 : memref<40x128xf32, #tpu.memory_space<vmem>>)
      %scan3A_662 = arith.constant 0 : i32
      %scan3A_663 = arith.constant 0 : i32
      %scan3A_664 = arith.constant 40 : i32
      %scan3A_665 = arith.addi %scan3A_663, %scan3A_664 : i32
      %scan3A_666 = arith.constant 2 : i32
      scf.for %scan3A_1028 = %scan3A_663 to %scan3A_665 step %scan3A_666  : i32 {
        %get3A = arith.index_cast %scan3A_1028 : i32 to index
        %get3A_1029 = arith.constant 0 : index
        %get3A_1030 = tpu.vector_load %arg14[%get3A, %get3A_1029] {strides = array<i32>} : memref<40x128xf32, #tpu.memory_space<vmem>>, vector<1x16xf32>,
        %get3A_1031 = vector.shape_cast %get3A_1030 : vector<1x16xf32> to vector<16xf32>
        %swap3A = arith.index_cast %scan3A_1028 : i32 to index
        %swap3A_1032 = arith.constant 0 : index
        %swap3A_1033 = tpu.vector_load %arg9[%swap3A, %swap3A_1032] {strides = array<i32>} : memref<40x128xf32, #tpu.memory_space<vmem>>, vector<1x16xf32>,
        %swap3A_1034 = vector.shape_cast %swap3A_1033 : vector<1x16xf32> to vector<16xf32>
        %swap3A_1035 = vector.shape_cast %get3A_1031 : vector<16xf32> to vector<1x16xf32>
        tpu.vector_store %arg9[%swap3A, %swap3A_1032], %swap3A_1035 {add = true, strides = array<i32>} : memref<40x128xf32, #tpu.memory_space<vmem>>, vector<1x16xf32>,
        %get3A_1036 = arith.index_cast %scan3A_1028 : i32 to index
        %get3A_1037 = arith.constant 16 : index
        %get3A_1038 = tpu.vector_load %arg14[%get3A_1036, %get3A_1037] {strides = array<i32>} : memref<40x128xf32, #tpu.memory_space<vmem>>, vector<1x16xf32>,
        %get3A_1039 = vector.shape_cast %get3A_1038 : vector<1x16xf32> to vector<16xf32>
        %swap3A_1040 = arith.index_cast %scan3A_1028 : i32 to index
        %swap3A_1041 = arith.constant 16 : index
        %swap3A_1042 = tpu.vector_load %arg9[%swap3A_1040, %swap3A_1041] {strides = array<i32>} : memref<40x128xf32, #tpu.memory_space<vmem>>, vector<1x16xf32>,
        %swap3A_1043 = vector.shape_cast %swap3A_1042 : vector<1x16xf32> to vector<16xf32>
        %swap3A_1044 = vector.shape_cast %get3A_1039 : vector<16xf32> to vector<1x16xf32>
        tpu.vector_store %arg9[%swap3A_1040, %swap3A_1041], %swap3A_1044 {add = true, strides = array<i32>} : memref<40x128xf32, #tpu.memory_space<vmem>>, vector<1x16xf32>,
        %get3A_1045 = arith.index_cast %scan3A_1028 : i32 to index
        %get3A_1046 = arith.constant 32 : index
        %get3A_1047 = tpu.vector_load %arg14[%get3A_1045, %get3A_1046] {strides = array<i32>} : memref<40x128xf32, #tpu.memory_space<vmem>>, vector<1x16xf32>,
        %get3A_1048 = vector.shape_cast %get3A_1047 : vector<1x16xf32> to vector<16xf32>
        %swap3A_1049 = arith.index_cast %scan3A_1028 : i32 to index
        %swap3A_1050 = arith.constant 32 : index
        %swap3A_1051 = tpu.vector_load %arg9[%swap3A_1049, %swap3A_1050] {strides = array<i32>} : memref<40x128xf32, #tpu.memory_space<vmem>>, vector<1x16xf32>,
        %swap3A_1052 = vector.shape_cast %swap3A_1051 : vector<1x16xf32> to vector<16xf32>
        %swap3A_1053 = vector.shape_cast %get3A_1048 : vector<16xf32> to vector<1x16xf32>
        tpu.vector_store %arg9[%swap3A_1049, %swap3A_1050], %swap3A_1053 {add = true, strides = array<i32>} : memref<40x128xf32, #tpu.memory_space<vmem>>, vector<1x16xf32>,
        %get3A_1054 = arith.index_cast %scan3A_1028 : i32 to index
        %get3A_1055 = arith.constant 48 : index
        %get3A_1056 = tpu.vector_load %arg14[%get3A_1054, %get3A_1055] {strides = array<i32>} : memref<40x128xf32, #tpu.memory_space<vmem>>, vector<1x16xf32>,
        %get3A_1057 = vector.shape_cast %get3A_1056 : vector<1x16xf32> to vector<16xf32>
        %swap3A_1058 = arith.index_cast %scan3A_1028 : i32 to index
        %swap3A_1059 = arith.constant 48 : index
        %swap3A_1060 = tpu.vector_load %arg9[%swap3A_1058, %swap3A_1059] {strides = array<i32>} : memref<40x128xf32, #tpu.memory_space<vmem>>, vector<1x16xf32>,
        %swap3A_1061 = vector.shape_cast %swap3A_1060 : vector<1x16xf32> to vector<16xf32>
        %swap3A_1062 = vector.shape_cast %get3A_1057 : vector<16xf32> to vector<1x16xf32>
        tpu.vector_store %arg9[%swap3A_1058, %swap3A_1059], %swap3A_1062 {add = true, strides = array<i32>} : memref<40x128xf32, #tpu.memory_space<vmem>>, vector<1x16xf32>,
        %get3A_1063 = arith.index_cast %scan3A_1028 : i32 to index
        %get3A_1064 = arith.constant 64 : index
        %get3A_1065 = tpu.vector_load %arg14[%get3A_1063, %get3A_1064] {strides = array<i32>} : memref<40x128xf32, #tpu.memory_space<vmem>>, vector<1x16xf32>,
        %get3A_1066 = vector.shape_cast %get3A_1065 : vector<1x16xf32> to vector<16xf32>
        %swap3A_1067 = arith.index_cast %scan3A_1028 : i32 to index
        %swap3A_1068 = arith.constant 64 : index
        %swap3A_1069 = tpu.vector_load %arg9[%swap3A_1067, %swap3A_1068] {strides = array<i32>} : memref<40x128xf32, #tpu.memory_space<vmem>>, vector<1x16xf32>,
        %swap3A_1070 = vector.shape_cast %swap3A_1069 : vector<1x16xf32> to vector<16xf32>
        %swap3A_1071 = vector.shape_cast %get3A_1066 : vector<16xf32> to vector<1x16xf32>
        tpu.vector_store %arg9[%swap3A_1067, %swap3A_1068], %swap3A_1071 {add = true, strides = array<i32>} : memref<40x128xf32, #tpu.memory_space<vmem>>, vector<1x16xf32>,
        %get3A_1072 = arith.index_cast %scan3A_1028 : i32 to index
        %get3A_1073 = arith.constant 80 : index
        %get3A_1074 = tpu.vector_load %arg14[%get3A_1072, %get3A_1073] {strides = array<i32>} : memref<40x128xf32, #tpu.memory_space<vmem>>, vector<1x16xf32>,
        %get3A_1075 = vector.shape_cast %get3A_1074 : vector<1x16xf32> to vector<16xf32>
        %swap3A_1076 = arith.index_cast %scan3A_1028 : i32 to index
        %swap3A_1077 = arith.constant 80 : index
        %swap3A_1078 = tpu.vector_load %arg9[%swap3A_1076, %swap3A_1077] {strides = array<i32>} : memref<40x128xf32, #tpu.memory_space<vmem>>, vector<1x16xf32>,
        %swap3A_1079 = vector.shape_cast %swap3A_1078 : vector<1x16xf32> to vector<16xf32>
        %swap3A_1080 = vector.shape_cast %get3A_1075 : vector<16xf32> to vector<1x16xf32>
        tpu.vector_store %arg9[%swap3A_1076, %swap3A_1077], %swap3A_1080 {add = true, strides = array<i32>} : memref<40x128xf32, #tpu.memory_space<vmem>>, vector<1x16xf32>,
        %get3A_1081 = arith.index_cast %scan3A_1028 : i32 to index
        %get3A_1082 = arith.constant 96 : index
        %get3A_1083 = tpu.vector_load %arg14[%get3A_1081, %get3A_1082] {strides = array<i32>} : memref<40x128xf32, #tpu.memory_space<vmem>>, vector<1x16xf32>,
        %get3A_1084 = vector.shape_cast %get3A_1083 : vector<1x16xf32> to vector<16xf32>
        %swap3A_1085 = arith.index_cast %scan3A_1028 : i32 to index
        %swap3A_1086 = arith.constant 96 : index
        %swap3A_1087 = tpu.vector_load %arg9[%swap3A_1085, %swap3A_1086] {strides = array<i32>} : memref<40x128xf32, #tpu.memory_space<vmem>>, vector<1x16xf32>,
        %swap3A_1088 = vector.shape_cast %swap3A_1087 : vector<1x16xf32> to vector<16xf32>
        %swap3A_1089 = vector.shape_cast %get3A_1084 : vector<16xf32> to vector<1x16xf32>
        tpu.vector_store %arg9[%swap3A_1085, %swap3A_1086], %swap3A_1089 {add = true, strides = array<i32>} : memref<40x128xf32, #tpu.memory_space<vmem>>, vector<1x16xf32>,
        %get3A_1090 = arith.index_cast %scan3A_1028 : i32 to index
        %get3A_1091 = arith.constant 112 : index
        %get3A_1092 = tpu.vector_load %arg14[%get3A_1090, %get3A_1091] {strides = array<i32>} : memref<40x128xf32, #tpu.memory_space<vmem>>, vector<1x16xf32>,
        %get3A_1093 = vector.shape_cast %get3A_1092 : vector<1x16xf32> to vector<16xf32>
        %swap3A_1094 = arith.index_cast %scan3A_1028 : i32 to index
        %swap3A_1095 = arith.constant 112 : index
        %swap3A_1096 = tpu.vector_load %arg9[%swap3A_1094, %swap3A_1095] {strides = array<i32>} : memref<40x128xf32, #tpu.memory_space<vmem>>, vector<1x16xf32>,
        %swap3A_1097 = vector.shape_cast %swap3A_1096 : vector<1x16xf32> to vector<16xf32>
        %swap3A_1098 = vector.shape_cast %get3A_1093 : vector<16xf32> to vector<1x16xf32>
        tpu.vector_store %arg9[%swap3A_1094, %swap3A_1095], %swap3A_1098 {add = true, strides = array<i32>} : memref<40x128xf32, #tpu.memory_space<vmem>>, vector<1x16xf32>,
        %scan3A_1099 = arith.constant 1 : i32
        %scan3A_1100 = arith.addi %scan3A_1028, %scan3A_1099 : i32
        %get3A_1101 = arith.index_cast %scan3A_1100 : i32 to index
        %get3A_1102 = arith.constant 0 : index
        %get3A_1103 = tpu.vector_load %arg14[%get3A_1101, %get3A_1102] {strides = array<i32>} : memref<40x128xf32, #tpu.memory_space<vmem>>, vector<1x16xf32>,
        %get3A_1104 = vector.shape_cast %get3A_1103 : vector<1x16xf32> to vector<16xf32>
        %swap3A_1105 = arith.index_cast %scan3A_1100 : i32 to index
        %swap3A_1106 = arith.constant 0 : index
        %swap3A_1107 = tpu.vector_load %arg9[%swap3A_1105, %swap3A_1106] {strides = array<i32>} : memref<40x128xf32, #tpu.memory_space<vmem>>, vector<1x16xf32>,
        %swap3A_1108 = vector.shape_cast %swap3A_1107 : vector<1x16xf32> to vector<16xf32>
        %swap3A_1109 = vector.shape_cast %get3A_1104 : vector<16xf32> to vector<1x16xf32>
        tpu.vector_store %arg9[%swap3A_1105, %swap3A_1106], %swap3A_1109 {add = true, strides = array<i32>} : memref<40x128xf32, #tpu.memory_space<vmem>>, vector<1x16xf32>,
        %get3A_1110 = arith.index_cast %scan3A_1100 : i32 to index
        %get3A_1111 = arith.constant 16 : index
        %get3A_1112 = tpu.vector_load %arg14[%get3A_1110, %get3A_1111] {strides = array<i32>} : memref<40x128xf32, #tpu.memory_space<vmem>>, vector<1x16xf32>,
        %get3A_1113 = vector.shape_cast %get3A_1112 : vector<1x16xf32> to vector<16xf32>
        %swap3A_1114 = arith.index_cast %scan3A_1100 : i32 to index
        %swap3A_1115 = arith.constant 16 : index
        %swap3A_1116 = tpu.vector_load %arg9[%swap3A_1114, %swap3A_1115] {strides = array<i32>} : memref<40x128xf32, #tpu.memory_space<vmem>>, vector<1x16xf32>,
        %swap3A_1117 = vector.shape_cast %swap3A_1116 : vector<1x16xf32> to vector<16xf32>
        %swap3A_1118 = vector.shape_cast %get3A_1113 : vector<16xf32> to vector<1x16xf32>
        tpu.vector_store %arg9[%swap3A_1114, %swap3A_1115], %swap3A_1118 {add = true, strides = array<i32>} : memref<40x128xf32, #tpu.memory_space<vmem>>, vector<1x16xf32>,
        %get3A_1119 = arith.index_cast %scan3A_1100 : i32 to index
        %get3A_1120 = arith.constant 32 : index
        %get3A_1121 = tpu.vector_load %arg14[%get3A_1119, %get3A_1120] {strides = array<i32>} : memref<40x128xf32, #tpu.memory_space<vmem>>, vector<1x16xf32>,
        %get3A_1122 = vector.shape_cast %get3A_1121 : vector<1x16xf32> to vector<16xf32>
        %swap3A_1123 = arith.index_cast %scan3A_1100 : i32 to index
        %swap3A_1124 = arith.constant 32 : index
        %swap3A_1125 = tpu.vector_load %arg9[%swap3A_1123, %swap3A_1124] {strides = array<i32>} : memref<40x128xf32, #tpu.memory_space<vmem>>, vector<1x16xf32>,
        %swap3A_1126 = vector.shape_cast %swap3A_1125 : vector<1x16xf32> to vector<16xf32>
        %swap3A_1127 = vector.shape_cast %get3A_1122 : vector<16xf32> to vector<1x16xf32>
        tpu.vector_store %arg9[%swap3A_1123, %swap3A_1124], %swap3A_1127 {add = true, strides = array<i32>} : memref<40x128xf32, #tpu.memory_space<vmem>>, vector<1x16xf32>,
        %get3A_1128 = arith.index_cast %scan3A_1100 : i32 to index
        %get3A_1129 = arith.constant 48 : index
        %get3A_1130 = tpu.vector_load %arg14[%get3A_1128, %get3A_1129] {strides = array<i32>} : memref<40x128xf32, #tpu.memory_space<vmem>>, vector<1x16xf32>,
        %get3A_1131 = vector.shape_cast %get3A_1130 : vector<1x16xf32> to vector<16xf32>
        %swap3A_1132 = arith.index_cast %scan3A_1100 : i32 to index
        %swap3A_1133 = arith.constant 48 : index
        %swap3A_1134 = tpu.vector_load %arg9[%swap3A_1132, %swap3A_1133] {strides = array<i32>} : memref<40x128xf32, #tpu.memory_space<vmem>>, vector<1x16xf32>,
        %swap3A_1135 = vector.shape_cast %swap3A_1134 : vector<1x16xf32> to vector<16xf32>
        %swap3A_1136 = vector.shape_cast %get3A_1131 : vector<16xf32> to vector<1x16xf32>
        tpu.vector_store %arg9[%swap3A_1132, %swap3A_1133], %swap3A_1136 {add = true, strides = array<i32>} : memref<40x128xf32, #tpu.memory_space<vmem>>, vector<1x16xf32>,
        %get3A_1137 = arith.index_cast %scan3A_1100 : i32 to index
        %get3A_1138 = arith.constant 64 : index
        %get3A_1139 = tpu.vector_load %arg14[%get3A_1137, %get3A_1138] {strides = array<i32>} : memref<40x128xf32, #tpu.memory_space<vmem>>, vector<1x16xf32>,
        %get3A_1140 = vector.shape_cast %get3A_1139 : vector<1x16xf32> to vector<16xf32>
        %swap3A_1141 = arith.index_cast %scan3A_1100 : i32 to index
        %swap3A_1142 = arith.constant 64 : index
        %swap3A_1143 = tpu.vector_load %arg9[%swap3A_1141, %swap3A_1142] {strides = array<i32>} : memref<40x128xf32, #tpu.memory_space<vmem>>, vector<1x16xf32>,
        %swap3A_1144 = vector.shape_cast %swap3A_1143 : vector<1x16xf32> to vector<16xf32>
        %swap3A_1145 = vector.shape_cast %get3A_1140 : vector<16xf32> to vector<1x16xf32>
        tpu.vector_store %arg9[%swap3A_1141, %swap3A_1142], %swap3A_1145 {add = true, strides = array<i32>} : memref<40x128xf32, #tpu.memory_space<vmem>>, vector<1x16xf32>,
        %get3A_1146 = arith.index_cast %scan3A_1100 : i32 to index
        %get3A_1147 = arith.constant 80 : index
        %get3A_1148 = tpu.vector_load %arg14[%get3A_1146, %get3A_1147] {strides = array<i32>} : memref<40x128xf32, #tpu.memory_space<vmem>>, vector<1x16xf32>,
        %get3A_1149 = vector.shape_cast %get3A_1148 : vector<1x16xf32> to vector<16xf32>
        %swap3A_1150 = arith.index_cast %scan3A_1100 : i32 to index
        %swap3A_1151 = arith.constant 80 : index
        %swap3A_1152 = tpu.vector_load %arg9[%swap3A_1150, %swap3A_1151] {strides = array<i32>} : memref<40x128xf32, #tpu.memory_space<vmem>>, vector<1x16xf32>,
        %swap3A_1153 = vector.shape_cast %swap3A_1152 : vector<1x16xf32> to vector<16xf32>
        %swap3A_1154 = vector.shape_cast %get3A_1149 : vector<16xf32> to vector<1x16xf32>
        tpu.vector_store %arg9[%swap3A_1150, %swap3A_1151], %swap3A_1154 {add = true, strides = array<i32>} : memref<40x128xf32, #tpu.memory_space<vmem>>, vector<1x16xf32>,
        %get3A_1155 = arith.index_cast %scan3A_1100 : i32 to index
        %get3A_1156 = arith.constant 96 : index
        %get3A_1157 = tpu.vector_load %arg14[%get3A_1155, %get3A_1156] {strides = array<i32>} : memref<40x128xf32, #tpu.memory_space<vmem>>, vector<1x16xf32>,
        %get3A_1158 = vector.shape_cast %get3A_1157 : vector<1x16xf32> to vector<16xf32>
        %swap3A_1159 = arith.index_cast %scan3A_1100 : i32 to index
        %swap3A_1160 = arith.constant 96 : index
        %swap3A_1161 = tpu.vector_load %arg9[%swap3A_1159, %swap3A_1160] {strides = array<i32>} : memref<40x128xf32, #tpu.memory_space<vmem>>, vector<1x16xf32>,
        %swap3A_1162 = vector.shape_cast %swap3A_1161 : vector<1x16xf32> to vector<16xf32>
        %swap3A_1163 = vector.shape_cast %get3A_1158 : vector<16xf32> to vector<1x16xf32>
        tpu.vector_store %arg9[%swap3A_1159, %swap3A_1160], %swap3A_1163 {add = true, strides = array<i32>} : memref<40x128xf32, #tpu.memory_space<vmem>>, vector<1x16xf32>,
        %get3A_1164 = arith.index_cast %scan3A_1100 : i32 to index
        %get3A_1165 = arith.constant 112 : index
        %get3A_1166 = tpu.vector_load %arg14[%get3A_1164, %get3A_1165] {strides = array<i32>} : memref<40x128xf32, #tpu.memory_space<vmem>>, vector<1x16xf32>,
        %get3A_1167 = vector.shape_cast %get3A_1166 : vector<1x16xf32> to vector<16xf32>
        %swap3A_1168 = arith.index_cast %scan3A_1100 : i32 to index
        %swap3A_1169 = arith.constant 112 : index
        %swap3A_1170 = tpu.vector_load %arg9[%swap3A_1168, %swap3A_1169] {strides = array<i32>} : memref<40x128xf32, #tpu.memory_space<vmem>>, vector<1x16xf32>,
        %swap3A_1171 = vector.shape_cast %swap3A_1170 : vector<1x16xf32> to vector<16xf32>
        %swap3A_1172 = vector.shape_cast %get3A_1167 : vector<16xf32> to vector<1x16xf32>
        tpu.vector_store %arg9[%swap3A_1168, %swap3A_1169], %swap3A_1172 {add = true, strides = array<i32>} : memref<40x128xf32, #tpu.memory_space<vmem>>, vector<1x16xf32>,
      }
      %scan3A_667 = arith.constant 40 : i32
      %dma_wait3A_668 = arith.constant 3 : i32
      %dma_wait3A_669 = arith.constant 0 : i32
      %dma_wait3A_670 = arith.constant 0 : i32
      %dma_wait3A_671 = tpu.memref_slice %arg6[%arg1, %dma_wait3A_668, %dma_wait3A_669, %dma_wait3A_670] : memref<16x5x40x128xf32, #tpu.memory_space<vmem_shared>> -> memref<1x1x40x128xf32, #tpu.memory_space<vmem_shared>>
      %dma_wait3A_672 = tpu.memref_squeeze %dma_wait3A_671 : memref<1x1x40x128xf32, #tpu.memory_space<vmem_shared>> -> memref<40x128xf32, #tpu.memory_space<vmem_shared>>
      %dma_wait3A_673 = arith.constant 0 : i32
      %dma_wait3A_674 = arith.constant 0 : i32
      %dma_wait3A_675 = tpu.memref_slice %arg6[%arg1, %dma_wait3A_668, %dma_wait3A_673, %dma_wait3A_674] : memref<16x5x40x128xf32, #tpu.memory_space<vmem_shared>> -> memref<1x1x40x128xf32, #tpu.memory_space<vmem_shared>>
      %dma_wait3A_676 = tpu.memref_squeeze %dma_wait3A_675 : memref<1x1x40x128xf32, #tpu.memory_space<vmem_shared>> -> memref<40x128xf32, #tpu.memory_space<vmem_shared>>
      tpu.wait_dma2 semaphore(%arg32 : memref<!tpu.dma_semaphore, #tpu.memory_space<semaphore_mem>>) src(%arg12 : memref<40x128xf32, #tpu.memory_space<vmem>>) dst(%dma_wait3A_676 : memref<40x128xf32, #tpu.memory_space<vmem_shared>>)
      %sub3A = arith.constant 2 : i32
      %sub3A_677 = arith.subi %add3A_650, %sub3A : i32
      %mul3A_678 = arith.constant 40 : i32
      %mul3A_679 = arith.muli %sub3A_677, %mul3A_678 : i32
      %add3A_680 = arith.addi %multiple_of3A, %mul3A_679 : i32
      %multiple_of3A_681 = tpu.assume_multiple %add3A_680, 8 : i32
      %dma_start3A_682 = arith.constant 3 : i32
      %dma_start3A_683 = arith.constant 0 : i32
      %dma_start3A_684 = tpu.memref_slice %arg5[%multiple_of3A_681, %dma_start3A_683] : memref<320000x128xf32, #tpu.memory_space<hbm>> -> memref<40x128xf32, #tpu.memory_space<hbm>>
      %dma_start3A_685 = arith.constant 0 : i32
      %dma_start3A_686 = arith.constant 0 : i32
      %dma_start3A_687 = tpu.memref_slice %arg6[%arg1, %dma_start3A_682, %dma_start3A_685, %dma_start3A_686] : memref<16x5x40x128xf32, #tpu.memory_space<vmem_shared>> -> memref<1x1x40x128xf32, #tpu.memory_space<vmem_shared>>
      %dma_start3A_688 = tpu.memref_squeeze %dma_start3A_687 : memref<1x1x40x128xf32, #tpu.memory_space<vmem_shared>> -> memref<40x128xf32, #tpu.memory_space<vmem_shared>>
      tpu.enqueue_dma source(%dma_start3A_688 : memref<40x128xf32, #tpu.memory_space<vmem_shared>>) target(%dma_start3A_684 : memref<40x128xf32, #tpu.memory_space<hbm>>) target_semaphore(%arg37 : memref<!tpu.dma_semaphore, #tpu.memory_space<semaphore_mem>>)
      %add3A_689 = arith.constant 3 : i32
      %add3A_690 = arith.addi %add3A_650, %add3A_689 : i32
      %mul3A_691 = arith.constant 40 : i32
      %mul3A_692 = arith.muli %add3A_690, %mul3A_691 : i32
      %multiple_of3A_693 = tpu.assume_multiple %mul3A_692, 8 : i32
      %dma_start3A_694 = tpu.memref_slice %arg7[%multiple_of3A_693] : memref<10000xi32, #tpu.memory_space<vmem>> -> memref<40xi32, #tpu.memory_space<vmem>>
      %dma_start3A_695 = arith.constant 0 : i32
      %dma_start3A_696 = arith.constant 0 : i32
      %dma_start3A_697 = tpu.memref_slice %arg2[%dma_start3A_695, %dma_start3A_696] : memref<10000x128xf32, #tpu.memory_space<hbm>> -> memref<10000x128xf32, #tpu.memory_space<hbm>>
      tpu.enqueue_indirect_dma source(%dma_start3A_697 : memref<10000x128xf32, #tpu.memory_space<hbm>>) target(%arg12 : memref<40x128xf32, #tpu.memory_space<vmem>>) offsets(%dma_start3A_694 : memref<40xi32, #tpu.memory_space<vmem>>) semaphore(%arg22 : memref<!tpu.dma_semaphore, #tpu.memory_space<semaphore_mem>>)
      %dma_start3A_698 = tpu.memref_slice %arg8[%multiple_of3A_693] : memref<10000xi32, #tpu.memory_space<vmem>> -> memref<40xi32, #tpu.memory_space<vmem>>
      %dma_start3A_699 = arith.constant 0 : i32
      %dma_start3A_700 = arith.constant 0 : i32
      %dma_start3A_701 = tpu.memref_slice %arg2[%dma_start3A_699, %dma_start3A_700] : memref<10000x128xf32, #tpu.memory_space<hbm>> -> memref<10000x128xf32, #tpu.memory_space<hbm>>
      tpu.enqueue_indirect_dma source(%dma_start3A_701 : memref<10000x128xf32, #tpu.memory_space<hbm>>) target(%arg17 : memref<40x128xf32, #tpu.memory_space<vmem>>) offsets(%dma_start3A_698 : memref<40xi32, #tpu.memory_space<vmem>>) semaphore(%arg27 : memref<!tpu.dma_semaphore, #tpu.memory_space<semaphore_mem>>)
      %sub3A_702 = arith.constant 5 : i32
      %sub3A_703 = arith.subi %add3A_650, %sub3A_702 : i32
      %mul3A_704 = arith.constant 40 : i32
      %mul3A_705 = arith.muli %sub3A_703, %mul3A_704 : i32
      %add3A_706 = arith.addi %multiple_of3A, %mul3A_705 : i32
      %multiple_of3A_707 = tpu.assume_multiple %add3A_706, 8 : i32
      %dma_wait3A_708 = arith.constant 0 : i32
      %dma_wait3A_709 = arith.constant 0 : i32
      %dma_wait3A_710 = tpu.memref_slice %arg5[%multiple_of3A_707, %dma_wait3A_709] : memref<320000x128xf32, #tpu.memory_space<hbm>> -> memref<40x128xf32, #tpu.memory_space<hbm>>
      %dma_wait3A_711 = arith.constant 0 : i32
      %dma_wait3A_712 = arith.constant 0 : i32
      %dma_wait3A_713 = tpu.memref_slice %arg6[%arg1, %dma_wait3A_708, %dma_wait3A_711, %dma_wait3A_712] : memref<16x5x40x128xf32, #tpu.memory_space<vmem_shared>> -> memref<1x1x40x128xf32, #tpu.memory_space<vmem_shared>>
      %dma_wait3A_714 = tpu.memref_squeeze %dma_wait3A_713 : memref<1x1x40x128xf32, #tpu.memory_space<vmem_shared>> -> memref<40x128xf32, #tpu.memory_space<vmem_shared>>
      tpu.wait_dma2 semaphore(%arg34 : memref<!tpu.dma_semaphore, #tpu.memory_space<semaphore_mem>>) src(%dma_wait3A_714 : memref<40x128xf32, #tpu.memory_space<vmem_shared>>) dst(%dma_wait3A_710 : memref<40x128xf32, #tpu.memory_space<hbm>>)
      %dma_start3A_715 = arith.constant 0 : i32
      %dma_start3A_716 = arith.constant 0 : i32
      %dma_start3A_717 = arith.constant 0 : i32
      %dma_start3A_718 = tpu.memref_slice %arg6[%arg1, %dma_start3A_715, %dma_start3A_716, %dma_start3A_717] : memref<16x5x40x128xf32, #tpu.memory_space<vmem_shared>> -> memref<1x1x40x128xf32, #tpu.memory_space<vmem_shared>>
      %dma_start3A_719 = tpu.memref_squeeze %dma_start3A_718 : memref<1x1x40x128xf32, #tpu.memory_space<vmem_shared>> -> memref<40x128xf32, #tpu.memory_space<vmem_shared>>
      %dma_start3A_720 = arith.constant 0 : i32
      %dma_start3A_721 = arith.constant 0 : i32
      %dma_start3A_722 = tpu.memref_slice %arg6[%arg1, %dma_start3A_715, %dma_start3A_720, %dma_start3A_721] : memref<16x5x40x128xf32, #tpu.memory_space<vmem_shared>> -> memref<1x1x40x128xf32, #tpu.memory_space<vmem_shared>>
      %dma_start3A_723 = tpu.memref_squeeze %dma_start3A_722 : memref<1x1x40x128xf32, #tpu.memory_space<vmem_shared>> -> memref<40x128xf32, #tpu.memory_space<vmem_shared>>
      tpu.enqueue_dma source(%arg9 : memref<40x128xf32, #tpu.memory_space<vmem>>) target(%dma_start3A_723 : memref<40x128xf32, #tpu.memory_space<vmem_shared>>) target_semaphore(%arg29 : memref<!tpu.dma_semaphore, #tpu.memory_space<semaphore_mem>>)
      %add3A_724 = arith.constant 1 : i32
      %add3A_725 = arith.addi %mul3A_648, %add3A_724 : i32
      %mul3A_726 = arith.constant 40 : i32
      %mul3A_727 = arith.muli %add3A_725, %mul3A_726 : i32
      %multiple_of3A_728 = tpu.assume_multiple %mul3A_727, 8 : i32
      %dma_wait3A_729 = tpu.memref_slice %arg7[%multiple_of3A_728] : memref<10000xi32, #tpu.memory_space<vmem>> -> memref<40xi32, #tpu.memory_space<vmem>>
      %dma_wait3A_730 = arith.constant 0 : i32
      %dma_wait3A_731 = arith.constant 0 : i32
      %dma_wait3A_732 = tpu.memref_slice %arg2[%dma_wait3A_730, %dma_wait3A_731] : memref<10000x128xf32, #tpu.memory_space<hbm>> -> memref<10000x128xf32, #tpu.memory_space<hbm>>
      tpu.wait_indirect_dma semaphore(%arg20 : memref<!tpu.dma_semaphore, #tpu.memory_space<semaphore_mem>>) src(%dma_wait3A_732 : memref<10000x128xf32, #tpu.memory_space<hbm>>) dst(%arg10 : memref<40x128xf32, #tpu.memory_space<vmem>>)
      %dma_wait3A_733 = tpu.memref_slice %arg8[%multiple_of3A_728] : memref<10000xi32, #tpu.memory_space<vmem>> -> memref<40xi32, #tpu.memory_space<vmem>>
      %dma_wait3A_734 = arith.constant 0 : i32
      %dma_wait3A_735 = arith.constant 0 : i32
      %dma_wait3A_736 = tpu.memref_slice %arg2[%dma_wait3A_734, %dma_wait3A_735] : memref<10000x128xf32, #tpu.memory_space<hbm>> -> memref<10000x128xf32, #tpu.memory_space<hbm>>
      tpu.wait_indirect_dma semaphore(%arg25 : memref<!tpu.dma_semaphore, #tpu.memory_space<semaphore_mem>>) src(%dma_wait3A_736 : memref<10000x128xf32, #tpu.memory_space<hbm>>) dst(%arg15 : memref<40x128xf32, #tpu.memory_space<vmem>>)
      %scan3A_737 = arith.constant 0 : i32
      %scan3A_738 = arith.constant 0 : i32
      %scan3A_739 = arith.constant 40 : i32
      %scan3A_740 = arith.addi %scan3A_738, %scan3A_739 : i32
      %scan3A_741 = arith.constant 2 : i32
      scf.for %scan3A_1028 = %scan3A_738 to %scan3A_740 step %scan3A_741  : i32 {
        %get3A = arith.index_cast %scan3A_1028 : i32 to index
        %get3A_1029 = arith.constant 0 : index
        %get3A_1030 = tpu.vector_load %arg15[%get3A, %get3A_1029] {strides = array<i32>} : memref<40x128xf32, #tpu.memory_space<vmem>>, vector<1x16xf32>,
        %get3A_1031 = vector.shape_cast %get3A_1030 : vector<1x16xf32> to vector<16xf32>
        %swap3A = arith.index_cast %scan3A_1028 : i32 to index
        %swap3A_1032 = arith.constant 0 : index
        %swap3A_1033 = tpu.vector_load %arg10[%swap3A, %swap3A_1032] {strides = array<i32>} : memref<40x128xf32, #tpu.memory_space<vmem>>, vector<1x16xf32>,
        %swap3A_1034 = vector.shape_cast %swap3A_1033 : vector<1x16xf32> to vector<16xf32>
        %swap3A_1035 = vector.shape_cast %get3A_1031 : vector<16xf32> to vector<1x16xf32>
        tpu.vector_store %arg10[%swap3A, %swap3A_1032], %swap3A_1035 {add = true, strides = array<i32>} : memref<40x128xf32, #tpu.memory_space<vmem>>, vector<1x16xf32>,
        %get3A_1036 = arith.index_cast %scan3A_1028 : i32 to index
        %get3A_1037 = arith.constant 16 : index
        %get3A_1038 = tpu.vector_load %arg15[%get3A_1036, %get3A_1037] {strides = array<i32>} : memref<40x128xf32, #tpu.memory_space<vmem>>, vector<1x16xf32>,
        %get3A_1039 = vector.shape_cast %get3A_1038 : vector<1x16xf32> to vector<16xf32>
        %swap3A_1040 = arith.index_cast %scan3A_1028 : i32 to index
        %swap3A_1041 = arith.constant 16 : index
        %swap3A_1042 = tpu.vector_load %arg10[%swap3A_1040, %swap3A_1041] {strides = array<i32>} : memref<40x128xf32, #tpu.memory_space<vmem>>, vector<1x16xf32>,
        %swap3A_1043 = vector.shape_cast %swap3A_1042 : vector<1x16xf32> to vector<16xf32>
        %swap3A_1044 = vector.shape_cast %get3A_1039 : vector<16xf32> to vector<1x16xf32>
        tpu.vector_store %arg10[%swap3A_1040, %swap3A_1041], %swap3A_1044 {add = true, strides = array<i32>} : memref<40x128xf32, #tpu.memory_space<vmem>>, vector<1x16xf32>,
        %get3A_1045 = arith.index_cast %scan3A_1028 : i32 to index
        %get3A_1046 = arith.constant 32 : index
        %get3A_1047 = tpu.vector_load %arg15[%get3A_1045, %get3A_1046] {strides = array<i32>} : memref<40x128xf32, #tpu.memory_space<vmem>>, vector<1x16xf32>,
        %get3A_1048 = vector.shape_cast %get3A_1047 : vector<1x16xf32> to vector<16xf32>
        %swap3A_1049 = arith.index_cast %scan3A_1028 : i32 to index
        %swap3A_1050 = arith.constant 32 : index
        %swap3A_1051 = tpu.vector_load %arg10[%swap3A_1049, %swap3A_1050] {strides = array<i32>} : memref<40x128xf32, #tpu.memory_space<vmem>>, vector<1x16xf32>,
        %swap3A_1052 = vector.shape_cast %swap3A_1051 : vector<1x16xf32> to vector<16xf32>
        %swap3A_1053 = vector.shape_cast %get3A_1048 : vector<16xf32> to vector<1x16xf32>
        tpu.vector_store %arg10[%swap3A_1049, %swap3A_1050], %swap3A_1053 {add = true, strides = array<i32>} : memref<40x128xf32, #tpu.memory_space<vmem>>, vector<1x16xf32>,
        %get3A_1054 = arith.index_cast %scan3A_1028 : i32 to index
        %get3A_1055 = arith.constant 48 : index
        %get3A_1056 = tpu.vector_load %arg15[%get3A_1054, %get3A_1055] {strides = array<i32>} : memref<40x128xf32, #tpu.memory_space<vmem>>, vector<1x16xf32>,
        %get3A_1057 = vector.shape_cast %get3A_1056 : vector<1x16xf32> to vector<16xf32>
        %swap3A_1058 = arith.index_cast %scan3A_1028 : i32 to index
        %swap3A_1059 = arith.constant 48 : index
        %swap3A_1060 = tpu.vector_load %arg10[%swap3A_1058, %swap3A_1059] {strides = array<i32>} : memref<40x128xf32, #tpu.memory_space<vmem>>, vector<1x16xf32>,
        %swap3A_1061 = vector.shape_cast %swap3A_1060 : vector<1x16xf32> to vector<16xf32>
        %swap3A_1062 = vector.shape_cast %get3A_1057 : vector<16xf32> to vector<1x16xf32>
        tpu.vector_store %arg10[%swap3A_1058, %swap3A_1059], %swap3A_1062 {add = true, strides = array<i32>} : memref<40x128xf32, #tpu.memory_space<vmem>>, vector<1x16xf32>,
        %get3A_1063 = arith.index_cast %scan3A_1028 : i32 to index
        %get3A_1064 = arith.constant 64 : index
        %get3A_1065 = tpu.vector_load %arg15[%get3A_1063, %get3A_1064] {strides = array<i32>} : memref<40x128xf32, #tpu.memory_space<vmem>>, vector<1x16xf32>,
        %get3A_1066 = vector.shape_cast %get3A_1065 : vector<1x16xf32> to vector<16xf32>
        %swap3A_1067 = arith.index_cast %scan3A_1028 : i32 to index
        %swap3A_1068 = arith.constant 64 : index
        %swap3A_1069 = tpu.vector_load %arg10[%swap3A_1067, %swap3A_1068] {strides = array<i32>} : memref<40x128xf32, #tpu.memory_space<vmem>>, vector<1x16xf32>,
        %swap3A_1070 = vector.shape_cast %swap3A_1069 : vector<1x16xf32> to vector<16xf32>
        %swap3A_1071 = vector.shape_cast %get3A_1066 : vector<16xf32> to vector<1x16xf32>
        tpu.vector_store %arg10[%swap3A_1067, %swap3A_1068], %swap3A_1071 {add = true, strides = array<i32>} : memref<40x128xf32, #tpu.memory_space<vmem>>, vector<1x16xf32>,
        %get3A_1072 = arith.index_cast %scan3A_1028 : i32 to index
        %get3A_1073 = arith.constant 80 : index
        %get3A_1074 = tpu.vector_load %arg15[%get3A_1072, %get3A_1073] {strides = array<i32>} : memref<40x128xf32, #tpu.memory_space<vmem>>, vector<1x16xf32>,
        %get3A_1075 = vector.shape_cast %get3A_1074 : vector<1x16xf32> to vector<16xf32>
        %swap3A_1076 = arith.index_cast %scan3A_1028 : i32 to index
        %swap3A_1077 = arith.constant 80 : index
        %swap3A_1078 = tpu.vector_load %arg10[%swap3A_1076, %swap3A_1077] {strides = array<i32>} : memref<40x128xf32, #tpu.memory_space<vmem>>, vector<1x16xf32>,
        %swap3A_1079 = vector.shape_cast %swap3A_1078 : vector<1x16xf32> to vector<16xf32>
        %swap3A_1080 = vector.shape_cast %get3A_1075 : vector<16xf32> to vector<1x16xf32>
        tpu.vector_store %arg10[%swap3A_1076, %swap3A_1077], %swap3A_1080 {add = true, strides = array<i32>} : memref<40x128xf32, #tpu.memory_space<vmem>>, vector<1x16xf32>,
        %get3A_1081 = arith.index_cast %scan3A_1028 : i32 to index
        %get3A_1082 = arith.constant 96 : index
        %get3A_1083 = tpu.vector_load %arg15[%get3A_1081, %get3A_1082] {strides = array<i32>} : memref<40x128xf32, #tpu.memory_space<vmem>>, vector<1x16xf32>,
        %get3A_1084 = vector.shape_cast %get3A_1083 : vector<1x16xf32> to vector<16xf32>
        %swap3A_1085 = arith.index_cast %scan3A_1028 : i32 to index
        %swap3A_1086 = arith.constant 96 : index
        %swap3A_1087 = tpu.vector_load %arg10[%swap3A_1085, %swap3A_1086] {strides = array<i32>} : memref<40x128xf32, #tpu.memory_space<vmem>>, vector<1x16xf32>,
        %swap3A_1088 = vector.shape_cast %swap3A_1087 : vector<1x16xf32> to vector<16xf32>
        %swap3A_1089 = vector.shape_cast %get3A_1084 : vector<16xf32> to vector<1x16xf32>
        tpu.vector_store %arg10[%swap3A_1085, %swap3A_1086], %swap3A_1089 {add = true, strides = array<i32>} : memref<40x128xf32, #tpu.memory_space<vmem>>, vector<1x16xf32>,
        %get3A_1090 = arith.index_cast %scan3A_1028 : i32 to index
        %get3A_1091 = arith.constant 112 : index
        %get3A_1092 = tpu.vector_load %arg15[%get3A_1090, %get3A_1091] {strides = array<i32>} : memref<40x128xf32, #tpu.memory_space<vmem>>, vector<1x16xf32>,
        %get3A_1093 = vector.shape_cast %get3A_1092 : vector<1x16xf32> to vector<16xf32>
        %swap3A_1094 = arith.index_cast %scan3A_1028 : i32 to index
        %swap3A_1095 = arith.constant 112 : index
        %swap3A_1096 = tpu.vector_load %arg10[%swap3A_1094, %swap3A_1095] {strides = array<i32>} : memref<40x128xf32, #tpu.memory_space<vmem>>, vector<1x16xf32>,
        %swap3A_1097 = vector.shape_cast %swap3A_1096 : vector<1x16xf32> to vector<16xf32>
        %swap3A_1098 = vector.shape_cast %get3A_1093 : vector<16xf32> to vector<1x16xf32>
        tpu.vector_store %arg10[%swap3A_1094, %swap3A_1095], %swap3A_1098 {add = true, strides = array<i32>} : memref<40x128xf32, #tpu.memory_space<vmem>>, vector<1x16xf32>,
        %scan3A_1099 = arith.constant 1 : i32
        %scan3A_1100 = arith.addi %scan3A_1028, %scan3A_1099 : i32
        %get3A_1101 = arith.index_cast %scan3A_1100 : i32 to index
        %get3A_1102 = arith.constant 0 : index
        %get3A_1103 = tpu.vector_load %arg15[%get3A_1101, %get3A_1102] {strides = array<i32>} : memref<40x128xf32, #tpu.memory_space<vmem>>, vector<1x16xf32>,
        %get3A_1104 = vector.shape_cast %get3A_1103 : vector<1x16xf32> to vector<16xf32>
        %swap3A_1105 = arith.index_cast %scan3A_1100 : i32 to index
        %swap3A_1106 = arith.constant 0 : index
        %swap3A_1107 = tpu.vector_load %arg10[%swap3A_1105, %swap3A_1106] {strides = array<i32>} : memref<40x128xf32, #tpu.memory_space<vmem>>, vector<1x16xf32>,
        %swap3A_1108 = vector.shape_cast %swap3A_1107 : vector<1x16xf32> to vector<16xf32>
        %swap3A_1109 = vector.shape_cast %get3A_1104 : vector<16xf32> to vector<1x16xf32>
        tpu.vector_store %arg10[%swap3A_1105, %swap3A_1106], %swap3A_1109 {add = true, strides = array<i32>} : memref<40x128xf32, #tpu.memory_space<vmem>>, vector<1x16xf32>,
        %get3A_1110 = arith.index_cast %scan3A_1100 : i32 to index
        %get3A_1111 = arith.constant 16 : index
        %get3A_1112 = tpu.vector_load %arg15[%get3A_1110, %get3A_1111] {strides = array<i32>} : memref<40x128xf32, #tpu.memory_space<vmem>>, vector<1x16xf32>,
        %get3A_1113 = vector.shape_cast %get3A_1112 : vector<1x16xf32> to vector<16xf32>
        %swap3A_1114 = arith.index_cast %scan3A_1100 : i32 to index
        %swap3A_1115 = arith.constant 16 : index
        %swap3A_1116 = tpu.vector_load %arg10[%swap3A_1114, %swap3A_1115] {strides = array<i32>} : memref<40x128xf32, #tpu.memory_space<vmem>>, vector<1x16xf32>,
        %swap3A_1117 = vector.shape_cast %swap3A_1116 : vector<1x16xf32> to vector<16xf32>
        %swap3A_1118 = vector.shape_cast %get3A_1113 : vector<16xf32> to vector<1x16xf32>
        tpu.vector_store %arg10[%swap3A_1114, %swap3A_1115], %swap3A_1118 {add = true, strides = array<i32>} : memref<40x128xf32, #tpu.memory_space<vmem>>, vector<1x16xf32>,
        %get3A_1119 = arith.index_cast %scan3A_1100 : i32 to index
        %get3A_1120 = arith.constant 32 : index
        %get3A_1121 = tpu.vector_load %arg15[%get3A_1119, %get3A_1120] {strides = array<i32>} : memref<40x128xf32, #tpu.memory_space<vmem>>, vector<1x16xf32>,
        %get3A_1122 = vector.shape_cast %get3A_1121 : vector<1x16xf32> to vector<16xf32>
        %swap3A_1123 = arith.index_cast %scan3A_1100 : i32 to index
        %swap3A_1124 = arith.constant 32 : index
        %swap3A_1125 = tpu.vector_load %arg10[%swap3A_1123, %swap3A_1124] {strides = array<i32>} : memref<40x128xf32, #tpu.memory_space<vmem>>, vector<1x16xf32>,
        %swap3A_1126 = vector.shape_cast %swap3A_1125 : vector<1x16xf32> to vector<16xf32>
        %swap3A_1127 = vector.shape_cast %get3A_1122 : vector<16xf32> to vector<1x16xf32>
        tpu.vector_store %arg10[%swap3A_1123, %swap3A_1124], %swap3A_1127 {add = true, strides = array<i32>} : memref<40x128xf32, #tpu.memory_space<vmem>>, vector<1x16xf32>,
        %get3A_1128 = arith.index_cast %scan3A_1100 : i32 to index
        %get3A_1129 = arith.constant 48 : index
        %get3A_1130 = tpu.vector_load %arg15[%get3A_1128, %get3A_1129] {strides = array<i32>} : memref<40x128xf32, #tpu.memory_space<vmem>>, vector<1x16xf32>,
        %get3A_1131 = vector.shape_cast %get3A_1130 : vector<1x16xf32> to vector<16xf32>
        %swap3A_1132 = arith.index_cast %scan3A_1100 : i32 to index
        %swap3A_1133 = arith.constant 48 : index
        %swap3A_1134 = tpu.vector_load %arg10[%swap3A_1132, %swap3A_1133] {strides = array<i32>} : memref<40x128xf32, #tpu.memory_space<vmem>>, vector<1x16xf32>,
        %swap3A_1135 = vector.shape_cast %swap3A_1134 : vector<1x16xf32> to vector<16xf32>
        %swap3A_1136 = vector.shape_cast %get3A_1131 : vector<16xf32> to vector<1x16xf32>
        tpu.vector_store %arg10[%swap3A_1132, %swap3A_1133], %swap3A_1136 {add = true, strides = array<i32>} : memref<40x128xf32, #tpu.memory_space<vmem>>, vector<1x16xf32>,
        %get3A_1137 = arith.index_cast %scan3A_1100 : i32 to index
        %get3A_1138 = arith.constant 64 : index
        %get3A_1139 = tpu.vector_load %arg15[%get3A_1137, %get3A_1138] {strides = array<i32>} : memref<40x128xf32, #tpu.memory_space<vmem>>, vector<1x16xf32>,
        %get3A_1140 = vector.shape_cast %get3A_1139 : vector<1x16xf32> to vector<16xf32>
        %swap3A_1141 = arith.index_cast %scan3A_1100 : i32 to index
        %swap3A_1142 = arith.constant 64 : index
        %swap3A_1143 = tpu.vector_load %arg10[%swap3A_1141, %swap3A_1142] {strides = array<i32>} : memref<40x128xf32, #tpu.memory_space<vmem>>, vector<1x16xf32>,
        %swap3A_1144 = vector.shape_cast %swap3A_1143 : vector<1x16xf32> to vector<16xf32>
        %swap3A_1145 = vector.shape_cast %get3A_1140 : vector<16xf32> to vector<1x16xf32>
        tpu.vector_store %arg10[%swap3A_1141, %swap3A_1142], %swap3A_1145 {add = true, strides = array<i32>} : memref<40x128xf32, #tpu.memory_space<vmem>>, vector<1x16xf32>,
        %get3A_1146 = arith.index_cast %scan3A_1100 : i32 to index
        %get3A_1147 = arith.constant 80 : index
        %get3A_1148 = tpu.vector_load %arg15[%get3A_1146, %get3A_1147] {strides = array<i32>} : memref<40x128xf32, #tpu.memory_space<vmem>>, vector<1x16xf32>,
        %get3A_1149 = vector.shape_cast %get3A_1148 : vector<1x16xf32> to vector<16xf32>
        %swap3A_1150 = arith.index_cast %scan3A_1100 : i32 to index
        %swap3A_1151 = arith.constant 80 : index
        %swap3A_1152 = tpu.vector_load %arg10[%swap3A_1150, %swap3A_1151] {strides = array<i32>} : memref<40x128xf32, #tpu.memory_space<vmem>>, vector<1x16xf32>,
        %swap3A_1153 = vector.shape_cast %swap3A_1152 : vector<1x16xf32> to vector<16xf32>
        %swap3A_1154 = vector.shape_cast %get3A_1149 : vector<16xf32> to vector<1x16xf32>
        tpu.vector_store %arg10[%swap3A_1150, %swap3A_1151], %swap3A_1154 {add = true, strides = array<i32>} : memref<40x128xf32, #tpu.memory_space<vmem>>, vector<1x16xf32>,
        %get3A_1155 = arith.index_cast %scan3A_1100 : i32 to index
        %get3A_1156 = arith.constant 96 : index
        %get3A_1157 = tpu.vector_load %arg15[%get3A_1155, %get3A_1156] {strides = array<i32>} : memref<40x128xf32, #tpu.memory_space<vmem>>, vector<1x16xf32>,
        %get3A_1158 = vector.shape_cast %get3A_1157 : vector<1x16xf32> to vector<16xf32>
        %swap3A_1159 = arith.index_cast %scan3A_1100 : i32 to index
        %swap3A_1160 = arith.constant 96 : index
        %swap3A_1161 = tpu.vector_load %arg10[%swap3A_1159, %swap3A_1160] {strides = array<i32>} : memref<40x128xf32, #tpu.memory_space<vmem>>, vector<1x16xf32>,
        %swap3A_1162 = vector.shape_cast %swap3A_1161 : vector<1x16xf32> to vector<16xf32>
        %swap3A_1163 = vector.shape_cast %get3A_1158 : vector<16xf32> to vector<1x16xf32>
        tpu.vector_store %arg10[%swap3A_1159, %swap3A_1160], %swap3A_1163 {add = true, strides = array<i32>} : memref<40x128xf32, #tpu.memory_space<vmem>>, vector<1x16xf32>,
        %get3A_1164 = arith.index_cast %scan3A_1100 : i32 to index
        %get3A_1165 = arith.constant 112 : index
        %get3A_1166 = tpu.vector_load %arg15[%get3A_1164, %get3A_1165] {strides = array<i32>} : memref<40x128xf32, #tpu.memory_space<vmem>>, vector<1x16xf32>,
        %get3A_1167 = vector.shape_cast %get3A_1166 : vector<1x16xf32> to vector<16xf32>
        %swap3A_1168 = arith.index_cast %scan3A_1100 : i32 to index
        %swap3A_1169 = arith.constant 112 : index
        %swap3A_1170 = tpu.vector_load %arg10[%swap3A_1168, %swap3A_1169] {strides = array<i32>} : memref<40x128xf32, #tpu.memory_space<vmem>>, vector<1x16xf32>,
        %swap3A_1171 = vector.shape_cast %swap3A_1170 : vector<1x16xf32> to vector<16xf32>
        %swap3A_1172 = vector.shape_cast %get3A_1167 : vector<16xf32> to vector<1x16xf32>
        tpu.vector_store %arg10[%swap3A_1168, %swap3A_1169], %swap3A_1172 {add = true, strides = array<i32>} : memref<40x128xf32, #tpu.memory_space<vmem>>, vector<1x16xf32>,
      }
      %scan3A_742 = arith.constant 40 : i32
      %dma_wait3A_743 = arith.constant 4 : i32
      %dma_wait3A_744 = arith.constant 0 : i32
      %dma_wait3A_745 = arith.constant 0 : i32
      %dma_wait3A_746 = tpu.memref_slice %arg6[%arg1, %dma_wait3A_743, %dma_wait3A_744, %dma_wait3A_745] : memref<16x5x40x128xf32, #tpu.memory_space<vmem_shared>> -> memref<1x1x40x128xf32, #tpu.memory_space<vmem_shared>>
      %dma_wait3A_747 = tpu.memref_squeeze %dma_wait3A_746 : memref<1x1x40x128xf32, #tpu.memory_space<vmem_shared>> -> memref<40x128xf32, #tpu.memory_space<vmem_shared>>
      %dma_wait3A_748 = arith.constant 0 : i32
      %dma_wait3A_749 = arith.constant 0 : i32
      %dma_wait3A_750 = tpu.memref_slice %arg6[%arg1, %dma_wait3A_743, %dma_wait3A_748, %dma_wait3A_749] : memref<16x5x40x128xf32, #tpu.memory_space<vmem_shared>> -> memref<1x1x40x128xf32, #tpu.memory_space<vmem_shared>>
      %dma_wait3A_751 = tpu.memref_squeeze %dma_wait3A_750 : memref<1x1x40x128xf32, #tpu.memory_space<vmem_shared>> -> memref<40x128xf32, #tpu.memory_space<vmem_shared>>
      tpu.wait_dma2 semaphore(%arg33 : memref<!tpu.dma_semaphore, #tpu.memory_space<semaphore_mem>>) src(%arg13 : memref<40x128xf32, #tpu.memory_space<vmem>>) dst(%dma_wait3A_751 : memref<40x128xf32, #tpu.memory_space<vmem_shared>>)
      %sub3A_752 = arith.constant 2 : i32
      %sub3A_753 = arith.subi %add3A_725, %sub3A_752 : i32
      %mul3A_754 = arith.constant 40 : i32
      %mul3A_755 = arith.muli %sub3A_753, %mul3A_754 : i32
      %add3A_756 = arith.addi %multiple_of3A, %mul3A_755 : i32
      %multiple_of3A_757 = tpu.assume_multiple %add3A_756, 8 : i32
      %dma_start3A_758 = arith.constant 4 : i32
      %dma_start3A_759 = arith.constant 0 : i32
      %dma_start3A_760 = tpu.memref_slice %arg5[%multiple_of3A_757, %dma_start3A_759] : memref<320000x128xf32, #tpu.memory_space<hbm>> -> memref<40x128xf32, #tpu.memory_space<hbm>>
      %dma_start3A_761 = arith.constant 0 : i32
      %dma_start3A_762 = arith.constant 0 : i32
      %dma_start3A_763 = tpu.memref_slice %arg6[%arg1, %dma_start3A_758, %dma_start3A_761, %dma_start3A_762] : memref<16x5x40x128xf32, #tpu.memory_space<vmem_shared>> -> memref<1x1x40x128xf32, #tpu.memory_space<vmem_shared>>
      %dma_start3A_764 = tpu.memref_squeeze %dma_start3A_763 : memref<1x1x40x128xf32, #tpu.memory_space<vmem_shared>> -> memref<40x128xf32, #tpu.memory_space<vmem_shared>>
      tpu.enqueue_dma source(%dma_start3A_764 : memref<40x128xf32, #tpu.memory_space<vmem_shared>>) target(%dma_start3A_760 : memref<40x128xf32, #tpu.memory_space<hbm>>) target_semaphore(%arg38 : memref<!tpu.dma_semaphore, #tpu.memory_space<semaphore_mem>>)
      %add3A_765 = arith.constant 3 : i32
      %add3A_766 = arith.addi %add3A_725, %add3A_765 : i32
      %mul3A_767 = arith.constant 40 : i32
      %mul3A_768 = arith.muli %add3A_766, %mul3A_767 : i32
      %multiple_of3A_769 = tpu.assume_multiple %mul3A_768, 8 : i32
      %dma_start3A_770 = tpu.memref_slice %arg7[%multiple_of3A_769] : memref<10000xi32, #tpu.memory_space<vmem>> -> memref<40xi32, #tpu.memory_space<vmem>>
      %dma_start3A_771 = arith.constant 0 : i32
      %dma_start3A_772 = arith.constant 0 : i32
      %dma_start3A_773 = tpu.memref_slice %arg2[%dma_start3A_771, %dma_start3A_772] : memref<10000x128xf32, #tpu.memory_space<hbm>> -> memref<10000x128xf32, #tpu.memory_space<hbm>>
      tpu.enqueue_indirect_dma source(%dma_start3A_773 : memref<10000x128xf32, #tpu.memory_space<hbm>>) target(%arg13 : memref<40x128xf32, #tpu.memory_space<vmem>>) offsets(%dma_start3A_770 : memref<40xi32, #tpu.memory_space<vmem>>) semaphore(%arg23 : memref<!tpu.dma_semaphore, #tpu.memory_space<semaphore_mem>>)
      %dma_start3A_774 = tpu.memref_slice %arg8[%multiple_of3A_769] : memref<10000xi32, #tpu.memory_space<vmem>> -> memref<40xi32, #tpu.memory_space<vmem>>
      %dma_start3A_775 = arith.constant 0 : i32
      %dma_start3A_776 = arith.constant 0 : i32
      %dma_start3A_777 = tpu.memref_slice %arg2[%dma_start3A_775, %dma_start3A_776] : memref<10000x128xf32, #tpu.memory_space<hbm>> -> memref<10000x128xf32, #tpu.memory_space<hbm>>
      tpu.enqueue_indirect_dma source(%dma_start3A_777 : memref<10000x128xf32, #tpu.memory_space<hbm>>) target(%arg18 : memref<40x128xf32, #tpu.memory_space<vmem>>) offsets(%dma_start3A_774 : memref<40xi32, #tpu.memory_space<vmem>>) semaphore(%arg28 : memref<!tpu.dma_semaphore, #tpu.memory_space<semaphore_mem>>)
      %sub3A_778 = arith.constant 5 : i32
      %sub3A_779 = arith.subi %add3A_725, %sub3A_778 : i32
      %mul3A_780 = arith.constant 40 : i32
      %mul3A_781 = arith.muli %sub3A_779, %mul3A_780 : i32
      %add3A_782 = arith.addi %multiple_of3A, %mul3A_781 : i32
      %multiple_of3A_783 = tpu.assume_multiple %add3A_782, 8 : i32
      %dma_wait3A_784 = arith.constant 1 : i32
      %dma_wait3A_785 = arith.constant 0 : i32
      %dma_wait3A_786 = tpu.memref_slice %arg5[%multiple_of3A_783, %dma_wait3A_785] : memref<320000x128xf32, #tpu.memory_space<hbm>> -> memref<40x128xf32, #tpu.memory_space<hbm>>
      %dma_wait3A_787 = arith.constant 0 : i32
      %dma_wait3A_788 = arith.constant 0 : i32
      %dma_wait3A_789 = tpu.memref_slice %arg6[%arg1, %dma_wait3A_784, %dma_wait3A_787, %dma_wait3A_788] : memref<16x5x40x128xf32, #tpu.memory_space<vmem_shared>> -> memref<1x1x40x128xf32, #tpu.memory_space<vmem_shared>>
      %dma_wait3A_790 = tpu.memref_squeeze %dma_wait3A_789 : memref<1x1x40x128xf32, #tpu.memory_space<vmem_shared>> -> memref<40x128xf32, #tpu.memory_space<vmem_shared>>
      tpu.wait_dma2 semaphore(%arg35 : memref<!tpu.dma_semaphore, #tpu.memory_space<semaphore_mem>>) src(%dma_wait3A_790 : memref<40x128xf32, #tpu.memory_space<vmem_shared>>) dst(%dma_wait3A_786 : memref<40x128xf32, #tpu.memory_space<hbm>>)
      %dma_start3A_791 = arith.constant 1 : i32
      %dma_start3A_792 = arith.constant 0 : i32
      %dma_start3A_793 = arith.constant 0 : i32
      %dma_start3A_794 = tpu.memref_slice %arg6[%arg1, %dma_start3A_791, %dma_start3A_792, %dma_start3A_793] : memref<16x5x40x128xf32, #tpu.memory_space<vmem_shared>> -> memref<1x1x40x128xf32, #tpu.memory_space<vmem_shared>>
      %dma_start3A_795 = tpu.memref_squeeze %dma_start3A_794 : memref<1x1x40x128xf32, #tpu.memory_space<vmem_shared>> -> memref<40x128xf32, #tpu.memory_space<vmem_shared>>
      %dma_start3A_796 = arith.constant 0 : i32
      %dma_start3A_797 = arith.constant 0 : i32
      %dma_start3A_798 = tpu.memref_slice %arg6[%arg1, %dma_start3A_791, %dma_start3A_796, %dma_start3A_797] : memref<16x5x40x128xf32, #tpu.memory_space<vmem_shared>> -> memref<1x1x40x128xf32, #tpu.memory_space<vmem_shared>>
      %dma_start3A_799 = tpu.memref_squeeze %dma_start3A_798 : memref<1x1x40x128xf32, #tpu.memory_space<vmem_shared>> -> memref<40x128xf32, #tpu.memory_space<vmem_shared>>
      tpu.enqueue_dma source(%arg10 : memref<40x128xf32, #tpu.memory_space<vmem>>) target(%dma_start3A_799 : memref<40x128xf32, #tpu.memory_space<vmem_shared>>) target_semaphore(%arg30 : memref<!tpu.dma_semaphore, #tpu.memory_space<semaphore_mem>>)
      %add3A_800 = arith.constant 2 : i32
      %add3A_801 = arith.addi %mul3A_648, %add3A_800 : i32
      %mul3A_802 = arith.constant 40 : i32
      %mul3A_803 = arith.muli %add3A_801, %mul3A_802 : i32
      %multiple_of3A_804 = tpu.assume_multiple %mul3A_803, 8 : i32
      %dma_wait3A_805 = tpu.memref_slice %arg7[%multiple_of3A_804] : memref<10000xi32, #tpu.memory_space<vmem>> -> memref<40xi32, #tpu.memory_space<vmem>>
      %dma_wait3A_806 = arith.constant 0 : i32
      %dma_wait3A_807 = arith.constant 0 : i32
      %dma_wait3A_808 = tpu.memref_slice %arg2[%dma_wait3A_806, %dma_wait3A_807] : memref<10000x128xf32, #tpu.memory_space<hbm>> -> memref<10000x128xf32, #tpu.memory_space<hbm>>
      tpu.wait_indirect_dma semaphore(%arg21 : memref<!tpu.dma_semaphore, #tpu.memory_space<semaphore_mem>>) src(%dma_wait3A_808 : memref<10000x128xf32, #tpu.memory_space<hbm>>) dst(%arg11 : memref<40x128xf32, #tpu.memory_space<vmem>>)
      %dma_wait3A_809 = tpu.memref_slice %arg8[%multiple_of3A_804] : memref<10000xi32, #tpu.memory_space<vmem>> -> memref<40xi32, #tpu.memory_space<vmem>>
      %dma_wait3A_810 = arith.constant 0 : i32
      %dma_wait3A_811 = arith.constant 0 : i32
      %dma_wait3A_812 = tpu.memref_slice %arg2[%dma_wait3A_810, %dma_wait3A_811] : memref<10000x128xf32, #tpu.memory_space<hbm>> -> memref<10000x128xf32, #tpu.memory_space<hbm>>
      tpu.wait_indirect_dma semaphore(%arg26 : memref<!tpu.dma_semaphore, #tpu.memory_space<semaphore_mem>>) src(%dma_wait3A_812 : memref<10000x128xf32, #tpu.memory_space<hbm>>) dst(%arg16 : memref<40x128xf32, #tpu.memory_space<vmem>>)
      %scan3A_813 = arith.constant 0 : i32
      %scan3A_814 = arith.constant 0 : i32
      %scan3A_815 = arith.constant 40 : i32
      %scan3A_816 = arith.addi %scan3A_814, %scan3A_815 : i32
      %scan3A_817 = arith.constant 2 : i32
      scf.for %scan3A_1028 = %scan3A_814 to %scan3A_816 step %scan3A_817  : i32 {
        %get3A = arith.index_cast %scan3A_1028 : i32 to index
        %get3A_1029 = arith.constant 0 : index
        %get3A_1030 = tpu.vector_load %arg16[%get3A, %get3A_1029] {strides = array<i32>} : memref<40x128xf32, #tpu.memory_space<vmem>>, vector<1x16xf32>,
        %get3A_1031 = vector.shape_cast %get3A_1030 : vector<1x16xf32> to vector<16xf32>
        %swap3A = arith.index_cast %scan3A_1028 : i32 to index
        %swap3A_1032 = arith.constant 0 : index
        %swap3A_1033 = tpu.vector_load %arg11[%swap3A, %swap3A_1032] {strides = array<i32>} : memref<40x128xf32, #tpu.memory_space<vmem>>, vector<1x16xf32>,
        %swap3A_1034 = vector.shape_cast %swap3A_1033 : vector<1x16xf32> to vector<16xf32>
        %swap3A_1035 = vector.shape_cast %get3A_1031 : vector<16xf32> to vector<1x16xf32>
        tpu.vector_store %arg11[%swap3A, %swap3A_1032], %swap3A_1035 {add = true, strides = array<i32>} : memref<40x128xf32, #tpu.memory_space<vmem>>, vector<1x16xf32>,
        %get3A_1036 = arith.index_cast %scan3A_1028 : i32 to index
        %get3A_1037 = arith.constant 16 : index
        %get3A_1038 = tpu.vector_load %arg16[%get3A_1036, %get3A_1037] {strides = array<i32>} : memref<40x128xf32, #tpu.memory_space<vmem>>, vector<1x16xf32>,
        %get3A_1039 = vector.shape_cast %get3A_1038 : vector<1x16xf32> to vector<16xf32>
        %swap3A_1040 = arith.index_cast %scan3A_1028 : i32 to index
        %swap3A_1041 = arith.constant 16 : index
        %swap3A_1042 = tpu.vector_load %arg11[%swap3A_1040, %swap3A_1041] {strides = array<i32>} : memref<40x128xf32, #tpu.memory_space<vmem>>, vector<1x16xf32>,
        %swap3A_1043 = vector.shape_cast %swap3A_1042 : vector<1x16xf32> to vector<16xf32>
        %swap3A_1044 = vector.shape_cast %get3A_1039 : vector<16xf32> to vector<1x16xf32>
        tpu.vector_store %arg11[%swap3A_1040, %swap3A_1041], %swap3A_1044 {add = true, strides = array<i32>} : memref<40x128xf32, #tpu.memory_space<vmem>>, vector<1x16xf32>,
        %get3A_1045 = arith.index_cast %scan3A_1028 : i32 to index
        %get3A_1046 = arith.constant 32 : index
        %get3A_1047 = tpu.vector_load %arg16[%get3A_1045, %get3A_1046] {strides = array<i32>} : memref<40x128xf32, #tpu.memory_space<vmem>>, vector<1x16xf32>,
        %get3A_1048 = vector.shape_cast %get3A_1047 : vector<1x16xf32> to vector<16xf32>
        %swap3A_1049 = arith.index_cast %scan3A_1028 : i32 to index
        %swap3A_1050 = arith.constant 32 : index
        %swap3A_1051 = tpu.vector_load %arg11[%swap3A_1049, %swap3A_1050] {strides = array<i32>} : memref<40x128xf32, #tpu.memory_space<vmem>>, vector<1x16xf32>,
        %swap3A_1052 = vector.shape_cast %swap3A_1051 : vector<1x16xf32> to vector<16xf32>
        %swap3A_1053 = vector.shape_cast %get3A_1048 : vector<16xf32> to vector<1x16xf32>
        tpu.vector_store %arg11[%swap3A_1049, %swap3A_1050], %swap3A_1053 {add = true, strides = array<i32>} : memref<40x128xf32, #tpu.memory_space<vmem>>, vector<1x16xf32>,
        %get3A_1054 = arith.index_cast %scan3A_1028 : i32 to index
        %get3A_1055 = arith.constant 48 : index
        %get3A_1056 = tpu.vector_load %arg16[%get3A_1054, %get3A_1055] {strides = array<i32>} : memref<40x128xf32, #tpu.memory_space<vmem>>, vector<1x16xf32>,
        %get3A_1057 = vector.shape_cast %get3A_1056 : vector<1x16xf32> to vector<16xf32>
        %swap3A_1058 = arith.index_cast %scan3A_1028 : i32 to index
        %swap3A_1059 = arith.constant 48 : index
        %swap3A_1060 = tpu.vector_load %arg11[%swap3A_1058, %swap3A_1059] {strides = array<i32>} : memref<40x128xf32, #tpu.memory_space<vmem>>, vector<1x16xf32>,
        %swap3A_1061 = vector.shape_cast %swap3A_1060 : vector<1x16xf32> to vector<16xf32>
        %swap3A_1062 = vector.shape_cast %get3A_1057 : vector<16xf32> to vector<1x16xf32>
        tpu.vector_store %arg11[%swap3A_1058, %swap3A_1059], %swap3A_1062 {add = true, strides = array<i32>} : memref<40x128xf32, #tpu.memory_space<vmem>>, vector<1x16xf32>,
        %get3A_1063 = arith.index_cast %scan3A_1028 : i32 to index
        %get3A_1064 = arith.constant 64 : index
        %get3A_1065 = tpu.vector_load %arg16[%get3A_1063, %get3A_1064] {strides = array<i32>} : memref<40x128xf32, #tpu.memory_space<vmem>>, vector<1x16xf32>,
        %get3A_1066 = vector.shape_cast %get3A_1065 : vector<1x16xf32> to vector<16xf32>
        %swap3A_1067 = arith.index_cast %scan3A_1028 : i32 to index
        %swap3A_1068 = arith.constant 64 : index
        %swap3A_1069 = tpu.vector_load %arg11[%swap3A_1067, %swap3A_1068] {strides = array<i32>} : memref<40x128xf32, #tpu.memory_space<vmem>>, vector<1x16xf32>,
        %swap3A_1070 = vector.shape_cast %swap3A_1069 : vector<1x16xf32> to vector<16xf32>
        %swap3A_1071 = vector.shape_cast %get3A_1066 : vector<16xf32> to vector<1x16xf32>
        tpu.vector_store %arg11[%swap3A_1067, %swap3A_1068], %swap3A_1071 {add = true, strides = array<i32>} : memref<40x128xf32, #tpu.memory_space<vmem>>, vector<1x16xf32>,
        %get3A_1072 = arith.index_cast %scan3A_1028 : i32 to index
        %get3A_1073 = arith.constant 80 : index
        %get3A_1074 = tpu.vector_load %arg16[%get3A_1072, %get3A_1073] {strides = array<i32>} : memref<40x128xf32, #tpu.memory_space<vmem>>, vector<1x16xf32>,
        %get3A_1075 = vector.shape_cast %get3A_1074 : vector<1x16xf32> to vector<16xf32>
        %swap3A_1076 = arith.index_cast %scan3A_1028 : i32 to index
        %swap3A_1077 = arith.constant 80 : index
        %swap3A_1078 = tpu.vector_load %arg11[%swap3A_1076, %swap3A_1077] {strides = array<i32>} : memref<40x128xf32, #tpu.memory_space<vmem>>, vector<1x16xf32>,
        %swap3A_1079 = vector.shape_cast %swap3A_1078 : vector<1x16xf32> to vector<16xf32>
        %swap3A_1080 = vector.shape_cast %get3A_1075 : vector<16xf32> to vector<1x16xf32>
        tpu.vector_store %arg11[%swap3A_1076, %swap3A_1077], %swap3A_1080 {add = true, strides = array<i32>} : memref<40x128xf32, #tpu.memory_space<vmem>>, vector<1x16xf32>,
        %get3A_1081 = arith.index_cast %scan3A_1028 : i32 to index
        %get3A_1082 = arith.constant 96 : index
        %get3A_1083 = tpu.vector_load %arg16[%get3A_1081, %get3A_1082] {strides = array<i32>} : memref<40x128xf32, #tpu.memory_space<vmem>>, vector<1x16xf32>,
        %get3A_1084 = vector.shape_cast %get3A_1083 : vector<1x16xf32> to vector<16xf32>
        %swap3A_1085 = arith.index_cast %scan3A_1028 : i32 to index
        %swap3A_1086 = arith.constant 96 : index
        %swap3A_1087 = tpu.vector_load %arg11[%swap3A_1085, %swap3A_1086] {strides = array<i32>} : memref<40x128xf32, #tpu.memory_space<vmem>>, vector<1x16xf32>,
        %swap3A_1088 = vector.shape_cast %swap3A_1087 : vector<1x16xf32> to vector<16xf32>
        %swap3A_1089 = vector.shape_cast %get3A_1084 : vector<16xf32> to vector<1x16xf32>
        tpu.vector_store %arg11[%swap3A_1085, %swap3A_1086], %swap3A_1089 {add = true, strides = array<i32>} : memref<40x128xf32, #tpu.memory_space<vmem>>, vector<1x16xf32>,
        %get3A_1090 = arith.index_cast %scan3A_1028 : i32 to index
        %get3A_1091 = arith.constant 112 : index
        %get3A_1092 = tpu.vector_load %arg16[%get3A_1090, %get3A_1091] {strides = array<i32>} : memref<40x128xf32, #tpu.memory_space<vmem>>, vector<1x16xf32>,
        %get3A_1093 = vector.shape_cast %get3A_1092 : vector<1x16xf32> to vector<16xf32>
        %swap3A_1094 = arith.index_cast %scan3A_1028 : i32 to index
        %swap3A_1095 = arith.constant 112 : index
        %swap3A_1096 = tpu.vector_load %arg11[%swap3A_1094, %swap3A_1095] {strides = array<i32>} : memref<40x128xf32, #tpu.memory_space<vmem>>, vector<1x16xf32>,
        %swap3A_1097 = vector.shape_cast %swap3A_1096 : vector<1x16xf32> to vector<16xf32>
        %swap3A_1098 = vector.shape_cast %get3A_1093 : vector<16xf32> to vector<1x16xf32>
        tpu.vector_store %arg11[%swap3A_1094, %swap3A_1095], %swap3A_1098 {add = true, strides = array<i32>} : memref<40x128xf32, #tpu.memory_space<vmem>>, vector<1x16xf32>,
        %scan3A_1099 = arith.constant 1 : i32
        %scan3A_1100 = arith.addi %scan3A_1028, %scan3A_1099 : i32
        %get3A_1101 = arith.index_cast %scan3A_1100 : i32 to index
        %get3A_1102 = arith.constant 0 : index
        %get3A_1103 = tpu.vector_load %arg16[%get3A_1101, %get3A_1102] {strides = array<i32>} : memref<40x128xf32, #tpu.memory_space<vmem>>, vector<1x16xf32>,
        %get3A_1104 = vector.shape_cast %get3A_1103 : vector<1x16xf32> to vector<16xf32>
        %swap3A_1105 = arith.index_cast %scan3A_1100 : i32 to index
        %swap3A_1106 = arith.constant 0 : index
        %swap3A_1107 = tpu.vector_load %arg11[%swap3A_1105, %swap3A_1106] {strides = array<i32>} : memref<40x128xf32, #tpu.memory_space<vmem>>, vector<1x16xf32>,
        %swap3A_1108 = vector.shape_cast %swap3A_1107 : vector<1x16xf32> to vector<16xf32>
        %swap3A_1109 = vector.shape_cast %get3A_1104 : vector<16xf32> to vector<1x16xf32>
        tpu.vector_store %arg11[%swap3A_1105, %swap3A_1106], %swap3A_1109 {add = true, strides = array<i32>} : memref<40x128xf32, #tpu.memory_space<vmem>>, vector<1x16xf32>,
        %get3A_1110 = arith.index_cast %scan3A_1100 : i32 to index
        %get3A_1111 = arith.constant 16 : index
        %get3A_1112 = tpu.vector_load %arg16[%get3A_1110, %get3A_1111] {strides = array<i32>} : memref<40x128xf32, #tpu.memory_space<vmem>>, vector<1x16xf32>,
        %get3A_1113 = vector.shape_cast %get3A_1112 : vector<1x16xf32> to vector<16xf32>
        %swap3A_1114 = arith.index_cast %scan3A_1100 : i32 to index
        %swap3A_1115 = arith.constant 16 : index
        %swap3A_1116 = tpu.vector_load %arg11[%swap3A_1114, %swap3A_1115] {strides = array<i32>} : memref<40x128xf32, #tpu.memory_space<vmem>>, vector<1x16xf32>,
        %swap3A_1117 = vector.shape_cast %swap3A_1116 : vector<1x16xf32> to vector<16xf32>
        %swap3A_1118 = vector.shape_cast %get3A_1113 : vector<16xf32> to vector<1x16xf32>
        tpu.vector_store %arg11[%swap3A_1114, %swap3A_1115], %swap3A_1118 {add = true, strides = array<i32>} : memref<40x128xf32, #tpu.memory_space<vmem>>, vector<1x16xf32>,
        %get3A_1119 = arith.index_cast %scan3A_1100 : i32 to index
        %get3A_1120 = arith.constant 32 : index
        %get3A_1121 = tpu.vector_load %arg16[%get3A_1119, %get3A_1120] {strides = array<i32>} : memref<40x128xf32, #tpu.memory_space<vmem>>, vector<1x16xf32>,
        %get3A_1122 = vector.shape_cast %get3A_1121 : vector<1x16xf32> to vector<16xf32>
        %swap3A_1123 = arith.index_cast %scan3A_1100 : i32 to index
        %swap3A_1124 = arith.constant 32 : index
        %swap3A_1125 = tpu.vector_load %arg11[%swap3A_1123, %swap3A_1124] {strides = array<i32>} : memref<40x128xf32, #tpu.memory_space<vmem>>, vector<1x16xf32>,
        %swap3A_1126 = vector.shape_cast %swap3A_1125 : vector<1x16xf32> to vector<16xf32>
        %swap3A_1127 = vector.shape_cast %get3A_1122 : vector<16xf32> to vector<1x16xf32>
        tpu.vector_store %arg11[%swap3A_1123, %swap3A_1124], %swap3A_1127 {add = true, strides = array<i32>} : memref<40x128xf32, #tpu.memory_space<vmem>>, vector<1x16xf32>,
        %get3A_1128 = arith.index_cast %scan3A_1100 : i32 to index
        %get3A_1129 = arith.constant 48 : index
        %get3A_1130 = tpu.vector_load %arg16[%get3A_1128, %get3A_1129] {strides = array<i32>} : memref<40x128xf32, #tpu.memory_space<vmem>>, vector<1x16xf32>,
        %get3A_1131 = vector.shape_cast %get3A_1130 : vector<1x16xf32> to vector<16xf32>
        %swap3A_1132 = arith.index_cast %scan3A_1100 : i32 to index
        %swap3A_1133 = arith.constant 48 : index
        %swap3A_1134 = tpu.vector_load %arg11[%swap3A_1132, %swap3A_1133] {strides = array<i32>} : memref<40x128xf32, #tpu.memory_space<vmem>>, vector<1x16xf32>,
        %swap3A_1135 = vector.shape_cast %swap3A_1134 : vector<1x16xf32> to vector<16xf32>
        %swap3A_1136 = vector.shape_cast %get3A_1131 : vector<16xf32> to vector<1x16xf32>
        tpu.vector_store %arg11[%swap3A_1132, %swap3A_1133], %swap3A_1136 {add = true, strides = array<i32>} : memref<40x128xf32, #tpu.memory_space<vmem>>, vector<1x16xf32>,
        %get3A_1137 = arith.index_cast %scan3A_1100 : i32 to index
        %get3A_1138 = arith.constant 64 : index
        %get3A_1139 = tpu.vector_load %arg16[%get3A_1137, %get3A_1138] {strides = array<i32>} : memref<40x128xf32, #tpu.memory_space<vmem>>, vector<1x16xf32>,
        %get3A_1140 = vector.shape_cast %get3A_1139 : vector<1x16xf32> to vector<16xf32>
        %swap3A_1141 = arith.index_cast %scan3A_1100 : i32 to index
        %swap3A_1142 = arith.constant 64 : index
        %swap3A_1143 = tpu.vector_load %arg11[%swap3A_1141, %swap3A_1142] {strides = array<i32>} : memref<40x128xf32, #tpu.memory_space<vmem>>, vector<1x16xf32>,
        %swap3A_1144 = vector.shape_cast %swap3A_1143 : vector<1x16xf32> to vector<16xf32>
        %swap3A_1145 = vector.shape_cast %get3A_1140 : vector<16xf32> to vector<1x16xf32>
        tpu.vector_store %arg11[%swap3A_1141, %swap3A_1142], %swap3A_1145 {add = true, strides = array<i32>} : memref<40x128xf32, #tpu.memory_space<vmem>>, vector<1x16xf32>,
        %get3A_1146 = arith.index_cast %scan3A_1100 : i32 to index
        %get3A_1147 = arith.constant 80 : index
        %get3A_1148 = tpu.vector_load %arg16[%get3A_1146, %get3A_1147] {strides = array<i32>} : memref<40x128xf32, #tpu.memory_space<vmem>>, vector<1x16xf32>,
        %get3A_1149 = vector.shape_cast %get3A_1148 : vector<1x16xf32> to vector<16xf32>
        %swap3A_1150 = arith.index_cast %scan3A_1100 : i32 to index
        %swap3A_1151 = arith.constant 80 : index
        %swap3A_1152 = tpu.vector_load %arg11[%swap3A_1150, %swap3A_1151] {strides = array<i32>} : memref<40x128xf32, #tpu.memory_space<vmem>>, vector<1x16xf32>,
        %swap3A_1153 = vector.shape_cast %swap3A_1152 : vector<1x16xf32> to vector<16xf32>
        %swap3A_1154 = vector.shape_cast %get3A_1149 : vector<16xf32> to vector<1x16xf32>
        tpu.vector_store %arg11[%swap3A_1150, %swap3A_1151], %swap3A_1154 {add = true, strides = array<i32>} : memref<40x128xf32, #tpu.memory_space<vmem>>, vector<1x16xf32>,
        %get3A_1155 = arith.index_cast %scan3A_1100 : i32 to index
        %get3A_1156 = arith.constant 96 : index
        %get3A_1157 = tpu.vector_load %arg16[%get3A_1155, %get3A_1156] {strides = array<i32>} : memref<40x128xf32, #tpu.memory_space<vmem>>, vector<1x16xf32>,
        %get3A_1158 = vector.shape_cast %get3A_1157 : vector<1x16xf32> to vector<16xf32>
        %swap3A_1159 = arith.index_cast %scan3A_1100 : i32 to index
        %swap3A_1160 = arith.constant 96 : index
        %swap3A_1161 = tpu.vector_load %arg11[%swap3A_1159, %swap3A_1160] {strides = array<i32>} : memref<40x128xf32, #tpu.memory_space<vmem>>, vector<1x16xf32>,
        %swap3A_1162 = vector.shape_cast %swap3A_1161 : vector<1x16xf32> to vector<16xf32>
        %swap3A_1163 = vector.shape_cast %get3A_1158 : vector<16xf32> to vector<1x16xf32>
        tpu.vector_store %arg11[%swap3A_1159, %swap3A_1160], %swap3A_1163 {add = true, strides = array<i32>} : memref<40x128xf32, #tpu.memory_space<vmem>>, vector<1x16xf32>,
        %get3A_1164 = arith.index_cast %scan3A_1100 : i32 to index
        %get3A_1165 = arith.constant 112 : index
        %get3A_1166 = tpu.vector_load %arg16[%get3A_1164, %get3A_1165] {strides = array<i32>} : memref<40x128xf32, #tpu.memory_space<vmem>>, vector<1x16xf32>,
        %get3A_1167 = vector.shape_cast %get3A_1166 : vector<1x16xf32> to vector<16xf32>
        %swap3A_1168 = arith.index_cast %scan3A_1100 : i32 to index
        %swap3A_1169 = arith.constant 112 : index
        %swap3A_1170 = tpu.vector_load %arg11[%swap3A_1168, %swap3A_1169] {strides = array<i32>} : memref<40x128xf32, #tpu.memory_space<vmem>>, vector<1x16xf32>,
        %swap3A_1171 = vector.shape_cast %swap3A_1170 : vector<1x16xf32> to vector<16xf32>
        %swap3A_1172 = vector.shape_cast %get3A_1167 : vector<16xf32> to vector<1x16xf32>
        tpu.vector_store %arg11[%swap3A_1168, %swap3A_1169], %swap3A_1172 {add = true, strides = array<i32>} : memref<40x128xf32, #tpu.memory_space<vmem>>, vector<1x16xf32>,
      }
      %scan3A_818 = arith.constant 40 : i32
      %dma_wait3A_819 = arith.constant 0 : i32
      %dma_wait3A_820 = arith.constant 0 : i32
      %dma_wait3A_821 = arith.constant 0 : i32
      %dma_wait3A_822 = tpu.memref_slice %arg6[%arg1, %dma_wait3A_819, %dma_wait3A_820, %dma_wait3A_821] : memref<16x5x40x128xf32, #tpu.memory_space<vmem_shared>> -> memref<1x1x40x128xf32, #tpu.memory_space<vmem_shared>>
      %dma_wait3A_823 = tpu.memref_squeeze %dma_wait3A_822 : memref<1x1x40x128xf32, #tpu.memory_space<vmem_shared>> -> memref<40x128xf32, #tpu.memory_space<vmem_shared>>
      %dma_wait3A_824 = arith.constant 0 : i32
      %dma_wait3A_825 = arith.constant 0 : i32
      %dma_wait3A_826 = tpu.memref_slice %arg6[%arg1, %dma_wait3A_819, %dma_wait3A_824, %dma_wait3A_825] : memref<16x5x40x128xf32, #tpu.memory_space<vmem_shared>> -> memref<1x1x40x128xf32, #tpu.memory_space<vmem_shared>>
      %dma_wait3A_827 = tpu.memref_squeeze %dma_wait3A_826 : memref<1x1x40x128xf32, #tpu.memory_space<vmem_shared>> -> memref<40x128xf32, #tpu.memory_space<vmem_shared>>
      tpu.wait_dma2 semaphore(%arg29 : memref<!tpu.dma_semaphore, #tpu.memory_space<semaphore_mem>>) src(%arg9 : memref<40x128xf32, #tpu.memory_space<vmem>>) dst(%dma_wait3A_827 : memref<40x128xf32, #tpu.memory_space<vmem_shared>>)
      %sub3A_828 = arith.constant 2 : i32
      %sub3A_829 = arith.subi %add3A_801, %sub3A_828 : i32
      %mul3A_830 = arith.constant 40 : i32
      %mul3A_831 = arith.muli %sub3A_829, %mul3A_830 : i32
      %add3A_832 = arith.addi %multiple_of3A, %mul3A_831 : i32
      %multiple_of3A_833 = tpu.assume_multiple %add3A_832, 8 : i32
      %dma_start3A_834 = arith.constant 0 : i32
      %dma_start3A_835 = arith.constant 0 : i32
      %dma_start3A_836 = tpu.memref_slice %arg5[%multiple_of3A_833, %dma_start3A_835] : memref<320000x128xf32, #tpu.memory_space<hbm>> -> memref<40x128xf32, #tpu.memory_space<hbm>>
      %dma_start3A_837 = arith.constant 0 : i32
      %dma_start3A_838 = arith.constant 0 : i32
      %dma_start3A_839 = tpu.memref_slice %arg6[%arg1, %dma_start3A_834, %dma_start3A_837, %dma_start3A_838] : memref<16x5x40x128xf32, #tpu.memory_space<vmem_shared>> -> memref<1x1x40x128xf32, #tpu.memory_space<vmem_shared>>
      %dma_start3A_840 = tpu.memref_squeeze %dma_start3A_839 : memref<1x1x40x128xf32, #tpu.memory_space<vmem_shared>> -> memref<40x128xf32, #tpu.memory_space<vmem_shared>>
      tpu.enqueue_dma source(%dma_start3A_840 : memref<40x128xf32, #tpu.memory_space<vmem_shared>>) target(%dma_start3A_836 : memref<40x128xf32, #tpu.memory_space<hbm>>) target_semaphore(%arg34 : memref<!tpu.dma_semaphore, #tpu.memory_space<semaphore_mem>>)
      %add3A_841 = arith.constant 3 : i32
      %add3A_842 = arith.addi %add3A_801, %add3A_841 : i32
      %mul3A_843 = arith.constant 40 : i32
      %mul3A_844 = arith.muli %add3A_842, %mul3A_843 : i32
      %multiple_of3A_845 = tpu.assume_multiple %mul3A_844, 8 : i32
      %dma_start3A_846 = tpu.memref_slice %arg7[%multiple_of3A_845] : memref<10000xi32, #tpu.memory_space<vmem>> -> memref<40xi32, #tpu.memory_space<vmem>>
      %dma_start3A_847 = arith.constant 0 : i32
      %dma_start3A_848 = arith.constant 0 : i32
      %dma_start3A_849 = tpu.memref_slice %arg2[%dma_start3A_847, %dma_start3A_848] : memref<10000x128xf32, #tpu.memory_space<hbm>> -> memref<10000x128xf32, #tpu.memory_space<hbm>>
      tpu.enqueue_indirect_dma source(%dma_start3A_849 : memref<10000x128xf32, #tpu.memory_space<hbm>>) target(%arg9 : memref<40x128xf32, #tpu.memory_space<vmem>>) offsets(%dma_start3A_846 : memref<40xi32, #tpu.memory_space<vmem>>) semaphore(%arg19 : memref<!tpu.dma_semaphore, #tpu.memory_space<semaphore_mem>>)
      %dma_start3A_850 = tpu.memref_slice %arg8[%multiple_of3A_845] : memref<10000xi32, #tpu.memory_space<vmem>> -> memref<40xi32, #tpu.memory_space<vmem>>
      %dma_start3A_851 = arith.constant 0 : i32
      %dma_start3A_852 = arith.constant 0 : i32
      %dma_start3A_853 = tpu.memref_slice %arg2[%dma_start3A_851, %dma_start3A_852] : memref<10000x128xf32, #tpu.memory_space<hbm>> -> memref<10000x128xf32, #tpu.memory_space<hbm>>
      tpu.enqueue_indirect_dma source(%dma_start3A_853 : memref<10000x128xf32, #tpu.memory_space<hbm>>) target(%arg14 : memref<40x128xf32, #tpu.memory_space<vmem>>) offsets(%dma_start3A_850 : memref<40xi32, #tpu.memory_space<vmem>>) semaphore(%arg24 : memref<!tpu.dma_semaphore, #tpu.memory_space<semaphore_mem>>)
      %sub3A_854 = arith.constant 5 : i32
      %sub3A_855 = arith.subi %add3A_801, %sub3A_854 : i32
      %mul3A_856 = arith.constant 40 : i32
      %mul3A_857 = arith.muli %sub3A_855, %mul3A_856 : i32
      %add3A_858 = arith.addi %multiple_of3A, %mul3A_857 : i32
      %multiple_of3A_859 = tpu.assume_multiple %add3A_858, 8 : i32
      %dma_wait3A_860 = arith.constant 2 : i32
      %dma_wait3A_861 = arith.constant 0 : i32
      %dma_wait3A_862 = tpu.memref_slice %arg5[%multiple_of3A_859, %dma_wait3A_861] : memref<320000x128xf32, #tpu.memory_space<hbm>> -> memref<40x128xf32, #tpu.memory_space<hbm>>
      %dma_wait3A_863 = arith.constant 0 : i32
      %dma_wait3A_864 = arith.constant 0 : i32
      %dma_wait3A_865 = tpu.memref_slice %arg6[%arg1, %dma_wait3A_860, %dma_wait3A_863, %dma_wait3A_864] : memref<16x5x40x128xf32, #tpu.memory_space<vmem_shared>> -> memref<1x1x40x128xf32, #tpu.memory_space<vmem_shared>>
      %dma_wait3A_866 = tpu.memref_squeeze %dma_wait3A_865 : memref<1x1x40x128xf32, #tpu.memory_space<vmem_shared>> -> memref<40x128xf32, #tpu.memory_space<vmem_shared>>
      tpu.wait_dma2 semaphore(%arg36 : memref<!tpu.dma_semaphore, #tpu.memory_space<semaphore_mem>>) src(%dma_wait3A_866 : memref<40x128xf32, #tpu.memory_space<vmem_shared>>) dst(%dma_wait3A_862 : memref<40x128xf32, #tpu.memory_space<hbm>>)
      %dma_start3A_867 = arith.constant 2 : i32
      %dma_start3A_868 = arith.constant 0 : i32
      %dma_start3A_869 = arith.constant 0 : i32
      %dma_start3A_870 = tpu.memref_slice %arg6[%arg1, %dma_start3A_867, %dma_start3A_868, %dma_start3A_869] : memref<16x5x40x128xf32, #tpu.memory_space<vmem_shared>> -> memref<1x1x40x128xf32, #tpu.memory_space<vmem_shared>>
      %dma_start3A_871 = tpu.memref_squeeze %dma_start3A_870 : memref<1x1x40x128xf32, #tpu.memory_space<vmem_shared>> -> memref<40x128xf32, #tpu.memory_space<vmem_shared>>
      %dma_start3A_872 = arith.constant 0 : i32
      %dma_start3A_873 = arith.constant 0 : i32
      %dma_start3A_874 = tpu.memref_slice %arg6[%arg1, %dma_start3A_867, %dma_start3A_872, %dma_start3A_873] : memref<16x5x40x128xf32, #tpu.memory_space<vmem_shared>> -> memref<1x1x40x128xf32, #tpu.memory_space<vmem_shared>>
      %dma_start3A_875 = tpu.memref_squeeze %dma_start3A_874 : memref<1x1x40x128xf32, #tpu.memory_space<vmem_shared>> -> memref<40x128xf32, #tpu.memory_space<vmem_shared>>
      tpu.enqueue_dma source(%arg11 : memref<40x128xf32, #tpu.memory_space<vmem>>) target(%dma_start3A_875 : memref<40x128xf32, #tpu.memory_space<vmem_shared>>) target_semaphore(%arg31 : memref<!tpu.dma_semaphore, #tpu.memory_space<semaphore_mem>>)
      %add3A_876 = arith.constant 3 : i32
      %add3A_877 = arith.addi %mul3A_648, %add3A_876 : i32
      %mul3A_878 = arith.constant 40 : i32
      %mul3A_879 = arith.muli %add3A_877, %mul3A_878 : i32
      %multiple_of3A_880 = tpu.assume_multiple %mul3A_879, 8 : i32
      %dma_wait3A_881 = tpu.memref_slice %arg7[%multiple_of3A_880] : memref<10000xi32, #tpu.memory_space<vmem>> -> memref<40xi32, #tpu.memory_space<vmem>>
      %dma_wait3A_882 = arith.constant 0 : i32
      %dma_wait3A_883 = arith.constant 0 : i32
      %dma_wait3A_884 = tpu.memref_slice %arg2[%dma_wait3A_882, %dma_wait3A_883] : memref<10000x128xf32, #tpu.memory_space<hbm>> -> memref<10000x128xf32, #tpu.memory_space<hbm>>
      tpu.wait_indirect_dma semaphore(%arg22 : memref<!tpu.dma_semaphore, #tpu.memory_space<semaphore_mem>>) src(%dma_wait3A_884 : memref<10000x128xf32, #tpu.memory_space<hbm>>) dst(%arg12 : memref<40x128xf32, #tpu.memory_space<vmem>>)
      %dma_wait3A_885 = tpu.memref_slice %arg8[%multiple_of3A_880] : memref<10000xi32, #tpu.memory_space<vmem>> -> memref<40xi32, #tpu.memory_space<vmem>>
      %dma_wait3A_886 = arith.constant 0 : i32
      %dma_wait3A_887 = arith.constant 0 : i32
      %dma_wait3A_888 = tpu.memref_slice %arg2[%dma_wait3A_886, %dma_wait3A_887] : memref<10000x128xf32, #tpu.memory_space<hbm>> -> memref<10000x128xf32, #tpu.memory_space<hbm>>
      tpu.wait_indirect_dma semaphore(%arg27 : memref<!tpu.dma_semaphore, #tpu.memory_space<semaphore_mem>>) src(%dma_wait3A_888 : memref<10000x128xf32, #tpu.memory_space<hbm>>) dst(%arg17 : memref<40x128xf32, #tpu.memory_space<vmem>>)
      %scan3A_889 = arith.constant 0 : i32
      %scan3A_890 = arith.constant 0 : i32
      %scan3A_891 = arith.constant 40 : i32
      %scan3A_892 = arith.addi %scan3A_890, %scan3A_891 : i32
      %scan3A_893 = arith.constant 2 : i32
      scf.for %scan3A_1028 = %scan3A_890 to %scan3A_892 step %scan3A_893  : i32 {
        %get3A = arith.index_cast %scan3A_1028 : i32 to index
        %get3A_1029 = arith.constant 0 : index
        %get3A_1030 = tpu.vector_load %arg17[%get3A, %get3A_1029] {strides = array<i32>} : memref<40x128xf32, #tpu.memory_space<vmem>>, vector<1x16xf32>,
        %get3A_1031 = vector.shape_cast %get3A_1030 : vector<1x16xf32> to vector<16xf32>
        %swap3A = arith.index_cast %scan3A_1028 : i32 to index
        %swap3A_1032 = arith.constant 0 : index
        %swap3A_1033 = tpu.vector_load %arg12[%swap3A, %swap3A_1032] {strides = array<i32>} : memref<40x128xf32, #tpu.memory_space<vmem>>, vector<1x16xf32>,
        %swap3A_1034 = vector.shape_cast %swap3A_1033 : vector<1x16xf32> to vector<16xf32>
        %swap3A_1035 = vector.shape_cast %get3A_1031 : vector<16xf32> to vector<1x16xf32>
        tpu.vector_store %arg12[%swap3A, %swap3A_1032], %swap3A_1035 {add = true, strides = array<i32>} : memref<40x128xf32, #tpu.memory_space<vmem>>, vector<1x16xf32>,
        %get3A_1036 = arith.index_cast %scan3A_1028 : i32 to index
        %get3A_1037 = arith.constant 16 : index
        %get3A_1038 = tpu.vector_load %arg17[%get3A_1036, %get3A_1037] {strides = array<i32>} : memref<40x128xf32, #tpu.memory_space<vmem>>, vector<1x16xf32>,
        %get3A_1039 = vector.shape_cast %get3A_1038 : vector<1x16xf32> to vector<16xf32>
        %swap3A_1040 = arith.index_cast %scan3A_1028 : i32 to index
        %swap3A_1041 = arith.constant 16 : index
        %swap3A_1042 = tpu.vector_load %arg12[%swap3A_1040, %swap3A_1041] {strides = array<i32>} : memref<40x128xf32, #tpu.memory_space<vmem>>, vector<1x16xf32>,
        %swap3A_1043 = vector.shape_cast %swap3A_1042 : vector<1x16xf32> to vector<16xf32>
        %swap3A_1044 = vector.shape_cast %get3A_1039 : vector<16xf32> to vector<1x16xf32>
        tpu.vector_store %arg12[%swap3A_1040, %swap3A_1041], %swap3A_1044 {add = true, strides = array<i32>} : memref<40x128xf32, #tpu.memory_space<vmem>>, vector<1x16xf32>,
        %get3A_1045 = arith.index_cast %scan3A_1028 : i32 to index
        %get3A_1046 = arith.constant 32 : index
        %get3A_1047 = tpu.vector_load %arg17[%get3A_1045, %get3A_1046] {strides = array<i32>} : memref<40x128xf32, #tpu.memory_space<vmem>>, vector<1x16xf32>,
        %get3A_1048 = vector.shape_cast %get3A_1047 : vector<1x16xf32> to vector<16xf32>
        %swap3A_1049 = arith.index_cast %scan3A_1028 : i32 to index
        %swap3A_1050 = arith.constant 32 : index
        %swap3A_1051 = tpu.vector_load %arg12[%swap3A_1049, %swap3A_1050] {strides = array<i32>} : memref<40x128xf32, #tpu.memory_space<vmem>>, vector<1x16xf32>,
        %swap3A_1052 = vector.shape_cast %swap3A_1051 : vector<1x16xf32> to vector<16xf32>
        %swap3A_1053 = vector.shape_cast %get3A_1048 : vector<16xf32> to vector<1x16xf32>
        tpu.vector_store %arg12[%swap3A_1049, %swap3A_1050], %swap3A_1053 {add = true, strides = array<i32>} : memref<40x128xf32, #tpu.memory_space<vmem>>, vector<1x16xf32>,
        %get3A_1054 = arith.index_cast %scan3A_1028 : i32 to index
        %get3A_1055 = arith.constant 48 : index
        %get3A_1056 = tpu.vector_load %arg17[%get3A_1054, %get3A_1055] {strides = array<i32>} : memref<40x128xf32, #tpu.memory_space<vmem>>, vector<1x16xf32>,
        %get3A_1057 = vector.shape_cast %get3A_1056 : vector<1x16xf32> to vector<16xf32>
        %swap3A_1058 = arith.index_cast %scan3A_1028 : i32 to index
        %swap3A_1059 = arith.constant 48 : index
        %swap3A_1060 = tpu.vector_load %arg12[%swap3A_1058, %swap3A_1059] {strides = array<i32>} : memref<40x128xf32, #tpu.memory_space<vmem>>, vector<1x16xf32>,
        %swap3A_1061 = vector.shape_cast %swap3A_1060 : vector<1x16xf32> to vector<16xf32>
        %swap3A_1062 = vector.shape_cast %get3A_1057 : vector<16xf32> to vector<1x16xf32>
        tpu.vector_store %arg12[%swap3A_1058, %swap3A_1059], %swap3A_1062 {add = true, strides = array<i32>} : memref<40x128xf32, #tpu.memory_space<vmem>>, vector<1x16xf32>,
        %get3A_1063 = arith.index_cast %scan3A_1028 : i32 to index
        %get3A_1064 = arith.constant 64 : index
        %get3A_1065 = tpu.vector_load %arg17[%get3A_1063, %get3A_1064] {strides = array<i32>} : memref<40x128xf32, #tpu.memory_space<vmem>>, vector<1x16xf32>,
        %get3A_1066 = vector.shape_cast %get3A_1065 : vector<1x16xf32> to vector<16xf32>
        %swap3A_1067 = arith.index_cast %scan3A_1028 : i32 to index
        %swap3A_1068 = arith.constant 64 : index
        %swap3A_1069 = tpu.vector_load %arg12[%swap3A_1067, %swap3A_1068] {strides = array<i32>} : memref<40x128xf32, #tpu.memory_space<vmem>>, vector<1x16xf32>,
        %swap3A_1070 = vector.shape_cast %swap3A_1069 : vector<1x16xf32> to vector<16xf32>
        %swap3A_1071 = vector.shape_cast %get3A_1066 : vector<16xf32> to vector<1x16xf32>
        tpu.vector_store %arg12[%swap3A_1067, %swap3A_1068], %swap3A_1071 {add = true, strides = array<i32>} : memref<40x128xf32, #tpu.memory_space<vmem>>, vector<1x16xf32>,
        %get3A_1072 = arith.index_cast %scan3A_1028 : i32 to index
        %get3A_1073 = arith.constant 80 : index
        %get3A_1074 = tpu.vector_load %arg17[%get3A_1072, %get3A_1073] {strides = array<i32>} : memref<40x128xf32, #tpu.memory_space<vmem>>, vector<1x16xf32>,
        %get3A_1075 = vector.shape_cast %get3A_1074 : vector<1x16xf32> to vector<16xf32>
        %swap3A_1076 = arith.index_cast %scan3A_1028 : i32 to index
        %swap3A_1077 = arith.constant 80 : index
        %swap3A_1078 = tpu.vector_load %arg12[%swap3A_1076, %swap3A_1077] {strides = array<i32>} : memref<40x128xf32, #tpu.memory_space<vmem>>, vector<1x16xf32>,
        %swap3A_1079 = vector.shape_cast %swap3A_1078 : vector<1x16xf32> to vector<16xf32>
        %swap3A_1080 = vector.shape_cast %get3A_1075 : vector<16xf32> to vector<1x16xf32>
        tpu.vector_store %arg12[%swap3A_1076, %swap3A_1077], %swap3A_1080 {add = true, strides = array<i32>} : memref<40x128xf32, #tpu.memory_space<vmem>>, vector<1x16xf32>,
        %get3A_1081 = arith.index_cast %scan3A_1028 : i32 to index
        %get3A_1082 = arith.constant 96 : index
        %get3A_1083 = tpu.vector_load %arg17[%get3A_1081, %get3A_1082] {strides = array<i32>} : memref<40x128xf32, #tpu.memory_space<vmem>>, vector<1x16xf32>,
        %get3A_1084 = vector.shape_cast %get3A_1083 : vector<1x16xf32> to vector<16xf32>
        %swap3A_1085 = arith.index_cast %scan3A_1028 : i32 to index
        %swap3A_1086 = arith.constant 96 : index
        %swap3A_1087 = tpu.vector_load %arg12[%swap3A_1085, %swap3A_1086] {strides = array<i32>} : memref<40x128xf32, #tpu.memory_space<vmem>>, vector<1x16xf32>,
        %swap3A_1088 = vector.shape_cast %swap3A_1087 : vector<1x16xf32> to vector<16xf32>
        %swap3A_1089 = vector.shape_cast %get3A_1084 : vector<16xf32> to vector<1x16xf32>
        tpu.vector_store %arg12[%swap3A_1085, %swap3A_1086], %swap3A_1089 {add = true, strides = array<i32>} : memref<40x128xf32, #tpu.memory_space<vmem>>, vector<1x16xf32>,
        %get3A_1090 = arith.index_cast %scan3A_1028 : i32 to index
        %get3A_1091 = arith.constant 112 : index
        %get3A_1092 = tpu.vector_load %arg17[%get3A_1090, %get3A_1091] {strides = array<i32>} : memref<40x128xf32, #tpu.memory_space<vmem>>, vector<1x16xf32>,
        %get3A_1093 = vector.shape_cast %get3A_1092 : vector<1x16xf32> to vector<16xf32>
        %swap3A_1094 = arith.index_cast %scan3A_1028 : i32 to index
        %swap3A_1095 = arith.constant 112 : index
        %swap3A_1096 = tpu.vector_load %arg12[%swap3A_1094, %swap3A_1095] {strides = array<i32>} : memref<40x128xf32, #tpu.memory_space<vmem>>, vector<1x16xf32>,
        %swap3A_1097 = vector.shape_cast %swap3A_1096 : vector<1x16xf32> to vector<16xf32>
        %swap3A_1098 = vector.shape_cast %get3A_1093 : vector<16xf32> to vector<1x16xf32>
        tpu.vector_store %arg12[%swap3A_1094, %swap3A_1095], %swap3A_1098 {add = true, strides = array<i32>} : memref<40x128xf32, #tpu.memory_space<vmem>>, vector<1x16xf32>,
        %scan3A_1099 = arith.constant 1 : i32
        %scan3A_1100 = arith.addi %scan3A_1028, %scan3A_1099 : i32
        %get3A_1101 = arith.index_cast %scan3A_1100 : i32 to index
        %get3A_1102 = arith.constant 0 : index
        %get3A_1103 = tpu.vector_load %arg17[%get3A_1101, %get3A_1102] {strides = array<i32>} : memref<40x128xf32, #tpu.memory_space<vmem>>, vector<1x16xf32>,
        %get3A_1104 = vector.shape_cast %get3A_1103 : vector<1x16xf32> to vector<16xf32>
        %swap3A_1105 = arith.index_cast %scan3A_1100 : i32 to index
        %swap3A_1106 = arith.constant 0 : index
        %swap3A_1107 = tpu.vector_load %arg12[%swap3A_1105, %swap3A_1106] {strides = array<i32>} : memref<40x128xf32, #tpu.memory_space<vmem>>, vector<1x16xf32>,
        %swap3A_1108 = vector.shape_cast %swap3A_1107 : vector<1x16xf32> to vector<16xf32>
        %swap3A_1109 = vector.shape_cast %get3A_1104 : vector<16xf32> to vector<1x16xf32>
        tpu.vector_store %arg12[%swap3A_1105, %swap3A_1106], %swap3A_1109 {add = true, strides = array<i32>} : memref<40x128xf32, #tpu.memory_space<vmem>>, vector<1x16xf32>,
        %get3A_1110 = arith.index_cast %scan3A_1100 : i32 to index
        %get3A_1111 = arith.constant 16 : index
        %get3A_1112 = tpu.vector_load %arg17[%get3A_1110, %get3A_1111] {strides = array<i32>} : memref<40x128xf32, #tpu.memory_space<vmem>>, vector<1x16xf32>,
        %get3A_1113 = vector.shape_cast %get3A_1112 : vector<1x16xf32> to vector<16xf32>
        %swap3A_1114 = arith.index_cast %scan3A_1100 : i32 to index
        %swap3A_1115 = arith.constant 16 : index
        %swap3A_1116 = tpu.vector_load %arg12[%swap3A_1114, %swap3A_1115] {strides = array<i32>} : memref<40x128xf32, #tpu.memory_space<vmem>>, vector<1x16xf32>,
        %swap3A_1117 = vector.shape_cast %swap3A_1116 : vector<1x16xf32> to vector<16xf32>
        %swap3A_1118 = vector.shape_cast %get3A_1113 : vector<16xf32> to vector<1x16xf32>
        tpu.vector_store %arg12[%swap3A_1114, %swap3A_1115], %swap3A_1118 {add = true, strides = array<i32>} : memref<40x128xf32, #tpu.memory_space<vmem>>, vector<1x16xf32>,
        %get3A_1119 = arith.index_cast %scan3A_1100 : i32 to index
        %get3A_1120 = arith.constant 32 : index
        %get3A_1121 = tpu.vector_load %arg17[%get3A_1119, %get3A_1120] {strides = array<i32>} : memref<40x128xf32, #tpu.memory_space<vmem>>, vector<1x16xf32>,
        %get3A_1122 = vector.shape_cast %get3A_1121 : vector<1x16xf32> to vector<16xf32>
        %swap3A_1123 = arith.index_cast %scan3A_1100 : i32 to index
        %swap3A_1124 = arith.constant 32 : index
        %swap3A_1125 = tpu.vector_load %arg12[%swap3A_1123, %swap3A_1124] {strides = array<i32>} : memref<40x128xf32, #tpu.memory_space<vmem>>, vector<1x16xf32>,
        %swap3A_1126 = vector.shape_cast %swap3A_1125 : vector<1x16xf32> to vector<16xf32>
        %swap3A_1127 = vector.shape_cast %get3A_1122 : vector<16xf32> to vector<1x16xf32>
        tpu.vector_store %arg12[%swap3A_1123, %swap3A_1124], %swap3A_1127 {add = true, strides = array<i32>} : memref<40x128xf32, #tpu.memory_space<vmem>>, vector<1x16xf32>,
        %get3A_1128 = arith.index_cast %scan3A_1100 : i32 to index
        %get3A_1129 = arith.constant 48 : index
        %get3A_1130 = tpu.vector_load %arg17[%get3A_1128, %get3A_1129] {strides = array<i32>} : memref<40x128xf32, #tpu.memory_space<vmem>>, vector<1x16xf32>,
        %get3A_1131 = vector.shape_cast %get3A_1130 : vector<1x16xf32> to vector<16xf32>
        %swap3A_1132 = arith.index_cast %scan3A_1100 : i32 to index
        %swap3A_1133 = arith.constant 48 : index
        %swap3A_1134 = tpu.vector_load %arg12[%swap3A_1132, %swap3A_1133] {strides = array<i32>} : memref<40x128xf32, #tpu.memory_space<vmem>>, vector<1x16xf32>,
        %swap3A_1135 = vector.shape_cast %swap3A_1134 : vector<1x16xf32> to vector<16xf32>
        %swap3A_1136 = vector.shape_cast %get3A_1131 : vector<16xf32> to vector<1x16xf32>
        tpu.vector_store %arg12[%swap3A_1132, %swap3A_1133], %swap3A_1136 {add = true, strides = array<i32>} : memref<40x128xf32, #tpu.memory_space<vmem>>, vector<1x16xf32>,
        %get3A_1137 = arith.index_cast %scan3A_1100 : i32 to index
        %get3A_1138 = arith.constant 64 : index
        %get3A_1139 = tpu.vector_load %arg17[%get3A_1137, %get3A_1138] {strides = array<i32>} : memref<40x128xf32, #tpu.memory_space<vmem>>, vector<1x16xf32>,
        %get3A_1140 = vector.shape_cast %get3A_1139 : vector<1x16xf32> to vector<16xf32>
        %swap3A_1141 = arith.index_cast %scan3A_1100 : i32 to index
        %swap3A_1142 = arith.constant 64 : index
        %swap3A_1143 = tpu.vector_load %arg12[%swap3A_1141, %swap3A_1142] {strides = array<i32>} : memref<40x128xf32, #tpu.memory_space<vmem>>, vector<1x16xf32>,
        %swap3A_1144 = vector.shape_cast %swap3A_1143 : vector<1x16xf32> to vector<16xf32>
        %swap3A_1145 = vector.shape_cast %get3A_1140 : vector<16xf32> to vector<1x16xf32>
        tpu.vector_store %arg12[%swap3A_1141, %swap3A_1142], %swap3A_1145 {add = true, strides = array<i32>} : memref<40x128xf32, #tpu.memory_space<vmem>>, vector<1x16xf32>,
        %get3A_1146 = arith.index_cast %scan3A_1100 : i32 to index
        %get3A_1147 = arith.constant 80 : index
        %get3A_1148 = tpu.vector_load %arg17[%get3A_1146, %get3A_1147] {strides = array<i32>} : memref<40x128xf32, #tpu.memory_space<vmem>>, vector<1x16xf32>,
        %get3A_1149 = vector.shape_cast %get3A_1148 : vector<1x16xf32> to vector<16xf32>
        %swap3A_1150 = arith.index_cast %scan3A_1100 : i32 to index
        %swap3A_1151 = arith.constant 80 : index
        %swap3A_1152 = tpu.vector_load %arg12[%swap3A_1150, %swap3A_1151] {strides = array<i32>} : memref<40x128xf32, #tpu.memory_space<vmem>>, vector<1x16xf32>,
        %swap3A_1153 = vector.shape_cast %swap3A_1152 : vector<1x16xf32> to vector<16xf32>
        %swap3A_1154 = vector.shape_cast %get3A_1149 : vector<16xf32> to vector<1x16xf32>
        tpu.vector_store %arg12[%swap3A_1150, %swap3A_1151], %swap3A_1154 {add = true, strides = array<i32>} : memref<40x128xf32, #tpu.memory_space<vmem>>, vector<1x16xf32>,
        %get3A_1155 = arith.index_cast %scan3A_1100 : i32 to index
        %get3A_1156 = arith.constant 96 : index
        %get3A_1157 = tpu.vector_load %arg17[%get3A_1155, %get3A_1156] {strides = array<i32>} : memref<40x128xf32, #tpu.memory_space<vmem>>, vector<1x16xf32>,
        %get3A_1158 = vector.shape_cast %get3A_1157 : vector<1x16xf32> to vector<16xf32>
        %swap3A_1159 = arith.index_cast %scan3A_1100 : i32 to index
        %swap3A_1160 = arith.constant 96 : index
        %swap3A_1161 = tpu.vector_load %arg12[%swap3A_1159, %swap3A_1160] {strides = array<i32>} : memref<40x128xf32, #tpu.memory_space<vmem>>, vector<1x16xf32>,
        %swap3A_1162 = vector.shape_cast %swap3A_1161 : vector<1x16xf32> to vector<16xf32>
        %swap3A_1163 = vector.shape_cast %get3A_1158 : vector<16xf32> to vector<1x16xf32>
        tpu.vector_store %arg12[%swap3A_1159, %swap3A_1160], %swap3A_1163 {add = true, strides = array<i32>} : memref<40x128xf32, #tpu.memory_space<vmem>>, vector<1x16xf32>,
        %get3A_1164 = arith.index_cast %scan3A_1100 : i32 to index
        %get3A_1165 = arith.constant 112 : index
        %get3A_1166 = tpu.vector_load %arg17[%get3A_1164, %get3A_1165] {strides = array<i32>} : memref<40x128xf32, #tpu.memory_space<vmem>>, vector<1x16xf32>,
        %get3A_1167 = vector.shape_cast %get3A_1166 : vector<1x16xf32> to vector<16xf32>
        %swap3A_1168 = arith.index_cast %scan3A_1100 : i32 to index
        %swap3A_1169 = arith.constant 112 : index
        %swap3A_1170 = tpu.vector_load %arg12[%swap3A_1168, %swap3A_1169] {strides = array<i32>} : memref<40x128xf32, #tpu.memory_space<vmem>>, vector<1x16xf32>,
        %swap3A_1171 = vector.shape_cast %swap3A_1170 : vector<1x16xf32> to vector<16xf32>
        %swap3A_1172 = vector.shape_cast %get3A_1167 : vector<16xf32> to vector<1x16xf32>
        tpu.vector_store %arg12[%swap3A_1168, %swap3A_1169], %swap3A_1172 {add = true, strides = array<i32>} : memref<40x128xf32, #tpu.memory_space<vmem>>, vector<1x16xf32>,
      }
      %scan3A_894 = arith.constant 40 : i32
      %dma_wait3A_895 = arith.constant 1 : i32
      %dma_wait3A_896 = arith.constant 0 : i32
      %dma_wait3A_897 = arith.constant 0 : i32
      %dma_wait3A_898 = tpu.memref_slice %arg6[%arg1, %dma_wait3A_895, %dma_wait3A_896, %dma_wait3A_897] : memref<16x5x40x128xf32, #tpu.memory_space<vmem_shared>> -> memref<1x1x40x128xf32, #tpu.memory_space<vmem_shared>>
      %dma_wait3A_899 = tpu.memref_squeeze %dma_wait3A_898 : memref<1x1x40x128xf32, #tpu.memory_space<vmem_shared>> -> memref<40x128xf32, #tpu.memory_space<vmem_shared>>
      %dma_wait3A_900 = arith.constant 0 : i32
      %dma_wait3A_901 = arith.constant 0 : i32
      %dma_wait3A_902 = tpu.memref_slice %arg6[%arg1, %dma_wait3A_895, %dma_wait3A_900, %dma_wait3A_901] : memref<16x5x40x128xf32, #tpu.memory_space<vmem_shared>> -> memref<1x1x40x128xf32, #tpu.memory_space<vmem_shared>>
      %dma_wait3A_903 = tpu.memref_squeeze %dma_wait3A_902 : memref<1x1x40x128xf32, #tpu.memory_space<vmem_shared>> -> memref<40x128xf32, #tpu.memory_space<vmem_shared>>
      tpu.wait_dma2 semaphore(%arg30 : memref<!tpu.dma_semaphore, #tpu.memory_space<semaphore_mem>>) src(%arg10 : memref<40x128xf32, #tpu.memory_space<vmem>>) dst(%dma_wait3A_903 : memref<40x128xf32, #tpu.memory_space<vmem_shared>>)
      %sub3A_904 = arith.constant 2 : i32
      %sub3A_905 = arith.subi %add3A_877, %sub3A_904 : i32
      %mul3A_906 = arith.constant 40 : i32
      %mul3A_907 = arith.muli %sub3A_905, %mul3A_906 : i32
      %add3A_908 = arith.addi %multiple_of3A, %mul3A_907 : i32
      %multiple_of3A_909 = tpu.assume_multiple %add3A_908, 8 : i32
      %dma_start3A_910 = arith.constant 1 : i32
      %dma_start3A_911 = arith.constant 0 : i32
      %dma_start3A_912 = tpu.memref_slice %arg5[%multiple_of3A_909, %dma_start3A_911] : memref<320000x128xf32, #tpu.memory_space<hbm>> -> memref<40x128xf32, #tpu.memory_space<hbm>>
      %dma_start3A_913 = arith.constant 0 : i32
      %dma_start3A_914 = arith.constant 0 : i32
      %dma_start3A_915 = tpu.memref_slice %arg6[%arg1, %dma_start3A_910, %dma_start3A_913, %dma_start3A_914] : memref<16x5x40x128xf32, #tpu.memory_space<vmem_shared>> -> memref<1x1x40x128xf32, #tpu.memory_space<vmem_shared>>
      %dma_start3A_916 = tpu.memref_squeeze %dma_start3A_915 : memref<1x1x40x128xf32, #tpu.memory_space<vmem_shared>> -> memref<40x128xf32, #tpu.memory_space<vmem_shared>>
      tpu.enqueue_dma source(%dma_start3A_916 : memref<40x128xf32, #tpu.memory_space<vmem_shared>>) target(%dma_start3A_912 : memref<40x128xf32, #tpu.memory_space<hbm>>) target_semaphore(%arg35 : memref<!tpu.dma_semaphore, #tpu.memory_space<semaphore_mem>>)
      %add3A_917 = arith.constant 3 : i32
      %add3A_918 = arith.addi %add3A_877, %add3A_917 : i32
      %mul3A_919 = arith.constant 40 : i32
      %mul3A_920 = arith.muli %add3A_918, %mul3A_919 : i32
      %multiple_of3A_921 = tpu.assume_multiple %mul3A_920, 8 : i32
      %dma_start3A_922 = tpu.memref_slice %arg7[%multiple_of3A_921] : memref<10000xi32, #tpu.memory_space<vmem>> -> memref<40xi32, #tpu.memory_space<vmem>>
      %dma_start3A_923 = arith.constant 0 : i32
      %dma_start3A_924 = arith.constant 0 : i32
      %dma_start3A_925 = tpu.memref_slice %arg2[%dma_start3A_923, %dma_start3A_924] : memref<10000x128xf32, #tpu.memory_space<hbm>> -> memref<10000x128xf32, #tpu.memory_space<hbm>>
      tpu.enqueue_indirect_dma source(%dma_start3A_925 : memref<10000x128xf32, #tpu.memory_space<hbm>>) target(%arg10 : memref<40x128xf32, #tpu.memory_space<vmem>>) offsets(%dma_start3A_922 : memref<40xi32, #tpu.memory_space<vmem>>) semaphore(%arg20 : memref<!tpu.dma_semaphore, #tpu.memory_space<semaphore_mem>>)
      %dma_start3A_926 = tpu.memref_slice %arg8[%multiple_of3A_921] : memref<10000xi32, #tpu.memory_space<vmem>> -> memref<40xi32, #tpu.memory_space<vmem>>
      %dma_start3A_927 = arith.constant 0 : i32
      %dma_start3A_928 = arith.constant 0 : i32
      %dma_start3A_929 = tpu.memref_slice %arg2[%dma_start3A_927, %dma_start3A_928] : memref<10000x128xf32, #tpu.memory_space<hbm>> -> memref<10000x128xf32, #tpu.memory_space<hbm>>
      tpu.enqueue_indirect_dma source(%dma_start3A_929 : memref<10000x128xf32, #tpu.memory_space<hbm>>) target(%arg15 : memref<40x128xf32, #tpu.memory_space<vmem>>) offsets(%dma_start3A_926 : memref<40xi32, #tpu.memory_space<vmem>>) semaphore(%arg25 : memref<!tpu.dma_semaphore, #tpu.memory_space<semaphore_mem>>)
      %sub3A_930 = arith.constant 5 : i32
      %sub3A_931 = arith.subi %add3A_877, %sub3A_930 : i32
      %mul3A_932 = arith.constant 40 : i32
      %mul3A_933 = arith.muli %sub3A_931, %mul3A_932 : i32
      %add3A_934 = arith.addi %multiple_of3A, %mul3A_933 : i32
      %multiple_of3A_935 = tpu.assume_multiple %add3A_934, 8 : i32
      %dma_wait3A_936 = arith.constant 3 : i32
      %dma_wait3A_937 = arith.constant 0 : i32
      %dma_wait3A_938 = tpu.memref_slice %arg5[%multiple_of3A_935, %dma_wait3A_937] : memref<320000x128xf32, #tpu.memory_space<hbm>> -> memref<40x128xf32, #tpu.memory_space<hbm>>
      %dma_wait3A_939 = arith.constant 0 : i32
      %dma_wait3A_940 = arith.constant 0 : i32
      %dma_wait3A_941 = tpu.memref_slice %arg6[%arg1, %dma_wait3A_936, %dma_wait3A_939, %dma_wait3A_940] : memref<16x5x40x128xf32, #tpu.memory_space<vmem_shared>> -> memref<1x1x40x128xf32, #tpu.memory_space<vmem_shared>>
      %dma_wait3A_942 = tpu.memref_squeeze %dma_wait3A_941 : memref<1x1x40x128xf32, #tpu.memory_space<vmem_shared>> -> memref<40x128xf32, #tpu.memory_space<vmem_shared>>
      tpu.wait_dma2 semaphore(%arg37 : memref<!tpu.dma_semaphore, #tpu.memory_space<semaphore_mem>>) src(%dma_wait3A_942 : memref<40x128xf32, #tpu.memory_space<vmem_shared>>) dst(%dma_wait3A_938 : memref<40x128xf32, #tpu.memory_space<hbm>>)
      %dma_start3A_943 = arith.constant 3 : i32
      %dma_start3A_944 = arith.constant 0 : i32
      %dma_start3A_945 = arith.constant 0 : i32
      %dma_start3A_946 = tpu.memref_slice %arg6[%arg1, %dma_start3A_943, %dma_start3A_944, %dma_start3A_945] : memref<16x5x40x128xf32, #tpu.memory_space<vmem_shared>> -> memref<1x1x40x128xf32, #tpu.memory_space<vmem_shared>>
      %dma_start3A_947 = tpu.memref_squeeze %dma_start3A_946 : memref<1x1x40x128xf32, #tpu.memory_space<vmem_shared>> -> memref<40x128xf32, #tpu.memory_space<vmem_shared>>
      %dma_start3A_948 = arith.constant 0 : i32
      %dma_start3A_949 = arith.constant 0 : i32
      %dma_start3A_950 = tpu.memref_slice %arg6[%arg1, %dma_start3A_943, %dma_start3A_948, %dma_start3A_949] : memref<16x5x40x128xf32, #tpu.memory_space<vmem_shared>> -> memref<1x1x40x128xf32, #tpu.memory_space<vmem_shared>>
      %dma_start3A_951 = tpu.memref_squeeze %dma_start3A_950 : memref<1x1x40x128xf32, #tpu.memory_space<vmem_shared>> -> memref<40x128xf32, #tpu.memory_space<vmem_shared>>
      tpu.enqueue_dma source(%arg12 : memref<40x128xf32, #tpu.memory_space<vmem>>) target(%dma_start3A_951 : memref<40x128xf32, #tpu.memory_space<vmem_shared>>) target_semaphore(%arg32 : memref<!tpu.dma_semaphore, #tpu.memory_space<semaphore_mem>>)
      %add3A_952 = arith.constant 4 : i32
      %add3A_953 = arith.addi %mul3A_648, %add3A_952 : i32
      %mul3A_954 = arith.constant 40 : i32
      %mul3A_955 = arith.muli %add3A_953, %mul3A_954 : i32
      %multiple_of3A_956 = tpu.assume_multiple %mul3A_955, 8 : i32
      %dma_wait3A_957 = tpu.memref_slice %arg7[%multiple_of3A_956] : memref<10000xi32, #tpu.memory_space<vmem>> -> memref<40xi32, #tpu.memory_space<vmem>>
      %dma_wait3A_958 = arith.constant 0 : i32
      %dma_wait3A_959 = arith.constant 0 : i32
      %dma_wait3A_960 = tpu.memref_slice %arg2[%dma_wait3A_958, %dma_wait3A_959] : memref<10000x128xf32, #tpu.memory_space<hbm>> -> memref<10000x128xf32, #tpu.memory_space<hbm>>
      tpu.wait_indirect_dma semaphore(%arg23 : memref<!tpu.dma_semaphore, #tpu.memory_space<semaphore_mem>>) src(%dma_wait3A_960 : memref<10000x128xf32, #tpu.memory_space<hbm>>) dst(%arg13 : memref<40x128xf32, #tpu.memory_space<vmem>>)
      %dma_wait3A_961 = tpu.memref_slice %arg8[%multiple_of3A_956] : memref<10000xi32, #tpu.memory_space<vmem>> -> memref<40xi32, #tpu.memory_space<vmem>>
      %dma_wait3A_962 = arith.constant 0 : i32
      %dma_wait3A_963 = arith.constant 0 : i32
      %dma_wait3A_964 = tpu.memref_slice %arg2[%dma_wait3A_962, %dma_wait3A_963] : memref<10000x128xf32, #tpu.memory_space<hbm>> -> memref<10000x128xf32, #tpu.memory_space<hbm>>
      tpu.wait_indirect_dma semaphore(%arg28 : memref<!tpu.dma_semaphore, #tpu.memory_space<semaphore_mem>>) src(%dma_wait3A_964 : memref<10000x128xf32, #tpu.memory_space<hbm>>) dst(%arg18 : memref<40x128xf32, #tpu.memory_space<vmem>>)
      %scan3A_965 = arith.constant 0 : i32
      %scan3A_966 = arith.constant 0 : i32
      %scan3A_967 = arith.constant 40 : i32
      %scan3A_968 = arith.addi %scan3A_966, %scan3A_967 : i32
      %scan3A_969 = arith.constant 2 : i32
      scf.for %scan3A_1028 = %scan3A_966 to %scan3A_968 step %scan3A_969  : i32 {
        %get3A = arith.index_cast %scan3A_1028 : i32 to index
        %get3A_1029 = arith.constant 0 : index
        %get3A_1030 = tpu.vector_load %arg18[%get3A, %get3A_1029] {strides = array<i32>} : memref<40x128xf32, #tpu.memory_space<vmem>>, vector<1x16xf32>,
        %get3A_1031 = vector.shape_cast %get3A_1030 : vector<1x16xf32> to vector<16xf32>
        %swap3A = arith.index_cast %scan3A_1028 : i32 to index
        %swap3A_1032 = arith.constant 0 : index
        %swap3A_1033 = tpu.vector_load %arg13[%swap3A, %swap3A_1032] {strides = array<i32>} : memref<40x128xf32, #tpu.memory_space<vmem>>, vector<1x16xf32>,
        %swap3A_1034 = vector.shape_cast %swap3A_1033 : vector<1x16xf32> to vector<16xf32>
        %swap3A_1035 = vector.shape_cast %get3A_1031 : vector<16xf32> to vector<1x16xf32>
        tpu.vector_store %arg13[%swap3A, %swap3A_1032], %swap3A_1035 {add = true, strides = array<i32>} : memref<40x128xf32, #tpu.memory_space<vmem>>, vector<1x16xf32>,
        %get3A_1036 = arith.index_cast %scan3A_1028 : i32 to index
        %get3A_1037 = arith.constant 16 : index
        %get3A_1038 = tpu.vector_load %arg18[%get3A_1036, %get3A_1037] {strides = array<i32>} : memref<40x128xf32, #tpu.memory_space<vmem>>, vector<1x16xf32>,
        %get3A_1039 = vector.shape_cast %get3A_1038 : vector<1x16xf32> to vector<16xf32>
        %swap3A_1040 = arith.index_cast %scan3A_1028 : i32 to index
        %swap3A_1041 = arith.constant 16 : index
        %swap3A_1042 = tpu.vector_load %arg13[%swap3A_1040, %swap3A_1041] {strides = array<i32>} : memref<40x128xf32, #tpu.memory_space<vmem>>, vector<1x16xf32>,
        %swap3A_1043 = vector.shape_cast %swap3A_1042 : vector<1x16xf32> to vector<16xf32>
        %swap3A_1044 = vector.shape_cast %get3A_1039 : vector<16xf32> to vector<1x16xf32>
        tpu.vector_store %arg13[%swap3A_1040, %swap3A_1041], %swap3A_1044 {add = true, strides = array<i32>} : memref<40x128xf32, #tpu.memory_space<vmem>>, vector<1x16xf32>,
        %get3A_1045 = arith.index_cast %scan3A_1028 : i32 to index
        %get3A_1046 = arith.constant 32 : index
        %get3A_1047 = tpu.vector_load %arg18[%get3A_1045, %get3A_1046] {strides = array<i32>} : memref<40x128xf32, #tpu.memory_space<vmem>>, vector<1x16xf32>,
        %get3A_1048 = vector.shape_cast %get3A_1047 : vector<1x16xf32> to vector<16xf32>
        %swap3A_1049 = arith.index_cast %scan3A_1028 : i32 to index
        %swap3A_1050 = arith.constant 32 : index
        %swap3A_1051 = tpu.vector_load %arg13[%swap3A_1049, %swap3A_1050] {strides = array<i32>} : memref<40x128xf32, #tpu.memory_space<vmem>>, vector<1x16xf32>,
        %swap3A_1052 = vector.shape_cast %swap3A_1051 : vector<1x16xf32> to vector<16xf32>
        %swap3A_1053 = vector.shape_cast %get3A_1048 : vector<16xf32> to vector<1x16xf32>
        tpu.vector_store %arg13[%swap3A_1049, %swap3A_1050], %swap3A_1053 {add = true, strides = array<i32>} : memref<40x128xf32, #tpu.memory_space<vmem>>, vector<1x16xf32>,
        %get3A_1054 = arith.index_cast %scan3A_1028 : i32 to index
        %get3A_1055 = arith.constant 48 : index
        %get3A_1056 = tpu.vector_load %arg18[%get3A_1054, %get3A_1055] {strides = array<i32>} : memref<40x128xf32, #tpu.memory_space<vmem>>, vector<1x16xf32>,
        %get3A_1057 = vector.shape_cast %get3A_1056 : vector<1x16xf32> to vector<16xf32>
        %swap3A_1058 = arith.index_cast %scan3A_1028 : i32 to index
        %swap3A_1059 = arith.constant 48 : index
        %swap3A_1060 = tpu.vector_load %arg13[%swap3A_1058, %swap3A_1059] {strides = array<i32>} : memref<40x128xf32, #tpu.memory_space<vmem>>, vector<1x16xf32>,
        %swap3A_1061 = vector.shape_cast %swap3A_1060 : vector<1x16xf32> to vector<16xf32>
        %swap3A_1062 = vector.shape_cast %get3A_1057 : vector<16xf32> to vector<1x16xf32>
        tpu.vector_store %arg13[%swap3A_1058, %swap3A_1059], %swap3A_1062 {add = true, strides = array<i32>} : memref<40x128xf32, #tpu.memory_space<vmem>>, vector<1x16xf32>,
        %get3A_1063 = arith.index_cast %scan3A_1028 : i32 to index
        %get3A_1064 = arith.constant 64 : index
        %get3A_1065 = tpu.vector_load %arg18[%get3A_1063, %get3A_1064] {strides = array<i32>} : memref<40x128xf32, #tpu.memory_space<vmem>>, vector<1x16xf32>,
        %get3A_1066 = vector.shape_cast %get3A_1065 : vector<1x16xf32> to vector<16xf32>
        %swap3A_1067 = arith.index_cast %scan3A_1028 : i32 to index
        %swap3A_1068 = arith.constant 64 : index
        %swap3A_1069 = tpu.vector_load %arg13[%swap3A_1067, %swap3A_1068] {strides = array<i32>} : memref<40x128xf32, #tpu.memory_space<vmem>>, vector<1x16xf32>,
        %swap3A_1070 = vector.shape_cast %swap3A_1069 : vector<1x16xf32> to vector<16xf32>
        %swap3A_1071 = vector.shape_cast %get3A_1066 : vector<16xf32> to vector<1x16xf32>
        tpu.vector_store %arg13[%swap3A_1067, %swap3A_1068], %swap3A_1071 {add = true, strides = array<i32>} : memref<40x128xf32, #tpu.memory_space<vmem>>, vector<1x16xf32>,
        %get3A_1072 = arith.index_cast %scan3A_1028 : i32 to index
        %get3A_1073 = arith.constant 80 : index
        %get3A_1074 = tpu.vector_load %arg18[%get3A_1072, %get3A_1073] {strides = array<i32>} : memref<40x128xf32, #tpu.memory_space<vmem>>, vector<1x16xf32>,
        %get3A_1075 = vector.shape_cast %get3A_1074 : vector<1x16xf32> to vector<16xf32>
        %swap3A_1076 = arith.index_cast %scan3A_1028 : i32 to index
        %swap3A_1077 = arith.constant 80 : index
        %swap3A_1078 = tpu.vector_load %arg13[%swap3A_1076, %swap3A_1077] {strides = array<i32>} : memref<40x128xf32, #tpu.memory_space<vmem>>, vector<1x16xf32>,
        %swap3A_1079 = vector.shape_cast %swap3A_1078 : vector<1x16xf32> to vector<16xf32>
        %swap3A_1080 = vector.shape_cast %get3A_1075 : vector<16xf32> to vector<1x16xf32>
        tpu.vector_store %arg13[%swap3A_1076, %swap3A_1077], %swap3A_1080 {add = true, strides = array<i32>} : memref<40x128xf32, #tpu.memory_space<vmem>>, vector<1x16xf32>,
        %get3A_1081 = arith.index_cast %scan3A_1028 : i32 to index
        %get3A_1082 = arith.constant 96 : index
        %get3A_1083 = tpu.vector_load %arg18[%get3A_1081, %get3A_1082] {strides = array<i32>} : memref<40x128xf32, #tpu.memory_space<vmem>>, vector<1x16xf32>,
        %get3A_1084 = vector.shape_cast %get3A_1083 : vector<1x16xf32> to vector<16xf32>
        %swap3A_1085 = arith.index_cast %scan3A_1028 : i32 to index
        %swap3A_1086 = arith.constant 96 : index
        %swap3A_1087 = tpu.vector_load %arg13[%swap3A_1085, %swap3A_1086] {strides = array<i32>} : memref<40x128xf32, #tpu.memory_space<vmem>>, vector<1x16xf32>,
        %swap3A_1088 = vector.shape_cast %swap3A_1087 : vector<1x16xf32> to vector<16xf32>
        %swap3A_1089 = vector.shape_cast %get3A_1084 : vector<16xf32> to vector<1x16xf32>
        tpu.vector_store %arg13[%swap3A_1085, %swap3A_1086], %swap3A_1089 {add = true, strides = array<i32>} : memref<40x128xf32, #tpu.memory_space<vmem>>, vector<1x16xf32>,
        %get3A_1090 = arith.index_cast %scan3A_1028 : i32 to index
        %get3A_1091 = arith.constant 112 : index
        %get3A_1092 = tpu.vector_load %arg18[%get3A_1090, %get3A_1091] {strides = array<i32>} : memref<40x128xf32, #tpu.memory_space<vmem>>, vector<1x16xf32>,
        %get3A_1093 = vector.shape_cast %get3A_1092 : vector<1x16xf32> to vector<16xf32>
        %swap3A_1094 = arith.index_cast %scan3A_1028 : i32 to index
        %swap3A_1095 = arith.constant 112 : index
        %swap3A_1096 = tpu.vector_load %arg13[%swap3A_1094, %swap3A_1095] {strides = array<i32>} : memref<40x128xf32, #tpu.memory_space<vmem>>, vector<1x16xf32>,
        %swap3A_1097 = vector.shape_cast %swap3A_1096 : vector<1x16xf32> to vector<16xf32>
        %swap3A_1098 = vector.shape_cast %get3A_1093 : vector<16xf32> to vector<1x16xf32>
        tpu.vector_store %arg13[%swap3A_1094, %swap3A_1095], %swap3A_1098 {add = true, strides = array<i32>} : memref<40x128xf32, #tpu.memory_space<vmem>>, vector<1x16xf32>,
        %scan3A_1099 = arith.constant 1 : i32
        %scan3A_1100 = arith.addi %scan3A_1028, %scan3A_1099 : i32
        %get3A_1101 = arith.index_cast %scan3A_1100 : i32 to index
        %get3A_1102 = arith.constant 0 : index
        %get3A_1103 = tpu.vector_load %arg18[%get3A_1101, %get3A_1102] {strides = array<i32>} : memref<40x128xf32, #tpu.memory_space<vmem>>, vector<1x16xf32>,
        %get3A_1104 = vector.shape_cast %get3A_1103 : vector<1x16xf32> to vector<16xf32>
        %swap3A_1105 = arith.index_cast %scan3A_1100 : i32 to index
        %swap3A_1106 = arith.constant 0 : index
        %swap3A_1107 = tpu.vector_load %arg13[%swap3A_1105, %swap3A_1106] {strides = array<i32>} : memref<40x128xf32, #tpu.memory_space<vmem>>, vector<1x16xf32>,
        %swap3A_1108 = vector.shape_cast %swap3A_1107 : vector<1x16xf32> to vector<16xf32>
        %swap3A_1109 = vector.shape_cast %get3A_1104 : vector<16xf32> to vector<1x16xf32>
        tpu.vector_store %arg13[%swap3A_1105, %swap3A_1106], %swap3A_1109 {add = true, strides = array<i32>} : memref<40x128xf32, #tpu.memory_space<vmem>>, vector<1x16xf32>,
        %get3A_1110 = arith.index_cast %scan3A_1100 : i32 to index
        %get3A_1111 = arith.constant 16 : index
        %get3A_1112 = tpu.vector_load %arg18[%get3A_1110, %get3A_1111] {strides = array<i32>} : memref<40x128xf32, #tpu.memory_space<vmem>>, vector<1x16xf32>,
        %get3A_1113 = vector.shape_cast %get3A_1112 : vector<1x16xf32> to vector<16xf32>
        %swap3A_1114 = arith.index_cast %scan3A_1100 : i32 to index
        %swap3A_1115 = arith.constant 16 : index
        %swap3A_1116 = tpu.vector_load %arg13[%swap3A_1114, %swap3A_1115] {strides = array<i32>} : memref<40x128xf32, #tpu.memory_space<vmem>>, vector<1x16xf32>,
        %swap3A_1117 = vector.shape_cast %swap3A_1116 : vector<1x16xf32> to vector<16xf32>
        %swap3A_1118 = vector.shape_cast %get3A_1113 : vector<16xf32> to vector<1x16xf32>
        tpu.vector_store %arg13[%swap3A_1114, %swap3A_1115], %swap3A_1118 {add = true, strides = array<i32>} : memref<40x128xf32, #tpu.memory_space<vmem>>, vector<1x16xf32>,
        %get3A_1119 = arith.index_cast %scan3A_1100 : i32 to index
        %get3A_1120 = arith.constant 32 : index
        %get3A_1121 = tpu.vector_load %arg18[%get3A_1119, %get3A_1120] {strides = array<i32>} : memref<40x128xf32, #tpu.memory_space<vmem>>, vector<1x16xf32>,
        %get3A_1122 = vector.shape_cast %get3A_1121 : vector<1x16xf32> to vector<16xf32>
        %swap3A_1123 = arith.index_cast %scan3A_1100 : i32 to index
        %swap3A_1124 = arith.constant 32 : index
        %swap3A_1125 = tpu.vector_load %arg13[%swap3A_1123, %swap3A_1124] {strides = array<i32>} : memref<40x128xf32, #tpu.memory_space<vmem>>, vector<1x16xf32>,
        %swap3A_1126 = vector.shape_cast %swap3A_1125 : vector<1x16xf32> to vector<16xf32>
        %swap3A_1127 = vector.shape_cast %get3A_1122 : vector<16xf32> to vector<1x16xf32>
        tpu.vector_store %arg13[%swap3A_1123, %swap3A_1124], %swap3A_1127 {add = true, strides = array<i32>} : memref<40x128xf32, #tpu.memory_space<vmem>>, vector<1x16xf32>,
        %get3A_1128 = arith.index_cast %scan3A_1100 : i32 to index
        %get3A_1129 = arith.constant 48 : index
        %get3A_1130 = tpu.vector_load %arg18[%get3A_1128, %get3A_1129] {strides = array<i32>} : memref<40x128xf32, #tpu.memory_space<vmem>>, vector<1x16xf32>,
        %get3A_1131 = vector.shape_cast %get3A_1130 : vector<1x16xf32> to vector<16xf32>
        %swap3A_1132 = arith.index_cast %scan3A_1100 : i32 to index
        %swap3A_1133 = arith.constant 48 : index
        %swap3A_1134 = tpu.vector_load %arg13[%swap3A_1132, %swap3A_1133] {strides = array<i32>} : memref<40x128xf32, #tpu.memory_space<vmem>>, vector<1x16xf32>,
        %swap3A_1135 = vector.shape_cast %swap3A_1134 : vector<1x16xf32> to vector<16xf32>
        %swap3A_1136 = vector.shape_cast %get3A_1131 : vector<16xf32> to vector<1x16xf32>
        tpu.vector_store %arg13[%swap3A_1132, %swap3A_1133], %swap3A_1136 {add = true, strides = array<i32>} : memref<40x128xf32, #tpu.memory_space<vmem>>, vector<1x16xf32>,
        %get3A_1137 = arith.index_cast %scan3A_1100 : i32 to index
        %get3A_1138 = arith.constant 64 : index
        %get3A_1139 = tpu.vector_load %arg18[%get3A_1137, %get3A_1138] {strides = array<i32>} : memref<40x128xf32, #tpu.memory_space<vmem>>, vector<1x16xf32>,
        %get3A_1140 = vector.shape_cast %get3A_1139 : vector<1x16xf32> to vector<16xf32>
        %swap3A_1141 = arith.index_cast %scan3A_1100 : i32 to index
        %swap3A_1142 = arith.constant 64 : index
        %swap3A_1143 = tpu.vector_load %arg13[%swap3A_1141, %swap3A_1142] {strides = array<i32>} : memref<40x128xf32, #tpu.memory_space<vmem>>, vector<1x16xf32>,
        %swap3A_1144 = vector.shape_cast %swap3A_1143 : vector<1x16xf32> to vector<16xf32>
        %swap3A_1145 = vector.shape_cast %get3A_1140 : vector<16xf32> to vector<1x16xf32>
        tpu.vector_store %arg13[%swap3A_1141, %swap3A_1142], %swap3A_1145 {add = true, strides = array<i32>} : memref<40x128xf32, #tpu.memory_space<vmem>>, vector<1x16xf32>,
        %get3A_1146 = arith.index_cast %scan3A_1100 : i32 to index
        %get3A_1147 = arith.constant 80 : index
        %get3A_1148 = tpu.vector_load %arg18[%get3A_1146, %get3A_1147] {strides = array<i32>} : memref<40x128xf32, #tpu.memory_space<vmem>>, vector<1x16xf32>,
        %get3A_1149 = vector.shape_cast %get3A_1148 : vector<1x16xf32> to vector<16xf32>
        %swap3A_1150 = arith.index_cast %scan3A_1100 : i32 to index
        %swap3A_1151 = arith.constant 80 : index
        %swap3A_1152 = tpu.vector_load %arg13[%swap3A_1150, %swap3A_1151] {strides = array<i32>} : memref<40x128xf32, #tpu.memory_space<vmem>>, vector<1x16xf32>,
        %swap3A_1153 = vector.shape_cast %swap3A_1152 : vector<1x16xf32> to vector<16xf32>
        %swap3A_1154 = vector.shape_cast %get3A_1149 : vector<16xf32> to vector<1x16xf32>
        tpu.vector_store %arg13[%swap3A_1150, %swap3A_1151], %swap3A_1154 {add = true, strides = array<i32>} : memref<40x128xf32, #tpu.memory_space<vmem>>, vector<1x16xf32>,
        %get3A_1155 = arith.index_cast %scan3A_1100 : i32 to index
        %get3A_1156 = arith.constant 96 : index
        %get3A_1157 = tpu.vector_load %arg18[%get3A_1155, %get3A_1156] {strides = array<i32>} : memref<40x128xf32, #tpu.memory_space<vmem>>, vector<1x16xf32>,
        %get3A_1158 = vector.shape_cast %get3A_1157 : vector<1x16xf32> to vector<16xf32>
        %swap3A_1159 = arith.index_cast %scan3A_1100 : i32 to index
        %swap3A_1160 = arith.constant 96 : index
        %swap3A_1161 = tpu.vector_load %arg13[%swap3A_1159, %swap3A_1160] {strides = array<i32>} : memref<40x128xf32, #tpu.memory_space<vmem>>, vector<1x16xf32>,
        %swap3A_1162 = vector.shape_cast %swap3A_1161 : vector<1x16xf32> to vector<16xf32>
        %swap3A_1163 = vector.shape_cast %get3A_1158 : vector<16xf32> to vector<1x16xf32>
        tpu.vector_store %arg13[%swap3A_1159, %swap3A_1160], %swap3A_1163 {add = true, strides = array<i32>} : memref<40x128xf32, #tpu.memory_space<vmem>>, vector<1x16xf32>,
        %get3A_1164 = arith.index_cast %scan3A_1100 : i32 to index
        %get3A_1165 = arith.constant 112 : index
        %get3A_1166 = tpu.vector_load %arg18[%get3A_1164, %get3A_1165] {strides = array<i32>} : memref<40x128xf32, #tpu.memory_space<vmem>>, vector<1x16xf32>,
        %get3A_1167 = vector.shape_cast %get3A_1166 : vector<1x16xf32> to vector<16xf32>
        %swap3A_1168 = arith.index_cast %scan3A_1100 : i32 to index
        %swap3A_1169 = arith.constant 112 : index
        %swap3A_1170 = tpu.vector_load %arg13[%swap3A_1168, %swap3A_1169] {strides = array<i32>} : memref<40x128xf32, #tpu.memory_space<vmem>>, vector<1x16xf32>,
        %swap3A_1171 = vector.shape_cast %swap3A_1170 : vector<1x16xf32> to vector<16xf32>
        %swap3A_1172 = vector.shape_cast %get3A_1167 : vector<16xf32> to vector<1x16xf32>
        tpu.vector_store %arg13[%swap3A_1168, %swap3A_1169], %swap3A_1172 {add = true, strides = array<i32>} : memref<40x128xf32, #tpu.memory_space<vmem>>, vector<1x16xf32>,
      }
      %scan3A_970 = arith.constant 40 : i32
      %dma_wait3A_971 = arith.constant 2 : i32
      %dma_wait3A_972 = arith.constant 0 : i32
      %dma_wait3A_973 = arith.constant 0 : i32
      %dma_wait3A_974 = tpu.memref_slice %arg6[%arg1, %dma_wait3A_971, %dma_wait3A_972, %dma_wait3A_973] : memref<16x5x40x128xf32, #tpu.memory_space<vmem_shared>> -> memref<1x1x40x128xf32, #tpu.memory_space<vmem_shared>>
      %dma_wait3A_975 = tpu.memref_squeeze %dma_wait3A_974 : memref<1x1x40x128xf32, #tpu.memory_space<vmem_shared>> -> memref<40x128xf32, #tpu.memory_space<vmem_shared>>
      %dma_wait3A_976 = arith.constant 0 : i32
      %dma_wait3A_977 = arith.constant 0 : i32
      %dma_wait3A_978 = tpu.memref_slice %arg6[%arg1, %dma_wait3A_971, %dma_wait3A_976, %dma_wait3A_977] : memref<16x5x40x128xf32, #tpu.memory_space<vmem_shared>> -> memref<1x1x40x128xf32, #tpu.memory_space<vmem_shared>>
      %dma_wait3A_979 = tpu.memref_squeeze %dma_wait3A_978 : memref<1x1x40x128xf32, #tpu.memory_space<vmem_shared>> -> memref<40x128xf32, #tpu.memory_space<vmem_shared>>
      tpu.wait_dma2 semaphore(%arg31 : memref<!tpu.dma_semaphore, #tpu.memory_space<semaphore_mem>>) src(%arg11 : memref<40x128xf32, #tpu.memory_space<vmem>>) dst(%dma_wait3A_979 : memref<40x128xf32, #tpu.memory_space<vmem_shared>>)
      %sub3A_980 = arith.constant 2 : i32
      %sub3A_981 = arith.subi %add3A_953, %sub3A_980 : i32
      %mul3A_982 = arith.constant 40 : i32
      %mul3A_983 = arith.muli %sub3A_981, %mul3A_982 : i32
      %add3A_984 = arith.addi %multiple_of3A, %mul3A_983 : i32
      %multiple_of3A_985 = tpu.assume_multiple %add3A_984, 8 : i32
      %dma_start3A_986 = arith.constant 2 : i32
      %dma_start3A_987 = arith.constant 0 : i32
      %dma_start3A_988 = tpu.memref_slice %arg5[%multiple_of3A_985, %dma_start3A_987] : memref<320000x128xf32, #tpu.memory_space<hbm>> -> memref<40x128xf32, #tpu.memory_space<hbm>>
      %dma_start3A_989 = arith.constant 0 : i32
      %dma_start3A_990 = arith.constant 0 : i32
      %dma_start3A_991 = tpu.memref_slice %arg6[%arg1, %dma_start3A_986, %dma_start3A_989, %dma_start3A_990] : memref<16x5x40x128xf32, #tpu.memory_space<vmem_shared>> -> memref<1x1x40x128xf32, #tpu.memory_space<vmem_shared>>
      %dma_start3A_992 = tpu.memref_squeeze %dma_start3A_991 : memref<1x1x40x128xf32, #tpu.memory_space<vmem_shared>> -> memref<40x128xf32, #tpu.memory_space<vmem_shared>>
      tpu.enqueue_dma source(%dma_start3A_992 : memref<40x128xf32, #tpu.memory_space<vmem_shared>>) target(%dma_start3A_988 : memref<40x128xf32, #tpu.memory_space<hbm>>) target_semaphore(%arg36 : memref<!tpu.dma_semaphore, #tpu.memory_space<semaphore_mem>>)
      %add3A_993 = arith.constant 3 : i32
      %add3A_994 = arith.addi %add3A_953, %add3A_993 : i32
      %mul3A_995 = arith.constant 40 : i32
      %mul3A_996 = arith.muli %add3A_994, %mul3A_995 : i32
      %multiple_of3A_997 = tpu.assume_multiple %mul3A_996, 8 : i32
      %dma_start3A_998 = tpu.memref_slice %arg7[%multiple_of3A_997] : memref<10000xi32, #tpu.memory_space<vmem>> -> memref<40xi32, #tpu.memory_space<vmem>>
      %dma_start3A_999 = arith.constant 0 : i32
      %dma_start3A_1000 = arith.constant 0 : i32
      %dma_start3A_1001 = tpu.memref_slice %arg2[%dma_start3A_999, %dma_start3A_1000] : memref<10000x128xf32, #tpu.memory_space<hbm>> -> memref<10000x128xf32, #tpu.memory_space<hbm>>
      tpu.enqueue_indirect_dma source(%dma_start3A_1001 : memref<10000x128xf32, #tpu.memory_space<hbm>>) target(%arg11 : memref<40x128xf32, #tpu.memory_space<vmem>>) offsets(%dma_start3A_998 : memref<40xi32, #tpu.memory_space<vmem>>) semaphore(%arg21 : memref<!tpu.dma_semaphore, #tpu.memory_space<semaphore_mem>>)
      %dma_start3A_1002 = tpu.memref_slice %arg8[%multiple_of3A_997] : memref<10000xi32, #tpu.memory_space<vmem>> -> memref<40xi32, #tpu.memory_space<vmem>>
      %dma_start3A_1003 = arith.constant 0 : i32
      %dma_start3A_1004 = arith.constant 0 : i32
      %dma_start3A_1005 = tpu.memref_slice %arg2[%dma_start3A_1003, %dma_start3A_1004] : memref<10000x128xf32, #tpu.memory_space<hbm>> -> memref<10000x128xf32, #tpu.memory_space<hbm>>
      tpu.enqueue_indirect_dma source(%dma_start3A_1005 : memref<10000x128xf32, #tpu.memory_space<hbm>>) target(%arg16 : memref<40x128xf32, #tpu.memory_space<vmem>>) offsets(%dma_start3A_1002 : memref<40xi32, #tpu.memory_space<vmem>>) semaphore(%arg26 : memref<!tpu.dma_semaphore, #tpu.memory_space<semaphore_mem>>)
      %sub3A_1006 = arith.constant 5 : i32
      %sub3A_1007 = arith.subi %add3A_953, %sub3A_1006 : i32
      %mul3A_1008 = arith.constant 40 : i32
      %mul3A_1009 = arith.muli %sub3A_1007, %mul3A_1008 : i32
      %add3A_1010 = arith.addi %multiple_of3A, %mul3A_1009 : i32
      %multiple_of3A_1011 = tpu.assume_multiple %add3A_1010, 8 : i32
      %dma_wait3A_1012 = arith.constant 4 : i32
      %dma_wait3A_1013 = arith.constant 0 : i32
      %dma_wait3A_1014 = tpu.memref_slice %arg5[%multiple_of3A_1011, %dma_wait3A_1013] : memref<320000x128xf32, #tpu.memory_space<hbm>> -> memref<40x128xf32, #tpu.memory_space<hbm>>
      %dma_wait3A_1015 = arith.constant 0 : i32
      %dma_wait3A_1016 = arith.constant 0 : i32
      %dma_wait3A_1017 = tpu.memref_slice %arg6[%arg1, %dma_wait3A_1012, %dma_wait3A_1015, %dma_wait3A_1016] : memref<16x5x40x128xf32, #tpu.memory_space<vmem_shared>> -> memref<1x1x40x128xf32, #tpu.memory_space<vmem_shared>>
      %dma_wait3A_1018 = tpu.memref_squeeze %dma_wait3A_1017 : memref<1x1x40x128xf32, #tpu.memory_space<vmem_shared>> -> memref<40x128xf32, #tpu.memory_space<vmem_shared>>
      tpu.wait_dma2 semaphore(%arg38 : memref<!tpu.dma_semaphore, #tpu.memory_space<semaphore_mem>>) src(%dma_wait3A_1018 : memref<40x128xf32, #tpu.memory_space<vmem_shared>>) dst(%dma_wait3A_1014 : memref<40x128xf32, #tpu.memory_space<hbm>>)
      %dma_start3A_1019 = arith.constant 4 : i32
      %dma_start3A_1020 = arith.constant 0 : i32
      %dma_start3A_1021 = arith.constant 0 : i32
      %dma_start3A_1022 = tpu.memref_slice %arg6[%arg1, %dma_start3A_1019, %dma_start3A_1020, %dma_start3A_1021] : memref<16x5x40x128xf32, #tpu.memory_space<vmem_shared>> -> memref<1x1x40x128xf32, #tpu.memory_space<vmem_shared>>
      %dma_start3A_1023 = tpu.memref_squeeze %dma_start3A_1022 : memref<1x1x40x128xf32, #tpu.memory_space<vmem_shared>> -> memref<40x128xf32, #tpu.memory_space<vmem_shared>>
      %dma_start3A_1024 = arith.constant 0 : i32
      %dma_start3A_1025 = arith.constant 0 : i32
      %dma_start3A_1026 = tpu.memref_slice %arg6[%arg1, %dma_start3A_1019, %dma_start3A_1024, %dma_start3A_1025] : memref<16x5x40x128xf32, #tpu.memory_space<vmem_shared>> -> memref<1x1x40x128xf32, #tpu.memory_space<vmem_shared>>
      %dma_start3A_1027 = tpu.memref_squeeze %dma_start3A_1026 : memref<1x1x40x128xf32, #tpu.memory_space<vmem_shared>> -> memref<40x128xf32, #tpu.memory_space<vmem_shared>>
      tpu.enqueue_dma source(%arg13 : memref<40x128xf32, #tpu.memory_space<vmem>>) target(%dma_start3A_1027 : memref<40x128xf32, #tpu.memory_space<vmem_shared>>) target_semaphore(%arg33 : memref<!tpu.dma_semaphore, #tpu.memory_space<semaphore_mem>>)
    }
    %scan3A_267 = arith.constant 48 : i32
    %multiple_of3A_268 = arith.constant 9800 : i32
    %multiple_of3A_269 = tpu.assume_multiple %multiple_of3A_268, 8 : i32
    %dma_wait3A_270 = tpu.memref_slice %arg7[%multiple_of3A_269] : memref<10000xi32, #tpu.memory_space<vmem>> -> memref<40xi32, #tpu.memory_space<vmem>>
    %dma_wait3A_271 = arith.constant 0 : i32
    %dma_wait3A_272 = arith.constant 0 : i32
    %dma_wait3A_273 = tpu.memref_slice %arg2[%dma_wait3A_271, %dma_wait3A_272] : memref<10000x128xf32, #tpu.memory_space<hbm>> -> memref<10000x128xf32, #tpu.memory_space<hbm>>
    tpu.wait_indirect_dma semaphore(%arg19 : memref<!tpu.dma_semaphore, #tpu.memory_space<semaphore_mem>>) src(%dma_wait3A_273 : memref<10000x128xf32, #tpu.memory_space<hbm>>) dst(%arg9 : memref<40x128xf32, #tpu.memory_space<vmem>>)
    %dma_wait3A_274 = tpu.memref_slice %arg8[%multiple_of3A_269] : memref<10000xi32, #tpu.memory_space<vmem>> -> memref<40xi32, #tpu.memory_space<vmem>>
    %dma_wait3A_275 = arith.constant 0 : i32
    %dma_wait3A_276 = arith.constant 0 : i32
    %dma_wait3A_277 = tpu.memref_slice %arg2[%dma_wait3A_275, %dma_wait3A_276] : memref<10000x128xf32, #tpu.memory_space<hbm>> -> memref<10000x128xf32, #tpu.memory_space<hbm>>
    tpu.wait_indirect_dma semaphore(%arg24 : memref<!tpu.dma_semaphore, #tpu.memory_space<semaphore_mem>>) src(%dma_wait3A_277 : memref<10000x128xf32, #tpu.memory_space<hbm>>) dst(%arg14 : memref<40x128xf32, #tpu.memory_space<vmem>>)
    %scan3A_278 = arith.constant 0 : i32
    %scan3A_279 = arith.constant 0 : i32
    %scan3A_280 = arith.constant 40 : i32
    %scan3A_281 = arith.addi %scan3A_279, %scan3A_280 : i32
    %scan3A_282 = arith.constant 2 : i32
    scf.for %scan3A_646 = %scan3A_279 to %scan3A_281 step %scan3A_282  : i32 {
      %get3A = arith.index_cast %scan3A_646 : i32 to index
      %get3A_647 = arith.constant 0 : index
      %get3A_648 = tpu.vector_load %arg14[%get3A, %get3A_647] {strides = array<i32>} : memref<40x128xf32, #tpu.memory_space<vmem>>, vector<1x16xf32>,
      %get3A_649 = vector.shape_cast %get3A_648 : vector<1x16xf32> to vector<16xf32>
      %swap3A = arith.index_cast %scan3A_646 : i32 to index
      %swap3A_650 = arith.constant 0 : index
      %swap3A_651 = tpu.vector_load %arg9[%swap3A, %swap3A_650] {strides = array<i32>} : memref<40x128xf32, #tpu.memory_space<vmem>>, vector<1x16xf32>,
      %swap3A_652 = vector.shape_cast %swap3A_651 : vector<1x16xf32> to vector<16xf32>
      %swap3A_653 = vector.shape_cast %get3A_649 : vector<16xf32> to vector<1x16xf32>
      tpu.vector_store %arg9[%swap3A, %swap3A_650], %swap3A_653 {add = true, strides = array<i32>} : memref<40x128xf32, #tpu.memory_space<vmem>>, vector<1x16xf32>,
      %get3A_654 = arith.index_cast %scan3A_646 : i32 to index
      %get3A_655 = arith.constant 16 : index
      %get3A_656 = tpu.vector_load %arg14[%get3A_654, %get3A_655] {strides = array<i32>} : memref<40x128xf32, #tpu.memory_space<vmem>>, vector<1x16xf32>,
      %get3A_657 = vector.shape_cast %get3A_656 : vector<1x16xf32> to vector<16xf32>
      %swap3A_658 = arith.index_cast %scan3A_646 : i32 to index
      %swap3A_659 = arith.constant 16 : index
      %swap3A_660 = tpu.vector_load %arg9[%swap3A_658, %swap3A_659] {strides = array<i32>} : memref<40x128xf32, #tpu.memory_space<vmem>>, vector<1x16xf32>,
      %swap3A_661 = vector.shape_cast %swap3A_660 : vector<1x16xf32> to vector<16xf32>
      %swap3A_662 = vector.shape_cast %get3A_657 : vector<16xf32> to vector<1x16xf32>
      tpu.vector_store %arg9[%swap3A_658, %swap3A_659], %swap3A_662 {add = true, strides = array<i32>} : memref<40x128xf32, #tpu.memory_space<vmem>>, vector<1x16xf32>,
      %get3A_663 = arith.index_cast %scan3A_646 : i32 to index
      %get3A_664 = arith.constant 32 : index
      %get3A_665 = tpu.vector_load %arg14[%get3A_663, %get3A_664] {strides = array<i32>} : memref<40x128xf32, #tpu.memory_space<vmem>>, vector<1x16xf32>,
      %get3A_666 = vector.shape_cast %get3A_665 : vector<1x16xf32> to vector<16xf32>
      %swap3A_667 = arith.index_cast %scan3A_646 : i32 to index
      %swap3A_668 = arith.constant 32 : index
      %swap3A_669 = tpu.vector_load %arg9[%swap3A_667, %swap3A_668] {strides = array<i32>} : memref<40x128xf32, #tpu.memory_space<vmem>>, vector<1x16xf32>,
      %swap3A_670 = vector.shape_cast %swap3A_669 : vector<1x16xf32> to vector<16xf32>
      %swap3A_671 = vector.shape_cast %get3A_666 : vector<16xf32> to vector<1x16xf32>
      tpu.vector_store %arg9[%swap3A_667, %swap3A_668], %swap3A_671 {add = true, strides = array<i32>} : memref<40x128xf32, #tpu.memory_space<vmem>>, vector<1x16xf32>,
      %get3A_672 = arith.index_cast %scan3A_646 : i32 to index
      %get3A_673 = arith.constant 48 : index
      %get3A_674 = tpu.vector_load %arg14[%get3A_672, %get3A_673] {strides = array<i32>} : memref<40x128xf32, #tpu.memory_space<vmem>>, vector<1x16xf32>,
      %get3A_675 = vector.shape_cast %get3A_674 : vector<1x16xf32> to vector<16xf32>
      %swap3A_676 = arith.index_cast %scan3A_646 : i32 to index
      %swap3A_677 = arith.constant 48 : index
      %swap3A_678 = tpu.vector_load %arg9[%swap3A_676, %swap3A_677] {strides = array<i32>} : memref<40x128xf32, #tpu.memory_space<vmem>>, vector<1x16xf32>,
      %swap3A_679 = vector.shape_cast %swap3A_678 : vector<1x16xf32> to vector<16xf32>
      %swap3A_680 = vector.shape_cast %get3A_675 : vector<16xf32> to vector<1x16xf32>
      tpu.vector_store %arg9[%swap3A_676, %swap3A_677], %swap3A_680 {add = true, strides = array<i32>} : memref<40x128xf32, #tpu.memory_space<vmem>>, vector<1x16xf32>,
      %get3A_681 = arith.index_cast %scan3A_646 : i32 to index
      %get3A_682 = arith.constant 64 : index
      %get3A_683 = tpu.vector_load %arg14[%get3A_681, %get3A_682] {strides = array<i32>} : memref<40x128xf32, #tpu.memory_space<vmem>>, vector<1x16xf32>,
      %get3A_684 = vector.shape_cast %get3A_683 : vector<1x16xf32> to vector<16xf32>
      %swap3A_685 = arith.index_cast %scan3A_646 : i32 to index
      %swap3A_686 = arith.constant 64 : index
      %swap3A_687 = tpu.vector_load %arg9[%swap3A_685, %swap3A_686] {strides = array<i32>} : memref<40x128xf32, #tpu.memory_space<vmem>>, vector<1x16xf32>,
      %swap3A_688 = vector.shape_cast %swap3A_687 : vector<1x16xf32> to vector<16xf32>
      %swap3A_689 = vector.shape_cast %get3A_684 : vector<16xf32> to vector<1x16xf32>
      tpu.vector_store %arg9[%swap3A_685, %swap3A_686], %swap3A_689 {add = true, strides = array<i32>} : memref<40x128xf32, #tpu.memory_space<vmem>>, vector<1x16xf32>,
      %get3A_690 = arith.index_cast %scan3A_646 : i32 to index
      %get3A_691 = arith.constant 80 : index
      %get3A_692 = tpu.vector_load %arg14[%get3A_690, %get3A_691] {strides = array<i32>} : memref<40x128xf32, #tpu.memory_space<vmem>>, vector<1x16xf32>,
      %get3A_693 = vector.shape_cast %get3A_692 : vector<1x16xf32> to vector<16xf32>
      %swap3A_694 = arith.index_cast %scan3A_646 : i32 to index
      %swap3A_695 = arith.constant 80 : index
      %swap3A_696 = tpu.vector_load %arg9[%swap3A_694, %swap3A_695] {strides = array<i32>} : memref<40x128xf32, #tpu.memory_space<vmem>>, vector<1x16xf32>,
      %swap3A_697 = vector.shape_cast %swap3A_696 : vector<1x16xf32> to vector<16xf32>
      %swap3A_698 = vector.shape_cast %get3A_693 : vector<16xf32> to vector<1x16xf32>
      tpu.vector_store %arg9[%swap3A_694, %swap3A_695], %swap3A_698 {add = true, strides = array<i32>} : memref<40x128xf32, #tpu.memory_space<vmem>>, vector<1x16xf32>,
      %get3A_699 = arith.index_cast %scan3A_646 : i32 to index
      %get3A_700 = arith.constant 96 : index
      %get3A_701 = tpu.vector_load %arg14[%get3A_699, %get3A_700] {strides = array<i32>} : memref<40x128xf32, #tpu.memory_space<vmem>>, vector<1x16xf32>,
      %get3A_702 = vector.shape_cast %get3A_701 : vector<1x16xf32> to vector<16xf32>
      %swap3A_703 = arith.index_cast %scan3A_646 : i32 to index
      %swap3A_704 = arith.constant 96 : index
      %swap3A_705 = tpu.vector_load %arg9[%swap3A_703, %swap3A_704] {strides = array<i32>} : memref<40x128xf32, #tpu.memory_space<vmem>>, vector<1x16xf32>,
      %swap3A_706 = vector.shape_cast %swap3A_705 : vector<1x16xf32> to vector<16xf32>
      %swap3A_707 = vector.shape_cast %get3A_702 : vector<16xf32> to vector<1x16xf32>
      tpu.vector_store %arg9[%swap3A_703, %swap3A_704], %swap3A_707 {add = true, strides = array<i32>} : memref<40x128xf32, #tpu.memory_space<vmem>>, vector<1x16xf32>,
      %get3A_708 = arith.index_cast %scan3A_646 : i32 to index
      %get3A_709 = arith.constant 112 : index
      %get3A_710 = tpu.vector_load %arg14[%get3A_708, %get3A_709] {strides = array<i32>} : memref<40x128xf32, #tpu.memory_space<vmem>>, vector<1x16xf32>,
      %get3A_711 = vector.shape_cast %get3A_710 : vector<1x16xf32> to vector<16xf32>
      %swap3A_712 = arith.index_cast %scan3A_646 : i32 to index
      %swap3A_713 = arith.constant 112 : index
      %swap3A_714 = tpu.vector_load %arg9[%swap3A_712, %swap3A_713] {strides = array<i32>} : memref<40x128xf32, #tpu.memory_space<vmem>>, vector<1x16xf32>,
      %swap3A_715 = vector.shape_cast %swap3A_714 : vector<1x16xf32> to vector<16xf32>
      %swap3A_716 = vector.shape_cast %get3A_711 : vector<16xf32> to vector<1x16xf32>
      tpu.vector_store %arg9[%swap3A_712, %swap3A_713], %swap3A_716 {add = true, strides = array<i32>} : memref<40x128xf32, #tpu.memory_space<vmem>>, vector<1x16xf32>,
      %scan3A_717 = arith.constant 1 : i32
      %scan3A_718 = arith.addi %scan3A_646, %scan3A_717 : i32
      %get3A_719 = arith.index_cast %scan3A_718 : i32 to index
      %get3A_720 = arith.constant 0 : index
      %get3A_721 = tpu.vector_load %arg14[%get3A_719, %get3A_720] {strides = array<i32>} : memref<40x128xf32, #tpu.memory_space<vmem>>, vector<1x16xf32>,
      %get3A_722 = vector.shape_cast %get3A_721 : vector<1x16xf32> to vector<16xf32>
      %swap3A_723 = arith.index_cast %scan3A_718 : i32 to index
      %swap3A_724 = arith.constant 0 : index
      %swap3A_725 = tpu.vector_load %arg9[%swap3A_723, %swap3A_724] {strides = array<i32>} : memref<40x128xf32, #tpu.memory_space<vmem>>, vector<1x16xf32>,
      %swap3A_726 = vector.shape_cast %swap3A_725 : vector<1x16xf32> to vector<16xf32>
      %swap3A_727 = vector.shape_cast %get3A_722 : vector<16xf32> to vector<1x16xf32>
      tpu.vector_store %arg9[%swap3A_723, %swap3A_724], %swap3A_727 {add = true, strides = array<i32>} : memref<40x128xf32, #tpu.memory_space<vmem>>, vector<1x16xf32>,
      %get3A_728 = arith.index_cast %scan3A_718 : i32 to index
      %get3A_729 = arith.constant 16 : index
      %get3A_730 = tpu.vector_load %arg14[%get3A_728, %get3A_729] {strides = array<i32>} : memref<40x128xf32, #tpu.memory_space<vmem>>, vector<1x16xf32>,
      %get3A_731 = vector.shape_cast %get3A_730 : vector<1x16xf32> to vector<16xf32>
      %swap3A_732 = arith.index_cast %scan3A_718 : i32 to index
      %swap3A_733 = arith.constant 16 : index
      %swap3A_734 = tpu.vector_load %arg9[%swap3A_732, %swap3A_733] {strides = array<i32>} : memref<40x128xf32, #tpu.memory_space<vmem>>, vector<1x16xf32>,
      %swap3A_735 = vector.shape_cast %swap3A_734 : vector<1x16xf32> to vector<16xf32>
      %swap3A_736 = vector.shape_cast %get3A_731 : vector<16xf32> to vector<1x16xf32>
      tpu.vector_store %arg9[%swap3A_732, %swap3A_733], %swap3A_736 {add = true, strides = array<i32>} : memref<40x128xf32, #tpu.memory_space<vmem>>, vector<1x16xf32>,
      %get3A_737 = arith.index_cast %scan3A_718 : i32 to index
      %get3A_738 = arith.constant 32 : index
      %get3A_739 = tpu.vector_load %arg14[%get3A_737, %get3A_738] {strides = array<i32>} : memref<40x128xf32, #tpu.memory_space<vmem>>, vector<1x16xf32>,
      %get3A_740 = vector.shape_cast %get3A_739 : vector<1x16xf32> to vector<16xf32>
      %swap3A_741 = arith.index_cast %scan3A_718 : i32 to index
      %swap3A_742 = arith.constant 32 : index
      %swap3A_743 = tpu.vector_load %arg9[%swap3A_741, %swap3A_742] {strides = array<i32>} : memref<40x128xf32, #tpu.memory_space<vmem>>, vector<1x16xf32>,
      %swap3A_744 = vector.shape_cast %swap3A_743 : vector<1x16xf32> to vector<16xf32>
      %swap3A_745 = vector.shape_cast %get3A_740 : vector<16xf32> to vector<1x16xf32>
      tpu.vector_store %arg9[%swap3A_741, %swap3A_742], %swap3A_745 {add = true, strides = array<i32>} : memref<40x128xf32, #tpu.memory_space<vmem>>, vector<1x16xf32>,
      %get3A_746 = arith.index_cast %scan3A_718 : i32 to index
      %get3A_747 = arith.constant 48 : index
      %get3A_748 = tpu.vector_load %arg14[%get3A_746, %get3A_747] {strides = array<i32>} : memref<40x128xf32, #tpu.memory_space<vmem>>, vector<1x16xf32>,
      %get3A_749 = vector.shape_cast %get3A_748 : vector<1x16xf32> to vector<16xf32>
      %swap3A_750 = arith.index_cast %scan3A_718 : i32 to index
      %swap3A_751 = arith.constant 48 : index
      %swap3A_752 = tpu.vector_load %arg9[%swap3A_750, %swap3A_751] {strides = array<i32>} : memref<40x128xf32, #tpu.memory_space<vmem>>, vector<1x16xf32>,
      %swap3A_753 = vector.shape_cast %swap3A_752 : vector<1x16xf32> to vector<16xf32>
      %swap3A_754 = vector.shape_cast %get3A_749 : vector<16xf32> to vector<1x16xf32>
      tpu.vector_store %arg9[%swap3A_750, %swap3A_751], %swap3A_754 {add = true, strides = array<i32>} : memref<40x128xf32, #tpu.memory_space<vmem>>, vector<1x16xf32>,
      %get3A_755 = arith.index_cast %scan3A_718 : i32 to index
      %get3A_756 = arith.constant 64 : index
      %get3A_757 = tpu.vector_load %arg14[%get3A_755, %get3A_756] {strides = array<i32>} : memref<40x128xf32, #tpu.memory_space<vmem>>, vector<1x16xf32>,
      %get3A_758 = vector.shape_cast %get3A_757 : vector<1x16xf32> to vector<16xf32>
      %swap3A_759 = arith.index_cast %scan3A_718 : i32 to index
      %swap3A_760 = arith.constant 64 : index
      %swap3A_761 = tpu.vector_load %arg9[%swap3A_759, %swap3A_760] {strides = array<i32>} : memref<40x128xf32, #tpu.memory_space<vmem>>, vector<1x16xf32>,
      %swap3A_762 = vector.shape_cast %swap3A_761 : vector<1x16xf32> to vector<16xf32>
      %swap3A_763 = vector.shape_cast %get3A_758 : vector<16xf32> to vector<1x16xf32>
      tpu.vector_store %arg9[%swap3A_759, %swap3A_760], %swap3A_763 {add = true, strides = array<i32>} : memref<40x128xf32, #tpu.memory_space<vmem>>, vector<1x16xf32>,
      %get3A_764 = arith.index_cast %scan3A_718 : i32 to index
      %get3A_765 = arith.constant 80 : index
      %get3A_766 = tpu.vector_load %arg14[%get3A_764, %get3A_765] {strides = array<i32>} : memref<40x128xf32, #tpu.memory_space<vmem>>, vector<1x16xf32>,
      %get3A_767 = vector.shape_cast %get3A_766 : vector<1x16xf32> to vector<16xf32>
      %swap3A_768 = arith.index_cast %scan3A_718 : i32 to index
      %swap3A_769 = arith.constant 80 : index
      %swap3A_770 = tpu.vector_load %arg9[%swap3A_768, %swap3A_769] {strides = array<i32>} : memref<40x128xf32, #tpu.memory_space<vmem>>, vector<1x16xf32>,
      %swap3A_771 = vector.shape_cast %swap3A_770 : vector<1x16xf32> to vector<16xf32>
      %swap3A_772 = vector.shape_cast %get3A_767 : vector<16xf32> to vector<1x16xf32>
      tpu.vector_store %arg9[%swap3A_768, %swap3A_769], %swap3A_772 {add = true, strides = array<i32>} : memref<40x128xf32, #tpu.memory_space<vmem>>, vector<1x16xf32>,
      %get3A_773 = arith.index_cast %scan3A_718 : i32 to index
      %get3A_774 = arith.constant 96 : index
      %get3A_775 = tpu.vector_load %arg14[%get3A_773, %get3A_774] {strides = array<i32>} : memref<40x128xf32, #tpu.memory_space<vmem>>, vector<1x16xf32>,
      %get3A_776 = vector.shape_cast %get3A_775 : vector<1x16xf32> to vector<16xf32>
      %swap3A_777 = arith.index_cast %scan3A_718 : i32 to index
      %swap3A_778 = arith.constant 96 : index
      %swap3A_779 = tpu.vector_load %arg9[%swap3A_777, %swap3A_778] {strides = array<i32>} : memref<40x128xf32, #tpu.memory_space<vmem>>, vector<1x16xf32>,
      %swap3A_780 = vector.shape_cast %swap3A_779 : vector<1x16xf32> to vector<16xf32>
      %swap3A_781 = vector.shape_cast %get3A_776 : vector<16xf32> to vector<1x16xf32>
      tpu.vector_store %arg9[%swap3A_777, %swap3A_778], %swap3A_781 {add = true, strides = array<i32>} : memref<40x128xf32, #tpu.memory_space<vmem>>, vector<1x16xf32>,
      %get3A_782 = arith.index_cast %scan3A_718 : i32 to index
      %get3A_783 = arith.constant 112 : index
      %get3A_784 = tpu.vector_load %arg14[%get3A_782, %get3A_783] {strides = array<i32>} : memref<40x128xf32, #tpu.memory_space<vmem>>, vector<1x16xf32>,
      %get3A_785 = vector.shape_cast %get3A_784 : vector<1x16xf32> to vector<16xf32>
      %swap3A_786 = arith.index_cast %scan3A_718 : i32 to index
      %swap3A_787 = arith.constant 112 : index
      %swap3A_788 = tpu.vector_load %arg9[%swap3A_786, %swap3A_787] {strides = array<i32>} : memref<40x128xf32, #tpu.memory_space<vmem>>, vector<1x16xf32>,
      %swap3A_789 = vector.shape_cast %swap3A_788 : vector<1x16xf32> to vector<16xf32>
      %swap3A_790 = vector.shape_cast %get3A_785 : vector<16xf32> to vector<1x16xf32>
      tpu.vector_store %arg9[%swap3A_786, %swap3A_787], %swap3A_790 {add = true, strides = array<i32>} : memref<40x128xf32, #tpu.memory_space<vmem>>, vector<1x16xf32>,
    }
    %scan3A_283 = arith.constant 40 : i32
    %dma_wait3A_284 = arith.constant 3 : i32
    %dma_wait3A_285 = arith.constant 0 : i32
    %dma_wait3A_286 = arith.constant 0 : i32
    %dma_wait3A_287 = tpu.memref_slice %arg6[%arg1, %dma_wait3A_284, %dma_wait3A_285, %dma_wait3A_286] : memref<16x5x40x128xf32, #tpu.memory_space<vmem_shared>> -> memref<1x1x40x128xf32, #tpu.memory_space<vmem_shared>>
    %dma_wait3A_288 = tpu.memref_squeeze %dma_wait3A_287 : memref<1x1x40x128xf32, #tpu.memory_space<vmem_shared>> -> memref<40x128xf32, #tpu.memory_space<vmem_shared>>
    %dma_wait3A_289 = arith.constant 0 : i32
    %dma_wait3A_290 = arith.constant 0 : i32
    %dma_wait3A_291 = tpu.memref_slice %arg6[%arg1, %dma_wait3A_284, %dma_wait3A_289, %dma_wait3A_290] : memref<16x5x40x128xf32, #tpu.memory_space<vmem_shared>> -> memref<1x1x40x128xf32, #tpu.memory_space<vmem_shared>>
    %dma_wait3A_292 = tpu.memref_squeeze %dma_wait3A_291 : memref<1x1x40x128xf32, #tpu.memory_space<vmem_shared>> -> memref<40x128xf32, #tpu.memory_space<vmem_shared>>
    tpu.wait_dma2 semaphore(%arg32 : memref<!tpu.dma_semaphore, #tpu.memory_space<semaphore_mem>>) src(%arg12 : memref<40x128xf32, #tpu.memory_space<vmem>>) dst(%dma_wait3A_292 : memref<40x128xf32, #tpu.memory_space<vmem_shared>>)
    %add3A_293 = arith.constant 9720 : i32
    %add3A_294 = arith.addi %multiple_of3A, %add3A_293 : i32
    %multiple_of3A_295 = tpu.assume_multiple %add3A_294, 8 : i32
    %dma_start3A_296 = arith.constant 3 : i32
    %dma_start3A_297 = arith.constant 0 : i32
    %dma_start3A_298 = tpu.memref_slice %arg5[%multiple_of3A_295, %dma_start3A_297] : memref<320000x128xf32, #tpu.memory_space<hbm>> -> memref<40x128xf32, #tpu.memory_space<hbm>>
    %dma_start3A_299 = arith.constant 0 : i32
    %dma_start3A_300 = arith.constant 0 : i32
    %dma_start3A_301 = tpu.memref_slice %arg6[%arg1, %dma_start3A_296, %dma_start3A_299, %dma_start3A_300] : memref<16x5x40x128xf32, #tpu.memory_space<vmem_shared>> -> memref<1x1x40x128xf32, #tpu.memory_space<vmem_shared>>
    %dma_start3A_302 = tpu.memref_squeeze %dma_start3A_301 : memref<1x1x40x128xf32, #tpu.memory_space<vmem_shared>> -> memref<40x128xf32, #tpu.memory_space<vmem_shared>>
    tpu.enqueue_dma source(%dma_start3A_302 : memref<40x128xf32, #tpu.memory_space<vmem_shared>>) target(%dma_start3A_298 : memref<40x128xf32, #tpu.memory_space<hbm>>) target_semaphore(%arg37 : memref<!tpu.dma_semaphore, #tpu.memory_space<semaphore_mem>>)
    %multiple_of3A_303 = arith.constant 9920 : i32
    %multiple_of3A_304 = tpu.assume_multiple %multiple_of3A_303, 8 : i32
    %dma_start3A_305 = tpu.memref_slice %arg7[%multiple_of3A_304] : memref<10000xi32, #tpu.memory_space<vmem>> -> memref<40xi32, #tpu.memory_space<vmem>>
    %dma_start3A_306 = arith.constant 0 : i32
    %dma_start3A_307 = arith.constant 0 : i32
    %dma_start3A_308 = tpu.memref_slice %arg2[%dma_start3A_306, %dma_start3A_307] : memref<10000x128xf32, #tpu.memory_space<hbm>> -> memref<10000x128xf32, #tpu.memory_space<hbm>>
    tpu.enqueue_indirect_dma source(%dma_start3A_308 : memref<10000x128xf32, #tpu.memory_space<hbm>>) target(%arg12 : memref<40x128xf32, #tpu.memory_space<vmem>>) offsets(%dma_start3A_305 : memref<40xi32, #tpu.memory_space<vmem>>) semaphore(%arg22 : memref<!tpu.dma_semaphore, #tpu.memory_space<semaphore_mem>>)
    %dma_start3A_309 = tpu.memref_slice %arg8[%multiple_of3A_304] : memref<10000xi32, #tpu.memory_space<vmem>> -> memref<40xi32, #tpu.memory_space<vmem>>
    %dma_start3A_310 = arith.constant 0 : i32
    %dma_start3A_311 = arith.constant 0 : i32
    %dma_start3A_312 = tpu.memref_slice %arg2[%dma_start3A_310, %dma_start3A_311] : memref<10000x128xf32, #tpu.memory_space<hbm>> -> memref<10000x128xf32, #tpu.memory_space<hbm>>
    tpu.enqueue_indirect_dma source(%dma_start3A_312 : memref<10000x128xf32, #tpu.memory_space<hbm>>) target(%arg17 : memref<40x128xf32, #tpu.memory_space<vmem>>) offsets(%dma_start3A_309 : memref<40xi32, #tpu.memory_space<vmem>>) semaphore(%arg27 : memref<!tpu.dma_semaphore, #tpu.memory_space<semaphore_mem>>)
    %add3A_313 = arith.constant 9600 : i32
    %add3A_314 = arith.addi %multiple_of3A, %add3A_313 : i32
    %multiple_of3A_315 = tpu.assume_multiple %add3A_314, 8 : i32
    %dma_wait3A_316 = arith.constant 0 : i32
    %dma_wait3A_317 = arith.constant 0 : i32
    %dma_wait3A_318 = tpu.memref_slice %arg5[%multiple_of3A_315, %dma_wait3A_317] : memref<320000x128xf32, #tpu.memory_space<hbm>> -> memref<40x128xf32, #tpu.memory_space<hbm>>
    %dma_wait3A_319 = arith.constant 0 : i32
    %dma_wait3A_320 = arith.constant 0 : i32
    %dma_wait3A_321 = tpu.memref_slice %arg6[%arg1, %dma_wait3A_316, %dma_wait3A_319, %dma_wait3A_320] : memref<16x5x40x128xf32, #tpu.memory_space<vmem_shared>> -> memref<1x1x40x128xf32, #tpu.memory_space<vmem_shared>>
    %dma_wait3A_322 = tpu.memref_squeeze %dma_wait3A_321 : memref<1x1x40x128xf32, #tpu.memory_space<vmem_shared>> -> memref<40x128xf32, #tpu.memory_space<vmem_shared>>
    tpu.wait_dma2 semaphore(%arg34 : memref<!tpu.dma_semaphore, #tpu.memory_space<semaphore_mem>>) src(%dma_wait3A_322 : memref<40x128xf32, #tpu.memory_space<vmem_shared>>) dst(%dma_wait3A_318 : memref<40x128xf32, #tpu.memory_space<hbm>>)
    %dma_start3A_323 = arith.constant 0 : i32
    %dma_start3A_324 = arith.constant 0 : i32
    %dma_start3A_325 = arith.constant 0 : i32
    %dma_start3A_326 = tpu.memref_slice %arg6[%arg1, %dma_start3A_323, %dma_start3A_324, %dma_start3A_325] : memref<16x5x40x128xf32, #tpu.memory_space<vmem_shared>> -> memref<1x1x40x128xf32, #tpu.memory_space<vmem_shared>>
    %dma_start3A_327 = tpu.memref_squeeze %dma_start3A_326 : memref<1x1x40x128xf32, #tpu.memory_space<vmem_shared>> -> memref<40x128xf32, #tpu.memory_space<vmem_shared>>
    %dma_start3A_328 = arith.constant 0 : i32
    %dma_start3A_329 = arith.constant 0 : i32
    %dma_start3A_330 = tpu.memref_slice %arg6[%arg1, %dma_start3A_323, %dma_start3A_328, %dma_start3A_329] : memref<16x5x40x128xf32, #tpu.memory_space<vmem_shared>> -> memref<1x1x40x128xf32, #tpu.memory_space<vmem_shared>>
    %dma_start3A_331 = tpu.memref_squeeze %dma_start3A_330 : memref<1x1x40x128xf32, #tpu.memory_space<vmem_shared>> -> memref<40x128xf32, #tpu.memory_space<vmem_shared>>
    tpu.enqueue_dma source(%arg9 : memref<40x128xf32, #tpu.memory_space<vmem>>) target(%dma_start3A_331 : memref<40x128xf32, #tpu.memory_space<vmem_shared>>) target_semaphore(%arg29 : memref<!tpu.dma_semaphore, #tpu.memory_space<semaphore_mem>>)
    %multiple_of3A_332 = arith.constant 9840 : i32
    %multiple_of3A_333 = tpu.assume_multiple %multiple_of3A_332, 8 : i32
    %dma_wait3A_334 = tpu.memref_slice %arg7[%multiple_of3A_333] : memref<10000xi32, #tpu.memory_space<vmem>> -> memref<40xi32, #tpu.memory_space<vmem>>
    %dma_wait3A_335 = arith.constant 0 : i32
    %dma_wait3A_336 = arith.constant 0 : i32
    %dma_wait3A_337 = tpu.memref_slice %arg2[%dma_wait3A_335, %dma_wait3A_336] : memref<10000x128xf32, #tpu.memory_space<hbm>> -> memref<10000x128xf32, #tpu.memory_space<hbm>>
    tpu.wait_indirect_dma semaphore(%arg20 : memref<!tpu.dma_semaphore, #tpu.memory_space<semaphore_mem>>) src(%dma_wait3A_337 : memref<10000x128xf32, #tpu.memory_space<hbm>>) dst(%arg10 : memref<40x128xf32, #tpu.memory_space<vmem>>)
    %dma_wait3A_338 = tpu.memref_slice %arg8[%multiple_of3A_333] : memref<10000xi32, #tpu.memory_space<vmem>> -> memref<40xi32, #tpu.memory_space<vmem>>
    %dma_wait3A_339 = arith.constant 0 : i32
    %dma_wait3A_340 = arith.constant 0 : i32
    %dma_wait3A_341 = tpu.memref_slice %arg2[%dma_wait3A_339, %dma_wait3A_340] : memref<10000x128xf32, #tpu.memory_space<hbm>> -> memref<10000x128xf32, #tpu.memory_space<hbm>>
    tpu.wait_indirect_dma semaphore(%arg25 : memref<!tpu.dma_semaphore, #tpu.memory_space<semaphore_mem>>) src(%dma_wait3A_341 : memref<10000x128xf32, #tpu.memory_space<hbm>>) dst(%arg15 : memref<40x128xf32, #tpu.memory_space<vmem>>)
    %scan3A_342 = arith.constant 0 : i32
    %scan3A_343 = arith.constant 0 : i32
    %scan3A_344 = arith.constant 40 : i32
    %scan3A_345 = arith.addi %scan3A_343, %scan3A_344 : i32
    %scan3A_346 = arith.constant 2 : i32
    scf.for %scan3A_646 = %scan3A_343 to %scan3A_345 step %scan3A_346  : i32 {
      %get3A = arith.index_cast %scan3A_646 : i32 to index
      %get3A_647 = arith.constant 0 : index
      %get3A_648 = tpu.vector_load %arg15[%get3A, %get3A_647] {strides = array<i32>} : memref<40x128xf32, #tpu.memory_space<vmem>>, vector<1x16xf32>,
      %get3A_649 = vector.shape_cast %get3A_648 : vector<1x16xf32> to vector<16xf32>
      %swap3A = arith.index_cast %scan3A_646 : i32 to index
      %swap3A_650 = arith.constant 0 : index
      %swap3A_651 = tpu.vector_load %arg10[%swap3A, %swap3A_650] {strides = array<i32>} : memref<40x128xf32, #tpu.memory_space<vmem>>, vector<1x16xf32>,
      %swap3A_652 = vector.shape_cast %swap3A_651 : vector<1x16xf32> to vector<16xf32>
      %swap3A_653 = vector.shape_cast %get3A_649 : vector<16xf32> to vector<1x16xf32>
      tpu.vector_store %arg10[%swap3A, %swap3A_650], %swap3A_653 {add = true, strides = array<i32>} : memref<40x128xf32, #tpu.memory_space<vmem>>, vector<1x16xf32>,
      %get3A_654 = arith.index_cast %scan3A_646 : i32 to index
      %get3A_655 = arith.constant 16 : index
      %get3A_656 = tpu.vector_load %arg15[%get3A_654, %get3A_655] {strides = array<i32>} : memref<40x128xf32, #tpu.memory_space<vmem>>, vector<1x16xf32>,
      %get3A_657 = vector.shape_cast %get3A_656 : vector<1x16xf32> to vector<16xf32>
      %swap3A_658 = arith.index_cast %scan3A_646 : i32 to index
      %swap3A_659 = arith.constant 16 : index
      %swap3A_660 = tpu.vector_load %arg10[%swap3A_658, %swap3A_659] {strides = array<i32>} : memref<40x128xf32, #tpu.memory_space<vmem>>, vector<1x16xf32>,
      %swap3A_661 = vector.shape_cast %swap3A_660 : vector<1x16xf32> to vector<16xf32>
      %swap3A_662 = vector.shape_cast %get3A_657 : vector<16xf32> to vector<1x16xf32>
      tpu.vector_store %arg10[%swap3A_658, %swap3A_659], %swap3A_662 {add = true, strides = array<i32>} : memref<40x128xf32, #tpu.memory_space<vmem>>, vector<1x16xf32>,
      %get3A_663 = arith.index_cast %scan3A_646 : i32 to index
      %get3A_664 = arith.constant 32 : index
      %get3A_665 = tpu.vector_load %arg15[%get3A_663, %get3A_664] {strides = array<i32>} : memref<40x128xf32, #tpu.memory_space<vmem>>, vector<1x16xf32>,
      %get3A_666 = vector.shape_cast %get3A_665 : vector<1x16xf32> to vector<16xf32>
      %swap3A_667 = arith.index_cast %scan3A_646 : i32 to index
      %swap3A_668 = arith.constant 32 : index
      %swap3A_669 = tpu.vector_load %arg10[%swap3A_667, %swap3A_668] {strides = array<i32>} : memref<40x128xf32, #tpu.memory_space<vmem>>, vector<1x16xf32>,
      %swap3A_670 = vector.shape_cast %swap3A_669 : vector<1x16xf32> to vector<16xf32>
      %swap3A_671 = vector.shape_cast %get3A_666 : vector<16xf32> to vector<1x16xf32>
      tpu.vector_store %arg10[%swap3A_667, %swap3A_668], %swap3A_671 {add = true, strides = array<i32>} : memref<40x128xf32, #tpu.memory_space<vmem>>, vector<1x16xf32>,
      %get3A_672 = arith.index_cast %scan3A_646 : i32 to index
      %get3A_673 = arith.constant 48 : index
      %get3A_674 = tpu.vector_load %arg15[%get3A_672, %get3A_673] {strides = array<i32>} : memref<40x128xf32, #tpu.memory_space<vmem>>, vector<1x16xf32>,
      %get3A_675 = vector.shape_cast %get3A_674 : vector<1x16xf32> to vector<16xf32>
      %swap3A_676 = arith.index_cast %scan3A_646 : i32 to index
      %swap3A_677 = arith.constant 48 : index
      %swap3A_678 = tpu.vector_load %arg10[%swap3A_676, %swap3A_677] {strides = array<i32>} : memref<40x128xf32, #tpu.memory_space<vmem>>, vector<1x16xf32>,
      %swap3A_679 = vector.shape_cast %swap3A_678 : vector<1x16xf32> to vector<16xf32>
      %swap3A_680 = vector.shape_cast %get3A_675 : vector<16xf32> to vector<1x16xf32>
      tpu.vector_store %arg10[%swap3A_676, %swap3A_677], %swap3A_680 {add = true, strides = array<i32>} : memref<40x128xf32, #tpu.memory_space<vmem>>, vector<1x16xf32>,
      %get3A_681 = arith.index_cast %scan3A_646 : i32 to index
      %get3A_682 = arith.constant 64 : index
      %get3A_683 = tpu.vector_load %arg15[%get3A_681, %get3A_682] {strides = array<i32>} : memref<40x128xf32, #tpu.memory_space<vmem>>, vector<1x16xf32>,
      %get3A_684 = vector.shape_cast %get3A_683 : vector<1x16xf32> to vector<16xf32>
      %swap3A_685 = arith.index_cast %scan3A_646 : i32 to index
      %swap3A_686 = arith.constant 64 : index
      %swap3A_687 = tpu.vector_load %arg10[%swap3A_685, %swap3A_686] {strides = array<i32>} : memref<40x128xf32, #tpu.memory_space<vmem>>, vector<1x16xf32>,
      %swap3A_688 = vector.shape_cast %swap3A_687 : vector<1x16xf32> to vector<16xf32>
      %swap3A_689 = vector.shape_cast %get3A_684 : vector<16xf32> to vector<1x16xf32>
      tpu.vector_store %arg10[%swap3A_685, %swap3A_686], %swap3A_689 {add = true, strides = array<i32>} : memref<40x128xf32, #tpu.memory_space<vmem>>, vector<1x16xf32>,
      %get3A_690 = arith.index_cast %scan3A_646 : i32 to index
      %get3A_691 = arith.constant 80 : index
      %get3A_692 = tpu.vector_load %arg15[%get3A_690, %get3A_691] {strides = array<i32>} : memref<40x128xf32, #tpu.memory_space<vmem>>, vector<1x16xf32>,
      %get3A_693 = vector.shape_cast %get3A_692 : vector<1x16xf32> to vector<16xf32>
      %swap3A_694 = arith.index_cast %scan3A_646 : i32 to index
      %swap3A_695 = arith.constant 80 : index
      %swap3A_696 = tpu.vector_load %arg10[%swap3A_694, %swap3A_695] {strides = array<i32>} : memref<40x128xf32, #tpu.memory_space<vmem>>, vector<1x16xf32>,
      %swap3A_697 = vector.shape_cast %swap3A_696 : vector<1x16xf32> to vector<16xf32>
      %swap3A_698 = vector.shape_cast %get3A_693 : vector<16xf32> to vector<1x16xf32>
      tpu.vector_store %arg10[%swap3A_694, %swap3A_695], %swap3A_698 {add = true, strides = array<i32>} : memref<40x128xf32, #tpu.memory_space<vmem>>, vector<1x16xf32>,
      %get3A_699 = arith.index_cast %scan3A_646 : i32 to index
      %get3A_700 = arith.constant 96 : index
      %get3A_701 = tpu.vector_load %arg15[%get3A_699, %get3A_700] {strides = array<i32>} : memref<40x128xf32, #tpu.memory_space<vmem>>, vector<1x16xf32>,
      %get3A_702 = vector.shape_cast %get3A_701 : vector<1x16xf32> to vector<16xf32>
      %swap3A_703 = arith.index_cast %scan3A_646 : i32 to index
      %swap3A_704 = arith.constant 96 : index
      %swap3A_705 = tpu.vector_load %arg10[%swap3A_703, %swap3A_704] {strides = array<i32>} : memref<40x128xf32, #tpu.memory_space<vmem>>, vector<1x16xf32>,
      %swap3A_706 = vector.shape_cast %swap3A_705 : vector<1x16xf32> to vector<16xf32>
      %swap3A_707 = vector.shape_cast %get3A_702 : vector<16xf32> to vector<1x16xf32>
      tpu.vector_store %arg10[%swap3A_703, %swap3A_704], %swap3A_707 {add = true, strides = array<i32>} : memref<40x128xf32, #tpu.memory_space<vmem>>, vector<1x16xf32>,
      %get3A_708 = arith.index_cast %scan3A_646 : i32 to index
      %get3A_709 = arith.constant 112 : index
      %get3A_710 = tpu.vector_load %arg15[%get3A_708, %get3A_709] {strides = array<i32>} : memref<40x128xf32, #tpu.memory_space<vmem>>, vector<1x16xf32>,
      %get3A_711 = vector.shape_cast %get3A_710 : vector<1x16xf32> to vector<16xf32>
      %swap3A_712 = arith.index_cast %scan3A_646 : i32 to index
      %swap3A_713 = arith.constant 112 : index
      %swap3A_714 = tpu.vector_load %arg10[%swap3A_712, %swap3A_713] {strides = array<i32>} : memref<40x128xf32, #tpu.memory_space<vmem>>, vector<1x16xf32>,
      %swap3A_715 = vector.shape_cast %swap3A_714 : vector<1x16xf32> to vector<16xf32>
      %swap3A_716 = vector.shape_cast %get3A_711 : vector<16xf32> to vector<1x16xf32>
      tpu.vector_store %arg10[%swap3A_712, %swap3A_713], %swap3A_716 {add = true, strides = array<i32>} : memref<40x128xf32, #tpu.memory_space<vmem>>, vector<1x16xf32>,
      %scan3A_717 = arith.constant 1 : i32
      %scan3A_718 = arith.addi %scan3A_646, %scan3A_717 : i32
      %get3A_719 = arith.index_cast %scan3A_718 : i32 to index
      %get3A_720 = arith.constant 0 : index
      %get3A_721 = tpu.vector_load %arg15[%get3A_719, %get3A_720] {strides = array<i32>} : memref<40x128xf32, #tpu.memory_space<vmem>>, vector<1x16xf32>,
      %get3A_722 = vector.shape_cast %get3A_721 : vector<1x16xf32> to vector<16xf32>
      %swap3A_723 = arith.index_cast %scan3A_718 : i32 to index
      %swap3A_724 = arith.constant 0 : index
      %swap3A_725 = tpu.vector_load %arg10[%swap3A_723, %swap3A_724] {strides = array<i32>} : memref<40x128xf32, #tpu.memory_space<vmem>>, vector<1x16xf32>,
      %swap3A_726 = vector.shape_cast %swap3A_725 : vector<1x16xf32> to vector<16xf32>
      %swap3A_727 = vector.shape_cast %get3A_722 : vector<16xf32> to vector<1x16xf32>
      tpu.vector_store %arg10[%swap3A_723, %swap3A_724], %swap3A_727 {add = true, strides = array<i32>} : memref<40x128xf32, #tpu.memory_space<vmem>>, vector<1x16xf32>,
      %get3A_728 = arith.index_cast %scan3A_718 : i32 to index
      %get3A_729 = arith.constant 16 : index
      %get3A_730 = tpu.vector_load %arg15[%get3A_728, %get3A_729] {strides = array<i32>} : memref<40x128xf32, #tpu.memory_space<vmem>>, vector<1x16xf32>,
      %get3A_731 = vector.shape_cast %get3A_730 : vector<1x16xf32> to vector<16xf32>
      %swap3A_732 = arith.index_cast %scan3A_718 : i32 to index
      %swap3A_733 = arith.constant 16 : index
      %swap3A_734 = tpu.vector_load %arg10[%swap3A_732, %swap3A_733] {strides = array<i32>} : memref<40x128xf32, #tpu.memory_space<vmem>>, vector<1x16xf32>,
      %swap3A_735 = vector.shape_cast %swap3A_734 : vector<1x16xf32> to vector<16xf32>
      %swap3A_736 = vector.shape_cast %get3A_731 : vector<16xf32> to vector<1x16xf32>
      tpu.vector_store %arg10[%swap3A_732, %swap3A_733], %swap3A_736 {add = true, strides = array<i32>} : memref<40x128xf32, #tpu.memory_space<vmem>>, vector<1x16xf32>,
      %get3A_737 = arith.index_cast %scan3A_718 : i32 to index
      %get3A_738 = arith.constant 32 : index
      %get3A_739 = tpu.vector_load %arg15[%get3A_737, %get3A_738] {strides = array<i32>} : memref<40x128xf32, #tpu.memory_space<vmem>>, vector<1x16xf32>,
      %get3A_740 = vector.shape_cast %get3A_739 : vector<1x16xf32> to vector<16xf32>
      %swap3A_741 = arith.index_cast %scan3A_718 : i32 to index
      %swap3A_742 = arith.constant 32 : index
      %swap3A_743 = tpu.vector_load %arg10[%swap3A_741, %swap3A_742] {strides = array<i32>} : memref<40x128xf32, #tpu.memory_space<vmem>>, vector<1x16xf32>,
      %swap3A_744 = vector.shape_cast %swap3A_743 : vector<1x16xf32> to vector<16xf32>
      %swap3A_745 = vector.shape_cast %get3A_740 : vector<16xf32> to vector<1x16xf32>
      tpu.vector_store %arg10[%swap3A_741, %swap3A_742], %swap3A_745 {add = true, strides = array<i32>} : memref<40x128xf32, #tpu.memory_space<vmem>>, vector<1x16xf32>,
      %get3A_746 = arith.index_cast %scan3A_718 : i32 to index
      %get3A_747 = arith.constant 48 : index
      %get3A_748 = tpu.vector_load %arg15[%get3A_746, %get3A_747] {strides = array<i32>} : memref<40x128xf32, #tpu.memory_space<vmem>>, vector<1x16xf32>,
      %get3A_749 = vector.shape_cast %get3A_748 : vector<1x16xf32> to vector<16xf32>
      %swap3A_750 = arith.index_cast %scan3A_718 : i32 to index
      %swap3A_751 = arith.constant 48 : index
      %swap3A_752 = tpu.vector_load %arg10[%swap3A_750, %swap3A_751] {strides = array<i32>} : memref<40x128xf32, #tpu.memory_space<vmem>>, vector<1x16xf32>,
      %swap3A_753 = vector.shape_cast %swap3A_752 : vector<1x16xf32> to vector<16xf32>
      %swap3A_754 = vector.shape_cast %get3A_749 : vector<16xf32> to vector<1x16xf32>
      tpu.vector_store %arg10[%swap3A_750, %swap3A_751], %swap3A_754 {add = true, strides = array<i32>} : memref<40x128xf32, #tpu.memory_space<vmem>>, vector<1x16xf32>,
      %get3A_755 = arith.index_cast %scan3A_718 : i32 to index
      %get3A_756 = arith.constant 64 : index
      %get3A_757 = tpu.vector_load %arg15[%get3A_755, %get3A_756] {strides = array<i32>} : memref<40x128xf32, #tpu.memory_space<vmem>>, vector<1x16xf32>,
      %get3A_758 = vector.shape_cast %get3A_757 : vector<1x16xf32> to vector<16xf32>
      %swap3A_759 = arith.index_cast %scan3A_718 : i32 to index
      %swap3A_760 = arith.constant 64 : index
      %swap3A_761 = tpu.vector_load %arg10[%swap3A_759, %swap3A_760] {strides = array<i32>} : memref<40x128xf32, #tpu.memory_space<vmem>>, vector<1x16xf32>,
      %swap3A_762 = vector.shape_cast %swap3A_761 : vector<1x16xf32> to vector<16xf32>
      %swap3A_763 = vector.shape_cast %get3A_758 : vector<16xf32> to vector<1x16xf32>
      tpu.vector_store %arg10[%swap3A_759, %swap3A_760], %swap3A_763 {add = true, strides = array<i32>} : memref<40x128xf32, #tpu.memory_space<vmem>>, vector<1x16xf32>,
      %get3A_764 = arith.index_cast %scan3A_718 : i32 to index
      %get3A_765 = arith.constant 80 : index
      %get3A_766 = tpu.vector_load %arg15[%get3A_764, %get3A_765] {strides = array<i32>} : memref<40x128xf32, #tpu.memory_space<vmem>>, vector<1x16xf32>,
      %get3A_767 = vector.shape_cast %get3A_766 : vector<1x16xf32> to vector<16xf32>
      %swap3A_768 = arith.index_cast %scan3A_718 : i32 to index
      %swap3A_769 = arith.constant 80 : index
      %swap3A_770 = tpu.vector_load %arg10[%swap3A_768, %swap3A_769] {strides = array<i32>} : memref<40x128xf32, #tpu.memory_space<vmem>>, vector<1x16xf32>,
      %swap3A_771 = vector.shape_cast %swap3A_770 : vector<1x16xf32> to vector<16xf32>
      %swap3A_772 = vector.shape_cast %get3A_767 : vector<16xf32> to vector<1x16xf32>
      tpu.vector_store %arg10[%swap3A_768, %swap3A_769], %swap3A_772 {add = true, strides = array<i32>} : memref<40x128xf32, #tpu.memory_space<vmem>>, vector<1x16xf32>,
      %get3A_773 = arith.index_cast %scan3A_718 : i32 to index
      %get3A_774 = arith.constant 96 : index
      %get3A_775 = tpu.vector_load %arg15[%get3A_773, %get3A_774] {strides = array<i32>} : memref<40x128xf32, #tpu.memory_space<vmem>>, vector<1x16xf32>,
      %get3A_776 = vector.shape_cast %get3A_775 : vector<1x16xf32> to vector<16xf32>
      %swap3A_777 = arith.index_cast %scan3A_718 : i32 to index
      %swap3A_778 = arith.constant 96 : index
      %swap3A_779 = tpu.vector_load %arg10[%swap3A_777, %swap3A_778] {strides = array<i32>} : memref<40x128xf32, #tpu.memory_space<vmem>>, vector<1x16xf32>,
      %swap3A_780 = vector.shape_cast %swap3A_779 : vector<1x16xf32> to vector<16xf32>
      %swap3A_781 = vector.shape_cast %get3A_776 : vector<16xf32> to vector<1x16xf32>
      tpu.vector_store %arg10[%swap3A_777, %swap3A_778], %swap3A_781 {add = true, strides = array<i32>} : memref<40x128xf32, #tpu.memory_space<vmem>>, vector<1x16xf32>,
      %get3A_782 = arith.index_cast %scan3A_718 : i32 to index
      %get3A_783 = arith.constant 112 : index
      %get3A_784 = tpu.vector_load %arg15[%get3A_782, %get3A_783] {strides = array<i32>} : memref<40x128xf32, #tpu.memory_space<vmem>>, vector<1x16xf32>,
      %get3A_785 = vector.shape_cast %get3A_784 : vector<1x16xf32> to vector<16xf32>
      %swap3A_786 = arith.index_cast %scan3A_718 : i32 to index
      %swap3A_787 = arith.constant 112 : index
      %swap3A_788 = tpu.vector_load %arg10[%swap3A_786, %swap3A_787] {strides = array<i32>} : memref<40x128xf32, #tpu.memory_space<vmem>>, vector<1x16xf32>,
      %swap3A_789 = vector.shape_cast %swap3A_788 : vector<1x16xf32> to vector<16xf32>
      %swap3A_790 = vector.shape_cast %get3A_785 : vector<16xf32> to vector<1x16xf32>
      tpu.vector_store %arg10[%swap3A_786, %swap3A_787], %swap3A_790 {add = true, strides = array<i32>} : memref<40x128xf32, #tpu.memory_space<vmem>>, vector<1x16xf32>,
    }
    %scan3A_347 = arith.constant 40 : i32
    %dma_wait3A_348 = arith.constant 4 : i32
    %dma_wait3A_349 = arith.constant 0 : i32
    %dma_wait3A_350 = arith.constant 0 : i32
    %dma_wait3A_351 = tpu.memref_slice %arg6[%arg1, %dma_wait3A_348, %dma_wait3A_349, %dma_wait3A_350] : memref<16x5x40x128xf32, #tpu.memory_space<vmem_shared>> -> memref<1x1x40x128xf32, #tpu.memory_space<vmem_shared>>
    %dma_wait3A_352 = tpu.memref_squeeze %dma_wait3A_351 : memref<1x1x40x128xf32, #tpu.memory_space<vmem_shared>> -> memref<40x128xf32, #tpu.memory_space<vmem_shared>>
    %dma_wait3A_353 = arith.constant 0 : i32
    %dma_wait3A_354 = arith.constant 0 : i32
    %dma_wait3A_355 = tpu.memref_slice %arg6[%arg1, %dma_wait3A_348, %dma_wait3A_353, %dma_wait3A_354] : memref<16x5x40x128xf32, #tpu.memory_space<vmem_shared>> -> memref<1x1x40x128xf32, #tpu.memory_space<vmem_shared>>
    %dma_wait3A_356 = tpu.memref_squeeze %dma_wait3A_355 : memref<1x1x40x128xf32, #tpu.memory_space<vmem_shared>> -> memref<40x128xf32, #tpu.memory_space<vmem_shared>>
    tpu.wait_dma2 semaphore(%arg33 : memref<!tpu.dma_semaphore, #tpu.memory_space<semaphore_mem>>) src(%arg13 : memref<40x128xf32, #tpu.memory_space<vmem>>) dst(%dma_wait3A_356 : memref<40x128xf32, #tpu.memory_space<vmem_shared>>)
    %add3A_357 = arith.constant 9760 : i32
    %add3A_358 = arith.addi %multiple_of3A, %add3A_357 : i32
    %multiple_of3A_359 = tpu.assume_multiple %add3A_358, 8 : i32
    %dma_start3A_360 = arith.constant 4 : i32
    %dma_start3A_361 = arith.constant 0 : i32
    %dma_start3A_362 = tpu.memref_slice %arg5[%multiple_of3A_359, %dma_start3A_361] : memref<320000x128xf32, #tpu.memory_space<hbm>> -> memref<40x128xf32, #tpu.memory_space<hbm>>
    %dma_start3A_363 = arith.constant 0 : i32
    %dma_start3A_364 = arith.constant 0 : i32
    %dma_start3A_365 = tpu.memref_slice %arg6[%arg1, %dma_start3A_360, %dma_start3A_363, %dma_start3A_364] : memref<16x5x40x128xf32, #tpu.memory_space<vmem_shared>> -> memref<1x1x40x128xf32, #tpu.memory_space<vmem_shared>>
    %dma_start3A_366 = tpu.memref_squeeze %dma_start3A_365 : memref<1x1x40x128xf32, #tpu.memory_space<vmem_shared>> -> memref<40x128xf32, #tpu.memory_space<vmem_shared>>
    tpu.enqueue_dma source(%dma_start3A_366 : memref<40x128xf32, #tpu.memory_space<vmem_shared>>) target(%dma_start3A_362 : memref<40x128xf32, #tpu.memory_space<hbm>>) target_semaphore(%arg38 : memref<!tpu.dma_semaphore, #tpu.memory_space<semaphore_mem>>)
    %multiple_of3A_367 = arith.constant 9960 : i32
    %multiple_of3A_368 = tpu.assume_multiple %multiple_of3A_367, 8 : i32
    %dma_start3A_369 = tpu.memref_slice %arg7[%multiple_of3A_368] : memref<10000xi32, #tpu.memory_space<vmem>> -> memref<40xi32, #tpu.memory_space<vmem>>
    %dma_start3A_370 = arith.constant 0 : i32
    %dma_start3A_371 = arith.constant 0 : i32
    %dma_start3A_372 = tpu.memref_slice %arg2[%dma_start3A_370, %dma_start3A_371] : memref<10000x128xf32, #tpu.memory_space<hbm>> -> memref<10000x128xf32, #tpu.memory_space<hbm>>
    tpu.enqueue_indirect_dma source(%dma_start3A_372 : memref<10000x128xf32, #tpu.memory_space<hbm>>) target(%arg13 : memref<40x128xf32, #tpu.memory_space<vmem>>) offsets(%dma_start3A_369 : memref<40xi32, #tpu.memory_space<vmem>>) semaphore(%arg23 : memref<!tpu.dma_semaphore, #tpu.memory_space<semaphore_mem>>)
    %dma_start3A_373 = tpu.memref_slice %arg8[%multiple_of3A_368] : memref<10000xi32, #tpu.memory_space<vmem>> -> memref<40xi32, #tpu.memory_space<vmem>>
    %dma_start3A_374 = arith.constant 0 : i32
    %dma_start3A_375 = arith.constant 0 : i32
    %dma_start3A_376 = tpu.memref_slice %arg2[%dma_start3A_374, %dma_start3A_375] : memref<10000x128xf32, #tpu.memory_space<hbm>> -> memref<10000x128xf32, #tpu.memory_space<hbm>>
    tpu.enqueue_indirect_dma source(%dma_start3A_376 : memref<10000x128xf32, #tpu.memory_space<hbm>>) target(%arg18 : memref<40x128xf32, #tpu.memory_space<vmem>>) offsets(%dma_start3A_373 : memref<40xi32, #tpu.memory_space<vmem>>) semaphore(%arg28 : memref<!tpu.dma_semaphore, #tpu.memory_space<semaphore_mem>>)
    %add3A_377 = arith.constant 9640 : i32
    %add3A_378 = arith.addi %multiple_of3A, %add3A_377 : i32
    %multiple_of3A_379 = tpu.assume_multiple %add3A_378, 8 : i32
    %dma_wait3A_380 = arith.constant 1 : i32
    %dma_wait3A_381 = arith.constant 0 : i32
    %dma_wait3A_382 = tpu.memref_slice %arg5[%multiple_of3A_379, %dma_wait3A_381] : memref<320000x128xf32, #tpu.memory_space<hbm>> -> memref<40x128xf32, #tpu.memory_space<hbm>>
    %dma_wait3A_383 = arith.constant 0 : i32
    %dma_wait3A_384 = arith.constant 0 : i32
    %dma_wait3A_385 = tpu.memref_slice %arg6[%arg1, %dma_wait3A_380, %dma_wait3A_383, %dma_wait3A_384] : memref<16x5x40x128xf32, #tpu.memory_space<vmem_shared>> -> memref<1x1x40x128xf32, #tpu.memory_space<vmem_shared>>
    %dma_wait3A_386 = tpu.memref_squeeze %dma_wait3A_385 : memref<1x1x40x128xf32, #tpu.memory_space<vmem_shared>> -> memref<40x128xf32, #tpu.memory_space<vmem_shared>>
    tpu.wait_dma2 semaphore(%arg35 : memref<!tpu.dma_semaphore, #tpu.memory_space<semaphore_mem>>) src(%dma_wait3A_386 : memref<40x128xf32, #tpu.memory_space<vmem_shared>>) dst(%dma_wait3A_382 : memref<40x128xf32, #tpu.memory_space<hbm>>)
    %dma_start3A_387 = arith.constant 1 : i32
    %dma_start3A_388 = arith.constant 0 : i32
    %dma_start3A_389 = arith.constant 0 : i32
    %dma_start3A_390 = tpu.memref_slice %arg6[%arg1, %dma_start3A_387, %dma_start3A_388, %dma_start3A_389] : memref<16x5x40x128xf32, #tpu.memory_space<vmem_shared>> -> memref<1x1x40x128xf32, #tpu.memory_space<vmem_shared>>
    %dma_start3A_391 = tpu.memref_squeeze %dma_start3A_390 : memref<1x1x40x128xf32, #tpu.memory_space<vmem_shared>> -> memref<40x128xf32, #tpu.memory_space<vmem_shared>>
    %dma_start3A_392 = arith.constant 0 : i32
    %dma_start3A_393 = arith.constant 0 : i32
    %dma_start3A_394 = tpu.memref_slice %arg6[%arg1, %dma_start3A_387, %dma_start3A_392, %dma_start3A_393] : memref<16x5x40x128xf32, #tpu.memory_space<vmem_shared>> -> memref<1x1x40x128xf32, #tpu.memory_space<vmem_shared>>
    %dma_start3A_395 = tpu.memref_squeeze %dma_start3A_394 : memref<1x1x40x128xf32, #tpu.memory_space<vmem_shared>> -> memref<40x128xf32, #tpu.memory_space<vmem_shared>>
    tpu.enqueue_dma source(%arg10 : memref<40x128xf32, #tpu.memory_space<vmem>>) target(%dma_start3A_395 : memref<40x128xf32, #tpu.memory_space<vmem_shared>>) target_semaphore(%arg30 : memref<!tpu.dma_semaphore, #tpu.memory_space<semaphore_mem>>)
    %multiple_of3A_396 = arith.constant 9880 : i32
    %multiple_of3A_397 = tpu.assume_multiple %multiple_of3A_396, 8 : i32
    %dma_wait3A_398 = tpu.memref_slice %arg7[%multiple_of3A_397] : memref<10000xi32, #tpu.memory_space<vmem>> -> memref<40xi32, #tpu.memory_space<vmem>>
    %dma_wait3A_399 = arith.constant 0 : i32
    %dma_wait3A_400 = arith.constant 0 : i32
    %dma_wait3A_401 = tpu.memref_slice %arg2[%dma_wait3A_399, %dma_wait3A_400] : memref<10000x128xf32, #tpu.memory_space<hbm>> -> memref<10000x128xf32, #tpu.memory_space<hbm>>
    tpu.wait_indirect_dma semaphore(%arg21 : memref<!tpu.dma_semaphore, #tpu.memory_space<semaphore_mem>>) src(%dma_wait3A_401 : memref<10000x128xf32, #tpu.memory_space<hbm>>) dst(%arg11 : memref<40x128xf32, #tpu.memory_space<vmem>>)
    %dma_wait3A_402 = tpu.memref_slice %arg8[%multiple_of3A_397] : memref<10000xi32, #tpu.memory_space<vmem>> -> memref<40xi32, #tpu.memory_space<vmem>>
    %dma_wait3A_403 = arith.constant 0 : i32
    %dma_wait3A_404 = arith.constant 0 : i32
    %dma_wait3A_405 = tpu.memref_slice %arg2[%dma_wait3A_403, %dma_wait3A_404] : memref<10000x128xf32, #tpu.memory_space<hbm>> -> memref<10000x128xf32, #tpu.memory_space<hbm>>
    tpu.wait_indirect_dma semaphore(%arg26 : memref<!tpu.dma_semaphore, #tpu.memory_space<semaphore_mem>>) src(%dma_wait3A_405 : memref<10000x128xf32, #tpu.memory_space<hbm>>) dst(%arg16 : memref<40x128xf32, #tpu.memory_space<vmem>>)
    %scan3A_406 = arith.constant 0 : i32
    %scan3A_407 = arith.constant 0 : i32
    %scan3A_408 = arith.constant 40 : i32
    %scan3A_409 = arith.addi %scan3A_407, %scan3A_408 : i32
    %scan3A_410 = arith.constant 2 : i32
    scf.for %scan3A_646 = %scan3A_407 to %scan3A_409 step %scan3A_410  : i32 {
      %get3A = arith.index_cast %scan3A_646 : i32 to index
      %get3A_647 = arith.constant 0 : index
      %get3A_648 = tpu.vector_load %arg16[%get3A, %get3A_647] {strides = array<i32>} : memref<40x128xf32, #tpu.memory_space<vmem>>, vector<1x16xf32>,
      %get3A_649 = vector.shape_cast %get3A_648 : vector<1x16xf32> to vector<16xf32>
      %swap3A = arith.index_cast %scan3A_646 : i32 to index
      %swap3A_650 = arith.constant 0 : index
      %swap3A_651 = tpu.vector_load %arg11[%swap3A, %swap3A_650] {strides = array<i32>} : memref<40x128xf32, #tpu.memory_space<vmem>>, vector<1x16xf32>,
      %swap3A_652 = vector.shape_cast %swap3A_651 : vector<1x16xf32> to vector<16xf32>
      %swap3A_653 = vector.shape_cast %get3A_649 : vector<16xf32> to vector<1x16xf32>
      tpu.vector_store %arg11[%swap3A, %swap3A_650], %swap3A_653 {add = true, strides = array<i32>} : memref<40x128xf32, #tpu.memory_space<vmem>>, vector<1x16xf32>,
      %get3A_654 = arith.index_cast %scan3A_646 : i32 to index
      %get3A_655 = arith.constant 16 : index
      %get3A_656 = tpu.vector_load %arg16[%get3A_654, %get3A_655] {strides = array<i32>} : memref<40x128xf32, #tpu.memory_space<vmem>>, vector<1x16xf32>,
      %get3A_657 = vector.shape_cast %get3A_656 : vector<1x16xf32> to vector<16xf32>
      %swap3A_658 = arith.index_cast %scan3A_646 : i32 to index
      %swap3A_659 = arith.constant 16 : index
      %swap3A_660 = tpu.vector_load %arg11[%swap3A_658, %swap3A_659] {strides = array<i32>} : memref<40x128xf32, #tpu.memory_space<vmem>>, vector<1x16xf32>,
      %swap3A_661 = vector.shape_cast %swap3A_660 : vector<1x16xf32> to vector<16xf32>
      %swap3A_662 = vector.shape_cast %get3A_657 : vector<16xf32> to vector<1x16xf32>
      tpu.vector_store %arg11[%swap3A_658, %swap3A_659], %swap3A_662 {add = true, strides = array<i32>} : memref<40x128xf32, #tpu.memory_space<vmem>>, vector<1x16xf32>,
      %get3A_663 = arith.index_cast %scan3A_646 : i32 to index
      %get3A_664 = arith.constant 32 : index
      %get3A_665 = tpu.vector_load %arg16[%get3A_663, %get3A_664] {strides = array<i32>} : memref<40x128xf32, #tpu.memory_space<vmem>>, vector<1x16xf32>,
      %get3A_666 = vector.shape_cast %get3A_665 : vector<1x16xf32> to vector<16xf32>
      %swap3A_667 = arith.index_cast %scan3A_646 : i32 to index
      %swap3A_668 = arith.constant 32 : index
      %swap3A_669 = tpu.vector_load %arg11[%swap3A_667, %swap3A_668] {strides = array<i32>} : memref<40x128xf32, #tpu.memory_space<vmem>>, vector<1x16xf32>,
      %swap3A_670 = vector.shape_cast %swap3A_669 : vector<1x16xf32> to vector<16xf32>
      %swap3A_671 = vector.shape_cast %get3A_666 : vector<16xf32> to vector<1x16xf32>
      tpu.vector_store %arg11[%swap3A_667, %swap3A_668], %swap3A_671 {add = true, strides = array<i32>} : memref<40x128xf32, #tpu.memory_space<vmem>>, vector<1x16xf32>,
      %get3A_672 = arith.index_cast %scan3A_646 : i32 to index
      %get3A_673 = arith.constant 48 : index
      %get3A_674 = tpu.vector_load %arg16[%get3A_672, %get3A_673] {strides = array<i32>} : memref<40x128xf32, #tpu.memory_space<vmem>>, vector<1x16xf32>,
      %get3A_675 = vector.shape_cast %get3A_674 : vector<1x16xf32> to vector<16xf32>
      %swap3A_676 = arith.index_cast %scan3A_646 : i32 to index
      %swap3A_677 = arith.constant 48 : index
      %swap3A_678 = tpu.vector_load %arg11[%swap3A_676, %swap3A_677] {strides = array<i32>} : memref<40x128xf32, #tpu.memory_space<vmem>>, vector<1x16xf32>,
      %swap3A_679 = vector.shape_cast %swap3A_678 : vector<1x16xf32> to vector<16xf32>
      %swap3A_680 = vector.shape_cast %get3A_675 : vector<16xf32> to vector<1x16xf32>
      tpu.vector_store %arg11[%swap3A_676, %swap3A_677], %swap3A_680 {add = true, strides = array<i32>} : memref<40x128xf32, #tpu.memory_space<vmem>>, vector<1x16xf32>,
      %get3A_681 = arith.index_cast %scan3A_646 : i32 to index
      %get3A_682 = arith.constant 64 : index
      %get3A_683 = tpu.vector_load %arg16[%get3A_681, %get3A_682] {strides = array<i32>} : memref<40x128xf32, #tpu.memory_space<vmem>>, vector<1x16xf32>,
      %get3A_684 = vector.shape_cast %get3A_683 : vector<1x16xf32> to vector<16xf32>
      %swap3A_685 = arith.index_cast %scan3A_646 : i32 to index
      %swap3A_686 = arith.constant 64 : index
      %swap3A_687 = tpu.vector_load %arg11[%swap3A_685, %swap3A_686] {strides = array<i32>} : memref<40x128xf32, #tpu.memory_space<vmem>>, vector<1x16xf32>,
      %swap3A_688 = vector.shape_cast %swap3A_687 : vector<1x16xf32> to vector<16xf32>
      %swap3A_689 = vector.shape_cast %get3A_684 : vector<16xf32> to vector<1x16xf32>
      tpu.vector_store %arg11[%swap3A_685, %swap3A_686], %swap3A_689 {add = true, strides = array<i32>} : memref<40x128xf32, #tpu.memory_space<vmem>>, vector<1x16xf32>,
      %get3A_690 = arith.index_cast %scan3A_646 : i32 to index
      %get3A_691 = arith.constant 80 : index
      %get3A_692 = tpu.vector_load %arg16[%get3A_690, %get3A_691] {strides = array<i32>} : memref<40x128xf32, #tpu.memory_space<vmem>>, vector<1x16xf32>,
      %get3A_693 = vector.shape_cast %get3A_692 : vector<1x16xf32> to vector<16xf32>
      %swap3A_694 = arith.index_cast %scan3A_646 : i32 to index
      %swap3A_695 = arith.constant 80 : index
      %swap3A_696 = tpu.vector_load %arg11[%swap3A_694, %swap3A_695] {strides = array<i32>} : memref<40x128xf32, #tpu.memory_space<vmem>>, vector<1x16xf32>,
      %swap3A_697 = vector.shape_cast %swap3A_696 : vector<1x16xf32> to vector<16xf32>
      %swap3A_698 = vector.shape_cast %get3A_693 : vector<16xf32> to vector<1x16xf32>
      tpu.vector_store %arg11[%swap3A_694, %swap3A_695], %swap3A_698 {add = true, strides = array<i32>} : memref<40x128xf32, #tpu.memory_space<vmem>>, vector<1x16xf32>,
      %get3A_699 = arith.index_cast %scan3A_646 : i32 to index
      %get3A_700 = arith.constant 96 : index
      %get3A_701 = tpu.vector_load %arg16[%get3A_699, %get3A_700] {strides = array<i32>} : memref<40x128xf32, #tpu.memory_space<vmem>>, vector<1x16xf32>,
      %get3A_702 = vector.shape_cast %get3A_701 : vector<1x16xf32> to vector<16xf32>
      %swap3A_703 = arith.index_cast %scan3A_646 : i32 to index
      %swap3A_704 = arith.constant 96 : index
      %swap3A_705 = tpu.vector_load %arg11[%swap3A_703, %swap3A_704] {strides = array<i32>} : memref<40x128xf32, #tpu.memory_space<vmem>>, vector<1x16xf32>,
      %swap3A_706 = vector.shape_cast %swap3A_705 : vector<1x16xf32> to vector<16xf32>
      %swap3A_707 = vector.shape_cast %get3A_702 : vector<16xf32> to vector<1x16xf32>
      tpu.vector_store %arg11[%swap3A_703, %swap3A_704], %swap3A_707 {add = true, strides = array<i32>} : memref<40x128xf32, #tpu.memory_space<vmem>>, vector<1x16xf32>,
      %get3A_708 = arith.index_cast %scan3A_646 : i32 to index
      %get3A_709 = arith.constant 112 : index
      %get3A_710 = tpu.vector_load %arg16[%get3A_708, %get3A_709] {strides = array<i32>} : memref<40x128xf32, #tpu.memory_space<vmem>>, vector<1x16xf32>,
      %get3A_711 = vector.shape_cast %get3A_710 : vector<1x16xf32> to vector<16xf32>
      %swap3A_712 = arith.index_cast %scan3A_646 : i32 to index
      %swap3A_713 = arith.constant 112 : index
      %swap3A_714 = tpu.vector_load %arg11[%swap3A_712, %swap3A_713] {strides = array<i32>} : memref<40x128xf32, #tpu.memory_space<vmem>>, vector<1x16xf32>,
      %swap3A_715 = vector.shape_cast %swap3A_714 : vector<1x16xf32> to vector<16xf32>
      %swap3A_716 = vector.shape_cast %get3A_711 : vector<16xf32> to vector<1x16xf32>
      tpu.vector_store %arg11[%swap3A_712, %swap3A_713], %swap3A_716 {add = true, strides = array<i32>} : memref<40x128xf32, #tpu.memory_space<vmem>>, vector<1x16xf32>,
      %scan3A_717 = arith.constant 1 : i32
      %scan3A_718 = arith.addi %scan3A_646, %scan3A_717 : i32
      %get3A_719 = arith.index_cast %scan3A_718 : i32 to index
      %get3A_720 = arith.constant 0 : index
      %get3A_721 = tpu.vector_load %arg16[%get3A_719, %get3A_720] {strides = array<i32>} : memref<40x128xf32, #tpu.memory_space<vmem>>, vector<1x16xf32>,
      %get3A_722 = vector.shape_cast %get3A_721 : vector<1x16xf32> to vector<16xf32>
      %swap3A_723 = arith.index_cast %scan3A_718 : i32 to index
      %swap3A_724 = arith.constant 0 : index
      %swap3A_725 = tpu.vector_load %arg11[%swap3A_723, %swap3A_724] {strides = array<i32>} : memref<40x128xf32, #tpu.memory_space<vmem>>, vector<1x16xf32>,
      %swap3A_726 = vector.shape_cast %swap3A_725 : vector<1x16xf32> to vector<16xf32>
      %swap3A_727 = vector.shape_cast %get3A_722 : vector<16xf32> to vector<1x16xf32>
      tpu.vector_store %arg11[%swap3A_723, %swap3A_724], %swap3A_727 {add = true, strides = array<i32>} : memref<40x128xf32, #tpu.memory_space<vmem>>, vector<1x16xf32>,
      %get3A_728 = arith.index_cast %scan3A_718 : i32 to index
      %get3A_729 = arith.constant 16 : index
      %get3A_730 = tpu.vector_load %arg16[%get3A_728, %get3A_729] {strides = array<i32>} : memref<40x128xf32, #tpu.memory_space<vmem>>, vector<1x16xf32>,
      %get3A_731 = vector.shape_cast %get3A_730 : vector<1x16xf32> to vector<16xf32>
      %swap3A_732 = arith.index_cast %scan3A_718 : i32 to index
      %swap3A_733 = arith.constant 16 : index
      %swap3A_734 = tpu.vector_load %arg11[%swap3A_732, %swap3A_733] {strides = array<i32>} : memref<40x128xf32, #tpu.memory_space<vmem>>, vector<1x16xf32>,
      %swap3A_735 = vector.shape_cast %swap3A_734 : vector<1x16xf32> to vector<16xf32>
      %swap3A_736 = vector.shape_cast %get3A_731 : vector<16xf32> to vector<1x16xf32>
      tpu.vector_store %arg11[%swap3A_732, %swap3A_733], %swap3A_736 {add = true, strides = array<i32>} : memref<40x128xf32, #tpu.memory_space<vmem>>, vector<1x16xf32>,
      %get3A_737 = arith.index_cast %scan3A_718 : i32 to index
      %get3A_738 = arith.constant 32 : index
      %get3A_739 = tpu.vector_load %arg16[%get3A_737, %get3A_738] {strides = array<i32>} : memref<40x128xf32, #tpu.memory_space<vmem>>, vector<1x16xf32>,
      %get3A_740 = vector.shape_cast %get3A_739 : vector<1x16xf32> to vector<16xf32>
      %swap3A_741 = arith.index_cast %scan3A_718 : i32 to index
      %swap3A_742 = arith.constant 32 : index
      %swap3A_743 = tpu.vector_load %arg11[%swap3A_741, %swap3A_742] {strides = array<i32>} : memref<40x128xf32, #tpu.memory_space<vmem>>, vector<1x16xf32>,
      %swap3A_744 = vector.shape_cast %swap3A_743 : vector<1x16xf32> to vector<16xf32>
      %swap3A_745 = vector.shape_cast %get3A_740 : vector<16xf32> to vector<1x16xf32>
      tpu.vector_store %arg11[%swap3A_741, %swap3A_742], %swap3A_745 {add = true, strides = array<i32>} : memref<40x128xf32, #tpu.memory_space<vmem>>, vector<1x16xf32>,
      %get3A_746 = arith.index_cast %scan3A_718 : i32 to index
      %get3A_747 = arith.constant 48 : index
      %get3A_748 = tpu.vector_load %arg16[%get3A_746, %get3A_747] {strides = array<i32>} : memref<40x128xf32, #tpu.memory_space<vmem>>, vector<1x16xf32>,
      %get3A_749 = vector.shape_cast %get3A_748 : vector<1x16xf32> to vector<16xf32>
      %swap3A_750 = arith.index_cast %scan3A_718 : i32 to index
      %swap3A_751 = arith.constant 48 : index
      %swap3A_752 = tpu.vector_load %arg11[%swap3A_750, %swap3A_751] {strides = array<i32>} : memref<40x128xf32, #tpu.memory_space<vmem>>, vector<1x16xf32>,
      %swap3A_753 = vector.shape_cast %swap3A_752 : vector<1x16xf32> to vector<16xf32>
      %swap3A_754 = vector.shape_cast %get3A_749 : vector<16xf32> to vector<1x16xf32>
      tpu.vector_store %arg11[%swap3A_750, %swap3A_751], %swap3A_754 {add = true, strides = array<i32>} : memref<40x128xf32, #tpu.memory_space<vmem>>, vector<1x16xf32>,
      %get3A_755 = arith.index_cast %scan3A_718 : i32 to index
      %get3A_756 = arith.constant 64 : index
      %get3A_757 = tpu.vector_load %arg16[%get3A_755, %get3A_756] {strides = array<i32>} : memref<40x128xf32, #tpu.memory_space<vmem>>, vector<1x16xf32>,
      %get3A_758 = vector.shape_cast %get3A_757 : vector<1x16xf32> to vector<16xf32>
      %swap3A_759 = arith.index_cast %scan3A_718 : i32 to index
      %swap3A_760 = arith.constant 64 : index
      %swap3A_761 = tpu.vector_load %arg11[%swap3A_759, %swap3A_760] {strides = array<i32>} : memref<40x128xf32, #tpu.memory_space<vmem>>, vector<1x16xf32>,
      %swap3A_762 = vector.shape_cast %swap3A_761 : vector<1x16xf32> to vector<16xf32>
      %swap3A_763 = vector.shape_cast %get3A_758 : vector<16xf32> to vector<1x16xf32>
      tpu.vector_store %arg11[%swap3A_759, %swap3A_760], %swap3A_763 {add = true, strides = array<i32>} : memref<40x128xf32, #tpu.memory_space<vmem>>, vector<1x16xf32>,
      %get3A_764 = arith.index_cast %scan3A_718 : i32 to index
      %get3A_765 = arith.constant 80 : index
      %get3A_766 = tpu.vector_load %arg16[%get3A_764, %get3A_765] {strides = array<i32>} : memref<40x128xf32, #tpu.memory_space<vmem>>, vector<1x16xf32>,
      %get3A_767 = vector.shape_cast %get3A_766 : vector<1x16xf32> to vector<16xf32>
      %swap3A_768 = arith.index_cast %scan3A_718 : i32 to index
      %swap3A_769 = arith.constant 80 : index
      %swap3A_770 = tpu.vector_load %arg11[%swap3A_768, %swap3A_769] {strides = array<i32>} : memref<40x128xf32, #tpu.memory_space<vmem>>, vector<1x16xf32>,
      %swap3A_771 = vector.shape_cast %swap3A_770 : vector<1x16xf32> to vector<16xf32>
      %swap3A_772 = vector.shape_cast %get3A_767 : vector<16xf32> to vector<1x16xf32>
      tpu.vector_store %arg11[%swap3A_768, %swap3A_769], %swap3A_772 {add = true, strides = array<i32>} : memref<40x128xf32, #tpu.memory_space<vmem>>, vector<1x16xf32>,
      %get3A_773 = arith.index_cast %scan3A_718 : i32 to index
      %get3A_774 = arith.constant 96 : index
      %get3A_775 = tpu.vector_load %arg16[%get3A_773, %get3A_774] {strides = array<i32>} : memref<40x128xf32, #tpu.memory_space<vmem>>, vector<1x16xf32>,
      %get3A_776 = vector.shape_cast %get3A_775 : vector<1x16xf32> to vector<16xf32>
      %swap3A_777 = arith.index_cast %scan3A_718 : i32 to index
      %swap3A_778 = arith.constant 96 : index
      %swap3A_779 = tpu.vector_load %arg11[%swap3A_777, %swap3A_778] {strides = array<i32>} : memref<40x128xf32, #tpu.memory_space<vmem>>, vector<1x16xf32>,
      %swap3A_780 = vector.shape_cast %swap3A_779 : vector<1x16xf32> to vector<16xf32>
      %swap3A_781 = vector.shape_cast %get3A_776 : vector<16xf32> to vector<1x16xf32>
      tpu.vector_store %arg11[%swap3A_777, %swap3A_778], %swap3A_781 {add = true, strides = array<i32>} : memref<40x128xf32, #tpu.memory_space<vmem>>, vector<1x16xf32>,
      %get3A_782 = arith.index_cast %scan3A_718 : i32 to index
      %get3A_783 = arith.constant 112 : index
      %get3A_784 = tpu.vector_load %arg16[%get3A_782, %get3A_783] {strides = array<i32>} : memref<40x128xf32, #tpu.memory_space<vmem>>, vector<1x16xf32>,
      %get3A_785 = vector.shape_cast %get3A_784 : vector<1x16xf32> to vector<16xf32>
      %swap3A_786 = arith.index_cast %scan3A_718 : i32 to index
      %swap3A_787 = arith.constant 112 : index
      %swap3A_788 = tpu.vector_load %arg11[%swap3A_786, %swap3A_787] {strides = array<i32>} : memref<40x128xf32, #tpu.memory_space<vmem>>, vector<1x16xf32>,
      %swap3A_789 = vector.shape_cast %swap3A_788 : vector<1x16xf32> to vector<16xf32>
      %swap3A_790 = vector.shape_cast %get3A_785 : vector<16xf32> to vector<1x16xf32>
      tpu.vector_store %arg11[%swap3A_786, %swap3A_787], %swap3A_790 {add = true, strides = array<i32>} : memref<40x128xf32, #tpu.memory_space<vmem>>, vector<1x16xf32>,
    }
    %scan3A_411 = arith.constant 40 : i32
    %dma_wait3A_412 = arith.constant 0 : i32
    %dma_wait3A_413 = arith.constant 0 : i32
    %dma_wait3A_414 = arith.constant 0 : i32
    %dma_wait3A_415 = tpu.memref_slice %arg6[%arg1, %dma_wait3A_412, %dma_wait3A_413, %dma_wait3A_414] : memref<16x5x40x128xf32, #tpu.memory_space<vmem_shared>> -> memref<1x1x40x128xf32, #tpu.memory_space<vmem_shared>>
    %dma_wait3A_416 = tpu.memref_squeeze %dma_wait3A_415 : memref<1x1x40x128xf32, #tpu.memory_space<vmem_shared>> -> memref<40x128xf32, #tpu.memory_space<vmem_shared>>
    %dma_wait3A_417 = arith.constant 0 : i32
    %dma_wait3A_418 = arith.constant 0 : i32
    %dma_wait3A_419 = tpu.memref_slice %arg6[%arg1, %dma_wait3A_412, %dma_wait3A_417, %dma_wait3A_418] : memref<16x5x40x128xf32, #tpu.memory_space<vmem_shared>> -> memref<1x1x40x128xf32, #tpu.memory_space<vmem_shared>>
    %dma_wait3A_420 = tpu.memref_squeeze %dma_wait3A_419 : memref<1x1x40x128xf32, #tpu.memory_space<vmem_shared>> -> memref<40x128xf32, #tpu.memory_space<vmem_shared>>
    tpu.wait_dma2 semaphore(%arg29 : memref<!tpu.dma_semaphore, #tpu.memory_space<semaphore_mem>>) src(%arg9 : memref<40x128xf32, #tpu.memory_space<vmem>>) dst(%dma_wait3A_420 : memref<40x128xf32, #tpu.memory_space<vmem_shared>>)
    %add3A_421 = arith.constant 9800 : i32
    %add3A_422 = arith.addi %multiple_of3A, %add3A_421 : i32
    %multiple_of3A_423 = tpu.assume_multiple %add3A_422, 8 : i32
    %dma_start3A_424 = arith.constant 0 : i32
    %dma_start3A_425 = arith.constant 0 : i32
    %dma_start3A_426 = tpu.memref_slice %arg5[%multiple_of3A_423, %dma_start3A_425] : memref<320000x128xf32, #tpu.memory_space<hbm>> -> memref<40x128xf32, #tpu.memory_space<hbm>>
    %dma_start3A_427 = arith.constant 0 : i32
    %dma_start3A_428 = arith.constant 0 : i32
    %dma_start3A_429 = tpu.memref_slice %arg6[%arg1, %dma_start3A_424, %dma_start3A_427, %dma_start3A_428] : memref<16x5x40x128xf32, #tpu.memory_space<vmem_shared>> -> memref<1x1x40x128xf32, #tpu.memory_space<vmem_shared>>
    %dma_start3A_430 = tpu.memref_squeeze %dma_start3A_429 : memref<1x1x40x128xf32, #tpu.memory_space<vmem_shared>> -> memref<40x128xf32, #tpu.memory_space<vmem_shared>>
    tpu.enqueue_dma source(%dma_start3A_430 : memref<40x128xf32, #tpu.memory_space<vmem_shared>>) target(%dma_start3A_426 : memref<40x128xf32, #tpu.memory_space<hbm>>) target_semaphore(%arg34 : memref<!tpu.dma_semaphore, #tpu.memory_space<semaphore_mem>>)
    %add3A_431 = arith.constant 9680 : i32
    %add3A_432 = arith.addi %multiple_of3A, %add3A_431 : i32
    %multiple_of3A_433 = tpu.assume_multiple %add3A_432, 8 : i32
    %dma_wait3A_434 = arith.constant 2 : i32
    %dma_wait3A_435 = arith.constant 0 : i32
    %dma_wait3A_436 = tpu.memref_slice %arg5[%multiple_of3A_433, %dma_wait3A_435] : memref<320000x128xf32, #tpu.memory_space<hbm>> -> memref<40x128xf32, #tpu.memory_space<hbm>>
    %dma_wait3A_437 = arith.constant 0 : i32
    %dma_wait3A_438 = arith.constant 0 : i32
    %dma_wait3A_439 = tpu.memref_slice %arg6[%arg1, %dma_wait3A_434, %dma_wait3A_437, %dma_wait3A_438] : memref<16x5x40x128xf32, #tpu.memory_space<vmem_shared>> -> memref<1x1x40x128xf32, #tpu.memory_space<vmem_shared>>
    %dma_wait3A_440 = tpu.memref_squeeze %dma_wait3A_439 : memref<1x1x40x128xf32, #tpu.memory_space<vmem_shared>> -> memref<40x128xf32, #tpu.memory_space<vmem_shared>>
    tpu.wait_dma2 semaphore(%arg36 : memref<!tpu.dma_semaphore, #tpu.memory_space<semaphore_mem>>) src(%dma_wait3A_440 : memref<40x128xf32, #tpu.memory_space<vmem_shared>>) dst(%dma_wait3A_436 : memref<40x128xf32, #tpu.memory_space<hbm>>)
    %dma_start3A_441 = arith.constant 2 : i32
    %dma_start3A_442 = arith.constant 0 : i32
    %dma_start3A_443 = arith.constant 0 : i32
    %dma_start3A_444 = tpu.memref_slice %arg6[%arg1, %dma_start3A_441, %dma_start3A_442, %dma_start3A_443] : memref<16x5x40x128xf32, #tpu.memory_space<vmem_shared>> -> memref<1x1x40x128xf32, #tpu.memory_space<vmem_shared>>
    %dma_start3A_445 = tpu.memref_squeeze %dma_start3A_444 : memref<1x1x40x128xf32, #tpu.memory_space<vmem_shared>> -> memref<40x128xf32, #tpu.memory_space<vmem_shared>>
    %dma_start3A_446 = arith.constant 0 : i32
    %dma_start3A_447 = arith.constant 0 : i32
    %dma_start3A_448 = tpu.memref_slice %arg6[%arg1, %dma_start3A_441, %dma_start3A_446, %dma_start3A_447] : memref<16x5x40x128xf32, #tpu.memory_space<vmem_shared>> -> memref<1x1x40x128xf32, #tpu.memory_space<vmem_shared>>
    %dma_start3A_449 = tpu.memref_squeeze %dma_start3A_448 : memref<1x1x40x128xf32, #tpu.memory_space<vmem_shared>> -> memref<40x128xf32, #tpu.memory_space<vmem_shared>>
    tpu.enqueue_dma source(%arg11 : memref<40x128xf32, #tpu.memory_space<vmem>>) target(%dma_start3A_449 : memref<40x128xf32, #tpu.memory_space<vmem_shared>>) target_semaphore(%arg31 : memref<!tpu.dma_semaphore, #tpu.memory_space<semaphore_mem>>)
    %multiple_of3A_450 = arith.constant 9920 : i32
    %multiple_of3A_451 = tpu.assume_multiple %multiple_of3A_450, 8 : i32
    %dma_wait3A_452 = tpu.memref_slice %arg7[%multiple_of3A_451] : memref<10000xi32, #tpu.memory_space<vmem>> -> memref<40xi32, #tpu.memory_space<vmem>>
    %dma_wait3A_453 = arith.constant 0 : i32
    %dma_wait3A_454 = arith.constant 0 : i32
    %dma_wait3A_455 = tpu.memref_slice %arg2[%dma_wait3A_453, %dma_wait3A_454] : memref<10000x128xf32, #tpu.memory_space<hbm>> -> memref<10000x128xf32, #tpu.memory_space<hbm>>
    tpu.wait_indirect_dma semaphore(%arg22 : memref<!tpu.dma_semaphore, #tpu.memory_space<semaphore_mem>>) src(%dma_wait3A_455 : memref<10000x128xf32, #tpu.memory_space<hbm>>) dst(%arg12 : memref<40x128xf32, #tpu.memory_space<vmem>>)
    %dma_wait3A_456 = tpu.memref_slice %arg8[%multiple_of3A_451] : memref<10000xi32, #tpu.memory_space<vmem>> -> memref<40xi32, #tpu.memory_space<vmem>>
    %dma_wait3A_457 = arith.constant 0 : i32
    %dma_wait3A_458 = arith.constant 0 : i32
    %dma_wait3A_459 = tpu.memref_slice %arg2[%dma_wait3A_457, %dma_wait3A_458] : memref<10000x128xf32, #tpu.memory_space<hbm>> -> memref<10000x128xf32, #tpu.memory_space<hbm>>
    tpu.wait_indirect_dma semaphore(%arg27 : memref<!tpu.dma_semaphore, #tpu.memory_space<semaphore_mem>>) src(%dma_wait3A_459 : memref<10000x128xf32, #tpu.memory_space<hbm>>) dst(%arg17 : memref<40x128xf32, #tpu.memory_space<vmem>>)
    %scan3A_460 = arith.constant 0 : i32
    %scan3A_461 = arith.constant 0 : i32
    %scan3A_462 = arith.constant 40 : i32
    %scan3A_463 = arith.addi %scan3A_461, %scan3A_462 : i32
    %scan3A_464 = arith.constant 2 : i32
    scf.for %scan3A_646 = %scan3A_461 to %scan3A_463 step %scan3A_464  : i32 {
      %get3A = arith.index_cast %scan3A_646 : i32 to index
      %get3A_647 = arith.constant 0 : index
      %get3A_648 = tpu.vector_load %arg17[%get3A, %get3A_647] {strides = array<i32>} : memref<40x128xf32, #tpu.memory_space<vmem>>, vector<1x16xf32>,
      %get3A_649 = vector.shape_cast %get3A_648 : vector<1x16xf32> to vector<16xf32>
      %swap3A = arith.index_cast %scan3A_646 : i32 to index
      %swap3A_650 = arith.constant 0 : index
      %swap3A_651 = tpu.vector_load %arg12[%swap3A, %swap3A_650] {strides = array<i32>} : memref<40x128xf32, #tpu.memory_space<vmem>>, vector<1x16xf32>,
      %swap3A_652 = vector.shape_cast %swap3A_651 : vector<1x16xf32> to vector<16xf32>
      %swap3A_653 = vector.shape_cast %get3A_649 : vector<16xf32> to vector<1x16xf32>
      tpu.vector_store %arg12[%swap3A, %swap3A_650], %swap3A_653 {add = true, strides = array<i32>} : memref<40x128xf32, #tpu.memory_space<vmem>>, vector<1x16xf32>,
      %get3A_654 = arith.index_cast %scan3A_646 : i32 to index
      %get3A_655 = arith.constant 16 : index
      %get3A_656 = tpu.vector_load %arg17[%get3A_654, %get3A_655] {strides = array<i32>} : memref<40x128xf32, #tpu.memory_space<vmem>>, vector<1x16xf32>,
      %get3A_657 = vector.shape_cast %get3A_656 : vector<1x16xf32> to vector<16xf32>
      %swap3A_658 = arith.index_cast %scan3A_646 : i32 to index
      %swap3A_659 = arith.constant 16 : index
      %swap3A_660 = tpu.vector_load %arg12[%swap3A_658, %swap3A_659] {strides = array<i32>} : memref<40x128xf32, #tpu.memory_space<vmem>>, vector<1x16xf32>,
      %swap3A_661 = vector.shape_cast %swap3A_660 : vector<1x16xf32> to vector<16xf32>
      %swap3A_662 = vector.shape_cast %get3A_657 : vector<16xf32> to vector<1x16xf32>
      tpu.vector_store %arg12[%swap3A_658, %swap3A_659], %swap3A_662 {add = true, strides = array<i32>} : memref<40x128xf32, #tpu.memory_space<vmem>>, vector<1x16xf32>,
      %get3A_663 = arith.index_cast %scan3A_646 : i32 to index
      %get3A_664 = arith.constant 32 : index
      %get3A_665 = tpu.vector_load %arg17[%get3A_663, %get3A_664] {strides = array<i32>} : memref<40x128xf32, #tpu.memory_space<vmem>>, vector<1x16xf32>,
      %get3A_666 = vector.shape_cast %get3A_665 : vector<1x16xf32> to vector<16xf32>
      %swap3A_667 = arith.index_cast %scan3A_646 : i32 to index
      %swap3A_668 = arith.constant 32 : index
      %swap3A_669 = tpu.vector_load %arg12[%swap3A_667, %swap3A_668] {strides = array<i32>} : memref<40x128xf32, #tpu.memory_space<vmem>>, vector<1x16xf32>,
      %swap3A_670 = vector.shape_cast %swap3A_669 : vector<1x16xf32> to vector<16xf32>
      %swap3A_671 = vector.shape_cast %get3A_666 : vector<16xf32> to vector<1x16xf32>
      tpu.vector_store %arg12[%swap3A_667, %swap3A_668], %swap3A_671 {add = true, strides = array<i32>} : memref<40x128xf32, #tpu.memory_space<vmem>>, vector<1x16xf32>,
      %get3A_672 = arith.index_cast %scan3A_646 : i32 to index
      %get3A_673 = arith.constant 48 : index
      %get3A_674 = tpu.vector_load %arg17[%get3A_672, %get3A_673] {strides = array<i32>} : memref<40x128xf32, #tpu.memory_space<vmem>>, vector<1x16xf32>,
      %get3A_675 = vector.shape_cast %get3A_674 : vector<1x16xf32> to vector<16xf32>
      %swap3A_676 = arith.index_cast %scan3A_646 : i32 to index
      %swap3A_677 = arith.constant 48 : index
      %swap3A_678 = tpu.vector_load %arg12[%swap3A_676, %swap3A_677] {strides = array<i32>} : memref<40x128xf32, #tpu.memory_space<vmem>>, vector<1x16xf32>,
      %swap3A_679 = vector.shape_cast %swap3A_678 : vector<1x16xf32> to vector<16xf32>
      %swap3A_680 = vector.shape_cast %get3A_675 : vector<16xf32> to vector<1x16xf32>
      tpu.vector_store %arg12[%swap3A_676, %swap3A_677], %swap3A_680 {add = true, strides = array<i32>} : memref<40x128xf32, #tpu.memory_space<vmem>>, vector<1x16xf32>,
      %get3A_681 = arith.index_cast %scan3A_646 : i32 to index
      %get3A_682 = arith.constant 64 : index
      %get3A_683 = tpu.vector_load %arg17[%get3A_681, %get3A_682] {strides = array<i32>} : memref<40x128xf32, #tpu.memory_space<vmem>>, vector<1x16xf32>,
      %get3A_684 = vector.shape_cast %get3A_683 : vector<1x16xf32> to vector<16xf32>
      %swap3A_685 = arith.index_cast %scan3A_646 : i32 to index
      %swap3A_686 = arith.constant 64 : index
      %swap3A_687 = tpu.vector_load %arg12[%swap3A_685, %swap3A_686] {strides = array<i32>} : memref<40x128xf32, #tpu.memory_space<vmem>>, vector<1x16xf32>,
      %swap3A_688 = vector.shape_cast %swap3A_687 : vector<1x16xf32> to vector<16xf32>
      %swap3A_689 = vector.shape_cast %get3A_684 : vector<16xf32> to vector<1x16xf32>
      tpu.vector_store %arg12[%swap3A_685, %swap3A_686], %swap3A_689 {add = true, strides = array<i32>} : memref<40x128xf32, #tpu.memory_space<vmem>>, vector<1x16xf32>,
      %get3A_690 = arith.index_cast %scan3A_646 : i32 to index
      %get3A_691 = arith.constant 80 : index
      %get3A_692 = tpu.vector_load %arg17[%get3A_690, %get3A_691] {strides = array<i32>} : memref<40x128xf32, #tpu.memory_space<vmem>>, vector<1x16xf32>,
      %get3A_693 = vector.shape_cast %get3A_692 : vector<1x16xf32> to vector<16xf32>
      %swap3A_694 = arith.index_cast %scan3A_646 : i32 to index
      %swap3A_695 = arith.constant 80 : index
      %swap3A_696 = tpu.vector_load %arg12[%swap3A_694, %swap3A_695] {strides = array<i32>} : memref<40x128xf32, #tpu.memory_space<vmem>>, vector<1x16xf32>,
      %swap3A_697 = vector.shape_cast %swap3A_696 : vector<1x16xf32> to vector<16xf32>
      %swap3A_698 = vector.shape_cast %get3A_693 : vector<16xf32> to vector<1x16xf32>
      tpu.vector_store %arg12[%swap3A_694, %swap3A_695], %swap3A_698 {add = true, strides = array<i32>} : memref<40x128xf32, #tpu.memory_space<vmem>>, vector<1x16xf32>,
      %get3A_699 = arith.index_cast %scan3A_646 : i32 to index
      %get3A_700 = arith.constant 96 : index
      %get3A_701 = tpu.vector_load %arg17[%get3A_699, %get3A_700] {strides = array<i32>} : memref<40x128xf32, #tpu.memory_space<vmem>>, vector<1x16xf32>,
      %get3A_702 = vector.shape_cast %get3A_701 : vector<1x16xf32> to vector<16xf32>
      %swap3A_703 = arith.index_cast %scan3A_646 : i32 to index
      %swap3A_704 = arith.constant 96 : index
      %swap3A_705 = tpu.vector_load %arg12[%swap3A_703, %swap3A_704] {strides = array<i32>} : memref<40x128xf32, #tpu.memory_space<vmem>>, vector<1x16xf32>,
      %swap3A_706 = vector.shape_cast %swap3A_705 : vector<1x16xf32> to vector<16xf32>
      %swap3A_707 = vector.shape_cast %get3A_702 : vector<16xf32> to vector<1x16xf32>
      tpu.vector_store %arg12[%swap3A_703, %swap3A_704], %swap3A_707 {add = true, strides = array<i32>} : memref<40x128xf32, #tpu.memory_space<vmem>>, vector<1x16xf32>,
      %get3A_708 = arith.index_cast %scan3A_646 : i32 to index
      %get3A_709 = arith.constant 112 : index
      %get3A_710 = tpu.vector_load %arg17[%get3A_708, %get3A_709] {strides = array<i32>} : memref<40x128xf32, #tpu.memory_space<vmem>>, vector<1x16xf32>,
      %get3A_711 = vector.shape_cast %get3A_710 : vector<1x16xf32> to vector<16xf32>
      %swap3A_712 = arith.index_cast %scan3A_646 : i32 to index
      %swap3A_713 = arith.constant 112 : index
      %swap3A_714 = tpu.vector_load %arg12[%swap3A_712, %swap3A_713] {strides = array<i32>} : memref<40x128xf32, #tpu.memory_space<vmem>>, vector<1x16xf32>,
      %swap3A_715 = vector.shape_cast %swap3A_714 : vector<1x16xf32> to vector<16xf32>
      %swap3A_716 = vector.shape_cast %get3A_711 : vector<16xf32> to vector<1x16xf32>
      tpu.vector_store %arg12[%swap3A_712, %swap3A_713], %swap3A_716 {add = true, strides = array<i32>} : memref<40x128xf32, #tpu.memory_space<vmem>>, vector<1x16xf32>,
      %scan3A_717 = arith.constant 1 : i32
      %scan3A_718 = arith.addi %scan3A_646, %scan3A_717 : i32
      %get3A_719 = arith.index_cast %scan3A_718 : i32 to index
      %get3A_720 = arith.constant 0 : index
      %get3A_721 = tpu.vector_load %arg17[%get3A_719, %get3A_720] {strides = array<i32>} : memref<40x128xf32, #tpu.memory_space<vmem>>, vector<1x16xf32>,
      %get3A_722 = vector.shape_cast %get3A_721 : vector<1x16xf32> to vector<16xf32>
      %swap3A_723 = arith.index_cast %scan3A_718 : i32 to index
      %swap3A_724 = arith.constant 0 : index
      %swap3A_725 = tpu.vector_load %arg12[%swap3A_723, %swap3A_724] {strides = array<i32>} : memref<40x128xf32, #tpu.memory_space<vmem>>, vector<1x16xf32>,
      %swap3A_726 = vector.shape_cast %swap3A_725 : vector<1x16xf32> to vector<16xf32>
      %swap3A_727 = vector.shape_cast %get3A_722 : vector<16xf32> to vector<1x16xf32>
      tpu.vector_store %arg12[%swap3A_723, %swap3A_724], %swap3A_727 {add = true, strides = array<i32>} : memref<40x128xf32, #tpu.memory_space<vmem>>, vector<1x16xf32>,
      %get3A_728 = arith.index_cast %scan3A_718 : i32 to index
      %get3A_729 = arith.constant 16 : index
      %get3A_730 = tpu.vector_load %arg17[%get3A_728, %get3A_729] {strides = array<i32>} : memref<40x128xf32, #tpu.memory_space<vmem>>, vector<1x16xf32>,
      %get3A_731 = vector.shape_cast %get3A_730 : vector<1x16xf32> to vector<16xf32>
      %swap3A_732 = arith.index_cast %scan3A_718 : i32 to index
      %swap3A_733 = arith.constant 16 : index
      %swap3A_734 = tpu.vector_load %arg12[%swap3A_732, %swap3A_733] {strides = array<i32>} : memref<40x128xf32, #tpu.memory_space<vmem>>, vector<1x16xf32>,
      %swap3A_735 = vector.shape_cast %swap3A_734 : vector<1x16xf32> to vector<16xf32>
      %swap3A_736 = vector.shape_cast %get3A_731 : vector<16xf32> to vector<1x16xf32>
      tpu.vector_store %arg12[%swap3A_732, %swap3A_733], %swap3A_736 {add = true, strides = array<i32>} : memref<40x128xf32, #tpu.memory_space<vmem>>, vector<1x16xf32>,
      %get3A_737 = arith.index_cast %scan3A_718 : i32 to index
      %get3A_738 = arith.constant 32 : index
      %get3A_739 = tpu.vector_load %arg17[%get3A_737, %get3A_738] {strides = array<i32>} : memref<40x128xf32, #tpu.memory_space<vmem>>, vector<1x16xf32>,
      %get3A_740 = vector.shape_cast %get3A_739 : vector<1x16xf32> to vector<16xf32>
      %swap3A_741 = arith.index_cast %scan3A_718 : i32 to index
      %swap3A_742 = arith.constant 32 : index
      %swap3A_743 = tpu.vector_load %arg12[%swap3A_741, %swap3A_742] {strides = array<i32>} : memref<40x128xf32, #tpu.memory_space<vmem>>, vector<1x16xf32>,
      %swap3A_744 = vector.shape_cast %swap3A_743 : vector<1x16xf32> to vector<16xf32>
      %swap3A_745 = vector.shape_cast %get3A_740 : vector<16xf32> to vector<1x16xf32>
      tpu.vector_store %arg12[%swap3A_741, %swap3A_742], %swap3A_745 {add = true, strides = array<i32>} : memref<40x128xf32, #tpu.memory_space<vmem>>, vector<1x16xf32>,
      %get3A_746 = arith.index_cast %scan3A_718 : i32 to index
      %get3A_747 = arith.constant 48 : index
      %get3A_748 = tpu.vector_load %arg17[%get3A_746, %get3A_747] {strides = array<i32>} : memref<40x128xf32, #tpu.memory_space<vmem>>, vector<1x16xf32>,
      %get3A_749 = vector.shape_cast %get3A_748 : vector<1x16xf32> to vector<16xf32>
      %swap3A_750 = arith.index_cast %scan3A_718 : i32 to index
      %swap3A_751 = arith.constant 48 : index
      %swap3A_752 = tpu.vector_load %arg12[%swap3A_750, %swap3A_751] {strides = array<i32>} : memref<40x128xf32, #tpu.memory_space<vmem>>, vector<1x16xf32>,
      %swap3A_753 = vector.shape_cast %swap3A_752 : vector<1x16xf32> to vector<16xf32>
      %swap3A_754 = vector.shape_cast %get3A_749 : vector<16xf32> to vector<1x16xf32>
      tpu.vector_store %arg12[%swap3A_750, %swap3A_751], %swap3A_754 {add = true, strides = array<i32>} : memref<40x128xf32, #tpu.memory_space<vmem>>, vector<1x16xf32>,
      %get3A_755 = arith.index_cast %scan3A_718 : i32 to index
      %get3A_756 = arith.constant 64 : index
      %get3A_757 = tpu.vector_load %arg17[%get3A_755, %get3A_756] {strides = array<i32>} : memref<40x128xf32, #tpu.memory_space<vmem>>, vector<1x16xf32>,
      %get3A_758 = vector.shape_cast %get3A_757 : vector<1x16xf32> to vector<16xf32>
      %swap3A_759 = arith.index_cast %scan3A_718 : i32 to index
      %swap3A_760 = arith.constant 64 : index
      %swap3A_761 = tpu.vector_load %arg12[%swap3A_759, %swap3A_760] {strides = array<i32>} : memref<40x128xf32, #tpu.memory_space<vmem>>, vector<1x16xf32>,
      %swap3A_762 = vector.shape_cast %swap3A_761 : vector<1x16xf32> to vector<16xf32>
      %swap3A_763 = vector.shape_cast %get3A_758 : vector<16xf32> to vector<1x16xf32>
      tpu.vector_store %arg12[%swap3A_759, %swap3A_760], %swap3A_763 {add = true, strides = array<i32>} : memref<40x128xf32, #tpu.memory_space<vmem>>, vector<1x16xf32>,
      %get3A_764 = arith.index_cast %scan3A_718 : i32 to index
      %get3A_765 = arith.constant 80 : index
      %get3A_766 = tpu.vector_load %arg17[%get3A_764, %get3A_765] {strides = array<i32>} : memref<40x128xf32, #tpu.memory_space<vmem>>, vector<1x16xf32>,
      %get3A_767 = vector.shape_cast %get3A_766 : vector<1x16xf32> to vector<16xf32>
      %swap3A_768 = arith.index_cast %scan3A_718 : i32 to index
      %swap3A_769 = arith.constant 80 : index
      %swap3A_770 = tpu.vector_load %arg12[%swap3A_768, %swap3A_769] {strides = array<i32>} : memref<40x128xf32, #tpu.memory_space<vmem>>, vector<1x16xf32>,
      %swap3A_771 = vector.shape_cast %swap3A_770 : vector<1x16xf32> to vector<16xf32>
      %swap3A_772 = vector.shape_cast %get3A_767 : vector<16xf32> to vector<1x16xf32>
      tpu.vector_store %arg12[%swap3A_768, %swap3A_769], %swap3A_772 {add = true, strides = array<i32>} : memref<40x128xf32, #tpu.memory_space<vmem>>, vector<1x16xf32>,
      %get3A_773 = arith.index_cast %scan3A_718 : i32 to index
      %get3A_774 = arith.constant 96 : index
      %get3A_775 = tpu.vector_load %arg17[%get3A_773, %get3A_774] {strides = array<i32>} : memref<40x128xf32, #tpu.memory_space<vmem>>, vector<1x16xf32>,
      %get3A_776 = vector.shape_cast %get3A_775 : vector<1x16xf32> to vector<16xf32>
      %swap3A_777 = arith.index_cast %scan3A_718 : i32 to index
      %swap3A_778 = arith.constant 96 : index
      %swap3A_779 = tpu.vector_load %arg12[%swap3A_777, %swap3A_778] {strides = array<i32>} : memref<40x128xf32, #tpu.memory_space<vmem>>, vector<1x16xf32>,
      %swap3A_780 = vector.shape_cast %swap3A_779 : vector<1x16xf32> to vector<16xf32>
      %swap3A_781 = vector.shape_cast %get3A_776 : vector<16xf32> to vector<1x16xf32>
      tpu.vector_store %arg12[%swap3A_777, %swap3A_778], %swap3A_781 {add = true, strides = array<i32>} : memref<40x128xf32, #tpu.memory_space<vmem>>, vector<1x16xf32>,
      %get3A_782 = arith.index_cast %scan3A_718 : i32 to index
      %get3A_783 = arith.constant 112 : index
      %get3A_784 = tpu.vector_load %arg17[%get3A_782, %get3A_783] {strides = array<i32>} : memref<40x128xf32, #tpu.memory_space<vmem>>, vector<1x16xf32>,
      %get3A_785 = vector.shape_cast %get3A_784 : vector<1x16xf32> to vector<16xf32>
      %swap3A_786 = arith.index_cast %scan3A_718 : i32 to index
      %swap3A_787 = arith.constant 112 : index
      %swap3A_788 = tpu.vector_load %arg12[%swap3A_786, %swap3A_787] {strides = array<i32>} : memref<40x128xf32, #tpu.memory_space<vmem>>, vector<1x16xf32>,
      %swap3A_789 = vector.shape_cast %swap3A_788 : vector<1x16xf32> to vector<16xf32>
      %swap3A_790 = vector.shape_cast %get3A_785 : vector<16xf32> to vector<1x16xf32>
      tpu.vector_store %arg12[%swap3A_786, %swap3A_787], %swap3A_790 {add = true, strides = array<i32>} : memref<40x128xf32, #tpu.memory_space<vmem>>, vector<1x16xf32>,
    }
    %scan3A_465 = arith.constant 40 : i32
    %dma_wait3A_466 = arith.constant 1 : i32
    %dma_wait3A_467 = arith.constant 0 : i32
    %dma_wait3A_468 = arith.constant 0 : i32
    %dma_wait3A_469 = tpu.memref_slice %arg6[%arg1, %dma_wait3A_466, %dma_wait3A_467, %dma_wait3A_468] : memref<16x5x40x128xf32, #tpu.memory_space<vmem_shared>> -> memref<1x1x40x128xf32, #tpu.memory_space<vmem_shared>>
    %dma_wait3A_470 = tpu.memref_squeeze %dma_wait3A_469 : memref<1x1x40x128xf32, #tpu.memory_space<vmem_shared>> -> memref<40x128xf32, #tpu.memory_space<vmem_shared>>
    %dma_wait3A_471 = arith.constant 0 : i32
    %dma_wait3A_472 = arith.constant 0 : i32
    %dma_wait3A_473 = tpu.memref_slice %arg6[%arg1, %dma_wait3A_466, %dma_wait3A_471, %dma_wait3A_472] : memref<16x5x40x128xf32, #tpu.memory_space<vmem_shared>> -> memref<1x1x40x128xf32, #tpu.memory_space<vmem_shared>>
    %dma_wait3A_474 = tpu.memref_squeeze %dma_wait3A_473 : memref<1x1x40x128xf32, #tpu.memory_space<vmem_shared>> -> memref<40x128xf32, #tpu.memory_space<vmem_shared>>
    tpu.wait_dma2 semaphore(%arg30 : memref<!tpu.dma_semaphore, #tpu.memory_space<semaphore_mem>>) src(%arg10 : memref<40x128xf32, #tpu.memory_space<vmem>>) dst(%dma_wait3A_474 : memref<40x128xf32, #tpu.memory_space<vmem_shared>>)
    %add3A_475 = arith.constant 9840 : i32
    %add3A_476 = arith.addi %multiple_of3A, %add3A_475 : i32
    %multiple_of3A_477 = tpu.assume_multiple %add3A_476, 8 : i32
    %dma_start3A_478 = arith.constant 1 : i32
    %dma_start3A_479 = arith.constant 0 : i32
    %dma_start3A_480 = tpu.memref_slice %arg5[%multiple_of3A_477, %dma_start3A_479] : memref<320000x128xf32, #tpu.memory_space<hbm>> -> memref<40x128xf32, #tpu.memory_space<hbm>>
    %dma_start3A_481 = arith.constant 0 : i32
    %dma_start3A_482 = arith.constant 0 : i32
    %dma_start3A_483 = tpu.memref_slice %arg6[%arg1, %dma_start3A_478, %dma_start3A_481, %dma_start3A_482] : memref<16x5x40x128xf32, #tpu.memory_space<vmem_shared>> -> memref<1x1x40x128xf32, #tpu.memory_space<vmem_shared>>
    %dma_start3A_484 = tpu.memref_squeeze %dma_start3A_483 : memref<1x1x40x128xf32, #tpu.memory_space<vmem_shared>> -> memref<40x128xf32, #tpu.memory_space<vmem_shared>>
    tpu.enqueue_dma source(%dma_start3A_484 : memref<40x128xf32, #tpu.memory_space<vmem_shared>>) target(%dma_start3A_480 : memref<40x128xf32, #tpu.memory_space<hbm>>) target_semaphore(%arg35 : memref<!tpu.dma_semaphore, #tpu.memory_space<semaphore_mem>>)
    %add3A_485 = arith.constant 9720 : i32
    %add3A_486 = arith.addi %multiple_of3A, %add3A_485 : i32
    %multiple_of3A_487 = tpu.assume_multiple %add3A_486, 8 : i32
    %dma_wait3A_488 = arith.constant 3 : i32
    %dma_wait3A_489 = arith.constant 0 : i32
    %dma_wait3A_490 = tpu.memref_slice %arg5[%multiple_of3A_487, %dma_wait3A_489] : memref<320000x128xf32, #tpu.memory_space<hbm>> -> memref<40x128xf32, #tpu.memory_space<hbm>>
    %dma_wait3A_491 = arith.constant 0 : i32
    %dma_wait3A_492 = arith.constant 0 : i32
    %dma_wait3A_493 = tpu.memref_slice %arg6[%arg1, %dma_wait3A_488, %dma_wait3A_491, %dma_wait3A_492] : memref<16x5x40x128xf32, #tpu.memory_space<vmem_shared>> -> memref<1x1x40x128xf32, #tpu.memory_space<vmem_shared>>
    %dma_wait3A_494 = tpu.memref_squeeze %dma_wait3A_493 : memref<1x1x40x128xf32, #tpu.memory_space<vmem_shared>> -> memref<40x128xf32, #tpu.memory_space<vmem_shared>>
    tpu.wait_dma2 semaphore(%arg37 : memref<!tpu.dma_semaphore, #tpu.memory_space<semaphore_mem>>) src(%dma_wait3A_494 : memref<40x128xf32, #tpu.memory_space<vmem_shared>>) dst(%dma_wait3A_490 : memref<40x128xf32, #tpu.memory_space<hbm>>)
    %dma_start3A_495 = arith.constant 3 : i32
    %dma_start3A_496 = arith.constant 0 : i32
    %dma_start3A_497 = arith.constant 0 : i32
    %dma_start3A_498 = tpu.memref_slice %arg6[%arg1, %dma_start3A_495, %dma_start3A_496, %dma_start3A_497] : memref<16x5x40x128xf32, #tpu.memory_space<vmem_shared>> -> memref<1x1x40x128xf32, #tpu.memory_space<vmem_shared>>
    %dma_start3A_499 = tpu.memref_squeeze %dma_start3A_498 : memref<1x1x40x128xf32, #tpu.memory_space<vmem_shared>> -> memref<40x128xf32, #tpu.memory_space<vmem_shared>>
    %dma_start3A_500 = arith.constant 0 : i32
    %dma_start3A_501 = arith.constant 0 : i32
    %dma_start3A_502 = tpu.memref_slice %arg6[%arg1, %dma_start3A_495, %dma_start3A_500, %dma_start3A_501] : memref<16x5x40x128xf32, #tpu.memory_space<vmem_shared>> -> memref<1x1x40x128xf32, #tpu.memory_space<vmem_shared>>
    %dma_start3A_503 = tpu.memref_squeeze %dma_start3A_502 : memref<1x1x40x128xf32, #tpu.memory_space<vmem_shared>> -> memref<40x128xf32, #tpu.memory_space<vmem_shared>>
    tpu.enqueue_dma source(%arg12 : memref<40x128xf32, #tpu.memory_space<vmem>>) target(%dma_start3A_503 : memref<40x128xf32, #tpu.memory_space<vmem_shared>>) target_semaphore(%arg32 : memref<!tpu.dma_semaphore, #tpu.memory_space<semaphore_mem>>)
    %multiple_of3A_504 = arith.constant 9960 : i32
    %multiple_of3A_505 = tpu.assume_multiple %multiple_of3A_504, 8 : i32
    %dma_wait3A_506 = tpu.memref_slice %arg7[%multiple_of3A_505] : memref<10000xi32, #tpu.memory_space<vmem>> -> memref<40xi32, #tpu.memory_space<vmem>>
    %dma_wait3A_507 = arith.constant 0 : i32
    %dma_wait3A_508 = arith.constant 0 : i32
    %dma_wait3A_509 = tpu.memref_slice %arg2[%dma_wait3A_507, %dma_wait3A_508] : memref<10000x128xf32, #tpu.memory_space<hbm>> -> memref<10000x128xf32, #tpu.memory_space<hbm>>
    tpu.wait_indirect_dma semaphore(%arg23 : memref<!tpu.dma_semaphore, #tpu.memory_space<semaphore_mem>>) src(%dma_wait3A_509 : memref<10000x128xf32, #tpu.memory_space<hbm>>) dst(%arg13 : memref<40x128xf32, #tpu.memory_space<vmem>>)
    %dma_wait3A_510 = tpu.memref_slice %arg8[%multiple_of3A_505] : memref<10000xi32, #tpu.memory_space<vmem>> -> memref<40xi32, #tpu.memory_space<vmem>>
    %dma_wait3A_511 = arith.constant 0 : i32
    %dma_wait3A_512 = arith.constant 0 : i32
    %dma_wait3A_513 = tpu.memref_slice %arg2[%dma_wait3A_511, %dma_wait3A_512] : memref<10000x128xf32, #tpu.memory_space<hbm>> -> memref<10000x128xf32, #tpu.memory_space<hbm>>
    tpu.wait_indirect_dma semaphore(%arg28 : memref<!tpu.dma_semaphore, #tpu.memory_space<semaphore_mem>>) src(%dma_wait3A_513 : memref<10000x128xf32, #tpu.memory_space<hbm>>) dst(%arg18 : memref<40x128xf32, #tpu.memory_space<vmem>>)
    %scan3A_514 = arith.constant 0 : i32
    %scan3A_515 = arith.constant 0 : i32
    %scan3A_516 = arith.constant 40 : i32
    %scan3A_517 = arith.addi %scan3A_515, %scan3A_516 : i32
    %scan3A_518 = arith.constant 2 : i32
    scf.for %scan3A_646 = %scan3A_515 to %scan3A_517 step %scan3A_518  : i32 {
      %get3A = arith.index_cast %scan3A_646 : i32 to index
      %get3A_647 = arith.constant 0 : index
      %get3A_648 = tpu.vector_load %arg18[%get3A, %get3A_647] {strides = array<i32>} : memref<40x128xf32, #tpu.memory_space<vmem>>, vector<1x16xf32>,
      %get3A_649 = vector.shape_cast %get3A_648 : vector<1x16xf32> to vector<16xf32>
      %swap3A = arith.index_cast %scan3A_646 : i32 to index
      %swap3A_650 = arith.constant 0 : index
      %swap3A_651 = tpu.vector_load %arg13[%swap3A, %swap3A_650] {strides = array<i32>} : memref<40x128xf32, #tpu.memory_space<vmem>>, vector<1x16xf32>,
      %swap3A_652 = vector.shape_cast %swap3A_651 : vector<1x16xf32> to vector<16xf32>
      %swap3A_653 = vector.shape_cast %get3A_649 : vector<16xf32> to vector<1x16xf32>
      tpu.vector_store %arg13[%swap3A, %swap3A_650], %swap3A_653 {add = true, strides = array<i32>} : memref<40x128xf32, #tpu.memory_space<vmem>>, vector<1x16xf32>,
      %get3A_654 = arith.index_cast %scan3A_646 : i32 to index
      %get3A_655 = arith.constant 16 : index
      %get3A_656 = tpu.vector_load %arg18[%get3A_654, %get3A_655] {strides = array<i32>} : memref<40x128xf32, #tpu.memory_space<vmem>>, vector<1x16xf32>,
      %get3A_657 = vector.shape_cast %get3A_656 : vector<1x16xf32> to vector<16xf32>
      %swap3A_658 = arith.index_cast %scan3A_646 : i32 to index
      %swap3A_659 = arith.constant 16 : index
      %swap3A_660 = tpu.vector_load %arg13[%swap3A_658, %swap3A_659] {strides = array<i32>} : memref<40x128xf32, #tpu.memory_space<vmem>>, vector<1x16xf32>,
      %swap3A_661 = vector.shape_cast %swap3A_660 : vector<1x16xf32> to vector<16xf32>
      %swap3A_662 = vector.shape_cast %get3A_657 : vector<16xf32> to vector<1x16xf32>
      tpu.vector_store %arg13[%swap3A_658, %swap3A_659], %swap3A_662 {add = true, strides = array<i32>} : memref<40x128xf32, #tpu.memory_space<vmem>>, vector<1x16xf32>,
      %get3A_663 = arith.index_cast %scan3A_646 : i32 to index
      %get3A_664 = arith.constant 32 : index
      %get3A_665 = tpu.vector_load %arg18[%get3A_663, %get3A_664] {strides = array<i32>} : memref<40x128xf32, #tpu.memory_space<vmem>>, vector<1x16xf32>,
      %get3A_666 = vector.shape_cast %get3A_665 : vector<1x16xf32> to vector<16xf32>
      %swap3A_667 = arith.index_cast %scan3A_646 : i32 to index
      %swap3A_668 = arith.constant 32 : index
      %swap3A_669 = tpu.vector_load %arg13[%swap3A_667, %swap3A_668] {strides = array<i32>} : memref<40x128xf32, #tpu.memory_space<vmem>>, vector<1x16xf32>,
      %swap3A_670 = vector.shape_cast %swap3A_669 : vector<1x16xf32> to vector<16xf32>
      %swap3A_671 = vector.shape_cast %get3A_666 : vector<16xf32> to vector<1x16xf32>
      tpu.vector_store %arg13[%swap3A_667, %swap3A_668], %swap3A_671 {add = true, strides = array<i32>} : memref<40x128xf32, #tpu.memory_space<vmem>>, vector<1x16xf32>,
      %get3A_672 = arith.index_cast %scan3A_646 : i32 to index
      %get3A_673 = arith.constant 48 : index
      %get3A_674 = tpu.vector_load %arg18[%get3A_672, %get3A_673] {strides = array<i32>} : memref<40x128xf32, #tpu.memory_space<vmem>>, vector<1x16xf32>,
      %get3A_675 = vector.shape_cast %get3A_674 : vector<1x16xf32> to vector<16xf32>
      %swap3A_676 = arith.index_cast %scan3A_646 : i32 to index
      %swap3A_677 = arith.constant 48 : index
      %swap3A_678 = tpu.vector_load %arg13[%swap3A_676, %swap3A_677] {strides = array<i32>} : memref<40x128xf32, #tpu.memory_space<vmem>>, vector<1x16xf32>,
      %swap3A_679 = vector.shape_cast %swap3A_678 : vector<1x16xf32> to vector<16xf32>
      %swap3A_680 = vector.shape_cast %get3A_675 : vector<16xf32> to vector<1x16xf32>
      tpu.vector_store %arg13[%swap3A_676, %swap3A_677], %swap3A_680 {add = true, strides = array<i32>} : memref<40x128xf32, #tpu.memory_space<vmem>>, vector<1x16xf32>,
      %get3A_681 = arith.index_cast %scan3A_646 : i32 to index
      %get3A_682 = arith.constant 64 : index
      %get3A_683 = tpu.vector_load %arg18[%get3A_681, %get3A_682] {strides = array<i32>} : memref<40x128xf32, #tpu.memory_space<vmem>>, vector<1x16xf32>,
      %get3A_684 = vector.shape_cast %get3A_683 : vector<1x16xf32> to vector<16xf32>
      %swap3A_685 = arith.index_cast %scan3A_646 : i32 to index
      %swap3A_686 = arith.constant 64 : index
      %swap3A_687 = tpu.vector_load %arg13[%swap3A_685, %swap3A_686] {strides = array<i32>} : memref<40x128xf32, #tpu.memory_space<vmem>>, vector<1x16xf32>,
      %swap3A_688 = vector.shape_cast %swap3A_687 : vector<1x16xf32> to vector<16xf32>
      %swap3A_689 = vector.shape_cast %get3A_684 : vector<16xf32> to vector<1x16xf32>
      tpu.vector_store %arg13[%swap3A_685, %swap3A_686], %swap3A_689 {add = true, strides = array<i32>} : memref<40x128xf32, #tpu.memory_space<vmem>>, vector<1x16xf32>,
      %get3A_690 = arith.index_cast %scan3A_646 : i32 to index
      %get3A_691 = arith.constant 80 : index
      %get3A_692 = tpu.vector_load %arg18[%get3A_690, %get3A_691] {strides = array<i32>} : memref<40x128xf32, #tpu.memory_space<vmem>>, vector<1x16xf32>,
      %get3A_693 = vector.shape_cast %get3A_692 : vector<1x16xf32> to vector<16xf32>
      %swap3A_694 = arith.index_cast %scan3A_646 : i32 to index
      %swap3A_695 = arith.constant 80 : index
      %swap3A_696 = tpu.vector_load %arg13[%swap3A_694, %swap3A_695] {strides = array<i32>} : memref<40x128xf32, #tpu.memory_space<vmem>>, vector<1x16xf32>,
      %swap3A_697 = vector.shape_cast %swap3A_696 : vector<1x16xf32> to vector<16xf32>
      %swap3A_698 = vector.shape_cast %get3A_693 : vector<16xf32> to vector<1x16xf32>
      tpu.vector_store %arg13[%swap3A_694, %swap3A_695], %swap3A_698 {add = true, strides = array<i32>} : memref<40x128xf32, #tpu.memory_space<vmem>>, vector<1x16xf32>,
      %get3A_699 = arith.index_cast %scan3A_646 : i32 to index
      %get3A_700 = arith.constant 96 : index
      %get3A_701 = tpu.vector_load %arg18[%get3A_699, %get3A_700] {strides = array<i32>} : memref<40x128xf32, #tpu.memory_space<vmem>>, vector<1x16xf32>,
      %get3A_702 = vector.shape_cast %get3A_701 : vector<1x16xf32> to vector<16xf32>
      %swap3A_703 = arith.index_cast %scan3A_646 : i32 to index
      %swap3A_704 = arith.constant 96 : index
      %swap3A_705 = tpu.vector_load %arg13[%swap3A_703, %swap3A_704] {strides = array<i32>} : memref<40x128xf32, #tpu.memory_space<vmem>>, vector<1x16xf32>,
      %swap3A_706 = vector.shape_cast %swap3A_705 : vector<1x16xf32> to vector<16xf32>
      %swap3A_707 = vector.shape_cast %get3A_702 : vector<16xf32> to vector<1x16xf32>
      tpu.vector_store %arg13[%swap3A_703, %swap3A_704], %swap3A_707 {add = true, strides = array<i32>} : memref<40x128xf32, #tpu.memory_space<vmem>>, vector<1x16xf32>,
      %get3A_708 = arith.index_cast %scan3A_646 : i32 to index
      %get3A_709 = arith.constant 112 : index
      %get3A_710 = tpu.vector_load %arg18[%get3A_708, %get3A_709] {strides = array<i32>} : memref<40x128xf32, #tpu.memory_space<vmem>>, vector<1x16xf32>,
      %get3A_711 = vector.shape_cast %get3A_710 : vector<1x16xf32> to vector<16xf32>
      %swap3A_712 = arith.index_cast %scan3A_646 : i32 to index
      %swap3A_713 = arith.constant 112 : index
      %swap3A_714 = tpu.vector_load %arg13[%swap3A_712, %swap3A_713] {strides = array<i32>} : memref<40x128xf32, #tpu.memory_space<vmem>>, vector<1x16xf32>,
      %swap3A_715 = vector.shape_cast %swap3A_714 : vector<1x16xf32> to vector<16xf32>
      %swap3A_716 = vector.shape_cast %get3A_711 : vector<16xf32> to vector<1x16xf32>
      tpu.vector_store %arg13[%swap3A_712, %swap3A_713], %swap3A_716 {add = true, strides = array<i32>} : memref<40x128xf32, #tpu.memory_space<vmem>>, vector<1x16xf32>,
      %scan3A_717 = arith.constant 1 : i32
      %scan3A_718 = arith.addi %scan3A_646, %scan3A_717 : i32
      %get3A_719 = arith.index_cast %scan3A_718 : i32 to index
      %get3A_720 = arith.constant 0 : index
      %get3A_721 = tpu.vector_load %arg18[%get3A_719, %get3A_720] {strides = array<i32>} : memref<40x128xf32, #tpu.memory_space<vmem>>, vector<1x16xf32>,
      %get3A_722 = vector.shape_cast %get3A_721 : vector<1x16xf32> to vector<16xf32>
      %swap3A_723 = arith.index_cast %scan3A_718 : i32 to index
      %swap3A_724 = arith.constant 0 : index
      %swap3A_725 = tpu.vector_load %arg13[%swap3A_723, %swap3A_724] {strides = array<i32>} : memref<40x128xf32, #tpu.memory_space<vmem>>, vector<1x16xf32>,
      %swap3A_726 = vector.shape_cast %swap3A_725 : vector<1x16xf32> to vector<16xf32>
      %swap3A_727 = vector.shape_cast %get3A_722 : vector<16xf32> to vector<1x16xf32>
      tpu.vector_store %arg13[%swap3A_723, %swap3A_724], %swap3A_727 {add = true, strides = array<i32>} : memref<40x128xf32, #tpu.memory_space<vmem>>, vector<1x16xf32>,
      %get3A_728 = arith.index_cast %scan3A_718 : i32 to index
      %get3A_729 = arith.constant 16 : index
      %get3A_730 = tpu.vector_load %arg18[%get3A_728, %get3A_729] {strides = array<i32>} : memref<40x128xf32, #tpu.memory_space<vmem>>, vector<1x16xf32>,
      %get3A_731 = vector.shape_cast %get3A_730 : vector<1x16xf32> to vector<16xf32>
      %swap3A_732 = arith.index_cast %scan3A_718 : i32 to index
      %swap3A_733 = arith.constant 16 : index
      %swap3A_734 = tpu.vector_load %arg13[%swap3A_732, %swap3A_733] {strides = array<i32>} : memref<40x128xf32, #tpu.memory_space<vmem>>, vector<1x16xf32>,
      %swap3A_735 = vector.shape_cast %swap3A_734 : vector<1x16xf32> to vector<16xf32>
      %swap3A_736 = vector.shape_cast %get3A_731 : vector<16xf32> to vector<1x16xf32>
      tpu.vector_store %arg13[%swap3A_732, %swap3A_733], %swap3A_736 {add = true, strides = array<i32>} : memref<40x128xf32, #tpu.memory_space<vmem>>, vector<1x16xf32>,
      %get3A_737 = arith.index_cast %scan3A_718 : i32 to index
      %get3A_738 = arith.constant 32 : index
      %get3A_739 = tpu.vector_load %arg18[%get3A_737, %get3A_738] {strides = array<i32>} : memref<40x128xf32, #tpu.memory_space<vmem>>, vector<1x16xf32>,
      %get3A_740 = vector.shape_cast %get3A_739 : vector<1x16xf32> to vector<16xf32>
      %swap3A_741 = arith.index_cast %scan3A_718 : i32 to index
      %swap3A_742 = arith.constant 32 : index
      %swap3A_743 = tpu.vector_load %arg13[%swap3A_741, %swap3A_742] {strides = array<i32>} : memref<40x128xf32, #tpu.memory_space<vmem>>, vector<1x16xf32>,
      %swap3A_744 = vector.shape_cast %swap3A_743 : vector<1x16xf32> to vector<16xf32>
      %swap3A_745 = vector.shape_cast %get3A_740 : vector<16xf32> to vector<1x16xf32>
      tpu.vector_store %arg13[%swap3A_741, %swap3A_742], %swap3A_745 {add = true, strides = array<i32>} : memref<40x128xf32, #tpu.memory_space<vmem>>, vector<1x16xf32>,
      %get3A_746 = arith.index_cast %scan3A_718 : i32 to index
      %get3A_747 = arith.constant 48 : index
      %get3A_748 = tpu.vector_load %arg18[%get3A_746, %get3A_747] {strides = array<i32>} : memref<40x128xf32, #tpu.memory_space<vmem>>, vector<1x16xf32>,
      %get3A_749 = vector.shape_cast %get3A_748 : vector<1x16xf32> to vector<16xf32>
      %swap3A_750 = arith.index_cast %scan3A_718 : i32 to index
      %swap3A_751 = arith.constant 48 : index
      %swap3A_752 = tpu.vector_load %arg13[%swap3A_750, %swap3A_751] {strides = array<i32>} : memref<40x128xf32, #tpu.memory_space<vmem>>, vector<1x16xf32>,
      %swap3A_753 = vector.shape_cast %swap3A_752 : vector<1x16xf32> to vector<16xf32>
      %swap3A_754 = vector.shape_cast %get3A_749 : vector<16xf32> to vector<1x16xf32>
      tpu.vector_store %arg13[%swap3A_750, %swap3A_751], %swap3A_754 {add = true, strides = array<i32>} : memref<40x128xf32, #tpu.memory_space<vmem>>, vector<1x16xf32>,
      %get3A_755 = arith.index_cast %scan3A_718 : i32 to index
      %get3A_756 = arith.constant 64 : index
      %get3A_757 = tpu.vector_load %arg18[%get3A_755, %get3A_756] {strides = array<i32>} : memref<40x128xf32, #tpu.memory_space<vmem>>, vector<1x16xf32>,
      %get3A_758 = vector.shape_cast %get3A_757 : vector<1x16xf32> to vector<16xf32>
      %swap3A_759 = arith.index_cast %scan3A_718 : i32 to index
      %swap3A_760 = arith.constant 64 : index
      %swap3A_761 = tpu.vector_load %arg13[%swap3A_759, %swap3A_760] {strides = array<i32>} : memref<40x128xf32, #tpu.memory_space<vmem>>, vector<1x16xf32>,
      %swap3A_762 = vector.shape_cast %swap3A_761 : vector<1x16xf32> to vector<16xf32>
      %swap3A_763 = vector.shape_cast %get3A_758 : vector<16xf32> to vector<1x16xf32>
      tpu.vector_store %arg13[%swap3A_759, %swap3A_760], %swap3A_763 {add = true, strides = array<i32>} : memref<40x128xf32, #tpu.memory_space<vmem>>, vector<1x16xf32>,
      %get3A_764 = arith.index_cast %scan3A_718 : i32 to index
      %get3A_765 = arith.constant 80 : index
      %get3A_766 = tpu.vector_load %arg18[%get3A_764, %get3A_765] {strides = array<i32>} : memref<40x128xf32, #tpu.memory_space<vmem>>, vector<1x16xf32>,
      %get3A_767 = vector.shape_cast %get3A_766 : vector<1x16xf32> to vector<16xf32>
      %swap3A_768 = arith.index_cast %scan3A_718 : i32 to index
      %swap3A_769 = arith.constant 80 : index
      %swap3A_770 = tpu.vector_load %arg13[%swap3A_768, %swap3A_769] {strides = array<i32>} : memref<40x128xf32, #tpu.memory_space<vmem>>, vector<1x16xf32>,
      %swap3A_771 = vector.shape_cast %swap3A_770 : vector<1x16xf32> to vector<16xf32>
      %swap3A_772 = vector.shape_cast %get3A_767 : vector<16xf32> to vector<1x16xf32>
      tpu.vector_store %arg13[%swap3A_768, %swap3A_769], %swap3A_772 {add = true, strides = array<i32>} : memref<40x128xf32, #tpu.memory_space<vmem>>, vector<1x16xf32>,
      %get3A_773 = arith.index_cast %scan3A_718 : i32 to index
      %get3A_774 = arith.constant 96 : index
      %get3A_775 = tpu.vector_load %arg18[%get3A_773, %get3A_774] {strides = array<i32>} : memref<40x128xf32, #tpu.memory_space<vmem>>, vector<1x16xf32>,
      %get3A_776 = vector.shape_cast %get3A_775 : vector<1x16xf32> to vector<16xf32>
      %swap3A_777 = arith.index_cast %scan3A_718 : i32 to index
      %swap3A_778 = arith.constant 96 : index
      %swap3A_779 = tpu.vector_load %arg13[%swap3A_777, %swap3A_778] {strides = array<i32>} : memref<40x128xf32, #tpu.memory_space<vmem>>, vector<1x16xf32>,
      %swap3A_780 = vector.shape_cast %swap3A_779 : vector<1x16xf32> to vector<16xf32>
      %swap3A_781 = vector.shape_cast %get3A_776 : vector<16xf32> to vector<1x16xf32>
      tpu.vector_store %arg13[%swap3A_777, %swap3A_778], %swap3A_781 {add = true, strides = array<i32>} : memref<40x128xf32, #tpu.memory_space<vmem>>, vector<1x16xf32>,
      %get3A_782 = arith.index_cast %scan3A_718 : i32 to index
      %get3A_783 = arith.constant 112 : index
      %get3A_784 = tpu.vector_load %arg18[%get3A_782, %get3A_783] {strides = array<i32>} : memref<40x128xf32, #tpu.memory_space<vmem>>, vector<1x16xf32>,
      %get3A_785 = vector.shape_cast %get3A_784 : vector<1x16xf32> to vector<16xf32>
      %swap3A_786 = arith.index_cast %scan3A_718 : i32 to index
      %swap3A_787 = arith.constant 112 : index
      %swap3A_788 = tpu.vector_load %arg13[%swap3A_786, %swap3A_787] {strides = array<i32>} : memref<40x128xf32, #tpu.memory_space<vmem>>, vector<1x16xf32>,
      %swap3A_789 = vector.shape_cast %swap3A_788 : vector<1x16xf32> to vector<16xf32>
      %swap3A_790 = vector.shape_cast %get3A_785 : vector<16xf32> to vector<1x16xf32>
      tpu.vector_store %arg13[%swap3A_786, %swap3A_787], %swap3A_790 {add = true, strides = array<i32>} : memref<40x128xf32, #tpu.memory_space<vmem>>, vector<1x16xf32>,
    }
    %scan3A_519 = arith.constant 40 : i32
    %dma_wait3A_520 = arith.constant 2 : i32
    %dma_wait3A_521 = arith.constant 0 : i32
    %dma_wait3A_522 = arith.constant 0 : i32
    %dma_wait3A_523 = tpu.memref_slice %arg6[%arg1, %dma_wait3A_520, %dma_wait3A_521, %dma_wait3A_522] : memref<16x5x40x128xf32, #tpu.memory_space<vmem_shared>> -> memref<1x1x40x128xf32, #tpu.memory_space<vmem_shared>>
    %dma_wait3A_524 = tpu.memref_squeeze %dma_wait3A_523 : memref<1x1x40x128xf32, #tpu.memory_space<vmem_shared>> -> memref<40x128xf32, #tpu.memory_space<vmem_shared>>
    %dma_wait3A_525 = arith.constant 0 : i32
    %dma_wait3A_526 = arith.constant 0 : i32
    %dma_wait3A_527 = tpu.memref_slice %arg6[%arg1, %dma_wait3A_520, %dma_wait3A_525, %dma_wait3A_526] : memref<16x5x40x128xf32, #tpu.memory_space<vmem_shared>> -> memref<1x1x40x128xf32, #tpu.memory_space<vmem_shared>>
    %dma_wait3A_528 = tpu.memref_squeeze %dma_wait3A_527 : memref<1x1x40x128xf32, #tpu.memory_space<vmem_shared>> -> memref<40x128xf32, #tpu.memory_space<vmem_shared>>
    tpu.wait_dma2 semaphore(%arg31 : memref<!tpu.dma_semaphore, #tpu.memory_space<semaphore_mem>>) src(%arg11 : memref<40x128xf32, #tpu.memory_space<vmem>>) dst(%dma_wait3A_528 : memref<40x128xf32, #tpu.memory_space<vmem_shared>>)
    %add3A_529 = arith.constant 9880 : i32
    %add3A_530 = arith.addi %multiple_of3A, %add3A_529 : i32
    %multiple_of3A_531 = tpu.assume_multiple %add3A_530, 8 : i32
    %dma_start3A_532 = arith.constant 2 : i32
    %dma_start3A_533 = arith.constant 0 : i32
    %dma_start3A_534 = tpu.memref_slice %arg5[%multiple_of3A_531, %dma_start3A_533] : memref<320000x128xf32, #tpu.memory_space<hbm>> -> memref<40x128xf32, #tpu.memory_space<hbm>>
    %dma_start3A_535 = arith.constant 0 : i32
    %dma_start3A_536 = arith.constant 0 : i32
    %dma_start3A_537 = tpu.memref_slice %arg6[%arg1, %dma_start3A_532, %dma_start3A_535, %dma_start3A_536] : memref<16x5x40x128xf32, #tpu.memory_space<vmem_shared>> -> memref<1x1x40x128xf32, #tpu.memory_space<vmem_shared>>
    %dma_start3A_538 = tpu.memref_squeeze %dma_start3A_537 : memref<1x1x40x128xf32, #tpu.memory_space<vmem_shared>> -> memref<40x128xf32, #tpu.memory_space<vmem_shared>>
    tpu.enqueue_dma source(%dma_start3A_538 : memref<40x128xf32, #tpu.memory_space<vmem_shared>>) target(%dma_start3A_534 : memref<40x128xf32, #tpu.memory_space<hbm>>) target_semaphore(%arg36 : memref<!tpu.dma_semaphore, #tpu.memory_space<semaphore_mem>>)
    %add3A_539 = arith.constant 9760 : i32
    %add3A_540 = arith.addi %multiple_of3A, %add3A_539 : i32
    %multiple_of3A_541 = tpu.assume_multiple %add3A_540, 8 : i32
    %dma_wait3A_542 = arith.constant 4 : i32
    %dma_wait3A_543 = arith.constant 0 : i32
    %dma_wait3A_544 = tpu.memref_slice %arg5[%multiple_of3A_541, %dma_wait3A_543] : memref<320000x128xf32, #tpu.memory_space<hbm>> -> memref<40x128xf32, #tpu.memory_space<hbm>>
    %dma_wait3A_545 = arith.constant 0 : i32
    %dma_wait3A_546 = arith.constant 0 : i32
    %dma_wait3A_547 = tpu.memref_slice %arg6[%arg1, %dma_wait3A_542, %dma_wait3A_545, %dma_wait3A_546] : memref<16x5x40x128xf32, #tpu.memory_space<vmem_shared>> -> memref<1x1x40x128xf32, #tpu.memory_space<vmem_shared>>
    %dma_wait3A_548 = tpu.memref_squeeze %dma_wait3A_547 : memref<1x1x40x128xf32, #tpu.memory_space<vmem_shared>> -> memref<40x128xf32, #tpu.memory_space<vmem_shared>>
    tpu.wait_dma2 semaphore(%arg38 : memref<!tpu.dma_semaphore, #tpu.memory_space<semaphore_mem>>) src(%dma_wait3A_548 : memref<40x128xf32, #tpu.memory_space<vmem_shared>>) dst(%dma_wait3A_544 : memref<40x128xf32, #tpu.memory_space<hbm>>)
    %dma_start3A_549 = arith.constant 4 : i32
    %dma_start3A_550 = arith.constant 0 : i32
    %dma_start3A_551 = arith.constant 0 : i32
    %dma_start3A_552 = tpu.memref_slice %arg6[%arg1, %dma_start3A_549, %dma_start3A_550, %dma_start3A_551] : memref<16x5x40x128xf32, #tpu.memory_space<vmem_shared>> -> memref<1x1x40x128xf32, #tpu.memory_space<vmem_shared>>
    %dma_start3A_553 = tpu.memref_squeeze %dma_start3A_552 : memref<1x1x40x128xf32, #tpu.memory_space<vmem_shared>> -> memref<40x128xf32, #tpu.memory_space<vmem_shared>>
    %dma_start3A_554 = arith.constant 0 : i32
    %dma_start3A_555 = arith.constant 0 : i32
    %dma_start3A_556 = tpu.memref_slice %arg6[%arg1, %dma_start3A_549, %dma_start3A_554, %dma_start3A_555] : memref<16x5x40x128xf32, #tpu.memory_space<vmem_shared>> -> memref<1x1x40x128xf32, #tpu.memory_space<vmem_shared>>
    %dma_start3A_557 = tpu.memref_squeeze %dma_start3A_556 : memref<1x1x40x128xf32, #tpu.memory_space<vmem_shared>> -> memref<40x128xf32, #tpu.memory_space<vmem_shared>>
    tpu.enqueue_dma source(%arg13 : memref<40x128xf32, #tpu.memory_space<vmem>>) target(%dma_start3A_557 : memref<40x128xf32, #tpu.memory_space<vmem_shared>>) target_semaphore(%arg33 : memref<!tpu.dma_semaphore, #tpu.memory_space<semaphore_mem>>)
    %dma_wait3A_558 = arith.constant 3 : i32
    %dma_wait3A_559 = arith.constant 0 : i32
    %dma_wait3A_560 = arith.constant 0 : i32
    %dma_wait3A_561 = tpu.memref_slice %arg6[%arg1, %dma_wait3A_558, %dma_wait3A_559, %dma_wait3A_560] : memref<16x5x40x128xf32, #tpu.memory_space<vmem_shared>> -> memref<1x1x40x128xf32, #tpu.memory_space<vmem_shared>>
    %dma_wait3A_562 = tpu.memref_squeeze %dma_wait3A_561 : memref<1x1x40x128xf32, #tpu.memory_space<vmem_shared>> -> memref<40x128xf32, #tpu.memory_space<vmem_shared>>
    %dma_wait3A_563 = arith.constant 0 : i32
    %dma_wait3A_564 = arith.constant 0 : i32
    %dma_wait3A_565 = tpu.memref_slice %arg6[%arg1, %dma_wait3A_558, %dma_wait3A_563, %dma_wait3A_564] : memref<16x5x40x128xf32, #tpu.memory_space<vmem_shared>> -> memref<1x1x40x128xf32, #tpu.memory_space<vmem_shared>>
    %dma_wait3A_566 = tpu.memref_squeeze %dma_wait3A_565 : memref<1x1x40x128xf32, #tpu.memory_space<vmem_shared>> -> memref<40x128xf32, #tpu.memory_space<vmem_shared>>
    tpu.wait_dma2 semaphore(%arg32 : memref<!tpu.dma_semaphore, #tpu.memory_space<semaphore_mem>>) src(%arg12 : memref<40x128xf32, #tpu.memory_space<vmem>>) dst(%dma_wait3A_566 : memref<40x128xf32, #tpu.memory_space<vmem_shared>>)
    %add3A_567 = arith.constant 9920 : i32
    %add3A_568 = arith.addi %multiple_of3A, %add3A_567 : i32
    %multiple_of3A_569 = tpu.assume_multiple %add3A_568, 8 : i32
    %dma_start3A_570 = arith.constant 3 : i32
    %dma_start3A_571 = arith.constant 0 : i32
    %dma_start3A_572 = tpu.memref_slice %arg5[%multiple_of3A_569, %dma_start3A_571] : memref<320000x128xf32, #tpu.memory_space<hbm>> -> memref<40x128xf32, #tpu.memory_space<hbm>>
    %dma_start3A_573 = arith.constant 0 : i32
    %dma_start3A_574 = arith.constant 0 : i32
    %dma_start3A_575 = tpu.memref_slice %arg6[%arg1, %dma_start3A_570, %dma_start3A_573, %dma_start3A_574] : memref<16x5x40x128xf32, #tpu.memory_space<vmem_shared>> -> memref<1x1x40x128xf32, #tpu.memory_space<vmem_shared>>
    %dma_start3A_576 = tpu.memref_squeeze %dma_start3A_575 : memref<1x1x40x128xf32, #tpu.memory_space<vmem_shared>> -> memref<40x128xf32, #tpu.memory_space<vmem_shared>>
    tpu.enqueue_dma source(%dma_start3A_576 : memref<40x128xf32, #tpu.memory_space<vmem_shared>>) target(%dma_start3A_572 : memref<40x128xf32, #tpu.memory_space<hbm>>) target_semaphore(%arg37 : memref<!tpu.dma_semaphore, #tpu.memory_space<semaphore_mem>>)
    %dma_wait3A_577 = arith.constant 4 : i32
    %dma_wait3A_578 = arith.constant 0 : i32
    %dma_wait3A_579 = arith.constant 0 : i32
    %dma_wait3A_580 = tpu.memref_slice %arg6[%arg1, %dma_wait3A_577, %dma_wait3A_578, %dma_wait3A_579] : memref<16x5x40x128xf32, #tpu.memory_space<vmem_shared>> -> memref<1x1x40x128xf32, #tpu.memory_space<vmem_shared>>
    %dma_wait3A_581 = tpu.memref_squeeze %dma_wait3A_580 : memref<1x1x40x128xf32, #tpu.memory_space<vmem_shared>> -> memref<40x128xf32, #tpu.memory_space<vmem_shared>>
    %dma_wait3A_582 = arith.constant 0 : i32
    %dma_wait3A_583 = arith.constant 0 : i32
    %dma_wait3A_584 = tpu.memref_slice %arg6[%arg1, %dma_wait3A_577, %dma_wait3A_582, %dma_wait3A_583] : memref<16x5x40x128xf32, #tpu.memory_space<vmem_shared>> -> memref<1x1x40x128xf32, #tpu.memory_space<vmem_shared>>
    %dma_wait3A_585 = tpu.memref_squeeze %dma_wait3A_584 : memref<1x1x40x128xf32, #tpu.memory_space<vmem_shared>> -> memref<40x128xf32, #tpu.memory_space<vmem_shared>>
    tpu.wait_dma2 semaphore(%arg33 : memref<!tpu.dma_semaphore, #tpu.memory_space<semaphore_mem>>) src(%arg13 : memref<40x128xf32, #tpu.memory_space<vmem>>) dst(%dma_wait3A_585 : memref<40x128xf32, #tpu.memory_space<vmem_shared>>)
    %add3A_586 = arith.constant 9960 : i32
    %add3A_587 = arith.addi %multiple_of3A, %add3A_586 : i32
    %multiple_of3A_588 = tpu.assume_multiple %add3A_587, 8 : i32
    %dma_start3A_589 = arith.constant 4 : i32
    %dma_start3A_590 = arith.constant 0 : i32
    %dma_start3A_591 = tpu.memref_slice %arg5[%multiple_of3A_588, %dma_start3A_590] : memref<320000x128xf32, #tpu.memory_space<hbm>> -> memref<40x128xf32, #tpu.memory_space<hbm>>
    %dma_start3A_592 = arith.constant 0 : i32
    %dma_start3A_593 = arith.constant 0 : i32
    %dma_start3A_594 = tpu.memref_slice %arg6[%arg1, %dma_start3A_589, %dma_start3A_592, %dma_start3A_593] : memref<16x5x40x128xf32, #tpu.memory_space<vmem_shared>> -> memref<1x1x40x128xf32, #tpu.memory_space<vmem_shared>>
    %dma_start3A_595 = tpu.memref_squeeze %dma_start3A_594 : memref<1x1x40x128xf32, #tpu.memory_space<vmem_shared>> -> memref<40x128xf32, #tpu.memory_space<vmem_shared>>
    tpu.enqueue_dma source(%dma_start3A_595 : memref<40x128xf32, #tpu.memory_space<vmem_shared>>) target(%dma_start3A_591 : memref<40x128xf32, #tpu.memory_space<hbm>>) target_semaphore(%arg38 : memref<!tpu.dma_semaphore, #tpu.memory_space<semaphore_mem>>)
    %add3A_596 = arith.constant 9800 : i32
    %add3A_597 = arith.addi %multiple_of3A, %add3A_596 : i32
    %multiple_of3A_598 = tpu.assume_multiple %add3A_597, 8 : i32
    %dma_wait3A_599 = arith.constant 0 : i32
    %dma_wait3A_600 = arith.constant 0 : i32
    %dma_wait3A_601 = tpu.memref_slice %arg5[%multiple_of3A_598, %dma_wait3A_600] : memref<320000x128xf32, #tpu.memory_space<hbm>> -> memref<40x128xf32, #tpu.memory_space<hbm>>
    %dma_wait3A_602 = arith.constant 0 : i32
    %dma_wait3A_603 = arith.constant 0 : i32
    %dma_wait3A_604 = tpu.memref_slice %arg6[%arg1, %dma_wait3A_599, %dma_wait3A_602, %dma_wait3A_603] : memref<16x5x40x128xf32, #tpu.memory_space<vmem_shared>> -> memref<1x1x40x128xf32, #tpu.memory_space<vmem_shared>>
    %dma_wait3A_605 = tpu.memref_squeeze %dma_wait3A_604 : memref<1x1x40x128xf32, #tpu.memory_space<vmem_shared>> -> memref<40x128xf32, #tpu.memory_space<vmem_shared>>
    tpu.wait_dma2 semaphore(%arg34 : memref<!tpu.dma_semaphore, #tpu.memory_space<semaphore_mem>>) src(%dma_wait3A_605 : memref<40x128xf32, #tpu.memory_space<vmem_shared>>) dst(%dma_wait3A_601 : memref<40x128xf32, #tpu.memory_space<hbm>>)
    %add3A_606 = arith.constant 9840 : i32
    %add3A_607 = arith.addi %multiple_of3A, %add3A_606 : i32
    %multiple_of3A_608 = tpu.assume_multiple %add3A_607, 8 : i32
    %dma_wait3A_609 = arith.constant 1 : i32
    %dma_wait3A_610 = arith.constant 0 : i32
    %dma_wait3A_611 = tpu.memref_slice %arg5[%multiple_of3A_608, %dma_wait3A_610] : memref<320000x128xf32, #tpu.memory_space<hbm>> -> memref<40x128xf32, #tpu.memory_space<hbm>>
    %dma_wait3A_612 = arith.constant 0 : i32
    %dma_wait3A_613 = arith.constant 0 : i32
    %dma_wait3A_614 = tpu.memref_slice %arg6[%arg1, %dma_wait3A_609, %dma_wait3A_612, %dma_wait3A_613] : memref<16x5x40x128xf32, #tpu.memory_space<vmem_shared>> -> memref<1x1x40x128xf32, #tpu.memory_space<vmem_shared>>
    %dma_wait3A_615 = tpu.memref_squeeze %dma_wait3A_614 : memref<1x1x40x128xf32, #tpu.memory_space<vmem_shared>> -> memref<40x128xf32, #tpu.memory_space<vmem_shared>>
    tpu.wait_dma2 semaphore(%arg35 : memref<!tpu.dma_semaphore, #tpu.memory_space<semaphore_mem>>) src(%dma_wait3A_615 : memref<40x128xf32, #tpu.memory_space<vmem_shared>>) dst(%dma_wait3A_611 : memref<40x128xf32, #tpu.memory_space<hbm>>)
    %add3A_616 = arith.constant 9880 : i32
    %add3A_617 = arith.addi %multiple_of3A, %add3A_616 : i32
    %multiple_of3A_618 = tpu.assume_multiple %add3A_617, 8 : i32
    %dma_wait3A_619 = arith.constant 2 : i32
    %dma_wait3A_620 = arith.constant 0 : i32
    %dma_wait3A_621 = tpu.memref_slice %arg5[%multiple_of3A_618, %dma_wait3A_620] : memref<320000x128xf32, #tpu.memory_space<hbm>> -> memref<40x128xf32, #tpu.memory_space<hbm>>
    %dma_wait3A_622 = arith.constant 0 : i32
    %dma_wait3A_623 = arith.constant 0 : i32
    %dma_wait3A_624 = tpu.memref_slice %arg6[%arg1, %dma_wait3A_619, %dma_wait3A_622, %dma_wait3A_623] : memref<16x5x40x128xf32, #tpu.memory_space<vmem_shared>> -> memref<1x1x40x128xf32, #tpu.memory_space<vmem_shared>>
    %dma_wait3A_625 = tpu.memref_squeeze %dma_wait3A_624 : memref<1x1x40x128xf32, #tpu.memory_space<vmem_shared>> -> memref<40x128xf32, #tpu.memory_space<vmem_shared>>
    tpu.wait_dma2 semaphore(%arg36 : memref<!tpu.dma_semaphore, #tpu.memory_space<semaphore_mem>>) src(%dma_wait3A_625 : memref<40x128xf32, #tpu.memory_space<vmem_shared>>) dst(%dma_wait3A_621 : memref<40x128xf32, #tpu.memory_space<hbm>>)
    %add3A_626 = arith.constant 9920 : i32
    %add3A_627 = arith.addi %multiple_of3A, %add3A_626 : i32
    %multiple_of3A_628 = tpu.assume_multiple %add3A_627, 8 : i32
    %dma_wait3A_629 = arith.constant 3 : i32
    %dma_wait3A_630 = arith.constant 0 : i32
    %dma_wait3A_631 = tpu.memref_slice %arg5[%multiple_of3A_628, %dma_wait3A_630] : memref<320000x128xf32, #tpu.memory_space<hbm>> -> memref<40x128xf32, #tpu.memory_space<hbm>>
    %dma_wait3A_632 = arith.constant 0 : i32
    %dma_wait3A_633 = arith.constant 0 : i32
    %dma_wait3A_634 = tpu.memref_slice %arg6[%arg1, %dma_wait3A_629, %dma_wait3A_632, %dma_wait3A_633] : memref<16x5x40x128xf32, #tpu.memory_space<vmem_shared>> -> memref<1x1x40x128xf32, #tpu.memory_space<vmem_shared>>
    %dma_wait3A_635 = tpu.memref_squeeze %dma_wait3A_634 : memref<1x1x40x128xf32, #tpu.memory_space<vmem_shared>> -> memref<40x128xf32, #tpu.memory_space<vmem_shared>>
    tpu.wait_dma2 semaphore(%arg37 : memref<!tpu.dma_semaphore, #tpu.memory_space<semaphore_mem>>) src(%dma_wait3A_635 : memref<40x128xf32, #tpu.memory_space<vmem_shared>>) dst(%dma_wait3A_631 : memref<40x128xf32, #tpu.memory_space<hbm>>)
    %add3A_636 = arith.constant 9960 : i32
    %add3A_637 = arith.addi %multiple_of3A, %add3A_636 : i32
    %multiple_of3A_638 = tpu.assume_multiple %add3A_637, 8 : i32
    %dma_wait3A_639 = arith.constant 4 : i32
    %dma_wait3A_640 = arith.constant 0 : i32
    %dma_wait3A_641 = tpu.memref_slice %arg5[%multiple_of3A_638, %dma_wait3A_640] : memref<320000x128xf32, #tpu.memory_space<hbm>> -> memref<40x128xf32, #tpu.memory_space<hbm>>
    %dma_wait3A_642 = arith.constant 0 : i32
    %dma_wait3A_643 = arith.constant 0 : i32
    %dma_wait3A_644 = tpu.memref_slice %arg6[%arg1, %dma_wait3A_639, %dma_wait3A_642, %dma_wait3A_643] : memref<16x5x40x128xf32, #tpu.memory_space<vmem_shared>> -> memref<1x1x40x128xf32, #tpu.memory_space<vmem_shared>>
    %dma_wait3A_645 = tpu.memref_squeeze %dma_wait3A_644 : memref<1x1x40x128xf32, #tpu.memory_space<vmem_shared>> -> memref<40x128xf32, #tpu.memory_space<vmem_shared>>
    tpu.wait_dma2 semaphore(%arg38 : memref<!tpu.dma_semaphore, #tpu.memory_space<semaphore_mem>>) src(%dma_wait3A_645 : memref<40x128xf32, #tpu.memory_space<vmem_shared>>) dst(%dma_wait3A_641 : memref<40x128xf32, #tpu.memory_space<hbm>>)
    return
  }
}

module attributes {stable_mosaic.version = 14 : i64} {
  func.func @_linear_body(%arg0: i32, %arg1: memref<1000x128xf32, #tpu.memory_space<vmem>>, %arg2: memref<128x128xf32, #tpu.memory_space<vmem>>, %arg3: memref<1x128xf32, #tpu.memory_space<vmem>>, %arg4: memref<1000x128xf32, #tpu.memory_space<vmem>>) attributes {dimension_semantics = [#tpu.dimension_semantics<arbitrary>], iteration_bounds = array<i64: 10>, scalar_prefetch = 0 : i64, scratch_operands = 0 : i64, tpu.core_type = #tpu.core_type<tc>, window_params = [{transform_indices = @transform_0, window_bounds = array<i64: 1000, 128>}, {pipeline_mode = #tpu.pipeline_mode<synchronous>, transform_indices = @transform_1, window_bounds = array<i64: 128, 128>}, {pipeline_mode = #tpu.pipeline_mode<synchronous>, transform_indices = @transform_2, window_bounds = array<i64: 1, 128>}, {transform_indices = @transform_3, window_bounds = array<i64: 1000, 128>}]} {
    %get3A = arith.constant 0 : index
    %get3A_0 = arith.constant 0 : index
    %get3A_1 = vector.load %arg1[%get3A, %get3A_0] : memref<1000x128xf32, #tpu.memory_space<vmem>>, vector<1000x128xf32>
    %get3A_2 = arith.constant 0 : index
    %get3A_3 = arith.constant 0 : index
    %get3A_4 = vector.load %arg2[%get3A_2, %get3A_3] : memref<128x128xf32, #tpu.memory_space<vmem>>, vector<128x128xf32>
    %dot_general3A = arith.constant dense<0.000000e+00> : vector<1000x128xf32>
    %dot_general3A_5 = tpu.matmul %get3A_1, %get3A_4, %dot_general3A {dimension_numbers = #tpu.dot_dimension_numbers<[1], [0], [0], [1], [0, 0, 1, 1], [], []>, precision = #tpu.contract_precision<fp32>, transpose_lhs_hint = false} : vector<1000x128xf32>, vector<128x128xf32>, vector<1000x128xf32> -> vector<1000x128xf32>
    %get3A_6 = arith.constant 0 : index
    %get3A_7 = arith.constant 0 : index
    %get3A_8 = vector.load %arg3[%get3A_6, %get3A_7] : memref<1x128xf32, #tpu.memory_space<vmem>>, vector<1x128xf32>
    %add3A = vector.broadcast %get3A_8 : vector<1x128xf32> to vector<1000x128xf32>
    %add3A_9 = arith.addf %dot_general3A_5, %add3A : vector<1000x128xf32>
    %swap3A = arith.constant 0 : index
    %swap3A_10 = arith.constant 0 : index
    %swap3A_11 = vector.load %arg4[%swap3A, %swap3A_10] : memref<1000x128xf32, #tpu.memory_space<vmem>>, vector<1000x128xf32>
    tpu.vector_store %arg4[%swap3A, %swap3A_10], %add3A_9 {strides = array<i32>} : memref<1000x128xf32, #tpu.memory_space<vmem>>, vector<1000x128xf32>,
    return
  }
  func.func @transform_0(%arg0: i32) -> (i32, i32) {
    %c0_i32 = arith.constant 0 : i32
    %c0_i32_0 = arith.constant 0 : i32
    return %arg0, %c0_i32 : i32, i32
  }
  func.func @transform_1(%arg0: i32) -> (i32, i32) {
    %c0_i32 = arith.constant 0 : i32
    %c0_i32_0 = arith.constant 0 : i32
    %c0_i32_1 = arith.constant 0 : i32
    return %c0_i32, %c0_i32_0 : i32, i32
  }
  func.func @transform_2(%arg0: i32) -> (i32, i32) {
    %c0_i32 = arith.constant 0 : i32
    %c0_i32_0 = arith.constant 0 : i32
    %c0_i32_1 = arith.constant 0 : i32
    return %c0_i32, %c0_i32_0 : i32, i32
  }
  func.func @transform_3(%arg0: i32) -> (i32, i32) {
    %c0_i32 = arith.constant 0 : i32
    %c0_i32_0 = arith.constant 0 : i32
    return %arg0, %c0_i32 : i32, i32
  }
}

</mosaic_0001>

<sc_bundles>
// kernel: kernel.4.cloned.1.call-start
scs
__scs_entry_jumppad:
0x0: {  	(pc) =	sbr.rel $0x88, $3  }
0x1: {  	(tag) =	ssettag $0x0;
	lr =	simm.s32 $0x1  }
0x2: {  	[smem:$0x3F9D] =	sst lr;
	_ =	strace $0xD0000000  }
0x3: {  	_ = 	snop  }
0x4: {  	_ = 	snop  }
0x5: {  	_ = 	snop  }
0x6: {  	_ = 	snop  }
0x7: {  	_ = 	snop  }
__scs_overlays_trampoline_lowered:
0x8: {  	[smem:$0x3FAC] =	sst s0  }
0x9: {  	[smem:$0x3FAD] =	sst s1  }
0xa: {  	[smem:$0x3FAE] =	sst s2  }
0xb: {  	[smem:$0x3FAF] =	sst s3  }
0xc: {  	[smem:$0x3FB0] =	sst s4  }
0xd: {  	[smem:$0x3FB1] =	sst s5  }
0xe: {  	[smem:$0x3FB2] =	sst s6  }
0xf: {  	[smem:$0x3FB3] =	sst s7  }
0x10: {  	[smem:$0x3FB4] =	sst s8  }
0x11: {  	[smem:$0x3FB5] =	sst s9;
	s0 =	simm.s32 @!p0 $0x0  }
0x12: {  	s1 =	sld [smem:$0x3F9B];
	s0 =	simm.s32 @p0 $0x1  }
0x13: {  	[smem:$0x3FB6] =	sst s0;
	s0 =	simm.s32 @!p1 $0x0  }
0x14: {  	s2 =	sld [smem:$0x3F9A];
	s0 =	simm.s32 @p1 $0x1  }
0x15: {  	[smem:$0x3FB7] =	sst s0;
	s0 =	simm.s32 @!p2 $0x0  }
0x16: {  	s3 =	sld [smem:$0x3FDB];
	s0 =	simm.s32 @p2 $0x1  }
0x17: {  	s4 =	simm.s32 $0x1BF5;
	[smem:$0x3FB9] =	sst s0  }
0x18: {  	s0 =	sld [smem:$0x3F9C];
	_ =	swait.ge [sflag:s4], $0x0  }
0x19: {  	s7 =	sld [smem:$0x3F9D]  }
0x1a: {  	s8 =	sadd.s32 $0xFFFFE003, lr  }
0x1b: {  	s9 =	sadd.s32 $0xFFFFFEF7, lr;
	s5 =	simm.s32 $0xFFFFFFFF;
	p2 =	slt.u32 s8, $0xFFFFF086  }
0x1c: {  	p1 =	slt.u32 s9, $0xF7A;
	s5 =	simm.s32 @!p2 $0x0  }
0x1d: {  	s5 =	simm.s32 @p1 $0x1;
	p0 =	seq.s32 s7, s2  }
0x1e: {  	s7 =	smul.u32 @!p0 $0xF7A, s2;
	p2 =	seq.s32 @!p0 s5, $0x0  }
0x1f: {  	s9 =	smul.u32 $0xF7A, s1;
	s8 =	simm.s32 @!p0 $0x1BF5;
	p2 =	por !p2, p0  }
0x20: {  	[sflag:s8] =	ssyncset.s32 @!p0 $0xFFFFF086;
	s6 =	sadd.s32 @!p0 s3, s7;
	s7 =	simm.s32 @!p0 $0x108  }
0x21: {  	s3 =	sadd.s32 s3, s9;
	s6 =	sadd.s32 @!p0 $0x88, s6;
	s7 =	simm.s32 @p2 $0x1082  }
0x22: {  	[simem:s7], [sflag:s8] =	dma.local @!p0 [hbm:s6], $0xF7A  }
0x23: {  	s9 =	sor.u32 $0xD0000000, s2;
	s6 =	simm.s32 $0x108;
	_ =	swait.ge @!p0 [sflag:s8], $0x0  }
0x24: {  	s3 =	sadd.s32 $0x88, s3;
	s6 =	simm.s32 @!p1 $0x1082;
	[sflag:s4] =	ssyncset.s32 $0xFFFFF086  }
0x25: {  	[simem:s6], [sflag:s4] =	dma.local [hbm:s3], $0xF7A  }
0x26: {  	[smem:$0x3F9D] =	sst s1;
	(tag) =	ssettag s2;
	_ =	strace s9  }
0x27: {  	s1 =	sld [smem:$0x3FAD]  }
0x28: {  	s2 =	sld [smem:$0x3FAE]  }
0x29: {  	s4 =	sld [smem:$0x3FB0]  }
0x2a: {  	p0 =	seq.s32 s5, $0x0;
	s5 =	sld [smem:$0x3FB1]  }
0x2b: {  	s6 =	sld [smem:$0x3FB2]  }
0x2c: {  	s7 =	sld [smem:$0x3FB3]  }
0x2d: {  	s3 =	simm.s32 $0x108;
	s8 =	sld [smem:$0x3FB4]  }
0x2e: {  	s3 =	simm.s32 @!p0 $0x1082;
	s9 =	sld [smem:$0x3FB5]  }
0x2f: {  	lr =	sadd.s32 s0, s3;
	s0 =	sld [smem:$0x3FAC]  }
0x30: {  	s3 =	sld [smem:$0x3FAF]  }
0x31: {  	[smem:$0x3FB8] =	sst s10  }
0x32: {  	s10 =	sld [smem:$0x3FB6];
	_ =	sdelay $0x3  }
0x33: {  	p0 =	seq.s32 s10, $0x1;
	s10 =	sld [smem:$0x3FB8];
	_ =	sdelay $0x3  }
0x34: {  	[smem:$0x3FB8] =	sst s10  }
0x35: {  	s10 =	sld [smem:$0x3FB7];
	_ =	sdelay $0x3  }
0x36: {  	p1 =	seq.s32 s10, $0x1;
	s10 =	sld [smem:$0x3FB8];
	_ =	sdelay $0x3  }
0x37: {  	[smem:$0x3FB8] =	sst s10  }
0x38: {  	s10 =	sld [smem:$0x3FB9]  }
0x39: {  	_ = 	snop;
	(pc) =	sbr.ind lr, $3  }
0x3a: {  	_ = 	snop  }
0x3b: {  	_ = 	snop  }
0x3c: {  	p2 =	seq.s32 s10, $0x1;
	s10 =	sld [smem:$0x3FB8]  }
0x3d: {  	_ =	shalt  }
0x3e: {  	_ =	shalt  }
0x3f: {  	_ =	shalt  }
0x40: {  	_ =	shalt  }
0x41: {  	_ =	shalt  }
0x42: {  	_ =	shalt  }
0x43: {  	_ =	shalt  }
0x44: {  	_ =	shalt  }
0x45: {  	_ =	shalt  }
0x46: {  	_ =	shalt  }
0x47: {  	_ =	shalt  }
0x48: {  	_ =	shalt  }
0x49: {  	_ =	shalt  }
0x4a: {  	_ =	shalt  }
0x4b: {  	_ =	shalt  }
0x4c: {  	_ =	shalt  }
0x4d: {  	_ =	shalt  }
0x4e: {  	_ =	shalt  }
0x4f: {  	_ =	shalt  }
0x50: {  	_ =	shalt  }
0x51: {  	_ =	shalt  }
0x52: {  	_ =	shalt  }
0x53: {  	_ =	shalt  }
0x54: {  	_ =	shalt  }
0x55: {  	_ =	shalt  }
0x56: {  	_ =	shalt  }
0x57: {  	_ =	shalt  }
0x58: {  	_ =	shalt  }
0x59: {  	_ =	shalt  }
0x5a: {  	_ =	shalt  }
0x5b: {  	_ =	shalt  }
0x5c: {  	_ =	shalt  }
0x5d: {  	_ =	shalt  }
0x5e: {  	_ =	shalt  }
0x5f: {  	_ =	shalt  }
0x60: {  	_ =	shalt  }
0x61: {  	_ =	shalt  }
0x62: {  	_ =	shalt  }
0x63: {  	_ =	shalt  }
0x64: {  	_ =	shalt  }
0x65: {  	_ =	shalt  }
0x66: {  	_ =	shalt  }
0x67: {  	_ =	shalt  }
0x68: {  	_ =	shalt  }
0x69: {  	_ =	shalt  }
0x6a: {  	_ =	shalt  }
0x6b: {  	_ =	shalt  }
0x6c: {  	_ =	shalt  }
0x6d: {  	_ =	shalt  }
0x6e: {  	_ =	shalt  }
0x6f: {  	_ =	shalt  }
0x70: {  	_ =	shalt  }
0x71: {  	_ =	shalt  }
0x72: {  	_ =	shalt  }
0x73: {  	_ =	shalt  }
0x74: {  	_ =	shalt  }
0x75: {  	_ =	shalt  }
0x76: {  	_ =	shalt  }
0x77: {  	_ =	shalt  }
0x78: {  	_ =	shalt  }
0x79: {  	_ =	shalt  }
0x7a: {  	_ =	shalt  }
0x7b: {  	_ =	shalt  }
0x7c: {  	_ =	shalt  }
0x7d: {  	_ =	shalt  }
0x7e: {  	_ =	shalt  }
0x7f: {  	_ =	shalt  }
0x80: {  	_ =	shalt  }
0x81: {  	_ =	shalt  }
0x82: {  	_ =	shalt  }
0x83: {  	_ =	shalt  }
0x84: {  	_ =	shalt  }
0x85: {  	_ =	shalt  }
0x86: {  	_ =	shalt  }
0x87: {  	_ =	shalt  }
.Lfunc_end0:
.L_simem_size_0:
called_computation_lowered:
.L_overlay_start_0:
0x88: {  	s2 =	sld [smem:$0x3FD9]  }
0x89: {  	s3 =	sld [smem:$0x3FFE];
	_ =	sdelay $0x1  }
0x8a: {  	s1 =	srdreg.scid  }
0x8b: {  	s0 =	sand.u32 $0x1, s1  }
0x8c: {  	s17 =	sshll.u32 s0, $0xA;
	s2 =	sadd.s32 s3, s2  }
0x8d: {  	s2 =	sadd.s32 s2, s17  }
0x8e: {  	[smem:$0x3FC4] =	sst s2  }
0x8f: {  	_ = 	snop  }
0x90: {  	s2 =	sld [smem:$0x3FD0];
	(tm) =	ssettm $0x1  }
0x91: {  	s18 =	sld [smem:$0x3FFB];
	_ =	sdelay $0x3  }
0x92: {  	_ =	strace s18  }
0x93: {  	s3 =	sld [smem:$0x3FFC];
	_ =	sdelay $0x3  }
0x94: {  	_ =	strace s3  }
0x95: {  	s3 =	sld [smem:$0x3FFD];
	_ =	sdelay $0x3  }
0x96: {  	_ =	strace s3  }
0x97: {  	_ =	strace $0x8FFFFFFF  }
0x98: {  	s19 =	sld [smem:$0x3FDB];
	_ =	sdelay $0x1  }
0x99: {  	s4 =	simm.s32 $_scs_section_size  }
0x9a: {  	s5 =	simm.s32 $_size__tile_overlayer_lowered;
	s6 =	simm.s32 $_tile_overlayer_lowered  }
0x9b: {  	s22 =	simm.s32 $0x1BFF;
	s21 =	sshll.u32 s6, $0x1;
	s3 =	sadd.s32 s4, s19  }
0x9c: {  	s7 =	simm.s32 $0x0;
	s20 =	sshll.u32 s5, $0x1;
	s5 =	sadd.s32 s21, s3  }
0x9d: {  	[timem:s7], [sflag:s22] =	dma.local [hbm:s5], s20  }
0x9e: {  	_ =	swait.ge [sflag:s22], s20  }
0x9f: {  	s4 =	ssub.s32 $0x0, s20;
	[sflag:s22] =	ssyncset.done $0x0  }
0xa0: {  	[sflag:s22] =	ssyncadd.s32 s4;
	_ =	sdelay $0x1  }
0xa1: {  	s23 =	simm.s32 $0x1B8B  }
0xa2: {  	_ =	swait.ge [sflag:s23], $0x1  }
0xa3: {  	[sflag:s23] =	ssyncset.done $0x0  }
0xa4: {  	s25 =	simm.s32 $0x1B8E;
	s24 =	sld [smem:$0x3FFE];
	[sflag:s23] =	ssyncadd.s32 $0xFFFFFFFF  }
0xa5: {  	s26 =	simm.s32 $execute0_lowered;
	[smem:$0x3FD2] =	sst s25  }
0xa6: {  	s5 =	sshll.u32 s26, $0x1;
	_ =	strace $0x80000046;
	[dreg:$0x1] =	wrdreg $0xFFFFFFFF  }
0xa7: {  	s28 =	simm.s32 $_size_execute0_lowered;
	s3 =	sadd.s32 s3, s5;
	[dreg:$0x0] =	wrdreg $0x0  }
0xa8: {  	s5 =	sshll.u32 s28, $0x1;
	[dreg:$0x2] =	wrdreg s3  }
0xa9: {  	[dreg:$0x3] =	wrdreg s5  }
0xaa: {  	[dreg:$0x4] =	wrdreg $0xC0  }
0xab: {  	_ =	task [dreg:s7], $0x5FFFF  }
0xac: {  	[dreg:$0x1] =	wrdreg $0xFFFFFFFF  }
0xad: {  	[dreg:$0x0] =	wrdreg $0x60  }
0xae: {  	[dreg:$0x2] =	wrdreg s24  }
0xaf: {  	[dreg:$0x3] =	wrdreg s2  }
0xb0: {  	[dreg:$0x4] =	wrdreg $0x0  }
0xb1: {  	[dreg:$0x5] =	wrdreg $0x9  }
0xb2: {  	_ =	task.clear_ibuf [dreg:s7], $0x6FFFF;
	_ =	strace $0x90000046  }
0xb3: {  	s29 =	simm.s32 $0x9;
	_ =	strace $0x80000048  }
0xb4: {  	_ =	swait.ge [sflag:s29], $0x1  }
0xb5: {  	[sflag:s29] =	ssyncadd.s32 $0xFFFFFFFF  }
0xb6: {  	_ =	strace $0x90000048  }
0xb7: {  	_ =	sfence  }
0xb8: {  	s30 =	sld [smem:$0x0];
	_ =	sdelay $0x2  }
0xb9: {  	s31 =	sshll.u32 s1, $0xD;
	s1 =	sshrl.u32 s1, $0x2  }
0xba: {  	s3 =	sand.u32 $0x4000, s31;
	s1 =	sadd.s32 s1, s30  }
0xbb: {  	s0 =	sor.u32 s3, s0;
	s1 =	sshll.u32 s1, $0x11  }
0xbc: {  	s0 =	sor.u32 s1, s0  }
0xbd: {  	s0 =	sadd.s32 $0x8F2B, s0  }
0xbe: {  	[sflag:s0] =	ssyncadd.remote.s32 $0x1  }
0xbf: {  	_ =	sfence.sel $0xFFFF  }
0xc0: {  	[dreg:$0x0] =	wrdreg $0xFFFFFFFF;
	(pc) =	sbr.abs _section_cstart, $3  }
0xc1: {  	[dreg:$0x1] =	wrdreg $0xFFFFFFFF  }
0xc2: {  	_ =	task.clear_ibuf [dreg:s7], $0x2FFFF;
	_ =	strace $0x9FFFFFFF  }
0xc3: {  	(tm) =	ssettm $0x7FFFFFFF  }
tec
execute0_lowered:
.L_overlay_start_1:
0x0: {  	(tag) =	ssettag $0x1  }
0x1: {  	s0 =	rddreg [dreg:$0x0]  }
0x2: {  	s2 =	rddreg [dreg:$0x1];
	s5 =	stileid.u32  }
0x3: {  	s1 =	srdreg.scid;
	s7 =	smul.u32 $0x19000, s5  }
0x4: {  	s3 =	rddreg [dreg:$0x2];
	s1 =	sand.u32 $0x1, s1;
	s4 =	sshll.u32 s5, $0x1  }
0x5: {  	s6 =	simm.s32 $0x0;
	s4 =	sor.u32 s1, s4;
	s7 =	sshrl.u32 s7, $0x2  }
0x6: {  	[smem:$0x7FF] =	sst s6;
	s9 =	smul.u32 $0x2710, s4;
	s7 =	sadd.s32 s7, s3  }
0x7: {  	_ =	strace $0x80000047;
	[dreg:$0x6] =	wrdreg s7  }
0x8: {  	s1 =	ssub.s32 $0x2, s1;
	s11 =	sadd.s32 $0x1400, s7;
	[dreg:$0x4] =	wrdreg s9  }
0x9: {  	s26 =	sshrl.u32 s1, $0x1;
	s13 =	sadd.s32 $0x2800, s7;
	[dreg:$0x8] =	wrdreg s11  }
0xa: {  	s8 =	smul.u32 $0x138800, s4;
	s17 =	sadd.s32 $0xFFFFFFB0, s9;
	[dreg:$0xa] =	wrdreg s13  }
0xb: {  	s1 =	ssub.s32 s1, s26;
	s18 =	sadd.s32 $0xFFFFFFD8, s9;
	[dreg:$0xd] =	wrdreg s17  }
0xc: {  	s4 =	smul.u32 $0x27100, s4;
	s25 =	smax.u32 s1, $0x1;
	[dreg:$0xe] =	wrdreg s18  }
0xd: {  	s31 =	sshrl.u32 s9, $0x3;
	s26 =	sadd.s32 $0x28, s9;
	[dreg:$0x16] =	wrdreg s25  }
0xe: {  	s30 =	simm.s32 $0x10300;
	s6 =	sadd.s32 s0, s31;
	[dreg:$0x17] =	wrdreg s26  }
0xf: {  	s5 =	sadd.s32 $0x13C00, s0;
	s0 =	sadd.s32 s2, s4;
	[dreg:$0x5] =	wrdreg s6  }
0x10: {  	s12 =	sshrl.u32 s8, $0x3;
	s31 =	sadd.s32 $0x50, s9;
	[dreg:$0x9] =	wrdreg s0  }
0x11: {  	s14 =	sadd.s32 s2, s12;
	s10 =	sadd.s32 $0x9E00, s6;
	[dreg:$0x18] =	wrdreg s31  }
0x12: {  	s28 =	simm.s32 $0x12;
	s3 =	sadd.s32 $0x280, s14;
	[dreg:$0x7] =	wrdreg s10  }
0x13: {  	s29 =	simm.s32 $0x14;
	s16 =	sadd.s32 $0x500, s14;
	[dreg:$0xb] =	wrdreg s3  }
0x14: {  	s15 =	sadd.s32 $0x5000, s7;
	s19 =	sadd.s32 $0x25F80, s14;
	[dreg:$0xc] =	wrdreg s16  }
0x15: {  	s1 =	simm.s32 $0x28;
	s20 =	sadd.s32 $0x26200, s14;
	[dreg:$0xf] =	wrdreg s19  }
0x16: {  	s13 =	sadd.s32 $0x3C00, s7;
	s21 =	sadd.s32 $0x26480, s14;
	[dreg:$0x10] =	wrdreg s20  }
0x17: {  	s4 =	simm.s32 $0xE;
	s22 =	sadd.s32 $0x26700, s14;
	[dreg:$0x11] =	wrdreg s21  }
0x18: {  	s17 =	simm.s32 $0xF;
	s23 =	sadd.s32 $0x26980, s14;
	[dreg:$0x12] =	wrdreg s22  }
0x19: {  	s26 =	simm.s32 $0x11;
	s24 =	sadd.s32 $0x26C00, s14;
	[dreg:$0x13] =	wrdreg s23  }
0x1a: {  	s0 =	sadd.s32 $0x26E80, s14;
	s6 =	simm.s32 $0x0;
	[dreg:$0x14] =	wrdreg s24  }
0x1b: {  	[dreg:$0x15] =	wrdreg s0;
	s10 =	simm.s32 $0x5;
	s19 =	simm.s32 $0xA  }
0x1c: {  	s23 =	simm.s32 $0xD;
	s16 =	simm.s32 $0x10;
	s0 =	simm.s32 $0x13  }
.LBB2_1:
0x1d: {  	[dreg:$0x19] =	wrdreg s6;
	s3 =	simm.s32 $0x0  }
0x1e: {  	s25 =	rddreg [dreg:$0x7];
	s7 =	simm.s32 $0x6400;
	s8 =	simm.s32 $0x15  }
0x1f: {  	[tilespmem:s7], [sflag:$0x15] =	stream.linear.gather [hbm4b:s25+s3], $0x2710, $0x38;
	[tilespmem:$0x17B00] =	vst v63  }
0x20: {  	_ =	swait.ge [sflag:s8], $0x2710  }
0x21: {  	[sflag:s8] =	ssyncset.done $0x0  }
0x22: {  	s9 =	simm.s32 $0x8B80;
	s31 =	rddreg [dreg:$0x5];
	[sflag:s8] =	ssyncadd.s32 $0xFFFFD8F0  }
0x23: {  	[tilespmem:s9], [sflag:$0x15] =	stream.linear.gather [hbm4b:s31+s3], $0x2710, $0x38;
	[tilespmem:$0x17B00] =	vst v63  }
0x24: {  	_ =	swait.ge [sflag:s8], $0x2710  }
0x25: {  	[sflag:s8] =	ssyncset.done $0x0  }
0x26: {  	s6 =	simm.s32 $0xB300;
	[sflag:s8] =	ssyncadd.s32 $0xFFFFD8F0  }
0x27: {  	[tilespmem:s6], [sflag:$0x1] =	stream.indirect.gather [hbm4b:s5+s1], $0x80, s7, s1, $0xb8;
	[tilespmem:$0x17B00] =	vst v63  }
0x28: {  	s8 =	simm.s32 $0x11700  }
0x29: {  	[tilespmem:s8], [sflag:$0x6] =	stream.indirect.gather [hbm4b:s5+s1], $0x80, s9, s1, $0xb8;
	[tilespmem:$0x17B00] =	vst v63  }
0x2a: {  	s11 =	simm.s32 $0x6428;
	s12 =	simm.s32 $0xC700  }
0x2b: {  	[tilespmem:s12], [sflag:$0x2] =	stream.indirect.gather [hbm4b:s5+s1], $0x80, s11, s1, $0xb8;
	[tilespmem:$0x17B00] =	vst v63  }
0x2c: {  	s14 =	simm.s32 $0x8BA8;
	s18 =	simm.s32 $0x12B00  }
0x2d: {  	[tilespmem:s18], [sflag:$0x7] =	stream.indirect.gather [hbm4b:s5+s1], $0x80, s14, s1, $0xb8;
	[tilespmem:$0x17B00] =	vst v63  }
0x2e: {  	s20 =	simm.s32 $0x6450;
	s21 =	simm.s32 $0xDB00  }
0x2f: {  	[tilespmem:s21], [sflag:$0x3] =	stream.indirect.gather [hbm4b:s5+s1], $0x80, s20, s1, $0xb8;
	[tilespmem:$0x17B00] =	vst v63  }
0x30: {  	s22 =	simm.s32 $0x8BD0;
	s24 =	simm.s32 $0x13F00;
	s25 =	simm.s32 $0x1  }
0x31: {  	[tilespmem:s24], [sflag:$0x8] =	stream.indirect.gather [hbm4b:s5+s1], $0x80, s22, s1, $0xb8;
	[tilespmem:$0x17B00] =	vst v63  }
0x32: {  	_ =	swait.ge [sflag:s25], $0x1400  }
0x33: {  	[sflag:s25] =	ssyncset.done $0x0  }
0x34: {  	s31 =	simm.s32 $0x6;
	[sflag:s25] =	ssyncadd.s32 $0xFFFFEC00  }
0x35: {  	_ =	swait.ge [sflag:s31], $0x1400  }
0x36: {  	[sflag:s31] =	ssyncset.done $0x0  }
0x37: {  	s6 =	simm.s32 $0x0;
	[sflag:s31] =	ssyncadd.s32 $0xFFFFEC00  }
0x38: {  	v0 =	vld [tilespmem:s6+$0x117F0]  }
0x39: {  	v1 =	vld [tilespmem:s6+$0x11700]  }
0x3a: {  	v2 =	vld [tilespmem:s6+$0x11710]  }
0x3b: {  	v3 =	vld [tilespmem:s6+$0x11720]  }
0x3c: {  	v4 =	vld [tilespmem:s6+$0x11730]  }
0x3d: {  	v5 =	vld [tilespmem:s6+$0x11740]  }
0x3e: {  	v6 =	vld [tilespmem:s6+$0x11750]  }
0x3f: {  	v7 =	vld [tilespmem:s6+$0x11760]  }
0x40: {  	v8 =	vld [tilespmem:s6+$0x11770]  }
0x41: {  	v9 =	vld [tilespmem:s6+$0x11780]  }
0x42: {  	v10 =	vld [tilespmem:s6+$0x11790]  }
0x43: {  	v11 =	vld [tilespmem:s6+$0x117A0]  }
0x44: {  	v12 =	vld [tilespmem:s6+$0x117B0]  }
0x45: {  	v13 =	vld [tilespmem:s6+$0x117C0]  }
0x46: {  	v14 =	vld [tilespmem:s6+$0x117D0]  }
0x47: {  	[tilespmem:s6+$0xB3F0] =	vst.add.f32.msk $0xffff, v0  }
0x48: {  	v0 =	vld [tilespmem:s6+$0x117E0]  }
0x49: {  	[tilespmem:s6+$0xB300] =	vst.add.f32.msk $0xffff, v1  }
0x4a: {  	[tilespmem:s6+$0xB310] =	vst.add.f32.msk $0xffff, v2  }
0x4b: {  	[tilespmem:s6+$0xB320] =	vst.add.f32.msk $0xffff, v3  }
0x4c: {  	[tilespmem:s6+$0xB330] =	vst.add.f32.msk $0xffff, v4  }
0x4d: {  	[tilespmem:s6+$0xB340] =	vst.add.f32.msk $0xffff, v5  }
0x4e: {  	[tilespmem:s6+$0xB350] =	vst.add.f32.msk $0xffff, v6  }
0x4f: {  	[tilespmem:s6+$0xB360] =	vst.add.f32.msk $0xffff, v7  }
0x50: {  	[tilespmem:s6+$0xB370] =	vst.add.f32.msk $0xffff, v8  }
0x51: {  	[tilespmem:s6+$0xB380] =	vst.add.f32.msk $0xffff, v9  }
0x52: {  	[tilespmem:s6+$0xB390] =	vst.add.f32.msk $0xffff, v10  }
0x53: {  	[tilespmem:s6+$0xB3A0] =	vst.add.f32.msk $0xffff, v11  }
0x54: {  	[tilespmem:s6+$0xB3B0] =	vst.add.f32.msk $0xffff, v12  }
0x55: {  	[tilespmem:s6+$0xB3C0] =	vst.add.f32.msk $0xffff, v13  }
0x56: {  	s3 =	simm.s32 $0x400;
	s7 =	simm.s32 $0x0;
	[tilespmem:s6+$0xB3D0] =	vst.add.f32.msk $0xffff, v14  }
.LBB2_2:
0x57: {  	s7 =	sadd.s32 $0x2, s7;
	[tilespmem:s6+$0xB3E0] =	vst.add.f32.msk $0xffff, v0;
	s6 =	sshra.s32 s3, $0x2  }
0x58: {  	v0 =	vld [tilespmem:s6+$0x117F0];
	p0 =	slt.u32 s7, $0x26  }
0x59: {  	v1 =	vld [tilespmem:s6+$0x11700]  }
0x5a: {  	v2 =	vld [tilespmem:s6+$0x11710]  }
0x5b: {  	v3 =	vld [tilespmem:s6+$0x11720]  }
0x5c: {  	v4 =	vld [tilespmem:s6+$0x11730]  }
0x5d: {  	[tilespmem:s6+$0xB3F0] =	vst.add.f32.msk $0xffff, v0  }
0x5e: {  	v5 =	vld [tilespmem:s6+$0x11740]  }
0x5f: {  	v6 =	vld [tilespmem:s6+$0x11750]  }
0x60: {  	v7 =	vld [tilespmem:s6+$0x11760]  }
0x61: {  	v8 =	vld [tilespmem:s6+$0x11770]  }
0x62: {  	v9 =	vld [tilespmem:s6+$0x11780]  }
0x63: {  	v10 =	vld [tilespmem:s6+$0x11790]  }
0x64: {  	v11 =	vld [tilespmem:s6+$0x117A0]  }
0x65: {  	v12 =	vld [tilespmem:s6+$0x117B0]  }
0x66: {  	v13 =	vld [tilespmem:s6+$0x117C0]  }
0x67: {  	v14 =	vld [tilespmem:s6+$0x117D0]  }
0x68: {  	v0 =	vld [tilespmem:s6+$0x117E0]  }
0x69: {  	[tilespmem:s6+$0xB300] =	vst.add.f32.msk $0xffff, v1  }
0x6a: {  	[tilespmem:s6+$0xB310] =	vst.add.f32.msk $0xffff, v2  }
0x6b: {  	[tilespmem:s6+$0xB320] =	vst.add.f32.msk $0xffff, v3  }
0x6c: {  	[tilespmem:s6+$0xB330] =	vst.add.f32.msk $0xffff, v4  }
0x6d: {  	[tilespmem:s6+$0xB340] =	vst.add.f32.msk $0xffff, v5  }
0x6e: {  	[tilespmem:s6+$0xB350] =	vst.add.f32.msk $0xffff, v6  }
0x6f: {  	[tilespmem:s6+$0xB360] =	vst.add.f32.msk $0xffff, v7  }
0x70: {  	[tilespmem:s6+$0xB370] =	vst.add.f32.msk $0xffff, v8  }
0x71: {  	[tilespmem:s6+$0xB380] =	vst.add.f32.msk $0xffff, v9  }
.Ltmp0:
0x72: {  	[tilespmem:s6+$0xB390] =	vst.add.f32.msk $0xffff, v10;
	(pc) =	sbr.rel @p0 .LBB2_2-.Ltmp0, $4  }
0x73: {  	[tilespmem:s6+$0xB3A0] =	vst.add.f32.msk $0xffff, v11  }
0x74: {  	[tilespmem:s6+$0xB3B0] =	vst.add.f32.msk $0xffff, v12  }
0x75: {  	[tilespmem:s6+$0xB3C0] =	vst.add.f32.msk $0xffff, v13  }
0x76: {  	s3 =	sadd.s32 $0x400, s3;
	[tilespmem:s6+$0xB3D0] =	vst.add.f32.msk $0xffff, v14  }
0x77: {  	[tilespmem:s6+$0xB3E0] =	vst.add.f32.msk $0xffff, v0;
	s3 =	simm.s32 $0x6478;
	s18 =	simm.s32 $0xEF00  }
0x78: {  	[tilespmem:s18], [sflag:$0x4] =	stream.indirect.gather [hbm4b:s5+s1], $0x80, s3, s1, $0xb8;
	[tilespmem:$0x17B00] =	vst v63  }
0x79: {  	s20 =	simm.s32 $0x8BF8;
	s21 =	simm.s32 $0x15300  }
0x7a: {  	[tilespmem:s21], [sflag:$0x9] =	stream.indirect.gather [hbm4b:s5+s1], $0x80, s20, s1, $0xb8;
	[tilespmem:$0x17B00] =	vst v63  }
0x7b: {  	s22 =	rddreg [dreg:$0x6];
	s24 =	simm.s32 $0xB300;
	s25 =	simm.s32 $0x2  }
0x7c: {  	[spmem:s22] =	stream.linear.scatter [tilespmem:s24], [sflag:$0xB], $0x1400, $0x38;
	[tilespmem:$0x17B00] =	vst v63  }
0x7d: {  	_ =	swait.ge [sflag:s25], $0x1400  }
0x7e: {  	[sflag:s25] =	ssyncset.done $0x0  }
0x7f: {  	s31 =	simm.s32 $0x7;
	[sflag:s25] =	ssyncadd.s32 $0xFFFFEC00  }
0x80: {  	_ =	swait.ge [sflag:s31], $0x1400  }
0x81: {  	[sflag:s31] =	ssyncset.done $0x0  }
0x82: {  	s6 =	simm.s32 $0x0;
	[sflag:s31] =	ssyncadd.s32 $0xFFFFEC00  }
0x83: {  	v0 =	vld [tilespmem:s6+$0x12BF0]  }
0x84: {  	v1 =	vld [tilespmem:s6+$0x12B00]  }
0x85: {  	v2 =	vld [tilespmem:s6+$0x12B10]  }
0x86: {  	v3 =	vld [tilespmem:s6+$0x12B20]  }
0x87: {  	v4 =	vld [tilespmem:s6+$0x12B30]  }
0x88: {  	v5 =	vld [tilespmem:s6+$0x12B40]  }
0x89: {  	v6 =	vld [tilespmem:s6+$0x12B50]  }
0x8a: {  	v7 =	vld [tilespmem:s6+$0x12B60]  }
0x8b: {  	v8 =	vld [tilespmem:s6+$0x12B70]  }
0x8c: {  	v9 =	vld [tilespmem:s6+$0x12B80]  }
0x8d: {  	v10 =	vld [tilespmem:s6+$0x12B90]  }
0x8e: {  	v11 =	vld [tilespmem:s6+$0x12BA0]  }
0x8f: {  	v12 =	vld [tilespmem:s6+$0x12BB0]  }
0x90: {  	v13 =	vld [tilespmem:s6+$0x12BC0]  }
0x91: {  	v14 =	vld [tilespmem:s6+$0x12BD0]  }
0x92: {  	[tilespmem:s6+$0xC7F0] =	vst.add.f32.msk $0xffff, v0  }
0x93: {  	v0 =	vld [tilespmem:s6+$0x12BE0]  }
0x94: {  	[tilespmem:s6+$0xC700] =	vst.add.f32.msk $0xffff, v1  }
0x95: {  	[tilespmem:s6+$0xC710] =	vst.add.f32.msk $0xffff, v2  }
0x96: {  	[tilespmem:s6+$0xC720] =	vst.add.f32.msk $0xffff, v3  }
0x97: {  	[tilespmem:s6+$0xC730] =	vst.add.f32.msk $0xffff, v4  }
0x98: {  	[tilespmem:s6+$0xC740] =	vst.add.f32.msk $0xffff, v5  }
0x99: {  	[tilespmem:s6+$0xC750] =	vst.add.f32.msk $0xffff, v6  }
0x9a: {  	[tilespmem:s6+$0xC760] =	vst.add.f32.msk $0xffff, v7  }
0x9b: {  	[tilespmem:s6+$0xC770] =	vst.add.f32.msk $0xffff, v8  }
0x9c: {  	[tilespmem:s6+$0xC780] =	vst.add.f32.msk $0xffff, v9  }
0x9d: {  	[tilespmem:s6+$0xC790] =	vst.add.f32.msk $0xffff, v10  }
0x9e: {  	[tilespmem:s6+$0xC7A0] =	vst.add.f32.msk $0xffff, v11  }
0x9f: {  	[tilespmem:s6+$0xC7B0] =	vst.add.f32.msk $0xffff, v12  }
0xa0: {  	[tilespmem:s6+$0xC7C0] =	vst.add.f32.msk $0xffff, v13  }
0xa1: {  	s7 =	simm.s32 $0x0;
	s3 =	simm.s32 $0x400;
	[tilespmem:s6+$0xC7D0] =	vst.add.f32.msk $0xffff, v14  }
.LBB2_4:
0xa2: {  	s7 =	sadd.s32 $0x2, s7;
	[tilespmem:s6+$0xC7E0] =	vst.add.f32.msk $0xffff, v0;
	s6 =	sshra.s32 s3, $0x2  }
0xa3: {  	v0 =	vld [tilespmem:s6+$0x12BF0];
	p0 =	slt.u32 s7, $0x26  }
0xa4: {  	v1 =	vld [tilespmem:s6+$0x12B00]  }
0xa5: {  	v2 =	vld [tilespmem:s6+$0x12B10]  }
0xa6: {  	v3 =	vld [tilespmem:s6+$0x12B20]  }
0xa7: {  	v4 =	vld [tilespmem:s6+$0x12B30]  }
0xa8: {  	[tilespmem:s6+$0xC7F0] =	vst.add.f32.msk $0xffff, v0  }
0xa9: {  	v5 =	vld [tilespmem:s6+$0x12B40]  }
0xaa: {  	v6 =	vld [tilespmem:s6+$0x12B50]  }
0xab: {  	v7 =	vld [tilespmem:s6+$0x12B60]  }
0xac: {  	v8 =	vld [tilespmem:s6+$0x12B70]  }
0xad: {  	v9 =	vld [tilespmem:s6+$0x12B80]  }
0xae: {  	v10 =	vld [tilespmem:s6+$0x12B90]  }
0xaf: {  	v11 =	vld [tilespmem:s6+$0x12BA0]  }
0xb0: {  	v12 =	vld [tilespmem:s6+$0x12BB0]  }
0xb1: {  	v13 =	vld [tilespmem:s6+$0x12BC0]  }
0xb2: {  	v14 =	vld [tilespmem:s6+$0x12BD0]  }
0xb3: {  	v0 =	vld [tilespmem:s6+$0x12BE0]  }
0xb4: {  	[tilespmem:s6+$0xC700] =	vst.add.f32.msk $0xffff, v1  }
0xb5: {  	[tilespmem:s6+$0xC710] =	vst.add.f32.msk $0xffff, v2  }
0xb6: {  	[tilespmem:s6+$0xC720] =	vst.add.f32.msk $0xffff, v3  }
0xb7: {  	[tilespmem:s6+$0xC730] =	vst.add.f32.msk $0xffff, v4  }
0xb8: {  	[tilespmem:s6+$0xC740] =	vst.add.f32.msk $0xffff, v5  }
0xb9: {  	[tilespmem:s6+$0xC750] =	vst.add.f32.msk $0xffff, v6  }
0xba: {  	[tilespmem:s6+$0xC760] =	vst.add.f32.msk $0xffff, v7  }
0xbb: {  	[tilespmem:s6+$0xC770] =	vst.add.f32.msk $0xffff, v8  }
0xbc: {  	[tilespmem:s6+$0xC780] =	vst.add.f32.msk $0xffff, v9  }
.Ltmp1:
0xbd: {  	[tilespmem:s6+$0xC790] =	vst.add.f32.msk $0xffff, v10;
	(pc) =	sbr.rel @p0 .LBB2_4-.Ltmp1, $4  }
0xbe: {  	[tilespmem:s6+$0xC7A0] =	vst.add.f32.msk $0xffff, v11  }
0xbf: {  	[tilespmem:s6+$0xC7B0] =	vst.add.f32.msk $0xffff, v12  }
0xc0: {  	[tilespmem:s6+$0xC7C0] =	vst.add.f32.msk $0xffff, v13  }
0xc1: {  	s3 =	sadd.s32 $0x400, s3;
	[tilespmem:s6+$0xC7D0] =	vst.add.f32.msk $0xffff, v14  }
0xc2: {  	[tilespmem:s6+$0xC7E0] =	vst.add.f32.msk $0xffff, v0;
	s3 =	simm.s32 $0x64A0  }
0xc3: {  	[tilespmem:s30], [sflag:$0x5] =	stream.indirect.gather [hbm4b:s5+s1], $0x80, s3, s1, $0xb8;
	[tilespmem:$0x17B00] =	vst v63  }
0xc4: {  	s20 =	simm.s32 $0x8C20;
	s21 =	simm.s32 $0x16700  }
0xc5: {  	[tilespmem:s21], [sflag:$0xA] =	stream.indirect.gather [hbm4b:s5+s1], $0x80, s20, s1, $0xb8;
	[tilespmem:$0x17B00] =	vst v63  }
0xc6: {  	s22 =	rddreg [dreg:$0x8];
	s24 =	simm.s32 $0xC700;
	s25 =	simm.s32 $0x3  }
0xc7: {  	[spmem:s22] =	stream.linear.scatter [tilespmem:s24], [sflag:$0xC], $0x1400, $0x38;
	[tilespmem:$0x17B00] =	vst v63  }
0xc8: {  	_ =	swait.ge [sflag:s25], $0x1400  }
0xc9: {  	[sflag:s25] =	ssyncset.done $0x0  }
0xca: {  	s31 =	simm.s32 $0x8;
	[sflag:s25] =	ssyncadd.s32 $0xFFFFEC00  }
0xcb: {  	_ =	swait.ge [sflag:s31], $0x1400  }
0xcc: {  	[sflag:s31] =	ssyncset.done $0x0  }
0xcd: {  	s6 =	simm.s32 $0x0;
	[sflag:s31] =	ssyncadd.s32 $0xFFFFEC00  }
0xce: {  	v0 =	vld [tilespmem:s6+$0x13FF0]  }
0xcf: {  	v1 =	vld [tilespmem:s6+$0x13F00]  }
0xd0: {  	v2 =	vld [tilespmem:s6+$0x13F10]  }
0xd1: {  	v3 =	vld [tilespmem:s6+$0x13F20]  }
0xd2: {  	v4 =	vld [tilespmem:s6+$0x13F30]  }
0xd3: {  	v5 =	vld [tilespmem:s6+$0x13F40]  }
0xd4: {  	v6 =	vld [tilespmem:s6+$0x13F50]  }
0xd5: {  	v7 =	vld [tilespmem:s6+$0x13F60]  }
0xd6: {  	v8 =	vld [tilespmem:s6+$0x13F70]  }
0xd7: {  	v9 =	vld [tilespmem:s6+$0x13F80]  }
0xd8: {  	v10 =	vld [tilespmem:s6+$0x13F90]  }
0xd9: {  	v11 =	vld [tilespmem:s6+$0x13FA0]  }
0xda: {  	v12 =	vld [tilespmem:s6+$0x13FB0]  }
0xdb: {  	v13 =	vld [tilespmem:s6+$0x13FC0]  }
0xdc: {  	v14 =	vld [tilespmem:s6+$0x13FD0]  }
0xdd: {  	[tilespmem:s6+$0xDBF0] =	vst.add.f32.msk $0xffff, v0  }
0xde: {  	v0 =	vld [tilespmem:s6+$0x13FE0]  }
0xdf: {  	[tilespmem:s6+$0xDB00] =	vst.add.f32.msk $0xffff, v1  }
0xe0: {  	[tilespmem:s6+$0xDB10] =	vst.add.f32.msk $0xffff, v2  }
0xe1: {  	[tilespmem:s6+$0xDB20] =	vst.add.f32.msk $0xffff, v3  }
0xe2: {  	[tilespmem:s6+$0xDB30] =	vst.add.f32.msk $0xffff, v4  }
0xe3: {  	[tilespmem:s6+$0xDB40] =	vst.add.f32.msk $0xffff, v5  }
0xe4: {  	[tilespmem:s6+$0xDB50] =	vst.add.f32.msk $0xffff, v6  }
0xe5: {  	[tilespmem:s6+$0xDB60] =	vst.add.f32.msk $0xffff, v7  }
0xe6: {  	[tilespmem:s6+$0xDB70] =	vst.add.f32.msk $0xffff, v8  }
0xe7: {  	[tilespmem:s6+$0xDB80] =	vst.add.f32.msk $0xffff, v9  }
0xe8: {  	[tilespmem:s6+$0xDB90] =	vst.add.f32.msk $0xffff, v10  }
0xe9: {  	[tilespmem:s6+$0xDBA0] =	vst.add.f32.msk $0xffff, v11  }
0xea: {  	[tilespmem:s6+$0xDBB0] =	vst.add.f32.msk $0xffff, v12  }
0xeb: {  	[tilespmem:s6+$0xDBC0] =	vst.add.f32.msk $0xffff, v13  }
0xec: {  	s7 =	simm.s32 $0x0;
	s3 =	simm.s32 $0x400;
	[tilespmem:s6+$0xDBD0] =	vst.add.f32.msk $0xffff, v14  }
.LBB2_6:
0xed: {  	s7 =	sadd.s32 $0x2, s7;
	[tilespmem:s6+$0xDBE0] =	vst.add.f32.msk $0xffff, v0;
	s6 =	sshra.s32 s3, $0x2  }
0xee: {  	v0 =	vld [tilespmem:s6+$0x13FF0];
	p0 =	slt.u32 s7, $0x26  }
0xef: {  	v1 =	vld [tilespmem:s6+$0x13F00]  }
0xf0: {  	v2 =	vld [tilespmem:s6+$0x13F10]  }
0xf1: {  	v3 =	vld [tilespmem:s6+$0x13F20]  }
0xf2: {  	v4 =	vld [tilespmem:s6+$0x13F30]  }
0xf3: {  	[tilespmem:s6+$0xDBF0] =	vst.add.f32.msk $0xffff, v0  }
0xf4: {  	v5 =	vld [tilespmem:s6+$0x13F40]  }
0xf5: {  	v6 =	vld [tilespmem:s6+$0x13F50]  }
0xf6: {  	v7 =	vld [tilespmem:s6+$0x13F60]  }
0xf7: {  	v8 =	vld [tilespmem:s6+$0x13F70]  }
0xf8: {  	v9 =	vld [tilespmem:s6+$0x13F80]  }
0xf9: {  	v10 =	vld [tilespmem:s6+$0x13F90]  }
0xfa: {  	v11 =	vld [tilespmem:s6+$0x13FA0]  }
0xfb: {  	v12 =	vld [tilespmem:s6+$0x13FB0]  }
0xfc: {  	v13 =	vld [tilespmem:s6+$0x13FC0]  }
0xfd: {  	v14 =	vld [tilespmem:s6+$0x13FD0]  }
0xfe: {  	v0 =	vld [tilespmem:s6+$0x13FE0]  }
0xff: {  	[tilespmem:s6+$0xDB00] =	vst.add.f32.msk $0xffff, v1  }
0x100: {  	[tilespmem:s6+$0xDB10] =	vst.add.f32.msk $0xffff, v2  }
0x101: {  	[tilespmem:s6+$0xDB20] =	vst.add.f32.msk $0xffff, v3  }
0x102: {  	[tilespmem:s6+$0xDB30] =	vst.add.f32.msk $0xffff, v4  }
0x103: {  	[tilespmem:s6+$0xDB40] =	vst.add.f32.msk $0xffff, v5  }
0x104: {  	[tilespmem:s6+$0xDB50] =	vst.add.f32.msk $0xffff, v6  }
0x105: {  	[tilespmem:s6+$0xDB60] =	vst.add.f32.msk $0xffff, v7  }
0x106: {  	[tilespmem:s6+$0xDB70] =	vst.add.f32.msk $0xffff, v8  }
0x107: {  	[tilespmem:s6+$0xDB80] =	vst.add.f32.msk $0xffff, v9  }
.Ltmp2:
0x108: {  	[tilespmem:s6+$0xDB90] =	vst.add.f32.msk $0xffff, v10;
	(pc) =	sbr.rel @p0 .LBB2_6-.Ltmp2, $4  }
0x109: {  	[tilespmem:s6+$0xDBA0] =	vst.add.f32.msk $0xffff, v11  }
0x10a: {  	[tilespmem:s6+$0xDBB0] =	vst.add.f32.msk $0xffff, v12  }
0x10b: {  	[tilespmem:s6+$0xDBC0] =	vst.add.f32.msk $0xffff, v13  }
0x10c: {  	s3 =	sadd.s32 $0x400, s3;
	[tilespmem:s6+$0xDBD0] =	vst.add.f32.msk $0xffff, v14  }
0x10d: {  	[tilespmem:s6+$0xDBE0] =	vst.add.f32.msk $0xffff, v0;
	s31 =	simm.s32 $0xB;
	s3 =	stileid.u32;
	s11 =	simm.s32 $0xB300  }
0x10e: {  	s12 =	simm.s32 $0x64C8;
	_ =	swait.ge [sflag:s31], $0x1400;
	s24 =	sshll.u32 s3, $0x6  }
0x10f: {  	[sflag:s31] =	ssyncset.done $0x0;
	s8 =	sor.u32 $0x1C10, s24;
	s7 =	rddreg [dreg:$0x6]  }
0x110: {  	s9 =	rddreg [dreg:$0x9];
	[sflag:s31] =	ssyncadd.s32 $0xFFFFEC00;
	s22 =	sshrl.u32 s7, $0x3  }
0x111: {  	[hbm:s9], [sflag:s8] =	dma.local [spmem:s22], $0x280  }
0x112: {  	[tilespmem:s11], [sflag:$0x1] =	stream.indirect.gather [hbm4b:s5+s1], $0x80, s12, s1, $0xb8;
	[tilespmem:$0x17B00] =	vst v63  }
0x113: {  	s14 =	simm.s32 $0x11700;
	s18 =	simm.s32 $0x8C48  }
0x114: {  	[tilespmem:s14], [sflag:$0x6] =	stream.indirect.gather [hbm4b:s5+s1], $0x80, s18, s1, $0xb8;
	[tilespmem:$0x17B00] =	vst v63  }
0x115: {  	s21 =	simm.s32 $0xDB00;
	s25 =	simm.s32 $0x4;
	s20 =	rddreg [dreg:$0xa]  }
0x116: {  	[spmem:s20] =	stream.linear.scatter [tilespmem:s21], [sflag:$0xD], $0x1400, $0x38;
	[tilespmem:$0x17B00] =	vst v63  }
0x117: {  	_ =	swait.ge [sflag:s25], $0x1400  }
0x118: {  	[sflag:s25] =	ssyncset.done $0x0  }
0x119: {  	s31 =	simm.s32 $0x9;
	[sflag:s25] =	ssyncadd.s32 $0xFFFFEC00  }
0x11a: {  	_ =	swait.ge [sflag:s31], $0x1400  }
0x11b: {  	[sflag:s31] =	ssyncset.done $0x0  }
0x11c: {  	s6 =	simm.s32 $0x0;
	[sflag:s31] =	ssyncadd.s32 $0xFFFFEC00  }
0x11d: {  	v0 =	vld [tilespmem:s6+$0x153F0]  }
0x11e: {  	v1 =	vld [tilespmem:s6+$0x15300]  }
0x11f: {  	v2 =	vld [tilespmem:s6+$0x15310]  }
0x120: {  	v3 =	vld [tilespmem:s6+$0x15320]  }
0x121: {  	v4 =	vld [tilespmem:s6+$0x15330]  }
0x122: {  	v5 =	vld [tilespmem:s6+$0x15340]  }
0x123: {  	v6 =	vld [tilespmem:s6+$0x15350]  }
0x124: {  	v7 =	vld [tilespmem:s6+$0x15360]  }
0x125: {  	v8 =	vld [tilespmem:s6+$0x15370]  }
0x126: {  	v9 =	vld [tilespmem:s6+$0x15380]  }
0x127: {  	v10 =	vld [tilespmem:s6+$0x15390]  }
0x128: {  	v11 =	vld [tilespmem:s6+$0x153A0]  }
0x129: {  	v12 =	vld [tilespmem:s6+$0x153B0]  }
0x12a: {  	v13 =	vld [tilespmem:s6+$0x153C0]  }
0x12b: {  	v14 =	vld [tilespmem:s6+$0x153D0]  }
0x12c: {  	[tilespmem:s6+$0xEFF0] =	vst.add.f32.msk $0xffff, v0  }
0x12d: {  	v0 =	vld [tilespmem:s6+$0x153E0]  }
0x12e: {  	[tilespmem:s6+$0xEF00] =	vst.add.f32.msk $0xffff, v1  }
0x12f: {  	[tilespmem:s6+$0xEF10] =	vst.add.f32.msk $0xffff, v2  }
0x130: {  	[tilespmem:s6+$0xEF20] =	vst.add.f32.msk $0xffff, v3  }
0x131: {  	[tilespmem:s6+$0xEF30] =	vst.add.f32.msk $0xffff, v4  }
0x132: {  	[tilespmem:s6+$0xEF40] =	vst.add.f32.msk $0xffff, v5  }
0x133: {  	[tilespmem:s6+$0xEF50] =	vst.add.f32.msk $0xffff, v6  }
0x134: {  	[tilespmem:s6+$0xEF60] =	vst.add.f32.msk $0xffff, v7  }
0x135: {  	[tilespmem:s6+$0xEF70] =	vst.add.f32.msk $0xffff, v8  }
0x136: {  	[tilespmem:s6+$0xEF80] =	vst.add.f32.msk $0xffff, v9  }
0x137: {  	[tilespmem:s6+$0xEF90] =	vst.add.f32.msk $0xffff, v10  }
0x138: {  	[tilespmem:s6+$0xEFA0] =	vst.add.f32.msk $0xffff, v11  }
0x139: {  	[tilespmem:s6+$0xEFB0] =	vst.add.f32.msk $0xffff, v12  }
0x13a: {  	[tilespmem:s6+$0xEFC0] =	vst.add.f32.msk $0xffff, v13  }
0x13b: {  	s3 =	simm.s32 $0x400;
	s7 =	simm.s32 $0x0;
	[tilespmem:s6+$0xEFD0] =	vst.add.f32.msk $0xffff, v14  }
.LBB2_8:
0x13c: {  	s7 =	sadd.s32 $0x2, s7;
	[tilespmem:s6+$0xEFE0] =	vst.add.f32.msk $0xffff, v0;
	s6 =	sshra.s32 s3, $0x2  }
0x13d: {  	v0 =	vld [tilespmem:s6+$0x153F0];
	p0 =	slt.u32 s7, $0x26  }
0x13e: {  	v1 =	vld [tilespmem:s6+$0x15300]  }
0x13f: {  	v2 =	vld [tilespmem:s6+$0x15310]  }
0x140: {  	v3 =	vld [tilespmem:s6+$0x15320]  }
0x141: {  	v4 =	vld [tilespmem:s6+$0x15330]  }
0x142: {  	[tilespmem:s6+$0xEFF0] =	vst.add.f32.msk $0xffff, v0  }
0x143: {  	v5 =	vld [tilespmem:s6+$0x15340]  }
0x144: {  	v6 =	vld [tilespmem:s6+$0x15350]  }
0x145: {  	v7 =	vld [tilespmem:s6+$0x15360]  }
0x146: {  	v8 =	vld [tilespmem:s6+$0x15370]  }
0x147: {  	v9 =	vld [tilespmem:s6+$0x15380]  }
0x148: {  	v10 =	vld [tilespmem:s6+$0x15390]  }
0x149: {  	v11 =	vld [tilespmem:s6+$0x153A0]  }
0x14a: {  	v12 =	vld [tilespmem:s6+$0x153B0]  }
0x14b: {  	v13 =	vld [tilespmem:s6+$0x153C0]  }
0x14c: {  	v14 =	vld [tilespmem:s6+$0x153D0]  }
0x14d: {  	v0 =	vld [tilespmem:s6+$0x153E0]  }
0x14e: {  	[tilespmem:s6+$0xEF00] =	vst.add.f32.msk $0xffff, v1  }
0x14f: {  	[tilespmem:s6+$0xEF10] =	vst.add.f32.msk $0xffff, v2  }
0x150: {  	[tilespmem:s6+$0xEF20] =	vst.add.f32.msk $0xffff, v3  }
0x151: {  	[tilespmem:s6+$0xEF30] =	vst.add.f32.msk $0xffff, v4  }
0x152: {  	[tilespmem:s6+$0xEF40] =	vst.add.f32.msk $0xffff, v5  }
0x153: {  	[tilespmem:s6+$0xEF50] =	vst.add.f32.msk $0xffff, v6  }
0x154: {  	[tilespmem:s6+$0xEF60] =	vst.add.f32.msk $0xffff, v7  }
0x155: {  	[tilespmem:s6+$0xEF70] =	vst.add.f32.msk $0xffff, v8  }
0x156: {  	[tilespmem:s6+$0xEF80] =	vst.add.f32.msk $0xffff, v9  }
.Ltmp3:
0x157: {  	[tilespmem:s6+$0xEF90] =	vst.add.f32.msk $0xffff, v10;
	(pc) =	sbr.rel @p0 .LBB2_8-.Ltmp3, $4  }
0x158: {  	[tilespmem:s6+$0xEFA0] =	vst.add.f32.msk $0xffff, v11  }
0x159: {  	[tilespmem:s6+$0xEFB0] =	vst.add.f32.msk $0xffff, v12  }
0x15a: {  	[tilespmem:s6+$0xEFC0] =	vst.add.f32.msk $0xffff, v13  }
0x15b: {  	s3 =	sadd.s32 $0x400, s3;
	[tilespmem:s6+$0xEFD0] =	vst.add.f32.msk $0xffff, v14  }
0x15c: {  	[tilespmem:s6+$0xEFE0] =	vst.add.f32.msk $0xffff, v0;
	s3 =	simm.s32 $0xC  }
0x15d: {  	s18 =	sor.u32 $0x1C11, s24;
	s14 =	simm.s32 $0xC700;
	_ =	swait.ge [sflag:s3], $0x1400  }
0x15e: {  	s20 =	simm.s32 $0x64F0;
	[sflag:s3] =	ssyncset.done $0x0;
	s11 =	rddreg [dreg:$0x8]  }
0x15f: {  	s12 =	rddreg [dreg:$0xb];
	[sflag:s3] =	ssyncadd.s32 $0xFFFFEC00;
	s11 =	sshrl.u32 s11, $0x3  }
0x160: {  	[hbm:s12], [sflag:s18] =	dma.local [spmem:s11], $0x280  }
0x161: {  	[tilespmem:s14], [sflag:$0x2] =	stream.indirect.gather [hbm4b:s5+s1], $0x80, s20, s1, $0xb8;
	[tilespmem:$0x17B00] =	vst v63  }
0x162: {  	s21 =	simm.s32 $0x12B00;
	s25 =	simm.s32 $0x8C70  }
0x163: {  	[tilespmem:s21], [sflag:$0x7] =	stream.indirect.gather [hbm4b:s5+s1], $0x80, s25, s1, $0xb8;
	[tilespmem:$0x17B00] =	vst v63  }
0x164: {  	s31 =	simm.s32 $0xEF00  }
0x165: {  	[spmem:s13] =	stream.linear.scatter [tilespmem:s31], [sflag:$0xE], $0x1400, $0x38;
	[tilespmem:$0x17B00] =	vst v63  }
0x166: {  	_ =	swait.ge [sflag:s10], $0x1400  }
0x167: {  	[sflag:s10] =	ssyncset.done $0x0  }
0x168: {  	[sflag:s10] =	ssyncadd.s32 $0xFFFFEC00  }
0x169: {  	_ =	swait.ge [sflag:s19], $0x1400  }
0x16a: {  	[sflag:s19] =	ssyncset.done $0x0  }
0x16b: {  	s6 =	simm.s32 $0x0;
	[sflag:s19] =	ssyncadd.s32 $0xFFFFEC00  }
0x16c: {  	v0 =	vld [tilespmem:s6+$0x167F0]  }
0x16d: {  	v1 =	vld [tilespmem:s6+$0x16700]  }
0x16e: {  	v2 =	vld [tilespmem:s6+$0x16710]  }
0x16f: {  	v3 =	vld [tilespmem:s6+$0x16720]  }
0x170: {  	v4 =	vld [tilespmem:s6+$0x16730]  }
0x171: {  	v5 =	vld [tilespmem:s6+$0x16740]  }
0x172: {  	v6 =	vld [tilespmem:s6+$0x16750]  }
0x173: {  	v7 =	vld [tilespmem:s6+$0x16760]  }
0x174: {  	v8 =	vld [tilespmem:s6+$0x16770]  }
0x175: {  	v9 =	vld [tilespmem:s6+$0x16780]  }
0x176: {  	v10 =	vld [tilespmem:s6+$0x16790]  }
0x177: {  	v11 =	vld [tilespmem:s6+$0x167A0]  }
0x178: {  	v12 =	vld [tilespmem:s6+$0x167B0]  }
0x179: {  	v13 =	vld [tilespmem:s6+$0x167C0]  }
0x17a: {  	v14 =	vld [tilespmem:s6+$0x167D0]  }
0x17b: {  	[tilespmem:s6+$0x103F0] =	vst.add.f32.msk $0xffff, v0  }
0x17c: {  	v0 =	vld [tilespmem:s6+$0x167E0]  }
0x17d: {  	[tilespmem:s6+$0x10300] =	vst.add.f32.msk $0xffff, v1  }
0x17e: {  	[tilespmem:s6+$0x10310] =	vst.add.f32.msk $0xffff, v2  }
0x17f: {  	[tilespmem:s6+$0x10320] =	vst.add.f32.msk $0xffff, v3  }
0x180: {  	[tilespmem:s6+$0x10330] =	vst.add.f32.msk $0xffff, v4  }
0x181: {  	[tilespmem:s6+$0x10340] =	vst.add.f32.msk $0xffff, v5  }
0x182: {  	[tilespmem:s6+$0x10350] =	vst.add.f32.msk $0xffff, v6  }
0x183: {  	[tilespmem:s6+$0x10360] =	vst.add.f32.msk $0xffff, v7  }
0x184: {  	[tilespmem:s6+$0x10370] =	vst.add.f32.msk $0xffff, v8  }
0x185: {  	[tilespmem:s6+$0x10380] =	vst.add.f32.msk $0xffff, v9  }
0x186: {  	[tilespmem:s6+$0x10390] =	vst.add.f32.msk $0xffff, v10  }
0x187: {  	[tilespmem:s6+$0x103A0] =	vst.add.f32.msk $0xffff, v11  }
0x188: {  	[tilespmem:s6+$0x103B0] =	vst.add.f32.msk $0xffff, v12  }
0x189: {  	[tilespmem:s6+$0x103C0] =	vst.add.f32.msk $0xffff, v13  }
0x18a: {  	s7 =	simm.s32 $0x0;
	s3 =	simm.s32 $0x400;
	[tilespmem:s6+$0x103D0] =	vst.add.f32.msk $0xffff, v14  }
.LBB2_10:
0x18b: {  	s7 =	sadd.s32 $0x2, s7;
	[tilespmem:s6+$0x103E0] =	vst.add.f32.msk $0xffff, v0;
	s6 =	sshra.s32 s3, $0x2  }
0x18c: {  	v0 =	vld [tilespmem:s6+$0x167F0];
	p0 =	slt.u32 s7, $0x26  }
0x18d: {  	v1 =	vld [tilespmem:s6+$0x16700]  }
0x18e: {  	v2 =	vld [tilespmem:s6+$0x16710]  }
0x18f: {  	v3 =	vld [tilespmem:s6+$0x16720]  }
0x190: {  	v4 =	vld [tilespmem:s6+$0x16730]  }
0x191: {  	[tilespmem:s6+$0x103F0] =	vst.add.f32.msk $0xffff, v0  }
0x192: {  	v5 =	vld [tilespmem:s6+$0x16740]  }
0x193: {  	v6 =	vld [tilespmem:s6+$0x16750]  }
0x194: {  	v7 =	vld [tilespmem:s6+$0x16760]  }
0x195: {  	v8 =	vld [tilespmem:s6+$0x16770]  }
0x196: {  	v9 =	vld [tilespmem:s6+$0x16780]  }
0x197: {  	v10 =	vld [tilespmem:s6+$0x16790]  }
0x198: {  	v11 =	vld [tilespmem:s6+$0x167A0]  }
0x199: {  	v12 =	vld [tilespmem:s6+$0x167B0]  }
0x19a: {  	v13 =	vld [tilespmem:s6+$0x167C0]  }
0x19b: {  	v14 =	vld [tilespmem:s6+$0x167D0]  }
0x19c: {  	v0 =	vld [tilespmem:s6+$0x167E0]  }
0x19d: {  	[tilespmem:s6+$0x10300] =	vst.add.f32.msk $0xffff, v1  }
0x19e: {  	[tilespmem:s6+$0x10310] =	vst.add.f32.msk $0xffff, v2  }
0x19f: {  	[tilespmem:s6+$0x10320] =	vst.add.f32.msk $0xffff, v3  }
0x1a0: {  	[tilespmem:s6+$0x10330] =	vst.add.f32.msk $0xffff, v4  }
0x1a1: {  	[tilespmem:s6+$0x10340] =	vst.add.f32.msk $0xffff, v5  }
0x1a2: {  	[tilespmem:s6+$0x10350] =	vst.add.f32.msk $0xffff, v6  }
0x1a3: {  	[tilespmem:s6+$0x10360] =	vst.add.f32.msk $0xffff, v7  }
0x1a4: {  	[tilespmem:s6+$0x10370] =	vst.add.f32.msk $0xffff, v8  }
0x1a5: {  	[tilespmem:s6+$0x10380] =	vst.add.f32.msk $0xffff, v9  }
.Ltmp4:
0x1a6: {  	[tilespmem:s6+$0x10390] =	vst.add.f32.msk $0xffff, v10;
	(pc) =	sbr.rel @p0 .LBB2_10-.Ltmp4, $4  }
0x1a7: {  	[tilespmem:s6+$0x103A0] =	vst.add.f32.msk $0xffff, v11  }
0x1a8: {  	[tilespmem:s6+$0x103B0] =	vst.add.f32.msk $0xffff, v12  }
0x1a9: {  	[tilespmem:s6+$0x103C0] =	vst.add.f32.msk $0xffff, v13  }
0x1aa: {  	s3 =	sadd.s32 $0x400, s3;
	[tilespmem:s6+$0x103D0] =	vst.add.f32.msk $0xffff, v14  }
0x1ab: {  	[tilespmem:s6+$0x103E0] =	vst.add.f32.msk $0xffff, v0  }
0x1ac: {  	s9 =	sor.u32 $0x1C12, s24;
	s20 =	simm.s32 $0xDB00;
	_ =	swait.ge [sflag:s23], $0x1400  }
0x1ad: {  	s21 =	simm.s32 $0x6518;
	[sflag:s23] =	ssyncset.done $0x0;
	s3 =	rddreg [dreg:$0xa]  }
0x1ae: {  	s14 =	rddreg [dreg:$0xc];
	[sflag:s23] =	ssyncadd.s32 $0xFFFFEC00;
	s7 =	sshrl.u32 s3, $0x3  }
0x1af: {  	[hbm:s14], [sflag:s9] =	dma.local [spmem:s7], $0x280  }
0x1b0: {  	[tilespmem:s20], [sflag:$0x3] =	stream.indirect.gather [hbm4b:s5+s1], $0x80, s21, s1, $0xb8;
	[tilespmem:$0x17B00] =	vst v63  }
0x1b1: {  	s25 =	simm.s32 $0x13F00;
	s31 =	simm.s32 $0x8C98  }
0x1b2: {  	[tilespmem:s25], [sflag:$0x8] =	stream.indirect.gather [hbm4b:s5+s1], $0x80, s31, s1, $0xb8;
	[tilespmem:$0x17B00] =	vst v63  }
0x1b3: {  	s25 =	simm.s32 $0x1  }
0x1b4: {  	[spmem:s15] =	stream.linear.scatter [tilespmem:s30], [sflag:$0xF], $0x1400, $0x38;
	[tilespmem:$0x17B00] =	vst v63  }
.LBB2_12:
0x1b5: {  	s3 =	simm.s32 $0x1  }
0x1b6: {  	_ =	swait.ge [sflag:s3], $0x1400  }
0x1b7: {  	[sflag:s3] =	ssyncset.done $0x0  }
0x1b8: {  	s31 =	simm.s32 $0x6;
	[sflag:s3] =	ssyncadd.s32 $0xFFFFEC00  }
0x1b9: {  	_ =	swait.ge [sflag:s31], $0x1400  }
0x1ba: {  	[sflag:s31] =	ssyncset.done $0x0  }
0x1bb: {  	s6 =	simm.s32 $0x0;
	[sflag:s31] =	ssyncadd.s32 $0xFFFFEC00  }
0x1bc: {  	v0 =	vld [tilespmem:s6+$0x117F0]  }
0x1bd: {  	v1 =	vld [tilespmem:s6+$0x11700]  }
0x1be: {  	v2 =	vld [tilespmem:s6+$0x11710]  }
0x1bf: {  	v3 =	vld [tilespmem:s6+$0x11720]  }
0x1c0: {  	v4 =	vld [tilespmem:s6+$0x11730]  }
0x1c1: {  	v5 =	vld [tilespmem:s6+$0x11740]  }
0x1c2: {  	v6 =	vld [tilespmem:s6+$0x11750]  }
0x1c3: {  	v7 =	vld [tilespmem:s6+$0x11760]  }
0x1c4: {  	v8 =	vld [tilespmem:s6+$0x11770]  }
0x1c5: {  	v9 =	vld [tilespmem:s6+$0x11780]  }
0x1c6: {  	v10 =	vld [tilespmem:s6+$0x11790]  }
0x1c7: {  	v11 =	vld [tilespmem:s6+$0x117A0]  }
0x1c8: {  	v12 =	vld [tilespmem:s6+$0x117B0]  }
0x1c9: {  	v13 =	vld [tilespmem:s6+$0x117C0]  }
0x1ca: {  	v14 =	vld [tilespmem:s6+$0x117D0]  }
0x1cb: {  	[tilespmem:s6+$0xB3F0] =	vst.add.f32.msk $0xffff, v0  }
0x1cc: {  	v0 =	vld [tilespmem:s6+$0x117E0]  }
0x1cd: {  	[tilespmem:s6+$0xB300] =	vst.add.f32.msk $0xffff, v1  }
0x1ce: {  	[tilespmem:s6+$0xB310] =	vst.add.f32.msk $0xffff, v2  }
0x1cf: {  	[tilespmem:s6+$0xB320] =	vst.add.f32.msk $0xffff, v3  }
0x1d0: {  	[tilespmem:s6+$0xB330] =	vst.add.f32.msk $0xffff, v4  }
0x1d1: {  	[tilespmem:s6+$0xB340] =	vst.add.f32.msk $0xffff, v5  }
0x1d2: {  	[tilespmem:s6+$0xB350] =	vst.add.f32.msk $0xffff, v6  }
0x1d3: {  	[tilespmem:s6+$0xB360] =	vst.add.f32.msk $0xffff, v7  }
0x1d4: {  	[tilespmem:s6+$0xB370] =	vst.add.f32.msk $0xffff, v8  }
0x1d5: {  	[tilespmem:s6+$0xB380] =	vst.add.f32.msk $0xffff, v9  }
0x1d6: {  	[tilespmem:s6+$0xB390] =	vst.add.f32.msk $0xffff, v10  }
0x1d7: {  	[tilespmem:s6+$0xB3A0] =	vst.add.f32.msk $0xffff, v11  }
0x1d8: {  	[tilespmem:s6+$0xB3B0] =	vst.add.f32.msk $0xffff, v12  }
0x1d9: {  	[tilespmem:s6+$0xB3C0] =	vst.add.f32.msk $0xffff, v13  }
0x1da: {  	s12 =	simm.s32 $0x0;
	s3 =	simm.s32 $0x400;
	[tilespmem:s6+$0xB3D0] =	vst.add.f32.msk $0xffff, v14  }
.LBB2_13:
0x1db: {  	s12 =	sadd.s32 $0x2, s12;
	[tilespmem:s6+$0xB3E0] =	vst.add.f32.msk $0xffff, v0;
	s6 =	sshra.s32 s3, $0x2  }
0x1dc: {  	v0 =	vld [tilespmem:s6+$0x117F0];
	p0 =	slt.u32 s12, $0x26  }
0x1dd: {  	v1 =	vld [tilespmem:s6+$0x11700]  }
0x1de: {  	v2 =	vld [tilespmem:s6+$0x11710]  }
0x1df: {  	v3 =	vld [tilespmem:s6+$0x11720]  }
0x1e0: {  	v4 =	vld [tilespmem:s6+$0x11730]  }
0x1e1: {  	[tilespmem:s6+$0xB3F0] =	vst.add.f32.msk $0xffff, v0  }
0x1e2: {  	v5 =	vld [tilespmem:s6+$0x11740]  }
0x1e3: {  	v6 =	vld [tilespmem:s6+$0x11750]  }
0x1e4: {  	v7 =	vld [tilespmem:s6+$0x11760]  }
0x1e5: {  	v8 =	vld [tilespmem:s6+$0x11770]  }
0x1e6: {  	v9 =	vld [tilespmem:s6+$0x11780]  }
0x1e7: {  	v10 =	vld [tilespmem:s6+$0x11790]  }
0x1e8: {  	v11 =	vld [tilespmem:s6+$0x117A0]  }
0x1e9: {  	v12 =	vld [tilespmem:s6+$0x117B0]  }
0x1ea: {  	v13 =	vld [tilespmem:s6+$0x117C0]  }
0x1eb: {  	v14 =	vld [tilespmem:s6+$0x117D0]  }
0x1ec: {  	v0 =	vld [tilespmem:s6+$0x117E0]  }
0x1ed: {  	[tilespmem:s6+$0xB300] =	vst.add.f32.msk $0xffff, v1  }
0x1ee: {  	[tilespmem:s6+$0xB310] =	vst.add.f32.msk $0xffff, v2  }
0x1ef: {  	[tilespmem:s6+$0xB320] =	vst.add.f32.msk $0xffff, v3  }
0x1f0: {  	[tilespmem:s6+$0xB330] =	vst.add.f32.msk $0xffff, v4  }
0x1f1: {  	[tilespmem:s6+$0xB340] =	vst.add.f32.msk $0xffff, v5  }
0x1f2: {  	[tilespmem:s6+$0xB350] =	vst.add.f32.msk $0xffff, v6  }
0x1f3: {  	[tilespmem:s6+$0xB360] =	vst.add.f32.msk $0xffff, v7  }
0x1f4: {  	[tilespmem:s6+$0xB370] =	vst.add.f32.msk $0xffff, v8  }
0x1f5: {  	[tilespmem:s6+$0xB380] =	vst.add.f32.msk $0xffff, v9  }
.Ltmp5:
0x1f6: {  	[tilespmem:s6+$0xB390] =	vst.add.f32.msk $0xffff, v10;
	(pc) =	sbr.rel @p0 .LBB2_13-.Ltmp5, $4  }
0x1f7: {  	[tilespmem:s6+$0xB3A0] =	vst.add.f32.msk $0xffff, v11  }
0x1f8: {  	[tilespmem:s6+$0xB3B0] =	vst.add.f32.msk $0xffff, v12  }
0x1f9: {  	[tilespmem:s6+$0xB3C0] =	vst.add.f32.msk $0xffff, v13  }
0x1fa: {  	s3 =	sadd.s32 $0x400, s3;
	[tilespmem:s6+$0xB3D0] =	vst.add.f32.msk $0xffff, v14  }
0x1fb: {  	[tilespmem:s6+$0xB3E0] =	vst.add.f32.msk $0xffff, v0  }
0x1fc: {  	s6 =	smul.u32 $0xC8, s25;
	_ =	swait.ge [sflag:s4], $0x1400  }
0x1fd: {  	s3 =	rddreg [dreg:$0xd]  }
0x1fe: {  	s12 =	sor.u32 $0x1C13, s24;
	s14 =	sshrl.u32 s13, $0x3;
	s3 =	sadd.s32 s6, s3  }
0x1ff: {  	s20 =	simm.s32 $0xEF00;
	[sflag:s4] =	ssyncset.done $0x0;
	s3 =	sshll.u32 s3, $0x4  }
0x200: {  	s31 =	sadd.s32 $0x6478, s6;
	[sflag:s4] =	ssyncadd.s32 $0xFFFFEC00;
	s3 =	sadd.s32 s2, s3  }
0x201: {  	[hbm:s3], [sflag:s12] =	dma.local [spmem:s14], $0x280  }
0x202: {  	[tilespmem:s20], [sflag:$0x4] =	stream.indirect.gather [hbm4b:s5+s1], $0x80, s31, s1, $0xb8;
	[tilespmem:$0x17B00] =	vst v63  }
0x203: {  	s21 =	sadd.s32 $0x8BF8, s6;
	s31 =	simm.s32 $0x15300  }
0x204: {  	[tilespmem:s31], [sflag:$0x9] =	stream.indirect.gather [hbm4b:s5+s1], $0x80, s21, s1, $0xb8;
	[tilespmem:$0x17B00] =	vst v63  }
0x205: {  	_ =	swait.ge [sflag:s16], $0x280  }
0x206: {  	[sflag:s16] =	ssyncset.done $0x0  }
0x207: {  	s31 =	simm.s32 $0xB300;
	s21 =	rddreg [dreg:$0x6];
	[sflag:s16] =	ssyncadd.s32 $0xFFFFFD80  }
0x208: {  	[spmem:s21] =	stream.linear.scatter [tilespmem:s31], [sflag:$0xB], $0x1400, $0x38;
	[tilespmem:$0x17B00] =	vst v63  }
0x209: {  	s21 =	simm.s32 $0x2  }
0x20a: {  	_ =	swait.ge [sflag:s21], $0x1400  }
0x20b: {  	[sflag:s21] =	ssyncset.done $0x0  }
0x20c: {  	s31 =	simm.s32 $0x7;
	[sflag:s21] =	ssyncadd.s32 $0xFFFFEC00  }
0x20d: {  	_ =	swait.ge [sflag:s31], $0x1400  }
0x20e: {  	[sflag:s31] =	ssyncset.done $0x0  }
0x20f: {  	s20 =	simm.s32 $0x0;
	[sflag:s31] =	ssyncadd.s32 $0xFFFFEC00  }
0x210: {  	v0 =	vld [tilespmem:s20+$0x12BF0]  }
0x211: {  	v1 =	vld [tilespmem:s20+$0x12B00]  }
0x212: {  	v2 =	vld [tilespmem:s20+$0x12B10]  }
0x213: {  	v3 =	vld [tilespmem:s20+$0x12B20]  }
0x214: {  	v4 =	vld [tilespmem:s20+$0x12B30]  }
0x215: {  	v5 =	vld [tilespmem:s20+$0x12B40]  }
0x216: {  	v6 =	vld [tilespmem:s20+$0x12B50]  }
0x217: {  	v7 =	vld [tilespmem:s20+$0x12B60]  }
0x218: {  	v8 =	vld [tilespmem:s20+$0x12B70]  }
0x219: {  	v9 =	vld [tilespmem:s20+$0x12B80]  }
0x21a: {  	v10 =	vld [tilespmem:s20+$0x12B90]  }
0x21b: {  	v11 =	vld [tilespmem:s20+$0x12BA0]  }
0x21c: {  	v12 =	vld [tilespmem:s20+$0x12BB0]  }
0x21d: {  	v13 =	vld [tilespmem:s20+$0x12BC0]  }
0x21e: {  	v14 =	vld [tilespmem:s20+$0x12BD0]  }
0x21f: {  	[tilespmem:s20+$0xC7F0] =	vst.add.f32.msk $0xffff, v0  }
0x220: {  	v0 =	vld [tilespmem:s20+$0x12BE0]  }
0x221: {  	[tilespmem:s20+$0xC700] =	vst.add.f32.msk $0xffff, v1  }
0x222: {  	[tilespmem:s20+$0xC710] =	vst.add.f32.msk $0xffff, v2  }
0x223: {  	[tilespmem:s20+$0xC720] =	vst.add.f32.msk $0xffff, v3  }
0x224: {  	[tilespmem:s20+$0xC730] =	vst.add.f32.msk $0xffff, v4  }
0x225: {  	[tilespmem:s20+$0xC740] =	vst.add.f32.msk $0xffff, v5  }
0x226: {  	[tilespmem:s20+$0xC750] =	vst.add.f32.msk $0xffff, v6  }
0x227: {  	[tilespmem:s20+$0xC760] =	vst.add.f32.msk $0xffff, v7  }
0x228: {  	[tilespmem:s20+$0xC770] =	vst.add.f32.msk $0xffff, v8  }
0x229: {  	[tilespmem:s20+$0xC780] =	vst.add.f32.msk $0xffff, v9  }
0x22a: {  	[tilespmem:s20+$0xC790] =	vst.add.f32.msk $0xffff, v10  }
0x22b: {  	[tilespmem:s20+$0xC7A0] =	vst.add.f32.msk $0xffff, v11  }
0x22c: {  	[tilespmem:s20+$0xC7B0] =	vst.add.f32.msk $0xffff, v12  }
0x22d: {  	[tilespmem:s20+$0xC7C0] =	vst.add.f32.msk $0xffff, v13  }
0x22e: {  	s3 =	simm.s32 $0x400;
	s21 =	simm.s32 $0x0;
	[tilespmem:s20+$0xC7D0] =	vst.add.f32.msk $0xffff, v14  }
.LBB2_15:
0x22f: {  	s21 =	sadd.s32 $0x2, s21;
	[tilespmem:s20+$0xC7E0] =	vst.add.f32.msk $0xffff, v0;
	s20 =	sshra.s32 s3, $0x2  }
0x230: {  	v0 =	vld [tilespmem:s20+$0x12BF0];
	p0 =	slt.u32 s21, $0x26  }
0x231: {  	v1 =	vld [tilespmem:s20+$0x12B00]  }
0x232: {  	v2 =	vld [tilespmem:s20+$0x12B10]  }
0x233: {  	v3 =	vld [tilespmem:s20+$0x12B20]  }
0x234: {  	v4 =	vld [tilespmem:s20+$0x12B30]  }
0x235: {  	[tilespmem:s20+$0xC7F0] =	vst.add.f32.msk $0xffff, v0  }
0x236: {  	v5 =	vld [tilespmem:s20+$0x12B40]  }
0x237: {  	v6 =	vld [tilespmem:s20+$0x12B50]  }
0x238: {  	v7 =	vld [tilespmem:s20+$0x12B60]  }
0x239: {  	v8 =	vld [tilespmem:s20+$0x12B70]  }
0x23a: {  	v9 =	vld [tilespmem:s20+$0x12B80]  }
0x23b: {  	v10 =	vld [tilespmem:s20+$0x12B90]  }
0x23c: {  	v11 =	vld [tilespmem:s20+$0x12BA0]  }
0x23d: {  	v12 =	vld [tilespmem:s20+$0x12BB0]  }
0x23e: {  	v13 =	vld [tilespmem:s20+$0x12BC0]  }
0x23f: {  	v14 =	vld [tilespmem:s20+$0x12BD0]  }
0x240: {  	v0 =	vld [tilespmem:s20+$0x12BE0]  }
0x241: {  	[tilespmem:s20+$0xC700] =	vst.add.f32.msk $0xffff, v1  }
0x242: {  	[tilespmem:s20+$0xC710] =	vst.add.f32.msk $0xffff, v2  }
0x243: {  	[tilespmem:s20+$0xC720] =	vst.add.f32.msk $0xffff, v3  }
0x244: {  	[tilespmem:s20+$0xC730] =	vst.add.f32.msk $0xffff, v4  }
0x245: {  	[tilespmem:s20+$0xC740] =	vst.add.f32.msk $0xffff, v5  }
0x246: {  	[tilespmem:s20+$0xC750] =	vst.add.f32.msk $0xffff, v6  }
0x247: {  	[tilespmem:s20+$0xC760] =	vst.add.f32.msk $0xffff, v7  }
0x248: {  	[tilespmem:s20+$0xC770] =	vst.add.f32.msk $0xffff, v8  }
0x249: {  	[tilespmem:s20+$0xC780] =	vst.add.f32.msk $0xffff, v9  }
.Ltmp6:
0x24a: {  	[tilespmem:s20+$0xC790] =	vst.add.f32.msk $0xffff, v10;
	(pc) =	sbr.rel @p0 .LBB2_15-.Ltmp6, $4  }
0x24b: {  	[tilespmem:s20+$0xC7A0] =	vst.add.f32.msk $0xffff, v11  }
0x24c: {  	[tilespmem:s20+$0xC7B0] =	vst.add.f32.msk $0xffff, v12  }
0x24d: {  	[tilespmem:s20+$0xC7C0] =	vst.add.f32.msk $0xffff, v13  }
0x24e: {  	s3 =	sadd.s32 $0x400, s3;
	[tilespmem:s20+$0xC7D0] =	vst.add.f32.msk $0xffff, v14  }
0x24f: {  	[tilespmem:s20+$0xC7E0] =	vst.add.f32.msk $0xffff, v0  }
0x250: {  	_ =	swait.ge [sflag:s17], $0x1400  }
0x251: {  	s3 =	rddreg [dreg:$0xe]  }
0x252: {  	s3 =	sadd.s32 s6, s3  }
0x253: {  	s20 =	sor.u32 $0x1C14, s24;
	[sflag:s17] =	ssyncset.done $0x0;
	s3 =	sshll.u32 s3, $0x4  }
0x254: {  	s21 =	sshrl.u32 s15, $0x3;
	[sflag:s17] =	ssyncadd.s32 $0xFFFFEC00;
	s3 =	sadd.s32 s2, s3  }
0x255: {  	[hbm:s3], [sflag:s20] =	dma.local [spmem:s21], $0x280  }
0x256: {  	s3 =	sadd.s32 $0x64A0, s6  }
0x257: {  	[tilespmem:s30], [sflag:$0x5] =	stream.indirect.gather [hbm4b:s5+s1], $0x80, s3, s1, $0xb8;
	[tilespmem:$0x17B00] =	vst v63  }
0x258: {  	s3 =	sadd.s32 $0x8C20, s6;
	s30 =	simm.s32 $0x16700  }
0x259: {  	[tilespmem:s30], [sflag:$0xA] =	stream.indirect.gather [hbm4b:s5+s1], $0x80, s3, s1, $0xb8;
	[tilespmem:$0x17B00] =	vst v63  }
0x25a: {  	_ =	swait.ge [sflag:s26], $0x280  }
0x25b: {  	[sflag:s26] =	ssyncset.done $0x0  }
0x25c: {  	s30 =	simm.s32 $0xC700;
	s3 =	rddreg [dreg:$0x8];
	[sflag:s26] =	ssyncadd.s32 $0xFFFFFD80  }
0x25d: {  	[spmem:s3] =	stream.linear.scatter [tilespmem:s30], [sflag:$0xC], $0x1400, $0x38;
	[tilespmem:$0x17B00] =	vst v63  }
0x25e: {  	s3 =	simm.s32 $0x3  }
0x25f: {  	_ =	swait.ge [sflag:s3], $0x1400  }
0x260: {  	[sflag:s3] =	ssyncset.done $0x0  }
0x261: {  	[sflag:s3] =	ssyncadd.s32 $0xFFFFEC00;
	s3 =	simm.s32 $0x8  }
0x262: {  	_ =	swait.ge [sflag:s3], $0x1400  }
0x263: {  	[sflag:s3] =	ssyncset.done $0x0  }
0x264: {  	s30 =	simm.s32 $0x0;
	[sflag:s3] =	ssyncadd.s32 $0xFFFFEC00  }
0x265: {  	v0 =	vld [tilespmem:s30+$0x13FF0]  }
0x266: {  	v1 =	vld [tilespmem:s30+$0x13F00]  }
0x267: {  	v2 =	vld [tilespmem:s30+$0x13F10]  }
0x268: {  	v3 =	vld [tilespmem:s30+$0x13F20]  }
0x269: {  	v4 =	vld [tilespmem:s30+$0x13F30]  }
0x26a: {  	v5 =	vld [tilespmem:s30+$0x13F40]  }
0x26b: {  	v6 =	vld [tilespmem:s30+$0x13F50]  }
0x26c: {  	v7 =	vld [tilespmem:s30+$0x13F60]  }
0x26d: {  	v8 =	vld [tilespmem:s30+$0x13F70]  }
0x26e: {  	v9 =	vld [tilespmem:s30+$0x13F80]  }
0x26f: {  	v10 =	vld [tilespmem:s30+$0x13F90]  }
0x270: {  	v11 =	vld [tilespmem:s30+$0x13FA0]  }
0x271: {  	v12 =	vld [tilespmem:s30+$0x13FB0]  }
0x272: {  	v13 =	vld [tilespmem:s30+$0x13FC0]  }
0x273: {  	v14 =	vld [tilespmem:s30+$0x13FD0]  }
0x274: {  	[tilespmem:s30+$0xDBF0] =	vst.add.f32.msk $0xffff, v0  }
0x275: {  	v0 =	vld [tilespmem:s30+$0x13FE0]  }
0x276: {  	[tilespmem:s30+$0xDB00] =	vst.add.f32.msk $0xffff, v1  }
0x277: {  	[tilespmem:s30+$0xDB10] =	vst.add.f32.msk $0xffff, v2  }
0x278: {  	[tilespmem:s30+$0xDB20] =	vst.add.f32.msk $0xffff, v3  }
0x279: {  	[tilespmem:s30+$0xDB30] =	vst.add.f32.msk $0xffff, v4  }
0x27a: {  	[tilespmem:s30+$0xDB40] =	vst.add.f32.msk $0xffff, v5  }
0x27b: {  	[tilespmem:s30+$0xDB50] =	vst.add.f32.msk $0xffff, v6  }
0x27c: {  	[tilespmem:s30+$0xDB60] =	vst.add.f32.msk $0xffff, v7  }
0x27d: {  	[tilespmem:s30+$0xDB70] =	vst.add.f32.msk $0xffff, v8  }
0x27e: {  	[tilespmem:s30+$0xDB80] =	vst.add.f32.msk $0xffff, v9  }
0x27f: {  	[tilespmem:s30+$0xDB90] =	vst.add.f32.msk $0xffff, v10  }
0x280: {  	[tilespmem:s30+$0xDBA0] =	vst.add.f32.msk $0xffff, v11  }
0x281: {  	[tilespmem:s30+$0xDBB0] =	vst.add.f32.msk $0xffff, v12  }
0x282: {  	[tilespmem:s30+$0xDBC0] =	vst.add.f32.msk $0xffff, v13  }
0x283: {  	s31 =	simm.s32 $0x400;
	s3 =	simm.s32 $0x0;
	[tilespmem:s30+$0xDBD0] =	vst.add.f32.msk $0xffff, v14  }
.LBB2_17:
0x284: {  	s3 =	sadd.s32 $0x2, s3;
	[tilespmem:s30+$0xDBE0] =	vst.add.f32.msk $0xffff, v0;
	s30 =	sshra.s32 s31, $0x2  }
0x285: {  	v0 =	vld [tilespmem:s30+$0x13FF0];
	p0 =	slt.u32 s3, $0x26  }
0x286: {  	v1 =	vld [tilespmem:s30+$0x13F00]  }
0x287: {  	v2 =	vld [tilespmem:s30+$0x13F10]  }
0x288: {  	v3 =	vld [tilespmem:s30+$0x13F20]  }
0x289: {  	v4 =	vld [tilespmem:s30+$0x13F30]  }
0x28a: {  	[tilespmem:s30+$0xDBF0] =	vst.add.f32.msk $0xffff, v0  }
0x28b: {  	v5 =	vld [tilespmem:s30+$0x13F40]  }
0x28c: {  	v6 =	vld [tilespmem:s30+$0x13F50]  }
0x28d: {  	v7 =	vld [tilespmem:s30+$0x13F60]  }
0x28e: {  	v8 =	vld [tilespmem:s30+$0x13F70]  }
0x28f: {  	v9 =	vld [tilespmem:s30+$0x13F80]  }
0x290: {  	v10 =	vld [tilespmem:s30+$0x13F90]  }
0x291: {  	v11 =	vld [tilespmem:s30+$0x13FA0]  }
0x292: {  	v12 =	vld [tilespmem:s30+$0x13FB0]  }
0x293: {  	v13 =	vld [tilespmem:s30+$0x13FC0]  }
0x294: {  	v14 =	vld [tilespmem:s30+$0x13FD0]  }
0x295: {  	v0 =	vld [tilespmem:s30+$0x13FE0]  }
0x296: {  	[tilespmem:s30+$0xDB00] =	vst.add.f32.msk $0xffff, v1  }
0x297: {  	[tilespmem:s30+$0xDB10] =	vst.add.f32.msk $0xffff, v2  }
0x298: {  	[tilespmem:s30+$0xDB20] =	vst.add.f32.msk $0xffff, v3  }
0x299: {  	[tilespmem:s30+$0xDB30] =	vst.add.f32.msk $0xffff, v4  }
0x29a: {  	[tilespmem:s30+$0xDB40] =	vst.add.f32.msk $0xffff, v5  }
0x29b: {  	[tilespmem:s30+$0xDB50] =	vst.add.f32.msk $0xffff, v6  }
0x29c: {  	[tilespmem:s30+$0xDB60] =	vst.add.f32.msk $0xffff, v7  }
0x29d: {  	[tilespmem:s30+$0xDB70] =	vst.add.f32.msk $0xffff, v8  }
0x29e: {  	[tilespmem:s30+$0xDB80] =	vst.add.f32.msk $0xffff, v9  }
.Ltmp7:
0x29f: {  	[tilespmem:s30+$0xDB90] =	vst.add.f32.msk $0xffff, v10;
	(pc) =	sbr.rel @p0 .LBB2_17-.Ltmp7, $4  }
0x2a0: {  	[tilespmem:s30+$0xDBA0] =	vst.add.f32.msk $0xffff, v11  }
0x2a1: {  	[tilespmem:s30+$0xDBB0] =	vst.add.f32.msk $0xffff, v12  }
0x2a2: {  	[tilespmem:s30+$0xDBC0] =	vst.add.f32.msk $0xffff, v13  }
0x2a3: {  	s31 =	sadd.s32 $0x400, s31;
	[tilespmem:s30+$0xDBD0] =	vst.add.f32.msk $0xffff, v14  }
0x2a4: {  	[tilespmem:s30+$0xDBE0] =	vst.add.f32.msk $0xffff, v0;
	s30 =	simm.s32 $0xB  }
0x2a5: {  	_ =	swait.ge [sflag:s30], $0x1400  }
0x2a6: {  	s3 =	rddreg [dreg:$0x4]  }
0x2a7: {  	s3 =	sadd.s32 s3, s6  }
0x2a8: {  	[sflag:s30] =	ssyncset.done $0x0;
	s3 =	sshll.u32 s3, $0x4  }
0x2a9: {  	[sflag:s30] =	ssyncadd.s32 $0xFFFFEC00;
	s3 =	sadd.s32 s2, s3  }
0x2aa: {  	[hbm:s3], [sflag:s8] =	dma.local [spmem:s22], $0x280  }
0x2ab: {  	s30 =	simm.s32 $0xB300;
	s3 =	sadd.s32 $0x64C8, s6  }
0x2ac: {  	[tilespmem:s30], [sflag:$0x1] =	stream.indirect.gather [hbm4b:s5+s1], $0x80, s3, s1, $0xb8;
	[tilespmem:$0x17B00] =	vst v63  }
0x2ad: {  	s3 =	sadd.s32 $0x8C48, s6;
	s30 =	simm.s32 $0x11700  }
0x2ae: {  	[tilespmem:s30], [sflag:$0x6] =	stream.indirect.gather [hbm4b:s5+s1], $0x80, s3, s1, $0xb8;
	[tilespmem:$0x17B00] =	vst v63  }
0x2af: {  	_ =	swait.ge [sflag:s28], $0x280  }
0x2b0: {  	[sflag:s28] =	ssyncset.done $0x0  }
0x2b1: {  	s30 =	simm.s32 $0xDB00;
	s3 =	rddreg [dreg:$0xa];
	[sflag:s28] =	ssyncadd.s32 $0xFFFFFD80  }
0x2b2: {  	[spmem:s3] =	stream.linear.scatter [tilespmem:s30], [sflag:$0xD], $0x1400, $0x38;
	[tilespmem:$0x17B00] =	vst v63  }
0x2b3: {  	s3 =	simm.s32 $0x4  }
0x2b4: {  	_ =	swait.ge [sflag:s3], $0x1400  }
0x2b5: {  	[sflag:s3] =	ssyncset.done $0x0  }
0x2b6: {  	[sflag:s3] =	ssyncadd.s32 $0xFFFFEC00;
	s3 =	simm.s32 $0x9  }
0x2b7: {  	_ =	swait.ge [sflag:s3], $0x1400  }
0x2b8: {  	[sflag:s3] =	ssyncset.done $0x0  }
0x2b9: {  	s30 =	simm.s32 $0x0;
	[sflag:s3] =	ssyncadd.s32 $0xFFFFEC00  }
0x2ba: {  	v0 =	vld [tilespmem:s30+$0x153F0]  }
0x2bb: {  	v1 =	vld [tilespmem:s30+$0x15300]  }
0x2bc: {  	v2 =	vld [tilespmem:s30+$0x15310]  }
0x2bd: {  	v3 =	vld [tilespmem:s30+$0x15320]  }
0x2be: {  	v4 =	vld [tilespmem:s30+$0x15330]  }
0x2bf: {  	v5 =	vld [tilespmem:s30+$0x15340]  }
0x2c0: {  	v6 =	vld [tilespmem:s30+$0x15350]  }
0x2c1: {  	v7 =	vld [tilespmem:s30+$0x15360]  }
0x2c2: {  	v8 =	vld [tilespmem:s30+$0x15370]  }
0x2c3: {  	v9 =	vld [tilespmem:s30+$0x15380]  }
0x2c4: {  	v10 =	vld [tilespmem:s30+$0x15390]  }
0x2c5: {  	v11 =	vld [tilespmem:s30+$0x153A0]  }
0x2c6: {  	v12 =	vld [tilespmem:s30+$0x153B0]  }
0x2c7: {  	v13 =	vld [tilespmem:s30+$0x153C0]  }
0x2c8: {  	v14 =	vld [tilespmem:s30+$0x153D0]  }
0x2c9: {  	[tilespmem:s30+$0xEFF0] =	vst.add.f32.msk $0xffff, v0  }
0x2ca: {  	v0 =	vld [tilespmem:s30+$0x153E0]  }
0x2cb: {  	[tilespmem:s30+$0xEF00] =	vst.add.f32.msk $0xffff, v1  }
0x2cc: {  	[tilespmem:s30+$0xEF10] =	vst.add.f32.msk $0xffff, v2  }
0x2cd: {  	[tilespmem:s30+$0xEF20] =	vst.add.f32.msk $0xffff, v3  }
0x2ce: {  	[tilespmem:s30+$0xEF30] =	vst.add.f32.msk $0xffff, v4  }
0x2cf: {  	[tilespmem:s30+$0xEF40] =	vst.add.f32.msk $0xffff, v5  }
0x2d0: {  	[tilespmem:s30+$0xEF50] =	vst.add.f32.msk $0xffff, v6  }
0x2d1: {  	[tilespmem:s30+$0xEF60] =	vst.add.f32.msk $0xffff, v7  }
0x2d2: {  	[tilespmem:s30+$0xEF70] =	vst.add.f32.msk $0xffff, v8  }
0x2d3: {  	[tilespmem:s30+$0xEF80] =	vst.add.f32.msk $0xffff, v9  }
0x2d4: {  	[tilespmem:s30+$0xEF90] =	vst.add.f32.msk $0xffff, v10  }
0x2d5: {  	[tilespmem:s30+$0xEFA0] =	vst.add.f32.msk $0xffff, v11  }
0x2d6: {  	[tilespmem:s30+$0xEFB0] =	vst.add.f32.msk $0xffff, v12  }
0x2d7: {  	[tilespmem:s30+$0xEFC0] =	vst.add.f32.msk $0xffff, v13  }
0x2d8: {  	s31 =	simm.s32 $0x400;
	s3 =	simm.s32 $0x0;
	[tilespmem:s30+$0xEFD0] =	vst.add.f32.msk $0xffff, v14  }
.LBB2_19:
0x2d9: {  	s3 =	sadd.s32 $0x2, s3;
	[tilespmem:s30+$0xEFE0] =	vst.add.f32.msk $0xffff, v0;
	s30 =	sshra.s32 s31, $0x2  }
0x2da: {  	v0 =	vld [tilespmem:s30+$0x153F0];
	p0 =	slt.u32 s3, $0x26  }
0x2db: {  	v1 =	vld [tilespmem:s30+$0x15300]  }
0x2dc: {  	v2 =	vld [tilespmem:s30+$0x15310]  }
0x2dd: {  	v3 =	vld [tilespmem:s30+$0x15320]  }
0x2de: {  	v4 =	vld [tilespmem:s30+$0x15330]  }
0x2df: {  	[tilespmem:s30+$0xEFF0] =	vst.add.f32.msk $0xffff, v0  }
0x2e0: {  	v5 =	vld [tilespmem:s30+$0x15340]  }
0x2e1: {  	v6 =	vld [tilespmem:s30+$0x15350]  }
0x2e2: {  	v7 =	vld [tilespmem:s30+$0x15360]  }
0x2e3: {  	v8 =	vld [tilespmem:s30+$0x15370]  }
0x2e4: {  	v9 =	vld [tilespmem:s30+$0x15380]  }
0x2e5: {  	v10 =	vld [tilespmem:s30+$0x15390]  }
0x2e6: {  	v11 =	vld [tilespmem:s30+$0x153A0]  }
0x2e7: {  	v12 =	vld [tilespmem:s30+$0x153B0]  }
0x2e8: {  	v13 =	vld [tilespmem:s30+$0x153C0]  }
0x2e9: {  	v14 =	vld [tilespmem:s30+$0x153D0]  }
0x2ea: {  	v0 =	vld [tilespmem:s30+$0x153E0]  }
0x2eb: {  	[tilespmem:s30+$0xEF00] =	vst.add.f32.msk $0xffff, v1  }
0x2ec: {  	[tilespmem:s30+$0xEF10] =	vst.add.f32.msk $0xffff, v2  }
0x2ed: {  	[tilespmem:s30+$0xEF20] =	vst.add.f32.msk $0xffff, v3  }
0x2ee: {  	[tilespmem:s30+$0xEF30] =	vst.add.f32.msk $0xffff, v4  }
0x2ef: {  	[tilespmem:s30+$0xEF40] =	vst.add.f32.msk $0xffff, v5  }
0x2f0: {  	[tilespmem:s30+$0xEF50] =	vst.add.f32.msk $0xffff, v6  }
0x2f1: {  	[tilespmem:s30+$0xEF60] =	vst.add.f32.msk $0xffff, v7  }
0x2f2: {  	[tilespmem:s30+$0xEF70] =	vst.add.f32.msk $0xffff, v8  }
0x2f3: {  	[tilespmem:s30+$0xEF80] =	vst.add.f32.msk $0xffff, v9  }
.Ltmp8:
0x2f4: {  	[tilespmem:s30+$0xEF90] =	vst.add.f32.msk $0xffff, v10;
	(pc) =	sbr.rel @p0 .LBB2_19-.Ltmp8, $4  }
0x2f5: {  	[tilespmem:s30+$0xEFA0] =	vst.add.f32.msk $0xffff, v11  }
0x2f6: {  	[tilespmem:s30+$0xEFB0] =	vst.add.f32.msk $0xffff, v12  }
0x2f7: {  	[tilespmem:s30+$0xEFC0] =	vst.add.f32.msk $0xffff, v13  }
0x2f8: {  	s31 =	sadd.s32 $0x400, s31;
	[tilespmem:s30+$0xEFD0] =	vst.add.f32.msk $0xffff, v14  }
0x2f9: {  	[tilespmem:s30+$0xEFE0] =	vst.add.f32.msk $0xffff, v0;
	s30 =	simm.s32 $0xC  }
0x2fa: {  	_ =	swait.ge [sflag:s30], $0x1400  }
0x2fb: {  	s3 =	rddreg [dreg:$0x17]  }
0x2fc: {  	s3 =	sadd.s32 s6, s3  }
0x2fd: {  	[sflag:s30] =	ssyncset.done $0x0;
	s3 =	sshll.u32 s3, $0x4  }
0x2fe: {  	[sflag:s30] =	ssyncadd.s32 $0xFFFFEC00;
	s3 =	sadd.s32 s2, s3  }
0x2ff: {  	[hbm:s3], [sflag:s18] =	dma.local [spmem:s11], $0x280  }
0x300: {  	s30 =	simm.s32 $0xC700;
	s3 =	sadd.s32 $0x64F0, s6  }
0x301: {  	[tilespmem:s30], [sflag:$0x2] =	stream.indirect.gather [hbm4b:s5+s1], $0x80, s3, s1, $0xb8;
	[tilespmem:$0x17B00] =	vst v63  }
0x302: {  	s3 =	sadd.s32 $0x8C70, s6;
	s30 =	simm.s32 $0x12B00  }
0x303: {  	[tilespmem:s30], [sflag:$0x7] =	stream.indirect.gather [hbm4b:s5+s1], $0x80, s3, s1, $0xb8;
	[tilespmem:$0x17B00] =	vst v63  }
0x304: {  	_ =	swait.ge [sflag:s0], $0x280  }
0x305: {  	[sflag:s0] =	ssyncset.done $0x0  }
0x306: {  	s3 =	simm.s32 $0xEF00;
	[sflag:s0] =	ssyncadd.s32 $0xFFFFFD80  }
0x307: {  	[spmem:s13] =	stream.linear.scatter [tilespmem:s3], [sflag:$0xE], $0x1400, $0x38;
	[tilespmem:$0x17B00] =	vst v63  }
0x308: {  	_ =	swait.ge [sflag:s10], $0x1400  }
0x309: {  	[sflag:s10] =	ssyncset.done $0x0  }
0x30a: {  	[sflag:s10] =	ssyncadd.s32 $0xFFFFEC00  }
0x30b: {  	_ =	swait.ge [sflag:s19], $0x1400  }
0x30c: {  	[sflag:s19] =	ssyncset.done $0x0  }
0x30d: {  	s30 =	simm.s32 $0x0;
	[sflag:s19] =	ssyncadd.s32 $0xFFFFEC00  }
0x30e: {  	v0 =	vld [tilespmem:s30+$0x167F0]  }
0x30f: {  	v1 =	vld [tilespmem:s30+$0x16700]  }
0x310: {  	v2 =	vld [tilespmem:s30+$0x16710]  }
0x311: {  	v3 =	vld [tilespmem:s30+$0x16720]  }
0x312: {  	v4 =	vld [tilespmem:s30+$0x16730]  }
0x313: {  	v5 =	vld [tilespmem:s30+$0x16740]  }
0x314: {  	v6 =	vld [tilespmem:s30+$0x16750]  }
0x315: {  	v7 =	vld [tilespmem:s30+$0x16760]  }
0x316: {  	v8 =	vld [tilespmem:s30+$0x16770]  }
0x317: {  	v9 =	vld [tilespmem:s30+$0x16780]  }
0x318: {  	v10 =	vld [tilespmem:s30+$0x16790]  }
0x319: {  	v11 =	vld [tilespmem:s30+$0x167A0]  }
0x31a: {  	v12 =	vld [tilespmem:s30+$0x167B0]  }
0x31b: {  	v13 =	vld [tilespmem:s30+$0x167C0]  }
0x31c: {  	v14 =	vld [tilespmem:s30+$0x167D0]  }
0x31d: {  	[tilespmem:s30+$0x103F0] =	vst.add.f32.msk $0xffff, v0  }
0x31e: {  	v0 =	vld [tilespmem:s30+$0x167E0]  }
0x31f: {  	[tilespmem:s30+$0x10300] =	vst.add.f32.msk $0xffff, v1  }
0x320: {  	[tilespmem:s30+$0x10310] =	vst.add.f32.msk $0xffff, v2  }
0x321: {  	[tilespmem:s30+$0x10320] =	vst.add.f32.msk $0xffff, v3  }
0x322: {  	[tilespmem:s30+$0x10330] =	vst.add.f32.msk $0xffff, v4  }
0x323: {  	[tilespmem:s30+$0x10340] =	vst.add.f32.msk $0xffff, v5  }
0x324: {  	[tilespmem:s30+$0x10350] =	vst.add.f32.msk $0xffff, v6  }
0x325: {  	[tilespmem:s30+$0x10360] =	vst.add.f32.msk $0xffff, v7  }
0x326: {  	[tilespmem:s30+$0x10370] =	vst.add.f32.msk $0xffff, v8  }
0x327: {  	[tilespmem:s30+$0x10380] =	vst.add.f32.msk $0xffff, v9  }
0x328: {  	[tilespmem:s30+$0x10390] =	vst.add.f32.msk $0xffff, v10  }
0x329: {  	[tilespmem:s30+$0x103A0] =	vst.add.f32.msk $0xffff, v11  }
0x32a: {  	[tilespmem:s30+$0x103B0] =	vst.add.f32.msk $0xffff, v12  }
0x32b: {  	[tilespmem:s30+$0x103C0] =	vst.add.f32.msk $0xffff, v13  }
0x32c: {  	s31 =	simm.s32 $0x400;
	s3 =	simm.s32 $0x0;
	[tilespmem:s30+$0x103D0] =	vst.add.f32.msk $0xffff, v14  }
.LBB2_21:
0x32d: {  	s3 =	sadd.s32 $0x2, s3;
	[tilespmem:s30+$0x103E0] =	vst.add.f32.msk $0xffff, v0;
	s30 =	sshra.s32 s31, $0x2  }
0x32e: {  	v0 =	vld [tilespmem:s30+$0x167F0];
	p0 =	slt.u32 s3, $0x26  }
0x32f: {  	v1 =	vld [tilespmem:s30+$0x16700]  }
0x330: {  	v2 =	vld [tilespmem:s30+$0x16710]  }
0x331: {  	v3 =	vld [tilespmem:s30+$0x16720]  }
0x332: {  	v4 =	vld [tilespmem:s30+$0x16730]  }
0x333: {  	[tilespmem:s30+$0x103F0] =	vst.add.f32.msk $0xffff, v0  }
0x334: {  	v5 =	vld [tilespmem:s30+$0x16740]  }
0x335: {  	v6 =	vld [tilespmem:s30+$0x16750]  }
0x336: {  	v7 =	vld [tilespmem:s30+$0x16760]  }
0x337: {  	v8 =	vld [tilespmem:s30+$0x16770]  }
0x338: {  	v9 =	vld [tilespmem:s30+$0x16780]  }
0x339: {  	v10 =	vld [tilespmem:s30+$0x16790]  }
0x33a: {  	v11 =	vld [tilespmem:s30+$0x167A0]  }
0x33b: {  	v12 =	vld [tilespmem:s30+$0x167B0]  }
0x33c: {  	v13 =	vld [tilespmem:s30+$0x167C0]  }
0x33d: {  	v14 =	vld [tilespmem:s30+$0x167D0]  }
0x33e: {  	v0 =	vld [tilespmem:s30+$0x167E0]  }
0x33f: {  	[tilespmem:s30+$0x10300] =	vst.add.f32.msk $0xffff, v1  }
0x340: {  	[tilespmem:s30+$0x10310] =	vst.add.f32.msk $0xffff, v2  }
0x341: {  	[tilespmem:s30+$0x10320] =	vst.add.f32.msk $0xffff, v3  }
0x342: {  	[tilespmem:s30+$0x10330] =	vst.add.f32.msk $0xffff, v4  }
0x343: {  	[tilespmem:s30+$0x10340] =	vst.add.f32.msk $0xffff, v5  }
0x344: {  	[tilespmem:s30+$0x10350] =	vst.add.f32.msk $0xffff, v6  }
0x345: {  	[tilespmem:s30+$0x10360] =	vst.add.f32.msk $0xffff, v7  }
0x346: {  	[tilespmem:s30+$0x10370] =	vst.add.f32.msk $0xffff, v8  }
0x347: {  	[tilespmem:s30+$0x10380] =	vst.add.f32.msk $0xffff, v9  }
.Ltmp9:
0x348: {  	[tilespmem:s30+$0x10390] =	vst.add.f32.msk $0xffff, v10;
	(pc) =	sbr.rel @p0 .LBB2_21-.Ltmp9, $4  }
0x349: {  	[tilespmem:s30+$0x103A0] =	vst.add.f32.msk $0xffff, v11  }
0x34a: {  	[tilespmem:s30+$0x103B0] =	vst.add.f32.msk $0xffff, v12  }
0x34b: {  	[tilespmem:s30+$0x103C0] =	vst.add.f32.msk $0xffff, v13  }
0x34c: {  	s31 =	sadd.s32 $0x400, s31;
	[tilespmem:s30+$0x103D0] =	vst.add.f32.msk $0xffff, v14  }
0x34d: {  	[tilespmem:s30+$0x103E0] =	vst.add.f32.msk $0xffff, v0  }
0x34e: {  	_ =	swait.ge [sflag:s23], $0x1400  }
0x34f: {  	s3 =	rddreg [dreg:$0x18]  }
0x350: {  	s31 =	sadd.s32 $0x6518, s6;
	s3 =	sadd.s32 s6, s3  }
0x351: {  	s30 =	simm.s32 $0xDB00;
	[sflag:s23] =	ssyncset.done $0x0;
	s3 =	sshll.u32 s3, $0x4  }
0x352: {  	s25 =	sadd.s32 $0x1, s25;
	[sflag:s23] =	ssyncadd.s32 $0xFFFFEC00;
	s3 =	sadd.s32 s2, s3  }
0x353: {  	[hbm:s3], [sflag:s9] =	dma.local [spmem:s7], $0x280  }
0x354: {  	[tilespmem:s30], [sflag:$0x3] =	stream.indirect.gather [hbm4b:s5+s1], $0x80, s31, s1, $0xb8;
	[tilespmem:$0x17B00] =	vst v63  }
0x355: {  	p0 =	sne.s32 s25, $0x31;
	s6 =	sadd.s32 $0x8C98, s6;
	s31 =	simm.s32 $0x13F00  }
0x356: {  	[tilespmem:s31], [sflag:$0x8] =	stream.indirect.gather [hbm4b:s5+s1], $0x80, s6, s1, $0xb8;
	[tilespmem:$0x17B00] =	vst v63  }
.Ltmp10:
0x357: {  	_ = 	snop;
	(pc) =	sbr.rel @p0 .LBB2_12-.Ltmp10, $4  }
0x358: {  	_ =	swait.ge [sflag:s29], $0x280  }
0x359: {  	[sflag:s29] =	ssyncset.done $0x0  }
0x35a: {  	s30 =	simm.s32 $0x10300;
	[sflag:s29] =	ssyncadd.s32 $0xFFFFFD80  }
0x35b: {  	[spmem:s15] =	stream.linear.scatter [tilespmem:s30], [sflag:$0xF], $0x1400, $0x38;
	[tilespmem:$0x17B00] =	vst v63  }
0x35c: {  	s3 =	simm.s32 $0x1  }
0x35d: {  	_ =	swait.ge [sflag:s3], $0x1400  }
0x35e: {  	[sflag:s3] =	ssyncset.done $0x0  }
0x35f: {  	s31 =	simm.s32 $0x6;
	[sflag:s3] =	ssyncadd.s32 $0xFFFFEC00  }
0x360: {  	_ =	swait.ge [sflag:s31], $0x1400  }
0x361: {  	[sflag:s31] =	ssyncset.done $0x0  }
0x362: {  	s6 =	simm.s32 $0x0;
	[sflag:s31] =	ssyncadd.s32 $0xFFFFEC00  }
0x363: {  	v0 =	vld [tilespmem:s6+$0x117F0]  }
0x364: {  	v1 =	vld [tilespmem:s6+$0x11700]  }
0x365: {  	v2 =	vld [tilespmem:s6+$0x11710]  }
0x366: {  	v3 =	vld [tilespmem:s6+$0x11720]  }
0x367: {  	v4 =	vld [tilespmem:s6+$0x11730]  }
0x368: {  	v5 =	vld [tilespmem:s6+$0x11740]  }
0x369: {  	v6 =	vld [tilespmem:s6+$0x11750]  }
0x36a: {  	v7 =	vld [tilespmem:s6+$0x11760]  }
0x36b: {  	v8 =	vld [tilespmem:s6+$0x11770]  }
0x36c: {  	v9 =	vld [tilespmem:s6+$0x11780]  }
0x36d: {  	v10 =	vld [tilespmem:s6+$0x11790]  }
0x36e: {  	v11 =	vld [tilespmem:s6+$0x117A0]  }
0x36f: {  	v12 =	vld [tilespmem:s6+$0x117B0]  }
0x370: {  	v13 =	vld [tilespmem:s6+$0x117C0]  }
0x371: {  	v14 =	vld [tilespmem:s6+$0x117D0]  }
0x372: {  	[tilespmem:s6+$0xB3F0] =	vst.add.f32.msk $0xffff, v0  }
0x373: {  	v0 =	vld [tilespmem:s6+$0x117E0]  }
0x374: {  	[tilespmem:s6+$0xB300] =	vst.add.f32.msk $0xffff, v1  }
0x375: {  	[tilespmem:s6+$0xB310] =	vst.add.f32.msk $0xffff, v2  }
0x376: {  	[tilespmem:s6+$0xB320] =	vst.add.f32.msk $0xffff, v3  }
0x377: {  	[tilespmem:s6+$0xB330] =	vst.add.f32.msk $0xffff, v4  }
0x378: {  	[tilespmem:s6+$0xB340] =	vst.add.f32.msk $0xffff, v5  }
0x379: {  	[tilespmem:s6+$0xB350] =	vst.add.f32.msk $0xffff, v6  }
0x37a: {  	[tilespmem:s6+$0xB360] =	vst.add.f32.msk $0xffff, v7  }
0x37b: {  	[tilespmem:s6+$0xB370] =	vst.add.f32.msk $0xffff, v8  }
0x37c: {  	[tilespmem:s6+$0xB380] =	vst.add.f32.msk $0xffff, v9  }
0x37d: {  	[tilespmem:s6+$0xB390] =	vst.add.f32.msk $0xffff, v10  }
0x37e: {  	[tilespmem:s6+$0xB3A0] =	vst.add.f32.msk $0xffff, v11  }
0x37f: {  	[tilespmem:s6+$0xB3B0] =	vst.add.f32.msk $0xffff, v12  }
0x380: {  	[tilespmem:s6+$0xB3C0] =	vst.add.f32.msk $0xffff, v13  }
0x381: {  	s24 =	simm.s32 $0x400;
	s3 =	simm.s32 $0x0;
	[tilespmem:s6+$0xB3D0] =	vst.add.f32.msk $0xffff, v14  }
.LBB2_24:
0x382: {  	s3 =	sadd.s32 $0x2, s3;
	[tilespmem:s6+$0xB3E0] =	vst.add.f32.msk $0xffff, v0;
	s6 =	sshra.s32 s24, $0x2  }
0x383: {  	v0 =	vld [tilespmem:s6+$0x117F0];
	p0 =	slt.u32 s3, $0x26  }
0x384: {  	v1 =	vld [tilespmem:s6+$0x11700]  }
0x385: {  	v2 =	vld [tilespmem:s6+$0x11710]  }
0x386: {  	v3 =	vld [tilespmem:s6+$0x11720]  }
0x387: {  	v4 =	vld [tilespmem:s6+$0x11730]  }
0x388: {  	[tilespmem:s6+$0xB3F0] =	vst.add.f32.msk $0xffff, v0  }
0x389: {  	v5 =	vld [tilespmem:s6+$0x11740]  }
0x38a: {  	v6 =	vld [tilespmem:s6+$0x11750]  }
0x38b: {  	v7 =	vld [tilespmem:s6+$0x11760]  }
0x38c: {  	v8 =	vld [tilespmem:s6+$0x11770]  }
0x38d: {  	v9 =	vld [tilespmem:s6+$0x11780]  }
0x38e: {  	v10 =	vld [tilespmem:s6+$0x11790]  }
0x38f: {  	v11 =	vld [tilespmem:s6+$0x117A0]  }
0x390: {  	v12 =	vld [tilespmem:s6+$0x117B0]  }
0x391: {  	v13 =	vld [tilespmem:s6+$0x117C0]  }
0x392: {  	v14 =	vld [tilespmem:s6+$0x117D0]  }
0x393: {  	v0 =	vld [tilespmem:s6+$0x117E0]  }
0x394: {  	[tilespmem:s6+$0xB300] =	vst.add.f32.msk $0xffff, v1  }
0x395: {  	[tilespmem:s6+$0xB310] =	vst.add.f32.msk $0xffff, v2  }
0x396: {  	[tilespmem:s6+$0xB320] =	vst.add.f32.msk $0xffff, v3  }
0x397: {  	[tilespmem:s6+$0xB330] =	vst.add.f32.msk $0xffff, v4  }
0x398: {  	[tilespmem:s6+$0xB340] =	vst.add.f32.msk $0xffff, v5  }
0x399: {  	[tilespmem:s6+$0xB350] =	vst.add.f32.msk $0xffff, v6  }
0x39a: {  	[tilespmem:s6+$0xB360] =	vst.add.f32.msk $0xffff, v7  }
0x39b: {  	[tilespmem:s6+$0xB370] =	vst.add.f32.msk $0xffff, v8  }
0x39c: {  	[tilespmem:s6+$0xB380] =	vst.add.f32.msk $0xffff, v9  }
.Ltmp11:
0x39d: {  	[tilespmem:s6+$0xB390] =	vst.add.f32.msk $0xffff, v10;
	(pc) =	sbr.rel @p0 .LBB2_24-.Ltmp11, $4  }
0x39e: {  	[tilespmem:s6+$0xB3A0] =	vst.add.f32.msk $0xffff, v11  }
0x39f: {  	[tilespmem:s6+$0xB3B0] =	vst.add.f32.msk $0xffff, v12  }
0x3a0: {  	[tilespmem:s6+$0xB3C0] =	vst.add.f32.msk $0xffff, v13  }
0x3a1: {  	s24 =	sadd.s32 $0x400, s24;
	[tilespmem:s6+$0xB3D0] =	vst.add.f32.msk $0xffff, v14  }
0x3a2: {  	[tilespmem:s6+$0xB3E0] =	vst.add.f32.msk $0xffff, v0  }
0x3a3: {  	_ =	swait.ge [sflag:s4], $0x1400  }
0x3a4: {  	s6 =	simm.s32 $0xEF00;
	[sflag:s4] =	ssyncset.done $0x0  }
0x3a5: {  	s24 =	simm.s32 $0x8AC0;
	s3 =	rddreg [dreg:$0xf];
	[sflag:s4] =	ssyncadd.s32 $0xFFFFEC00  }
0x3a6: {  	[hbm:s3], [sflag:s12] =	dma.local [spmem:s14], $0x280  }
0x3a7: {  	[tilespmem:s6], [sflag:$0x4] =	stream.indirect.gather [hbm4b:s5+s1], $0x80, s24, s1, $0xb8;
	[tilespmem:$0x17B00] =	vst v63  }
0x3a8: {  	s25 =	simm.s32 $0x15300;
	s31 =	simm.s32 $0xB240  }
0x3a9: {  	[tilespmem:s25], [sflag:$0x9] =	stream.indirect.gather [hbm4b:s5+s1], $0x80, s31, s1, $0xb8;
	[tilespmem:$0x17B00] =	vst v63  }
0x3aa: {  	_ =	swait.ge [sflag:s16], $0x280  }
0x3ab: {  	s24 =	simm.s32 $0xB300;
	[sflag:s16] =	ssyncset.done $0x0  }
0x3ac: {  	s25 =	simm.s32 $0x2;
	s6 =	rddreg [dreg:$0x6];
	[sflag:s16] =	ssyncadd.s32 $0xFFFFFD80  }
0x3ad: {  	[spmem:s6] =	stream.linear.scatter [tilespmem:s24], [sflag:$0xB], $0x1400, $0x38;
	[tilespmem:$0x17B00] =	vst v63  }
0x3ae: {  	_ =	swait.ge [sflag:s25], $0x1400  }
0x3af: {  	[sflag:s25] =	ssyncset.done $0x0  }
0x3b0: {  	s31 =	simm.s32 $0x7;
	[sflag:s25] =	ssyncadd.s32 $0xFFFFEC00  }
0x3b1: {  	_ =	swait.ge [sflag:s31], $0x1400  }
0x3b2: {  	[sflag:s31] =	ssyncset.done $0x0  }
0x3b3: {  	s6 =	simm.s32 $0x0;
	[sflag:s31] =	ssyncadd.s32 $0xFFFFEC00  }
0x3b4: {  	v0 =	vld [tilespmem:s6+$0x12BF0]  }
0x3b5: {  	v1 =	vld [tilespmem:s6+$0x12B00]  }
0x3b6: {  	v2 =	vld [tilespmem:s6+$0x12B10]  }
0x3b7: {  	v3 =	vld [tilespmem:s6+$0x12B20]  }
0x3b8: {  	v4 =	vld [tilespmem:s6+$0x12B30]  }
0x3b9: {  	v5 =	vld [tilespmem:s6+$0x12B40]  }
0x3ba: {  	v6 =	vld [tilespmem:s6+$0x12B50]  }
0x3bb: {  	v7 =	vld [tilespmem:s6+$0x12B60]  }
0x3bc: {  	v8 =	vld [tilespmem:s6+$0x12B70]  }
0x3bd: {  	v9 =	vld [tilespmem:s6+$0x12B80]  }
0x3be: {  	v10 =	vld [tilespmem:s6+$0x12B90]  }
0x3bf: {  	v11 =	vld [tilespmem:s6+$0x12BA0]  }
0x3c0: {  	v12 =	vld [tilespmem:s6+$0x12BB0]  }
0x3c1: {  	v13 =	vld [tilespmem:s6+$0x12BC0]  }
0x3c2: {  	v14 =	vld [tilespmem:s6+$0x12BD0]  }
0x3c3: {  	[tilespmem:s6+$0xC7F0] =	vst.add.f32.msk $0xffff, v0  }
0x3c4: {  	v0 =	vld [tilespmem:s6+$0x12BE0]  }
0x3c5: {  	[tilespmem:s6+$0xC700] =	vst.add.f32.msk $0xffff, v1  }
0x3c6: {  	[tilespmem:s6+$0xC710] =	vst.add.f32.msk $0xffff, v2  }
0x3c7: {  	[tilespmem:s6+$0xC720] =	vst.add.f32.msk $0xffff, v3  }
0x3c8: {  	[tilespmem:s6+$0xC730] =	vst.add.f32.msk $0xffff, v4  }
0x3c9: {  	[tilespmem:s6+$0xC740] =	vst.add.f32.msk $0xffff, v5  }
0x3ca: {  	[tilespmem:s6+$0xC750] =	vst.add.f32.msk $0xffff, v6  }
0x3cb: {  	[tilespmem:s6+$0xC760] =	vst.add.f32.msk $0xffff, v7  }
0x3cc: {  	[tilespmem:s6+$0xC770] =	vst.add.f32.msk $0xffff, v8  }
0x3cd: {  	[tilespmem:s6+$0xC780] =	vst.add.f32.msk $0xffff, v9  }
0x3ce: {  	[tilespmem:s6+$0xC790] =	vst.add.f32.msk $0xffff, v10  }
0x3cf: {  	[tilespmem:s6+$0xC7A0] =	vst.add.f32.msk $0xffff, v11  }
0x3d0: {  	[tilespmem:s6+$0xC7B0] =	vst.add.f32.msk $0xffff, v12  }
0x3d1: {  	[tilespmem:s6+$0xC7C0] =	vst.add.f32.msk $0xffff, v13  }
0x3d2: {  	s3 =	simm.s32 $0x0;
	s24 =	simm.s32 $0x400;
	[tilespmem:s6+$0xC7D0] =	vst.add.f32.msk $0xffff, v14  }
.LBB2_26:
0x3d3: {  	s3 =	sadd.s32 $0x2, s3;
	[tilespmem:s6+$0xC7E0] =	vst.add.f32.msk $0xffff, v0;
	s6 =	sshra.s32 s24, $0x2  }
0x3d4: {  	v0 =	vld [tilespmem:s6+$0x12BF0];
	p0 =	slt.u32 s3, $0x26  }
0x3d5: {  	v1 =	vld [tilespmem:s6+$0x12B00]  }
0x3d6: {  	v2 =	vld [tilespmem:s6+$0x12B10]  }
0x3d7: {  	v3 =	vld [tilespmem:s6+$0x12B20]  }
0x3d8: {  	v4 =	vld [tilespmem:s6+$0x12B30]  }
0x3d9: {  	[tilespmem:s6+$0xC7F0] =	vst.add.f32.msk $0xffff, v0  }
0x3da: {  	v5 =	vld [tilespmem:s6+$0x12B40]  }
0x3db: {  	v6 =	vld [tilespmem:s6+$0x12B50]  }
0x3dc: {  	v7 =	vld [tilespmem:s6+$0x12B60]  }
0x3dd: {  	v8 =	vld [tilespmem:s6+$0x12B70]  }
0x3de: {  	v9 =	vld [tilespmem:s6+$0x12B80]  }
0x3df: {  	v10 =	vld [tilespmem:s6+$0x12B90]  }
0x3e0: {  	v11 =	vld [tilespmem:s6+$0x12BA0]  }
0x3e1: {  	v12 =	vld [tilespmem:s6+$0x12BB0]  }
0x3e2: {  	v13 =	vld [tilespmem:s6+$0x12BC0]  }
0x3e3: {  	v14 =	vld [tilespmem:s6+$0x12BD0]  }
0x3e4: {  	v0 =	vld [tilespmem:s6+$0x12BE0]  }
0x3e5: {  	[tilespmem:s6+$0xC700] =	vst.add.f32.msk $0xffff, v1  }
0x3e6: {  	[tilespmem:s6+$0xC710] =	vst.add.f32.msk $0xffff, v2  }
0x3e7: {  	[tilespmem:s6+$0xC720] =	vst.add.f32.msk $0xffff, v3  }
0x3e8: {  	[tilespmem:s6+$0xC730] =	vst.add.f32.msk $0xffff, v4  }
0x3e9: {  	[tilespmem:s6+$0xC740] =	vst.add.f32.msk $0xffff, v5  }
0x3ea: {  	[tilespmem:s6+$0xC750] =	vst.add.f32.msk $0xffff, v6  }
0x3eb: {  	[tilespmem:s6+$0xC760] =	vst.add.f32.msk $0xffff, v7  }
0x3ec: {  	[tilespmem:s6+$0xC770] =	vst.add.f32.msk $0xffff, v8  }
0x3ed: {  	[tilespmem:s6+$0xC780] =	vst.add.f32.msk $0xffff, v9  }
.Ltmp12:
0x3ee: {  	[tilespmem:s6+$0xC790] =	vst.add.f32.msk $0xffff, v10;
	(pc) =	sbr.rel @p0 .LBB2_26-.Ltmp12, $4  }
0x3ef: {  	[tilespmem:s6+$0xC7A0] =	vst.add.f32.msk $0xffff, v11  }
0x3f0: {  	[tilespmem:s6+$0xC7B0] =	vst.add.f32.msk $0xffff, v12  }
0x3f1: {  	[tilespmem:s6+$0xC7C0] =	vst.add.f32.msk $0xffff, v13  }
0x3f2: {  	s24 =	sadd.s32 $0x400, s24;
	[tilespmem:s6+$0xC7D0] =	vst.add.f32.msk $0xffff, v14  }
0x3f3: {  	[tilespmem:s6+$0xC7E0] =	vst.add.f32.msk $0xffff, v0  }
0x3f4: {  	_ =	swait.ge [sflag:s17], $0x1400  }
0x3f5: {  	[sflag:s17] =	ssyncset.done $0x0  }
0x3f6: {  	s24 =	simm.s32 $0x8AE8;
	s3 =	rddreg [dreg:$0x10];
	[sflag:s17] =	ssyncadd.s32 $0xFFFFEC00  }
0x3f7: {  	[hbm:s3], [sflag:s20] =	dma.local [spmem:s21], $0x280  }
0x3f8: {  	[tilespmem:s30], [sflag:$0x5] =	stream.indirect.gather [hbm4b:s5+s1], $0x80, s24, s1, $0xb8;
	[tilespmem:$0x17B00] =	vst v63  }
0x3f9: {  	s25 =	simm.s32 $0x16700;
	s31 =	simm.s32 $0xB268  }
0x3fa: {  	[tilespmem:s25], [sflag:$0xA] =	stream.indirect.gather [hbm4b:s5+s1], $0x80, s31, s1, $0xb8;
	[tilespmem:$0x17B00] =	vst v63  }
0x3fb: {  	_ =	swait.ge [sflag:s26], $0x280  }
0x3fc: {  	s24 =	simm.s32 $0xC700;
	[sflag:s26] =	ssyncset.done $0x0  }
0x3fd: {  	s25 =	simm.s32 $0x3;
	s6 =	rddreg [dreg:$0x8];
	[sflag:s26] =	ssyncadd.s32 $0xFFFFFD80  }
0x3fe: {  	[spmem:s6] =	stream.linear.scatter [tilespmem:s24], [sflag:$0xC], $0x1400, $0x38;
	[tilespmem:$0x17B00] =	vst v63  }
0x3ff: {  	_ =	swait.ge [sflag:s25], $0x1400  }
0x400: {  	[sflag:s25] =	ssyncset.done $0x0  }
0x401: {  	s31 =	simm.s32 $0x8;
	[sflag:s25] =	ssyncadd.s32 $0xFFFFEC00  }
0x402: {  	_ =	swait.ge [sflag:s31], $0x1400  }
0x403: {  	[sflag:s31] =	ssyncset.done $0x0  }
0x404: {  	s6 =	simm.s32 $0x0;
	[sflag:s31] =	ssyncadd.s32 $0xFFFFEC00  }
0x405: {  	v0 =	vld [tilespmem:s6+$0x13FF0]  }
0x406: {  	v1 =	vld [tilespmem:s6+$0x13F00]  }
0x407: {  	v2 =	vld [tilespmem:s6+$0x13F10]  }
0x408: {  	v3 =	vld [tilespmem:s6+$0x13F20]  }
0x409: {  	v4 =	vld [tilespmem:s6+$0x13F30]  }
0x40a: {  	v5 =	vld [tilespmem:s6+$0x13F40]  }
0x40b: {  	v6 =	vld [tilespmem:s6+$0x13F50]  }
0x40c: {  	v7 =	vld [tilespmem:s6+$0x13F60]  }
0x40d: {  	v8 =	vld [tilespmem:s6+$0x13F70]  }
0x40e: {  	v9 =	vld [tilespmem:s6+$0x13F80]  }
0x40f: {  	v10 =	vld [tilespmem:s6+$0x13F90]  }
0x410: {  	v11 =	vld [tilespmem:s6+$0x13FA0]  }
0x411: {  	v12 =	vld [tilespmem:s6+$0x13FB0]  }
0x412: {  	v13 =	vld [tilespmem:s6+$0x13FC0]  }
0x413: {  	v14 =	vld [tilespmem:s6+$0x13FD0]  }
0x414: {  	[tilespmem:s6+$0xDBF0] =	vst.add.f32.msk $0xffff, v0  }
0x415: {  	v0 =	vld [tilespmem:s6+$0x13FE0]  }
0x416: {  	[tilespmem:s6+$0xDB00] =	vst.add.f32.msk $0xffff, v1  }
0x417: {  	[tilespmem:s6+$0xDB10] =	vst.add.f32.msk $0xffff, v2  }
0x418: {  	[tilespmem:s6+$0xDB20] =	vst.add.f32.msk $0xffff, v3  }
0x419: {  	[tilespmem:s6+$0xDB30] =	vst.add.f32.msk $0xffff, v4  }
0x41a: {  	[tilespmem:s6+$0xDB40] =	vst.add.f32.msk $0xffff, v5  }
0x41b: {  	[tilespmem:s6+$0xDB50] =	vst.add.f32.msk $0xffff, v6  }
0x41c: {  	[tilespmem:s6+$0xDB60] =	vst.add.f32.msk $0xffff, v7  }
0x41d: {  	[tilespmem:s6+$0xDB70] =	vst.add.f32.msk $0xffff, v8  }
0x41e: {  	[tilespmem:s6+$0xDB80] =	vst.add.f32.msk $0xffff, v9  }
0x41f: {  	[tilespmem:s6+$0xDB90] =	vst.add.f32.msk $0xffff, v10  }
0x420: {  	[tilespmem:s6+$0xDBA0] =	vst.add.f32.msk $0xffff, v11  }
0x421: {  	[tilespmem:s6+$0xDBB0] =	vst.add.f32.msk $0xffff, v12  }
0x422: {  	[tilespmem:s6+$0xDBC0] =	vst.add.f32.msk $0xffff, v13  }
0x423: {  	s3 =	simm.s32 $0x0;
	s24 =	simm.s32 $0x400;
	[tilespmem:s6+$0xDBD0] =	vst.add.f32.msk $0xffff, v14  }
.LBB2_28:
0x424: {  	s3 =	sadd.s32 $0x2, s3;
	[tilespmem:s6+$0xDBE0] =	vst.add.f32.msk $0xffff, v0;
	s6 =	sshra.s32 s24, $0x2  }
0x425: {  	v0 =	vld [tilespmem:s6+$0x13FF0];
	p0 =	slt.u32 s3, $0x26  }
0x426: {  	v1 =	vld [tilespmem:s6+$0x13F00]  }
0x427: {  	v2 =	vld [tilespmem:s6+$0x13F10]  }
0x428: {  	v3 =	vld [tilespmem:s6+$0x13F20]  }
0x429: {  	v4 =	vld [tilespmem:s6+$0x13F30]  }
0x42a: {  	[tilespmem:s6+$0xDBF0] =	vst.add.f32.msk $0xffff, v0  }
0x42b: {  	v5 =	vld [tilespmem:s6+$0x13F40]  }
0x42c: {  	v6 =	vld [tilespmem:s6+$0x13F50]  }
0x42d: {  	v7 =	vld [tilespmem:s6+$0x13F60]  }
0x42e: {  	v8 =	vld [tilespmem:s6+$0x13F70]  }
0x42f: {  	v9 =	vld [tilespmem:s6+$0x13F80]  }
0x430: {  	v10 =	vld [tilespmem:s6+$0x13F90]  }
0x431: {  	v11 =	vld [tilespmem:s6+$0x13FA0]  }
0x432: {  	v12 =	vld [tilespmem:s6+$0x13FB0]  }
0x433: {  	v13 =	vld [tilespmem:s6+$0x13FC0]  }
0x434: {  	v14 =	vld [tilespmem:s6+$0x13FD0]  }
0x435: {  	v0 =	vld [tilespmem:s6+$0x13FE0]  }
0x436: {  	[tilespmem:s6+$0xDB00] =	vst.add.f32.msk $0xffff, v1  }
0x437: {  	[tilespmem:s6+$0xDB10] =	vst.add.f32.msk $0xffff, v2  }
0x438: {  	[tilespmem:s6+$0xDB20] =	vst.add.f32.msk $0xffff, v3  }
0x439: {  	[tilespmem:s6+$0xDB30] =	vst.add.f32.msk $0xffff, v4  }
0x43a: {  	[tilespmem:s6+$0xDB40] =	vst.add.f32.msk $0xffff, v5  }
0x43b: {  	[tilespmem:s6+$0xDB50] =	vst.add.f32.msk $0xffff, v6  }
0x43c: {  	[tilespmem:s6+$0xDB60] =	vst.add.f32.msk $0xffff, v7  }
0x43d: {  	[tilespmem:s6+$0xDB70] =	vst.add.f32.msk $0xffff, v8  }
0x43e: {  	[tilespmem:s6+$0xDB80] =	vst.add.f32.msk $0xffff, v9  }
.Ltmp13:
0x43f: {  	[tilespmem:s6+$0xDB90] =	vst.add.f32.msk $0xffff, v10;
	(pc) =	sbr.rel @p0 .LBB2_28-.Ltmp13, $4  }
0x440: {  	[tilespmem:s6+$0xDBA0] =	vst.add.f32.msk $0xffff, v11  }
0x441: {  	[tilespmem:s6+$0xDBB0] =	vst.add.f32.msk $0xffff, v12  }
0x442: {  	[tilespmem:s6+$0xDBC0] =	vst.add.f32.msk $0xffff, v13  }
0x443: {  	s24 =	sadd.s32 $0x400, s24;
	[tilespmem:s6+$0xDBD0] =	vst.add.f32.msk $0xffff, v14  }
0x444: {  	[tilespmem:s6+$0xDBE0] =	vst.add.f32.msk $0xffff, v0;
	s3 =	simm.s32 $0xB  }
0x445: {  	_ =	swait.ge [sflag:s3], $0x1400  }
0x446: {  	[sflag:s3] =	ssyncset.done $0x0  }
0x447: {  	s6 =	rddreg [dreg:$0x11];
	[sflag:s3] =	ssyncadd.s32 $0xFFFFEC00  }
0x448: {  	[hbm:s6], [sflag:s8] =	dma.local [spmem:s22], $0x280  }
0x449: {  	_ =	swait.ge [sflag:s28], $0x280  }
0x44a: {  	s24 =	simm.s32 $0xDB00;
	[sflag:s28] =	ssyncset.done $0x0  }
0x44b: {  	s25 =	simm.s32 $0x4;
	s22 =	rddreg [dreg:$0xa];
	[sflag:s28] =	ssyncadd.s32 $0xFFFFFD80  }
0x44c: {  	[spmem:s22] =	stream.linear.scatter [tilespmem:s24], [sflag:$0xD], $0x1400, $0x38;
	[tilespmem:$0x17B00] =	vst v63  }
0x44d: {  	_ =	swait.ge [sflag:s25], $0x1400  }
0x44e: {  	[sflag:s25] =	ssyncset.done $0x0  }
0x44f: {  	s31 =	simm.s32 $0x9;
	[sflag:s25] =	ssyncadd.s32 $0xFFFFEC00  }
0x450: {  	_ =	swait.ge [sflag:s31], $0x1400  }
0x451: {  	[sflag:s31] =	ssyncset.done $0x0  }
0x452: {  	s6 =	simm.s32 $0x0;
	[sflag:s31] =	ssyncadd.s32 $0xFFFFEC00  }
0x453: {  	v0 =	vld [tilespmem:s6+$0x153F0]  }
0x454: {  	v1 =	vld [tilespmem:s6+$0x15300]  }
0x455: {  	v2 =	vld [tilespmem:s6+$0x15310]  }
0x456: {  	v3 =	vld [tilespmem:s6+$0x15320]  }
0x457: {  	v4 =	vld [tilespmem:s6+$0x15330]  }
0x458: {  	v5 =	vld [tilespmem:s6+$0x15340]  }
0x459: {  	v6 =	vld [tilespmem:s6+$0x15350]  }
0x45a: {  	v7 =	vld [tilespmem:s6+$0x15360]  }
0x45b: {  	v8 =	vld [tilespmem:s6+$0x15370]  }
0x45c: {  	v9 =	vld [tilespmem:s6+$0x15380]  }
0x45d: {  	v10 =	vld [tilespmem:s6+$0x15390]  }
0x45e: {  	v11 =	vld [tilespmem:s6+$0x153A0]  }
0x45f: {  	v12 =	vld [tilespmem:s6+$0x153B0]  }
0x460: {  	v13 =	vld [tilespmem:s6+$0x153C0]  }
0x461: {  	v14 =	vld [tilespmem:s6+$0x153D0]  }
0x462: {  	[tilespmem:s6+$0xEFF0] =	vst.add.f32.msk $0xffff, v0  }
0x463: {  	v0 =	vld [tilespmem:s6+$0x153E0]  }
0x464: {  	[tilespmem:s6+$0xEF00] =	vst.add.f32.msk $0xffff, v1  }
0x465: {  	[tilespmem:s6+$0xEF10] =	vst.add.f32.msk $0xffff, v2  }
0x466: {  	[tilespmem:s6+$0xEF20] =	vst.add.f32.msk $0xffff, v3  }
0x467: {  	[tilespmem:s6+$0xEF30] =	vst.add.f32.msk $0xffff, v4  }
0x468: {  	[tilespmem:s6+$0xEF40] =	vst.add.f32.msk $0xffff, v5  }
0x469: {  	[tilespmem:s6+$0xEF50] =	vst.add.f32.msk $0xffff, v6  }
0x46a: {  	[tilespmem:s6+$0xEF60] =	vst.add.f32.msk $0xffff, v7  }
0x46b: {  	[tilespmem:s6+$0xEF70] =	vst.add.f32.msk $0xffff, v8  }
0x46c: {  	[tilespmem:s6+$0xEF80] =	vst.add.f32.msk $0xffff, v9  }
0x46d: {  	[tilespmem:s6+$0xEF90] =	vst.add.f32.msk $0xffff, v10  }
0x46e: {  	[tilespmem:s6+$0xEFA0] =	vst.add.f32.msk $0xffff, v11  }
0x46f: {  	[tilespmem:s6+$0xEFB0] =	vst.add.f32.msk $0xffff, v12  }
0x470: {  	[tilespmem:s6+$0xEFC0] =	vst.add.f32.msk $0xffff, v13  }
0x471: {  	s3 =	simm.s32 $0x0;
	s8 =	simm.s32 $0x400;
	[tilespmem:s6+$0xEFD0] =	vst.add.f32.msk $0xffff, v14  }
.LBB2_30:
0x472: {  	s3 =	sadd.s32 $0x2, s3;
	[tilespmem:s6+$0xEFE0] =	vst.add.f32.msk $0xffff, v0;
	s6 =	sshra.s32 s8, $0x2  }
0x473: {  	v0 =	vld [tilespmem:s6+$0x153F0];
	p0 =	slt.u32 s3, $0x26  }
0x474: {  	v1 =	vld [tilespmem:s6+$0x15300]  }
0x475: {  	v2 =	vld [tilespmem:s6+$0x15310]  }
0x476: {  	v3 =	vld [tilespmem:s6+$0x15320]  }
0x477: {  	v4 =	vld [tilespmem:s6+$0x15330]  }
0x478: {  	[tilespmem:s6+$0xEFF0] =	vst.add.f32.msk $0xffff, v0  }
0x479: {  	v5 =	vld [tilespmem:s6+$0x15340]  }
0x47a: {  	v6 =	vld [tilespmem:s6+$0x15350]  }
0x47b: {  	v7 =	vld [tilespmem:s6+$0x15360]  }
0x47c: {  	v8 =	vld [tilespmem:s6+$0x15370]  }
0x47d: {  	v9 =	vld [tilespmem:s6+$0x15380]  }
0x47e: {  	v10 =	vld [tilespmem:s6+$0x15390]  }
0x47f: {  	v11 =	vld [tilespmem:s6+$0x153A0]  }
0x480: {  	v12 =	vld [tilespmem:s6+$0x153B0]  }
0x481: {  	v13 =	vld [tilespmem:s6+$0x153C0]  }
0x482: {  	v14 =	vld [tilespmem:s6+$0x153D0]  }
0x483: {  	v0 =	vld [tilespmem:s6+$0x153E0]  }
0x484: {  	[tilespmem:s6+$0xEF00] =	vst.add.f32.msk $0xffff, v1  }
0x485: {  	[tilespmem:s6+$0xEF10] =	vst.add.f32.msk $0xffff, v2  }
0x486: {  	[tilespmem:s6+$0xEF20] =	vst.add.f32.msk $0xffff, v3  }
0x487: {  	[tilespmem:s6+$0xEF30] =	vst.add.f32.msk $0xffff, v4  }
0x488: {  	[tilespmem:s6+$0xEF40] =	vst.add.f32.msk $0xffff, v5  }
0x489: {  	[tilespmem:s6+$0xEF50] =	vst.add.f32.msk $0xffff, v6  }
0x48a: {  	[tilespmem:s6+$0xEF60] =	vst.add.f32.msk $0xffff, v7  }
0x48b: {  	[tilespmem:s6+$0xEF70] =	vst.add.f32.msk $0xffff, v8  }
0x48c: {  	[tilespmem:s6+$0xEF80] =	vst.add.f32.msk $0xffff, v9  }
.Ltmp14:
0x48d: {  	[tilespmem:s6+$0xEF90] =	vst.add.f32.msk $0xffff, v10;
	(pc) =	sbr.rel @p0 .LBB2_30-.Ltmp14, $4  }
0x48e: {  	[tilespmem:s6+$0xEFA0] =	vst.add.f32.msk $0xffff, v11  }
0x48f: {  	[tilespmem:s6+$0xEFB0] =	vst.add.f32.msk $0xffff, v12  }
0x490: {  	[tilespmem:s6+$0xEFC0] =	vst.add.f32.msk $0xffff, v13  }
0x491: {  	s8 =	sadd.s32 $0x400, s8;
	[tilespmem:s6+$0xEFD0] =	vst.add.f32.msk $0xffff, v14  }
0x492: {  	[tilespmem:s6+$0xEFE0] =	vst.add.f32.msk $0xffff, v0;
	s3 =	simm.s32 $0xC  }
0x493: {  	_ =	swait.ge [sflag:s3], $0x1400  }
0x494: {  	[sflag:s3] =	ssyncset.done $0x0  }
0x495: {  	s25 =	rddreg [dreg:$0x12];
	[sflag:s3] =	ssyncadd.s32 $0xFFFFEC00  }
0x496: {  	[hbm:s25], [sflag:s18] =	dma.local [spmem:s11], $0x280  }
0x497: {  	_ =	swait.ge [sflag:s0], $0x280  }
0x498: {  	[sflag:s0] =	ssyncset.done $0x0  }
0x499: {  	s31 =	simm.s32 $0xEF00;
	[sflag:s0] =	ssyncadd.s32 $0xFFFFFD80  }
0x49a: {  	[spmem:s13] =	stream.linear.scatter [tilespmem:s31], [sflag:$0xE], $0x1400, $0x38;
	[tilespmem:$0x17B00] =	vst v63  }
0x49b: {  	_ =	swait.ge [sflag:s10], $0x1400  }
0x49c: {  	[sflag:s10] =	ssyncset.done $0x0  }
0x49d: {  	[sflag:s10] =	ssyncadd.s32 $0xFFFFEC00  }
0x49e: {  	_ =	swait.ge [sflag:s19], $0x1400  }
0x49f: {  	[sflag:s19] =	ssyncset.done $0x0  }
0x4a0: {  	s6 =	simm.s32 $0x0;
	[sflag:s19] =	ssyncadd.s32 $0xFFFFEC00  }
0x4a1: {  	v0 =	vld [tilespmem:s6+$0x167F0]  }
0x4a2: {  	v1 =	vld [tilespmem:s6+$0x16700]  }
0x4a3: {  	v2 =	vld [tilespmem:s6+$0x16710]  }
0x4a4: {  	v3 =	vld [tilespmem:s6+$0x16720]  }
0x4a5: {  	v4 =	vld [tilespmem:s6+$0x16730]  }
0x4a6: {  	v5 =	vld [tilespmem:s6+$0x16740]  }
0x4a7: {  	v6 =	vld [tilespmem:s6+$0x16750]  }
0x4a8: {  	v7 =	vld [tilespmem:s6+$0x16760]  }
0x4a9: {  	v8 =	vld [tilespmem:s6+$0x16770]  }
0x4aa: {  	v9 =	vld [tilespmem:s6+$0x16780]  }
0x4ab: {  	v10 =	vld [tilespmem:s6+$0x16790]  }
0x4ac: {  	v11 =	vld [tilespmem:s6+$0x167A0]  }
0x4ad: {  	v12 =	vld [tilespmem:s6+$0x167B0]  }
0x4ae: {  	v13 =	vld [tilespmem:s6+$0x167C0]  }
0x4af: {  	v14 =	vld [tilespmem:s6+$0x167D0]  }
0x4b0: {  	[tilespmem:s6+$0x103F0] =	vst.add.f32.msk $0xffff, v0  }
0x4b1: {  	v0 =	vld [tilespmem:s6+$0x167E0]  }
0x4b2: {  	[tilespmem:s6+$0x10300] =	vst.add.f32.msk $0xffff, v1  }
0x4b3: {  	[tilespmem:s6+$0x10310] =	vst.add.f32.msk $0xffff, v2  }
0x4b4: {  	[tilespmem:s6+$0x10320] =	vst.add.f32.msk $0xffff, v3  }
0x4b5: {  	[tilespmem:s6+$0x10330] =	vst.add.f32.msk $0xffff, v4  }
0x4b6: {  	[tilespmem:s6+$0x10340] =	vst.add.f32.msk $0xffff, v5  }
0x4b7: {  	[tilespmem:s6+$0x10350] =	vst.add.f32.msk $0xffff, v6  }
0x4b8: {  	[tilespmem:s6+$0x10360] =	vst.add.f32.msk $0xffff, v7  }
0x4b9: {  	[tilespmem:s6+$0x10370] =	vst.add.f32.msk $0xffff, v8  }
0x4ba: {  	[tilespmem:s6+$0x10380] =	vst.add.f32.msk $0xffff, v9  }
0x4bb: {  	[tilespmem:s6+$0x10390] =	vst.add.f32.msk $0xffff, v10  }
0x4bc: {  	[tilespmem:s6+$0x103A0] =	vst.add.f32.msk $0xffff, v11  }
0x4bd: {  	[tilespmem:s6+$0x103B0] =	vst.add.f32.msk $0xffff, v12  }
0x4be: {  	[tilespmem:s6+$0x103C0] =	vst.add.f32.msk $0xffff, v13  }
0x4bf: {  	s8 =	simm.s32 $0x400;
	s3 =	simm.s32 $0x0;
	[tilespmem:s6+$0x103D0] =	vst.add.f32.msk $0xffff, v14  }
.LBB2_32:
0x4c0: {  	s3 =	sadd.s32 $0x2, s3;
	[tilespmem:s6+$0x103E0] =	vst.add.f32.msk $0xffff, v0;
	s6 =	sshra.s32 s8, $0x2  }
0x4c1: {  	v0 =	vld [tilespmem:s6+$0x167F0];
	p0 =	slt.u32 s3, $0x26  }
0x4c2: {  	v1 =	vld [tilespmem:s6+$0x16700]  }
0x4c3: {  	v2 =	vld [tilespmem:s6+$0x16710]  }
0x4c4: {  	v3 =	vld [tilespmem:s6+$0x16720]  }
0x4c5: {  	v4 =	vld [tilespmem:s6+$0x16730]  }
0x4c6: {  	[tilespmem:s6+$0x103F0] =	vst.add.f32.msk $0xffff, v0  }
0x4c7: {  	v5 =	vld [tilespmem:s6+$0x16740]  }
0x4c8: {  	v6 =	vld [tilespmem:s6+$0x16750]  }
0x4c9: {  	v7 =	vld [tilespmem:s6+$0x16760]  }
0x4ca: {  	v8 =	vld [tilespmem:s6+$0x16770]  }
0x4cb: {  	v9 =	vld [tilespmem:s6+$0x16780]  }
0x4cc: {  	v10 =	vld [tilespmem:s6+$0x16790]  }
0x4cd: {  	v11 =	vld [tilespmem:s6+$0x167A0]  }
0x4ce: {  	v12 =	vld [tilespmem:s6+$0x167B0]  }
0x4cf: {  	v13 =	vld [tilespmem:s6+$0x167C0]  }
0x4d0: {  	v14 =	vld [tilespmem:s6+$0x167D0]  }
0x4d1: {  	v0 =	vld [tilespmem:s6+$0x167E0]  }
0x4d2: {  	[tilespmem:s6+$0x10300] =	vst.add.f32.msk $0xffff, v1  }
0x4d3: {  	[tilespmem:s6+$0x10310] =	vst.add.f32.msk $0xffff, v2  }
0x4d4: {  	[tilespmem:s6+$0x10320] =	vst.add.f32.msk $0xffff, v3  }
0x4d5: {  	[tilespmem:s6+$0x10330] =	vst.add.f32.msk $0xffff, v4  }
0x4d6: {  	[tilespmem:s6+$0x10340] =	vst.add.f32.msk $0xffff, v5  }
0x4d7: {  	[tilespmem:s6+$0x10350] =	vst.add.f32.msk $0xffff, v6  }
0x4d8: {  	[tilespmem:s6+$0x10360] =	vst.add.f32.msk $0xffff, v7  }
0x4d9: {  	[tilespmem:s6+$0x10370] =	vst.add.f32.msk $0xffff, v8  }
0x4da: {  	[tilespmem:s6+$0x10380] =	vst.add.f32.msk $0xffff, v9  }
.Ltmp15:
0x4db: {  	[tilespmem:s6+$0x10390] =	vst.add.f32.msk $0xffff, v10;
	(pc) =	sbr.rel @p0 .LBB2_32-.Ltmp15, $4  }
0x4dc: {  	[tilespmem:s6+$0x103A0] =	vst.add.f32.msk $0xffff, v11  }
0x4dd: {  	[tilespmem:s6+$0x103B0] =	vst.add.f32.msk $0xffff, v12  }
0x4de: {  	[tilespmem:s6+$0x103C0] =	vst.add.f32.msk $0xffff, v13  }
0x4df: {  	s8 =	sadd.s32 $0x400, s8;
	[tilespmem:s6+$0x103D0] =	vst.add.f32.msk $0xffff, v14  }
0x4e0: {  	[tilespmem:s6+$0x103E0] =	vst.add.f32.msk $0xffff, v0  }
0x4e1: {  	_ =	swait.ge [sflag:s23], $0x1400  }
0x4e2: {  	[sflag:s23] =	ssyncset.done $0x0  }
0x4e3: {  	s3 =	rddreg [dreg:$0x13];
	[sflag:s23] =	ssyncadd.s32 $0xFFFFEC00  }
0x4e4: {  	[hbm:s3], [sflag:s9] =	dma.local [spmem:s7], $0x280  }
0x4e5: {  	_ =	swait.ge [sflag:s29], $0x280  }
0x4e6: {  	[sflag:s29] =	ssyncset.done $0x0  }
0x4e7: {  	[sflag:s29] =	ssyncadd.s32 $0xFFFFFD80  }
0x4e8: {  	[spmem:s15] =	stream.linear.scatter [tilespmem:s30], [sflag:$0xF], $0x1400, $0x38;
	[tilespmem:$0x17B00] =	vst v63  }
0x4e9: {  	_ =	swait.ge [sflag:s4], $0x1400  }
0x4ea: {  	[sflag:s4] =	ssyncset.done $0x0  }
0x4eb: {  	s22 =	rddreg [dreg:$0x14];
	[sflag:s4] =	ssyncadd.s32 $0xFFFFEC00  }
0x4ec: {  	[hbm:s22], [sflag:s12] =	dma.local [spmem:s14], $0x280  }
0x4ed: {  	_ =	swait.ge [sflag:s17], $0x1400  }
0x4ee: {  	[sflag:s17] =	ssyncset.done $0x0  }
0x4ef: {  	s24 =	rddreg [dreg:$0x15];
	[sflag:s17] =	ssyncadd.s32 $0xFFFFEC00  }
0x4f0: {  	[hbm:s24], [sflag:s20] =	dma.local [spmem:s21], $0x280  }
0x4f1: {  	_ =	swait.ge [sflag:s16], $0x280  }
0x4f2: {  	[sflag:s16] =	ssyncset.done $0x0  }
0x4f3: {  	[sflag:s16] =	ssyncadd.s32 $0xFFFFFD80  }
0x4f4: {  	_ =	swait.ge [sflag:s26], $0x280  }
0x4f5: {  	[sflag:s26] =	ssyncset.done $0x0  }
0x4f6: {  	[sflag:s26] =	ssyncadd.s32 $0xFFFFFD80  }
0x4f7: {  	_ =	swait.ge [sflag:s28], $0x280  }
0x4f8: {  	[sflag:s28] =	ssyncset.done $0x0  }
0x4f9: {  	[sflag:s28] =	ssyncadd.s32 $0xFFFFFD80  }
0x4fa: {  	_ =	swait.ge [sflag:s0], $0x280  }
0x4fb: {  	[sflag:s0] =	ssyncset.done $0x0  }
0x4fc: {  	[sflag:s0] =	ssyncadd.s32 $0xFFFFFD80  }
0x4fd: {  	_ =	swait.ge [sflag:s29], $0x280  }
0x4fe: {  	s25 =	rddreg [dreg:$0x19]  }
0x4ff: {  	s31 =	rddreg [dreg:$0x16];
	s6 =	sadd.s32 $0x1, s25  }
0x500: {  	p0 =	sne.s32 s6, s31  }
.Ltmp16:
0x501: {  	_ = 	snop;
	(pc) =	sbr.rel @p0 .LBB2_1-.Ltmp16, $3  }
0x502: {  	_ =	sdelay $0x1  }
0x503: {  	[sflag:s29] =	ssyncset.done $0x0  }
0x504: {  	[sflag:s29] =	ssyncadd.s32 $0xFFFFFD80  }
0x505: {  	_ =	sfence.sel $0x180000  }
0x506: {  	[bflag:$0x0] =	sbarrier.arrive $0xFFFF  }
0x507: {  	_ =	strace $0x90000047  }
0x508: {  	s0 =	stileid.u32;
	[bflag:$0x2] =	sbarrier.arrive $0xFFFF  }
0x509: {  	p0 =	sne.s32 s0, $0x0;
	s0 =	rddreg [dreg:$0x3]  }
0x50a: {  	s0 =	sadd.s32 @!p0 $0x100000, s0  }
0x50b: {  	[sflag:s0] =	ssyncadd.tile.s32 @!p0 $0x1;
	_ =	shalt  }
.Lfunc_end2:
_tile_overlayer_lowered:
.L_overlay_start_2:
0x50c: {  	(tag) =	ssettag $0x2  }
0x50d: {  	s0 =	rddreg [dreg:$0x0];
	s2 =	stileid.u32  }
0x50e: {  	s1 =	rddreg [dreg:$0x1];
	p0 =	sne.s32 s2, $0x0  }
0x50f: {  	s3 =	rddreg [dreg:$0x2];
	[bflag:$0x3] =	sbarrier.arrive $0xFFFF;
	s2 =	simm.s32 @!p0 $0x1C15  }
0x510: {  	[timem:s3], [sflag:s2] =	dma.local @!p0 [hbm:s0], s1  }
0x511: {  	s0 =	simm.s32 @!p0 $0x15  }
0x512: {  	_ =	swait.ge @!p0 [sflag:s0], s1  }
0x513: {  	s1 =	ssub.s32 @!p0 $0x0, s1;
	[sflag:s0] =	ssyncset.done @!p0 $0x0  }
0x514: {  	[sflag:s0] =	ssyncadd.s32 @!p0 s1  }
0x515: {  	[bflag:$0x3] =	sbarrier.arrive $0xFFFF  }
0x516: {  	_ =	shalt  }

</sc_bundles>
